<compile_context>
chip_gen: v7x
topology: tpu7x:2x2x1
jax: 0.10.2.dev20260603
libtpu: 0.0.44.dev20260713+nightly
codegen_flags: <defaults>
</compile_context>

<pallas_src>
import functools

import jax
import jax.numpy as jnp
from jax import lax
from jax.experimental import pallas as pl
from jax.experimental.pallas import tpu as pltpu
from jax.experimental.pallas import tpu_sc as plsc

_NC = 2
_NS = 16
_NW = _NC * _NS


def _make_gather(fields: int, batch: int, dim: int):
    mesh = plsc.VectorSubcoreMesh(core_axis_name="c", subcore_axis_name="s")
    nb = batch // _NW

    @functools.partial(
        pl.kernel,
        mesh=mesh,
        out_type=jax.ShapeDtypeStruct((fields, dim, batch), jnp.float32),
        compiler_params=pltpu.CompilerParams(use_tc_tiling_on_sc=False,
                                             needs_layout_passes=False),
        scratch_types=[
            pltpu.VMEM((fields, nb), jnp.int32),
            pltpu.VMEM((fields * nb, dim), jnp.float32),
            pltpu.VMEM((dim, nb), jnp.float32),
            pltpu.VMEM((dim, nb), jnp.float32),
            pltpu.SemaphoreType.DMA,
            pltpu.SemaphoreType.DMA,
            pltpu.SemaphoreType.DMA,
        ],
    )
    def gather_kernel(idx_hbm, table_hbm, out_hbm, idx_v, rows_v,
                      slab0, slab1, gsem, wsem0, wsem1):
        wid = lax.axis_index("s") * _NC + lax.axis_index("c")
        b0 = wid * nb
        for f in range(fields):
            pltpu.async_copy(idx_hbm.at[f * _NW + wid], idx_v.at[f], gsem)
        pltpu.make_async_copy(idx_hbm.at[pl.ds(0, fields)], idx_v,
                              gsem).wait()
        for f in range(fields):
            pltpu.async_copy(table_hbm.at[idx_v.at[f]],
                             rows_v.at[pl.ds(f * nb, nb)], gsem)
        pltpu.make_async_copy(table_hbm.at[pl.ds(0, fields * nb)], rows_v,
                              gsem).wait()
        slabs = (slab0, slab1)
        wsems = (wsem0, wsem1)
        lanes = lax.iota(jnp.int32, 16)
        rots = [jnp.bitwise_and(lanes + k, 15) for k in range(16)]

        def transpose_field(f, slab):
            def g_body(g, _):
                row_d = f * nb + g * 16 + lanes
                for h in range(dim // 16):
                    for k in range(16):
                        col = rots[k] + (h * 16)
                        vals = plsc.load_gather(rows_v, [row_d, col])
                        plsc.store_scatter(slab, [col, g * 16 + lanes], vals)
                return 0

            lax.fori_loop(0, nb // 16, g_body, 0)

        def drain_wb(slab, wsem):
            pltpu.make_async_copy(out_hbm.at[0, :, pl.ds(0, nb)], slab,
                                  wsem).wait()

        def do_field(f, p):
            transpose_field(f, slabs[p])
            pltpu.async_copy(slabs[p], out_hbm.at[f, :, pl.ds(b0, nb)],
                             wsems[p])

        do_field(0, 0)
        do_field(1, 1)

        def pair_body(t, _):
            for q in range(2):
                drain_wb(slabs[q], wsems[q])
                do_field(2 * t + q, q)
            return 0

        lax.fori_loop(1, fields // 2, pair_body, 0)
        drain_wb(slabs[0], wsems[0])
        drain_wb(slabs[1], wsems[1])

    return gather_kernel


def kernel(inputs, embedding):
    batch, fields = inputs.shape
    vocab, dim = embedding.shape
    assert batch % _NW == 0
    idx_t = inputs.T.reshape(fields * batch // 128, 128).astype(jnp.int32)
    out_t = _make_gather(fields, batch, dim)(idx_t, embedding)
    return out_t.transpose(2, 0, 1)

# --- scband reference (transcript-rebuilt; emitter-appended) ---
"""Pipeline reference for scband-embedding-lookup-52553219834122 (READ-ONLY COPY).

The authoritative reference and input builder live on the scoring server;
editing this copy changes nothing except your own understanding.
"""

import jax, jax.numpy as jnp
import numpy as np

VOCAB = 1000000
EMBED_DIM = 32
BATCH = 4096
N_FIELDS = 26

def setup_inputs(seed: int = 0) -> dict:
    key = jax.random.key(seed)
    k1, k2 = jax.random.split(key)
    inputs = jax.random.randint(k1, (BATCH, N_FIELDS), 0, VOCAB, dtype=jnp.int64 if jax.config.jax_enable_x64 else jnp.int32)
    embedding = jax.random.normal(k2, (VOCAB, EMBED_DIM), dtype=jnp.float32) * 0.05
    return {"inputs": inputs, "embedding": embedding}

def reference(inputs, embedding):
    # EmbeddingLookup.call: index = cast(inputs, int32); tf.nn.embedding_lookup(embedding, index)
    index = inputs.astype(jnp.int32)
    embed = jnp.take(embedding, index, axis=0)
    return embed

if __name__ == "__main__":
    import jax
    _d = setup_inputs()
    print(jax.jit(kernel)(*tuple(_d.values())))

</pallas_src>

<mosaic_0001>
#map = affine_map<(d0, d1) -> (0, 0)>
#map1 = affine_map<(d0, d1) -> (0, 0, 0)>
module attributes {stable_mosaic.version = 14 : i64} {
  func.func @gather_kernel(%arg0: i32, %arg1: i32, %arg2: memref<832x128xi32, #tpu.memory_space<hbm>>, %arg3: memref<1000000x32xf32, #tpu.memory_space<hbm>>, %arg4: memref<26x32x4096xf32, #tpu.memory_space<hbm>>, %arg5: memref<26x128xi32, #tpu.memory_space<vmem>>, %arg6: memref<3328x32xf32, #tpu.memory_space<vmem>>, %arg7: memref<32x128xf32, #tpu.memory_space<vmem>>, %arg8: memref<32x128xf32, #tpu.memory_space<vmem>>, %arg9: memref<!tpu.dma_semaphore, #tpu.memory_space<semaphore_mem>>, %arg10: memref<!tpu.dma_semaphore, #tpu.memory_space<semaphore_mem>>, %arg11: memref<!tpu.dma_semaphore, #tpu.memory_space<semaphore_mem>>) attributes {dimension_semantics = [#tpu.dimension_semantics<core_parallel>, #tpu.dimension_semantics<subcore_parallel>], iteration_bounds = array<i64: 2, 16>, scalar_prefetch = 0 : i64, scratch_operands = 7 : i64, tpu.core_type = #tpu.core_type<sc_vector_subcore>, window_params = [{transform_indices = #map}, {transform_indices = #map}, {transform_indices = #map1}]} {
    %mul3A = arith.constant 2 : i32
    %mul3A_0 = arith.muli %arg1, %mul3A : i32
    %add3A = arith.addi %mul3A_0, %arg0 : i32
    %mul3A_1 = arith.constant 128 : i32
    %mul3A_2 = arith.muli %add3A, %mul3A_1 : i32
    %add3A_3 = arith.constant 0 : i32
    %add3A_4 = arith.addi %add3A_3, %add3A : i32
    %dma_start3A = arith.constant 0 : i32
    %dma_start3A_5 = arith.constant 0 : i32
    %dma_start3A_6 = tpu.memref_slice %arg5[%dma_start3A, %dma_start3A_5] : memref<26x128xi32, #tpu.memory_space<vmem>> -> memref<1x128xi32, #tpu.memory_space<vmem>>
    %dma_start3A_7 = tpu.memref_squeeze %dma_start3A_6 : memref<1x128xi32, #tpu.memory_space<vmem>> -> memref<128xi32, #tpu.memory_space<vmem>>
    %dma_start3A_8 = arith.constant 0 : i32
    %dma_start3A_9 = tpu.memref_slice %arg2[%add3A_4, %dma_start3A_8] : memref<832x128xi32, #tpu.memory_space<hbm>> -> memref<1x128xi32, #tpu.memory_space<hbm>>
    %dma_start3A_10 = tpu.memref_squeeze %dma_start3A_9 : memref<1x128xi32, #tpu.memory_space<hbm>> -> memref<128xi32, #tpu.memory_space<hbm>>
    %dma_start3A_11 = arith.constant 0 : i32
    %dma_start3A_12 = tpu.memref_slice %arg5[%dma_start3A, %dma_start3A_11] : memref<26x128xi32, #tpu.memory_space<vmem>> -> memref<1x128xi32, #tpu.memory_space<vmem>>
    %dma_start3A_13 = tpu.memref_squeeze %dma_start3A_12 : memref<1x128xi32, #tpu.memory_space<vmem>> -> memref<128xi32, #tpu.memory_space<vmem>>
    %dma_start3A_14 = arith.constant 0 : i32
    %dma_start3A_15 = tpu.memref_slice %arg2[%add3A_4, %dma_start3A_14] : memref<832x128xi32, #tpu.memory_space<hbm>> -> memref<1x128xi32, #tpu.memory_space<hbm>>
    %dma_start3A_16 = tpu.memref_squeeze %dma_start3A_15 : memref<1x128xi32, #tpu.memory_space<hbm>> -> memref<128xi32, #tpu.memory_space<hbm>>
    tpu.enqueue_dma source(%dma_start3A_16 : memref<128xi32, #tpu.memory_space<hbm>>) target(%dma_start3A_13 : memref<128xi32, #tpu.memory_space<vmem>>) target_semaphore(%arg9 : memref<!tpu.dma_semaphore, #tpu.memory_space<semaphore_mem>>)
    %add3A_17 = arith.constant 32 : i32
    %add3A_18 = arith.addi %add3A_17, %add3A : i32
    %dma_start3A_19 = arith.constant 1 : i32
    %dma_start3A_20 = arith.constant 0 : i32
    %dma_start3A_21 = tpu.memref_slice %arg5[%dma_start3A_19, %dma_start3A_20] : memref<26x128xi32, #tpu.memory_space<vmem>> -> memref<1x128xi32, #tpu.memory_space<vmem>>
    %dma_start3A_22 = tpu.memref_squeeze %dma_start3A_21 : memref<1x128xi32, #tpu.memory_space<vmem>> -> memref<128xi32, #tpu.memory_space<vmem>>
    %dma_start3A_23 = arith.constant 0 : i32
    %dma_start3A_24 = tpu.memref_slice %arg2[%add3A_18, %dma_start3A_23] : memref<832x128xi32, #tpu.memory_space<hbm>> -> memref<1x128xi32, #tpu.memory_space<hbm>>
    %dma_start3A_25 = tpu.memref_squeeze %dma_start3A_24 : memref<1x128xi32, #tpu.memory_space<hbm>> -> memref<128xi32, #tpu.memory_space<hbm>>
    %dma_start3A_26 = arith.constant 0 : i32
    %dma_start3A_27 = tpu.memref_slice %arg5[%dma_start3A_19, %dma_start3A_26] : memref<26x128xi32, #tpu.memory_space<vmem>> -> memref<1x128xi32, #tpu.memory_space<vmem>>
    %dma_start3A_28 = tpu.memref_squeeze %dma_start3A_27 : memref<1x128xi32, #tpu.memory_space<vmem>> -> memref<128xi32, #tpu.memory_space<vmem>>
    %dma_start3A_29 = arith.constant 0 : i32
    %dma_start3A_30 = tpu.memref_slice %arg2[%add3A_18, %dma_start3A_29] : memref<832x128xi32, #tpu.memory_space<hbm>> -> memref<1x128xi32, #tpu.memory_space<hbm>>
    %dma_start3A_31 = tpu.memref_squeeze %dma_start3A_30 : memref<1x128xi32, #tpu.memory_space<hbm>> -> memref<128xi32, #tpu.memory_space<hbm>>
    tpu.enqueue_dma source(%dma_start3A_31 : memref<128xi32, #tpu.memory_space<hbm>>) target(%dma_start3A_28 : memref<128xi32, #tpu.memory_space<vmem>>) target_semaphore(%arg9 : memref<!tpu.dma_semaphore, #tpu.memory_space<semaphore_mem>>)
    %add3A_32 = arith.constant 64 : i32
    %add3A_33 = arith.addi %add3A_32, %add3A : i32
    %dma_start3A_34 = arith.constant 2 : i32
    %dma_start3A_35 = arith.constant 0 : i32
    %dma_start3A_36 = tpu.memref_slice %arg5[%dma_start3A_34, %dma_start3A_35] : memref<26x128xi32, #tpu.memory_space<vmem>> -> memref<1x128xi32, #tpu.memory_space<vmem>>
    %dma_start3A_37 = tpu.memref_squeeze %dma_start3A_36 : memref<1x128xi32, #tpu.memory_space<vmem>> -> memref<128xi32, #tpu.memory_space<vmem>>
    %dma_start3A_38 = arith.constant 0 : i32
    %dma_start3A_39 = tpu.memref_slice %arg2[%add3A_33, %dma_start3A_38] : memref<832x128xi32, #tpu.memory_space<hbm>> -> memref<1x128xi32, #tpu.memory_space<hbm>>
    %dma_start3A_40 = tpu.memref_squeeze %dma_start3A_39 : memref<1x128xi32, #tpu.memory_space<hbm>> -> memref<128xi32, #tpu.memory_space<hbm>>
    %dma_start3A_41 = arith.constant 0 : i32
    %dma_start3A_42 = tpu.memref_slice %arg5[%dma_start3A_34, %dma_start3A_41] : memref<26x128xi32, #tpu.memory_space<vmem>> -> memref<1x128xi32, #tpu.memory_space<vmem>>
    %dma_start3A_43 = tpu.memref_squeeze %dma_start3A_42 : memref<1x128xi32, #tpu.memory_space<vmem>> -> memref<128xi32, #tpu.memory_space<vmem>>
    %dma_start3A_44 = arith.constant 0 : i32
    %dma_start3A_45 = tpu.memref_slice %arg2[%add3A_33, %dma_start3A_44] : memref<832x128xi32, #tpu.memory_space<hbm>> -> memref<1x128xi32, #tpu.memory_space<hbm>>
    %dma_start3A_46 = tpu.memref_squeeze %dma_start3A_45 : memref<1x128xi32, #tpu.memory_space<hbm>> -> memref<128xi32, #tpu.memory_space<hbm>>
    tpu.enqueue_dma source(%dma_start3A_46 : memref<128xi32, #tpu.memory_space<hbm>>) target(%dma_start3A_43 : memref<128xi32, #tpu.memory_space<vmem>>) target_semaphore(%arg9 : memref<!tpu.dma_semaphore, #tpu.memory_space<semaphore_mem>>)
    %add3A_47 = arith.constant 96 : i32
    %add3A_48 = arith.addi %add3A_47, %add3A : i32
    %dma_start3A_49 = arith.constant 3 : i32
    %dma_start3A_50 = arith.constant 0 : i32
    %dma_start3A_51 = tpu.memref_slice %arg5[%dma_start3A_49, %dma_start3A_50] : memref<26x128xi32, #tpu.memory_space<vmem>> -> memref<1x128xi32, #tpu.memory_space<vmem>>
    %dma_start3A_52 = tpu.memref_squeeze %dma_start3A_51 : memref<1x128xi32, #tpu.memory_space<vmem>> -> memref<128xi32, #tpu.memory_space<vmem>>
    %dma_start3A_53 = arith.constant 0 : i32
    %dma_start3A_54 = tpu.memref_slice %arg2[%add3A_48, %dma_start3A_53] : memref<832x128xi32, #tpu.memory_space<hbm>> -> memref<1x128xi32, #tpu.memory_space<hbm>>
    %dma_start3A_55 = tpu.memref_squeeze %dma_start3A_54 : memref<1x128xi32, #tpu.memory_space<hbm>> -> memref<128xi32, #tpu.memory_space<hbm>>
    %dma_start3A_56 = arith.constant 0 : i32
    %dma_start3A_57 = tpu.memref_slice %arg5[%dma_start3A_49, %dma_start3A_56] : memref<26x128xi32, #tpu.memory_space<vmem>> -> memref<1x128xi32, #tpu.memory_space<vmem>>
    %dma_start3A_58 = tpu.memref_squeeze %dma_start3A_57 : memref<1x128xi32, #tpu.memory_space<vmem>> -> memref<128xi32, #tpu.memory_space<vmem>>
    %dma_start3A_59 = arith.constant 0 : i32
    %dma_start3A_60 = tpu.memref_slice %arg2[%add3A_48, %dma_start3A_59] : memref<832x128xi32, #tpu.memory_space<hbm>> -> memref<1x128xi32, #tpu.memory_space<hbm>>
    %dma_start3A_61 = tpu.memref_squeeze %dma_start3A_60 : memref<1x128xi32, #tpu.memory_space<hbm>> -> memref<128xi32, #tpu.memory_space<hbm>>
    tpu.enqueue_dma source(%dma_start3A_61 : memref<128xi32, #tpu.memory_space<hbm>>) target(%dma_start3A_58 : memref<128xi32, #tpu.memory_space<vmem>>) target_semaphore(%arg9 : memref<!tpu.dma_semaphore, #tpu.memory_space<semaphore_mem>>)
    %add3A_62 = arith.constant 128 : i32
    %add3A_63 = arith.addi %add3A_62, %add3A : i32
    %dma_start3A_64 = arith.constant 4 : i32
    %dma_start3A_65 = arith.constant 0 : i32
    %dma_start3A_66 = tpu.memref_slice %arg5[%dma_start3A_64, %dma_start3A_65] : memref<26x128xi32, #tpu.memory_space<vmem>> -> memref<1x128xi32, #tpu.memory_space<vmem>>
    %dma_start3A_67 = tpu.memref_squeeze %dma_start3A_66 : memref<1x128xi32, #tpu.memory_space<vmem>> -> memref<128xi32, #tpu.memory_space<vmem>>
    %dma_start3A_68 = arith.constant 0 : i32
    %dma_start3A_69 = tpu.memref_slice %arg2[%add3A_63, %dma_start3A_68] : memref<832x128xi32, #tpu.memory_space<hbm>> -> memref<1x128xi32, #tpu.memory_space<hbm>>
    %dma_start3A_70 = tpu.memref_squeeze %dma_start3A_69 : memref<1x128xi32, #tpu.memory_space<hbm>> -> memref<128xi32, #tpu.memory_space<hbm>>
    %dma_start3A_71 = arith.constant 0 : i32
    %dma_start3A_72 = tpu.memref_slice %arg5[%dma_start3A_64, %dma_start3A_71] : memref<26x128xi32, #tpu.memory_space<vmem>> -> memref<1x128xi32, #tpu.memory_space<vmem>>
    %dma_start3A_73 = tpu.memref_squeeze %dma_start3A_72 : memref<1x128xi32, #tpu.memory_space<vmem>> -> memref<128xi32, #tpu.memory_space<vmem>>
    %dma_start3A_74 = arith.constant 0 : i32
    %dma_start3A_75 = tpu.memref_slice %arg2[%add3A_63, %dma_start3A_74] : memref<832x128xi32, #tpu.memory_space<hbm>> -> memref<1x128xi32, #tpu.memory_space<hbm>>
    %dma_start3A_76 = tpu.memref_squeeze %dma_start3A_75 : memref<1x128xi32, #tpu.memory_space<hbm>> -> memref<128xi32, #tpu.memory_space<hbm>>
    tpu.enqueue_dma source(%dma_start3A_76 : memref<128xi32, #tpu.memory_space<hbm>>) target(%dma_start3A_73 : memref<128xi32, #tpu.memory_space<vmem>>) target_semaphore(%arg9 : memref<!tpu.dma_semaphore, #tpu.memory_space<semaphore_mem>>)
    %add3A_77 = arith.constant 160 : i32
    %add3A_78 = arith.addi %add3A_77, %add3A : i32
    %dma_start3A_79 = arith.constant 5 : i32
    %dma_start3A_80 = arith.constant 0 : i32
    %dma_start3A_81 = tpu.memref_slice %arg5[%dma_start3A_79, %dma_start3A_80] : memref<26x128xi32, #tpu.memory_space<vmem>> -> memref<1x128xi32, #tpu.memory_space<vmem>>
    %dma_start3A_82 = tpu.memref_squeeze %dma_start3A_81 : memref<1x128xi32, #tpu.memory_space<vmem>> -> memref<128xi32, #tpu.memory_space<vmem>>
    %dma_start3A_83 = arith.constant 0 : i32
    %dma_start3A_84 = tpu.memref_slice %arg2[%add3A_78, %dma_start3A_83] : memref<832x128xi32, #tpu.memory_space<hbm>> -> memref<1x128xi32, #tpu.memory_space<hbm>>
    %dma_start3A_85 = tpu.memref_squeeze %dma_start3A_84 : memref<1x128xi32, #tpu.memory_space<hbm>> -> memref<128xi32, #tpu.memory_space<hbm>>
    %dma_start3A_86 = arith.constant 0 : i32
    %dma_start3A_87 = tpu.memref_slice %arg5[%dma_start3A_79, %dma_start3A_86] : memref<26x128xi32, #tpu.memory_space<vmem>> -> memref<1x128xi32, #tpu.memory_space<vmem>>
    %dma_start3A_88 = tpu.memref_squeeze %dma_start3A_87 : memref<1x128xi32, #tpu.memory_space<vmem>> -> memref<128xi32, #tpu.memory_space<vmem>>
    %dma_start3A_89 = arith.constant 0 : i32
    %dma_start3A_90 = tpu.memref_slice %arg2[%add3A_78, %dma_start3A_89] : memref<832x128xi32, #tpu.memory_space<hbm>> -> memref<1x128xi32, #tpu.memory_space<hbm>>
    %dma_start3A_91 = tpu.memref_squeeze %dma_start3A_90 : memref<1x128xi32, #tpu.memory_space<hbm>> -> memref<128xi32, #tpu.memory_space<hbm>>
    tpu.enqueue_dma source(%dma_start3A_91 : memref<128xi32, #tpu.memory_space<hbm>>) target(%dma_start3A_88 : memref<128xi32, #tpu.memory_space<vmem>>) target_semaphore(%arg9 : memref<!tpu.dma_semaphore, #tpu.memory_space<semaphore_mem>>)
    %add3A_92 = arith.constant 192 : i32
    %add3A_93 = arith.addi %add3A_92, %add3A : i32
    %dma_start3A_94 = arith.constant 6 : i32
    %dma_start3A_95 = arith.constant 0 : i32
    %dma_start3A_96 = tpu.memref_slice %arg5[%dma_start3A_94, %dma_start3A_95] : memref<26x128xi32, #tpu.memory_space<vmem>> -> memref<1x128xi32, #tpu.memory_space<vmem>>
    %dma_start3A_97 = tpu.memref_squeeze %dma_start3A_96 : memref<1x128xi32, #tpu.memory_space<vmem>> -> memref<128xi32, #tpu.memory_space<vmem>>
    %dma_start3A_98 = arith.constant 0 : i32
    %dma_start3A_99 = tpu.memref_slice %arg2[%add3A_93, %dma_start3A_98] : memref<832x128xi32, #tpu.memory_space<hbm>> -> memref<1x128xi32, #tpu.memory_space<hbm>>
    %dma_start3A_100 = tpu.memref_squeeze %dma_start3A_99 : memref<1x128xi32, #tpu.memory_space<hbm>> -> memref<128xi32, #tpu.memory_space<hbm>>
    %dma_start3A_101 = arith.constant 0 : i32
    %dma_start3A_102 = tpu.memref_slice %arg5[%dma_start3A_94, %dma_start3A_101] : memref<26x128xi32, #tpu.memory_space<vmem>> -> memref<1x128xi32, #tpu.memory_space<vmem>>
    %dma_start3A_103 = tpu.memref_squeeze %dma_start3A_102 : memref<1x128xi32, #tpu.memory_space<vmem>> -> memref<128xi32, #tpu.memory_space<vmem>>
    %dma_start3A_104 = arith.constant 0 : i32
    %dma_start3A_105 = tpu.memref_slice %arg2[%add3A_93, %dma_start3A_104] : memref<832x128xi32, #tpu.memory_space<hbm>> -> memref<1x128xi32, #tpu.memory_space<hbm>>
    %dma_start3A_106 = tpu.memref_squeeze %dma_start3A_105 : memref<1x128xi32, #tpu.memory_space<hbm>> -> memref<128xi32, #tpu.memory_space<hbm>>
    tpu.enqueue_dma source(%dma_start3A_106 : memref<128xi32, #tpu.memory_space<hbm>>) target(%dma_start3A_103 : memref<128xi32, #tpu.memory_space<vmem>>) target_semaphore(%arg9 : memref<!tpu.dma_semaphore, #tpu.memory_space<semaphore_mem>>)
    %add3A_107 = arith.constant 224 : i32
    %add3A_108 = arith.addi %add3A_107, %add3A : i32
    %dma_start3A_109 = arith.constant 7 : i32
    %dma_start3A_110 = arith.constant 0 : i32
    %dma_start3A_111 = tpu.memref_slice %arg5[%dma_start3A_109, %dma_start3A_110] : memref<26x128xi32, #tpu.memory_space<vmem>> -> memref<1x128xi32, #tpu.memory_space<vmem>>
    %dma_start3A_112 = tpu.memref_squeeze %dma_start3A_111 : memref<1x128xi32, #tpu.memory_space<vmem>> -> memref<128xi32, #tpu.memory_space<vmem>>
    %dma_start3A_113 = arith.constant 0 : i32
    %dma_start3A_114 = tpu.memref_slice %arg2[%add3A_108, %dma_start3A_113] : memref<832x128xi32, #tpu.memory_space<hbm>> -> memref<1x128xi32, #tpu.memory_space<hbm>>
    %dma_start3A_115 = tpu.memref_squeeze %dma_start3A_114 : memref<1x128xi32, #tpu.memory_space<hbm>> -> memref<128xi32, #tpu.memory_space<hbm>>
    %dma_start3A_116 = arith.constant 0 : i32
    %dma_start3A_117 = tpu.memref_slice %arg5[%dma_start3A_109, %dma_start3A_116] : memref<26x128xi32, #tpu.memory_space<vmem>> -> memref<1x128xi32, #tpu.memory_space<vmem>>
    %dma_start3A_118 = tpu.memref_squeeze %dma_start3A_117 : memref<1x128xi32, #tpu.memory_space<vmem>> -> memref<128xi32, #tpu.memory_space<vmem>>
    %dma_start3A_119 = arith.constant 0 : i32
    %dma_start3A_120 = tpu.memref_slice %arg2[%add3A_108, %dma_start3A_119] : memref<832x128xi32, #tpu.memory_space<hbm>> -> memref<1x128xi32, #tpu.memory_space<hbm>>
    %dma_start3A_121 = tpu.memref_squeeze %dma_start3A_120 : memref<1x128xi32, #tpu.memory_space<hbm>> -> memref<128xi32, #tpu.memory_space<hbm>>
    tpu.enqueue_dma source(%dma_start3A_121 : memref<128xi32, #tpu.memory_space<hbm>>) target(%dma_start3A_118 : memref<128xi32, #tpu.memory_space<vmem>>) target_semaphore(%arg9 : memref<!tpu.dma_semaphore, #tpu.memory_space<semaphore_mem>>)
    %add3A_122 = arith.constant 256 : i32
    %add3A_123 = arith.addi %add3A_122, %add3A : i32
    %dma_start3A_124 = arith.constant 8 : i32
    %dma_start3A_125 = arith.constant 0 : i32
    %dma_start3A_126 = tpu.memref_slice %arg5[%dma_start3A_124, %dma_start3A_125] : memref<26x128xi32, #tpu.memory_space<vmem>> -> memref<1x128xi32, #tpu.memory_space<vmem>>
    %dma_start3A_127 = tpu.memref_squeeze %dma_start3A_126 : memref<1x128xi32, #tpu.memory_space<vmem>> -> memref<128xi32, #tpu.memory_space<vmem>>
    %dma_start3A_128 = arith.constant 0 : i32
    %dma_start3A_129 = tpu.memref_slice %arg2[%add3A_123, %dma_start3A_128] : memref<832x128xi32, #tpu.memory_space<hbm>> -> memref<1x128xi32, #tpu.memory_space<hbm>>
    %dma_start3A_130 = tpu.memref_squeeze %dma_start3A_129 : memref<1x128xi32, #tpu.memory_space<hbm>> -> memref<128xi32, #tpu.memory_space<hbm>>
    %dma_start3A_131 = arith.constant 0 : i32
    %dma_start3A_132 = tpu.memref_slice %arg5[%dma_start3A_124, %dma_start3A_131] : memref<26x128xi32, #tpu.memory_space<vmem>> -> memref<1x128xi32, #tpu.memory_space<vmem>>
    %dma_start3A_133 = tpu.memref_squeeze %dma_start3A_132 : memref<1x128xi32, #tpu.memory_space<vmem>> -> memref<128xi32, #tpu.memory_space<vmem>>
    %dma_start3A_134 = arith.constant 0 : i32
    %dma_start3A_135 = tpu.memref_slice %arg2[%add3A_123, %dma_start3A_134] : memref<832x128xi32, #tpu.memory_space<hbm>> -> memref<1x128xi32, #tpu.memory_space<hbm>>
    %dma_start3A_136 = tpu.memref_squeeze %dma_start3A_135 : memref<1x128xi32, #tpu.memory_space<hbm>> -> memref<128xi32, #tpu.memory_space<hbm>>
    tpu.enqueue_dma source(%dma_start3A_136 : memref<128xi32, #tpu.memory_space<hbm>>) target(%dma_start3A_133 : memref<128xi32, #tpu.memory_space<vmem>>) target_semaphore(%arg9 : memref<!tpu.dma_semaphore, #tpu.memory_space<semaphore_mem>>)
    %add3A_137 = arith.constant 288 : i32
    %add3A_138 = arith.addi %add3A_137, %add3A : i32
    %dma_start3A_139 = arith.constant 9 : i32
    %dma_start3A_140 = arith.constant 0 : i32
    %dma_start3A_141 = tpu.memref_slice %arg5[%dma_start3A_139, %dma_start3A_140] : memref<26x128xi32, #tpu.memory_space<vmem>> -> memref<1x128xi32, #tpu.memory_space<vmem>>
    %dma_start3A_142 = tpu.memref_squeeze %dma_start3A_141 : memref<1x128xi32, #tpu.memory_space<vmem>> -> memref<128xi32, #tpu.memory_space<vmem>>
    %dma_start3A_143 = arith.constant 0 : i32
    %dma_start3A_144 = tpu.memref_slice %arg2[%add3A_138, %dma_start3A_143] : memref<832x128xi32, #tpu.memory_space<hbm>> -> memref<1x128xi32, #tpu.memory_space<hbm>>
    %dma_start3A_145 = tpu.memref_squeeze %dma_start3A_144 : memref<1x128xi32, #tpu.memory_space<hbm>> -> memref<128xi32, #tpu.memory_space<hbm>>
    %dma_start3A_146 = arith.constant 0 : i32
    %dma_start3A_147 = tpu.memref_slice %arg5[%dma_start3A_139, %dma_start3A_146] : memref<26x128xi32, #tpu.memory_space<vmem>> -> memref<1x128xi32, #tpu.memory_space<vmem>>
    %dma_start3A_148 = tpu.memref_squeeze %dma_start3A_147 : memref<1x128xi32, #tpu.memory_space<vmem>> -> memref<128xi32, #tpu.memory_space<vmem>>
    %dma_start3A_149 = arith.constant 0 : i32
    %dma_start3A_150 = tpu.memref_slice %arg2[%add3A_138, %dma_start3A_149] : memref<832x128xi32, #tpu.memory_space<hbm>> -> memref<1x128xi32, #tpu.memory_space<hbm>>
    %dma_start3A_151 = tpu.memref_squeeze %dma_start3A_150 : memref<1x128xi32, #tpu.memory_space<hbm>> -> memref<128xi32, #tpu.memory_space<hbm>>
    tpu.enqueue_dma source(%dma_start3A_151 : memref<128xi32, #tpu.memory_space<hbm>>) target(%dma_start3A_148 : memref<128xi32, #tpu.memory_space<vmem>>) target_semaphore(%arg9 : memref<!tpu.dma_semaphore, #tpu.memory_space<semaphore_mem>>)
    %add3A_152 = arith.constant 320 : i32
    %add3A_153 = arith.addi %add3A_152, %add3A : i32
    %dma_start3A_154 = arith.constant 10 : i32
    %dma_start3A_155 = arith.constant 0 : i32
    %dma_start3A_156 = tpu.memref_slice %arg5[%dma_start3A_154, %dma_start3A_155] : memref<26x128xi32, #tpu.memory_space<vmem>> -> memref<1x128xi32, #tpu.memory_space<vmem>>
    %dma_start3A_157 = tpu.memref_squeeze %dma_start3A_156 : memref<1x128xi32, #tpu.memory_space<vmem>> -> memref<128xi32, #tpu.memory_space<vmem>>
    %dma_start3A_158 = arith.constant 0 : i32
    %dma_start3A_159 = tpu.memref_slice %arg2[%add3A_153, %dma_start3A_158] : memref<832x128xi32, #tpu.memory_space<hbm>> -> memref<1x128xi32, #tpu.memory_space<hbm>>
    %dma_start3A_160 = tpu.memref_squeeze %dma_start3A_159 : memref<1x128xi32, #tpu.memory_space<hbm>> -> memref<128xi32, #tpu.memory_space<hbm>>
    %dma_start3A_161 = arith.constant 0 : i32
    %dma_start3A_162 = tpu.memref_slice %arg5[%dma_start3A_154, %dma_start3A_161] : memref<26x128xi32, #tpu.memory_space<vmem>> -> memref<1x128xi32, #tpu.memory_space<vmem>>
    %dma_start3A_163 = tpu.memref_squeeze %dma_start3A_162 : memref<1x128xi32, #tpu.memory_space<vmem>> -> memref<128xi32, #tpu.memory_space<vmem>>
    %dma_start3A_164 = arith.constant 0 : i32
    %dma_start3A_165 = tpu.memref_slice %arg2[%add3A_153, %dma_start3A_164] : memref<832x128xi32, #tpu.memory_space<hbm>> -> memref<1x128xi32, #tpu.memory_space<hbm>>
    %dma_start3A_166 = tpu.memref_squeeze %dma_start3A_165 : memref<1x128xi32, #tpu.memory_space<hbm>> -> memref<128xi32, #tpu.memory_space<hbm>>
    tpu.enqueue_dma source(%dma_start3A_166 : memref<128xi32, #tpu.memory_space<hbm>>) target(%dma_start3A_163 : memref<128xi32, #tpu.memory_space<vmem>>) target_semaphore(%arg9 : memref<!tpu.dma_semaphore, #tpu.memory_space<semaphore_mem>>)
    %add3A_167 = arith.constant 352 : i32
    %add3A_168 = arith.addi %add3A_167, %add3A : i32
    %dma_start3A_169 = arith.constant 11 : i32
    %dma_start3A_170 = arith.constant 0 : i32
    %dma_start3A_171 = tpu.memref_slice %arg5[%dma_start3A_169, %dma_start3A_170] : memref<26x128xi32, #tpu.memory_space<vmem>> -> memref<1x128xi32, #tpu.memory_space<vmem>>
    %dma_start3A_172 = tpu.memref_squeeze %dma_start3A_171 : memref<1x128xi32, #tpu.memory_space<vmem>> -> memref<128xi32, #tpu.memory_space<vmem>>
    %dma_start3A_173 = arith.constant 0 : i32
    %dma_start3A_174 = tpu.memref_slice %arg2[%add3A_168, %dma_start3A_173] : memref<832x128xi32, #tpu.memory_space<hbm>> -> memref<1x128xi32, #tpu.memory_space<hbm>>
    %dma_start3A_175 = tpu.memref_squeeze %dma_start3A_174 : memref<1x128xi32, #tpu.memory_space<hbm>> -> memref<128xi32, #tpu.memory_space<hbm>>
    %dma_start3A_176 = arith.constant 0 : i32
    %dma_start3A_177 = tpu.memref_slice %arg5[%dma_start3A_169, %dma_start3A_176] : memref<26x128xi32, #tpu.memory_space<vmem>> -> memref<1x128xi32, #tpu.memory_space<vmem>>
    %dma_start3A_178 = tpu.memref_squeeze %dma_start3A_177 : memref<1x128xi32, #tpu.memory_space<vmem>> -> memref<128xi32, #tpu.memory_space<vmem>>
    %dma_start3A_179 = arith.constant 0 : i32
    %dma_start3A_180 = tpu.memref_slice %arg2[%add3A_168, %dma_start3A_179] : memref<832x128xi32, #tpu.memory_space<hbm>> -> memref<1x128xi32, #tpu.memory_space<hbm>>
    %dma_start3A_181 = tpu.memref_squeeze %dma_start3A_180 : memref<1x128xi32, #tpu.memory_space<hbm>> -> memref<128xi32, #tpu.memory_space<hbm>>
    tpu.enqueue_dma source(%dma_start3A_181 : memref<128xi32, #tpu.memory_space<hbm>>) target(%dma_start3A_178 : memref<128xi32, #tpu.memory_space<vmem>>) target_semaphore(%arg9 : memref<!tpu.dma_semaphore, #tpu.memory_space<semaphore_mem>>)
    %add3A_182 = arith.constant 384 : i32
    %add3A_183 = arith.addi %add3A_182, %add3A : i32
    %dma_start3A_184 = arith.constant 12 : i32
    %dma_start3A_185 = arith.constant 0 : i32
    %dma_start3A_186 = tpu.memref_slice %arg5[%dma_start3A_184, %dma_start3A_185] : memref<26x128xi32, #tpu.memory_space<vmem>> -> memref<1x128xi32, #tpu.memory_space<vmem>>
    %dma_start3A_187 = tpu.memref_squeeze %dma_start3A_186 : memref<1x128xi32, #tpu.memory_space<vmem>> -> memref<128xi32, #tpu.memory_space<vmem>>
    %dma_start3A_188 = arith.constant 0 : i32
    %dma_start3A_189 = tpu.memref_slice %arg2[%add3A_183, %dma_start3A_188] : memref<832x128xi32, #tpu.memory_space<hbm>> -> memref<1x128xi32, #tpu.memory_space<hbm>>
    %dma_start3A_190 = tpu.memref_squeeze %dma_start3A_189 : memref<1x128xi32, #tpu.memory_space<hbm>> -> memref<128xi32, #tpu.memory_space<hbm>>
    %dma_start3A_191 = arith.constant 0 : i32
    %dma_start3A_192 = tpu.memref_slice %arg5[%dma_start3A_184, %dma_start3A_191] : memref<26x128xi32, #tpu.memory_space<vmem>> -> memref<1x128xi32, #tpu.memory_space<vmem>>
    %dma_start3A_193 = tpu.memref_squeeze %dma_start3A_192 : memref<1x128xi32, #tpu.memory_space<vmem>> -> memref<128xi32, #tpu.memory_space<vmem>>
    %dma_start3A_194 = arith.constant 0 : i32
    %dma_start3A_195 = tpu.memref_slice %arg2[%add3A_183, %dma_start3A_194] : memref<832x128xi32, #tpu.memory_space<hbm>> -> memref<1x128xi32, #tpu.memory_space<hbm>>
    %dma_start3A_196 = tpu.memref_squeeze %dma_start3A_195 : memref<1x128xi32, #tpu.memory_space<hbm>> -> memref<128xi32, #tpu.memory_space<hbm>>
    tpu.enqueue_dma source(%dma_start3A_196 : memref<128xi32, #tpu.memory_space<hbm>>) target(%dma_start3A_193 : memref<128xi32, #tpu.memory_space<vmem>>) target_semaphore(%arg9 : memref<!tpu.dma_semaphore, #tpu.memory_space<semaphore_mem>>)
    %add3A_197 = arith.constant 416 : i32
    %add3A_198 = arith.addi %add3A_197, %add3A : i32
    %dma_start3A_199 = arith.constant 13 : i32
    %dma_start3A_200 = arith.constant 0 : i32
    %dma_start3A_201 = tpu.memref_slice %arg5[%dma_start3A_199, %dma_start3A_200] : memref<26x128xi32, #tpu.memory_space<vmem>> -> memref<1x128xi32, #tpu.memory_space<vmem>>
    %dma_start3A_202 = tpu.memref_squeeze %dma_start3A_201 : memref<1x128xi32, #tpu.memory_space<vmem>> -> memref<128xi32, #tpu.memory_space<vmem>>
    %dma_start3A_203 = arith.constant 0 : i32
    %dma_start3A_204 = tpu.memref_slice %arg2[%add3A_198, %dma_start3A_203] : memref<832x128xi32, #tpu.memory_space<hbm>> -> memref<1x128xi32, #tpu.memory_space<hbm>>
    %dma_start3A_205 = tpu.memref_squeeze %dma_start3A_204 : memref<1x128xi32, #tpu.memory_space<hbm>> -> memref<128xi32, #tpu.memory_space<hbm>>
    %dma_start3A_206 = arith.constant 0 : i32
    %dma_start3A_207 = tpu.memref_slice %arg5[%dma_start3A_199, %dma_start3A_206] : memref<26x128xi32, #tpu.memory_space<vmem>> -> memref<1x128xi32, #tpu.memory_space<vmem>>
    %dma_start3A_208 = tpu.memref_squeeze %dma_start3A_207 : memref<1x128xi32, #tpu.memory_space<vmem>> -> memref<128xi32, #tpu.memory_space<vmem>>
    %dma_start3A_209 = arith.constant 0 : i32
    %dma_start3A_210 = tpu.memref_slice %arg2[%add3A_198, %dma_start3A_209] : memref<832x128xi32, #tpu.memory_space<hbm>> -> memref<1x128xi32, #tpu.memory_space<hbm>>
    %dma_start3A_211 = tpu.memref_squeeze %dma_start3A_210 : memref<1x128xi32, #tpu.memory_space<hbm>> -> memref<128xi32, #tpu.memory_space<hbm>>
    tpu.enqueue_dma source(%dma_start3A_211 : memref<128xi32, #tpu.memory_space<hbm>>) target(%dma_start3A_208 : memref<128xi32, #tpu.memory_space<vmem>>) target_semaphore(%arg9 : memref<!tpu.dma_semaphore, #tpu.memory_space<semaphore_mem>>)
    %add3A_212 = arith.constant 448 : i32
    %add3A_213 = arith.addi %add3A_212, %add3A : i32
    %dma_start3A_214 = arith.constant 14 : i32
    %dma_start3A_215 = arith.constant 0 : i32
    %dma_start3A_216 = tpu.memref_slice %arg5[%dma_start3A_214, %dma_start3A_215] : memref<26x128xi32, #tpu.memory_space<vmem>> -> memref<1x128xi32, #tpu.memory_space<vmem>>
    %dma_start3A_217 = tpu.memref_squeeze %dma_start3A_216 : memref<1x128xi32, #tpu.memory_space<vmem>> -> memref<128xi32, #tpu.memory_space<vmem>>
    %dma_start3A_218 = arith.constant 0 : i32
    %dma_start3A_219 = tpu.memref_slice %arg2[%add3A_213, %dma_start3A_218] : memref<832x128xi32, #tpu.memory_space<hbm>> -> memref<1x128xi32, #tpu.memory_space<hbm>>
    %dma_start3A_220 = tpu.memref_squeeze %dma_start3A_219 : memref<1x128xi32, #tpu.memory_space<hbm>> -> memref<128xi32, #tpu.memory_space<hbm>>
    %dma_start3A_221 = arith.constant 0 : i32
    %dma_start3A_222 = tpu.memref_slice %arg5[%dma_start3A_214, %dma_start3A_221] : memref<26x128xi32, #tpu.memory_space<vmem>> -> memref<1x128xi32, #tpu.memory_space<vmem>>
    %dma_start3A_223 = tpu.memref_squeeze %dma_start3A_222 : memref<1x128xi32, #tpu.memory_space<vmem>> -> memref<128xi32, #tpu.memory_space<vmem>>
    %dma_start3A_224 = arith.constant 0 : i32
    %dma_start3A_225 = tpu.memref_slice %arg2[%add3A_213, %dma_start3A_224] : memref<832x128xi32, #tpu.memory_space<hbm>> -> memref<1x128xi32, #tpu.memory_space<hbm>>
    %dma_start3A_226 = tpu.memref_squeeze %dma_start3A_225 : memref<1x128xi32, #tpu.memory_space<hbm>> -> memref<128xi32, #tpu.memory_space<hbm>>
    tpu.enqueue_dma source(%dma_start3A_226 : memref<128xi32, #tpu.memory_space<hbm>>) target(%dma_start3A_223 : memref<128xi32, #tpu.memory_space<vmem>>) target_semaphore(%arg9 : memref<!tpu.dma_semaphore, #tpu.memory_space<semaphore_mem>>)
    %add3A_227 = arith.constant 480 : i32
    %add3A_228 = arith.addi %add3A_227, %add3A : i32
    %dma_start3A_229 = arith.constant 15 : i32
    %dma_start3A_230 = arith.constant 0 : i32
    %dma_start3A_231 = tpu.memref_slice %arg5[%dma_start3A_229, %dma_start3A_230] : memref<26x128xi32, #tpu.memory_space<vmem>> -> memref<1x128xi32, #tpu.memory_space<vmem>>
    %dma_start3A_232 = tpu.memref_squeeze %dma_start3A_231 : memref<1x128xi32, #tpu.memory_space<vmem>> -> memref<128xi32, #tpu.memory_space<vmem>>
    %dma_start3A_233 = arith.constant 0 : i32
    %dma_start3A_234 = tpu.memref_slice %arg2[%add3A_228, %dma_start3A_233] : memref<832x128xi32, #tpu.memory_space<hbm>> -> memref<1x128xi32, #tpu.memory_space<hbm>>
    %dma_start3A_235 = tpu.memref_squeeze %dma_start3A_234 : memref<1x128xi32, #tpu.memory_space<hbm>> -> memref<128xi32, #tpu.memory_space<hbm>>
    %dma_start3A_236 = arith.constant 0 : i32
    %dma_start3A_237 = tpu.memref_slice %arg5[%dma_start3A_229, %dma_start3A_236] : memref<26x128xi32, #tpu.memory_space<vmem>> -> memref<1x128xi32, #tpu.memory_space<vmem>>
    %dma_start3A_238 = tpu.memref_squeeze %dma_start3A_237 : memref<1x128xi32, #tpu.memory_space<vmem>> -> memref<128xi32, #tpu.memory_space<vmem>>
    %dma_start3A_239 = arith.constant 0 : i32
    %dma_start3A_240 = tpu.memref_slice %arg2[%add3A_228, %dma_start3A_239] : memref<832x128xi32, #tpu.memory_space<hbm>> -> memref<1x128xi32, #tpu.memory_space<hbm>>
    %dma_start3A_241 = tpu.memref_squeeze %dma_start3A_240 : memref<1x128xi32, #tpu.memory_space<hbm>> -> memref<128xi32, #tpu.memory_space<hbm>>
    tpu.enqueue_dma source(%dma_start3A_241 : memref<128xi32, #tpu.memory_space<hbm>>) target(%dma_start3A_238 : memref<128xi32, #tpu.memory_space<vmem>>) target_semaphore(%arg9 : memref<!tpu.dma_semaphore, #tpu.memory_space<semaphore_mem>>)
    %add3A_242 = arith.constant 512 : i32
    %add3A_243 = arith.addi %add3A_242, %add3A : i32
    %dma_start3A_244 = arith.constant 16 : i32
    %dma_start3A_245 = arith.constant 0 : i32
    %dma_start3A_246 = tpu.memref_slice %arg5[%dma_start3A_244, %dma_start3A_245] : memref<26x128xi32, #tpu.memory_space<vmem>> -> memref<1x128xi32, #tpu.memory_space<vmem>>
    %dma_start3A_247 = tpu.memref_squeeze %dma_start3A_246 : memref<1x128xi32, #tpu.memory_space<vmem>> -> memref<128xi32, #tpu.memory_space<vmem>>
    %dma_start3A_248 = arith.constant 0 : i32
    %dma_start3A_249 = tpu.memref_slice %arg2[%add3A_243, %dma_start3A_248] : memref<832x128xi32, #tpu.memory_space<hbm>> -> memref<1x128xi32, #tpu.memory_space<hbm>>
    %dma_start3A_250 = tpu.memref_squeeze %dma_start3A_249 : memref<1x128xi32, #tpu.memory_space<hbm>> -> memref<128xi32, #tpu.memory_space<hbm>>
    %dma_start3A_251 = arith.constant 0 : i32
    %dma_start3A_252 = tpu.memref_slice %arg5[%dma_start3A_244, %dma_start3A_251] : memref<26x128xi32, #tpu.memory_space<vmem>> -> memref<1x128xi32, #tpu.memory_space<vmem>>
    %dma_start3A_253 = tpu.memref_squeeze %dma_start3A_252 : memref<1x128xi32, #tpu.memory_space<vmem>> -> memref<128xi32, #tpu.memory_space<vmem>>
    %dma_start3A_254 = arith.constant 0 : i32
    %dma_start3A_255 = tpu.memref_slice %arg2[%add3A_243, %dma_start3A_254] : memref<832x128xi32, #tpu.memory_space<hbm>> -> memref<1x128xi32, #tpu.memory_space<hbm>>
    %dma_start3A_256 = tpu.memref_squeeze %dma_start3A_255 : memref<1x128xi32, #tpu.memory_space<hbm>> -> memref<128xi32, #tpu.memory_space<hbm>>
    tpu.enqueue_dma source(%dma_start3A_256 : memref<128xi32, #tpu.memory_space<hbm>>) target(%dma_start3A_253 : memref<128xi32, #tpu.memory_space<vmem>>) target_semaphore(%arg9 : memref<!tpu.dma_semaphore, #tpu.memory_space<semaphore_mem>>)
    %add3A_257 = arith.constant 544 : i32
    %add3A_258 = arith.addi %add3A_257, %add3A : i32
    %dma_start3A_259 = arith.constant 17 : i32
    %dma_start3A_260 = arith.constant 0 : i32
    %dma_start3A_261 = tpu.memref_slice %arg5[%dma_start3A_259, %dma_start3A_260] : memref<26x128xi32, #tpu.memory_space<vmem>> -> memref<1x128xi32, #tpu.memory_space<vmem>>
    %dma_start3A_262 = tpu.memref_squeeze %dma_start3A_261 : memref<1x128xi32, #tpu.memory_space<vmem>> -> memref<128xi32, #tpu.memory_space<vmem>>
    %dma_start3A_263 = arith.constant 0 : i32
    %dma_start3A_264 = tpu.memref_slice %arg2[%add3A_258, %dma_start3A_263] : memref<832x128xi32, #tpu.memory_space<hbm>> -> memref<1x128xi32, #tpu.memory_space<hbm>>
    %dma_start3A_265 = tpu.memref_squeeze %dma_start3A_264 : memref<1x128xi32, #tpu.memory_space<hbm>> -> memref<128xi32, #tpu.memory_space<hbm>>
    %dma_start3A_266 = arith.constant 0 : i32
    %dma_start3A_267 = tpu.memref_slice %arg5[%dma_start3A_259, %dma_start3A_266] : memref<26x128xi32, #tpu.memory_space<vmem>> -> memref<1x128xi32, #tpu.memory_space<vmem>>
    %dma_start3A_268 = tpu.memref_squeeze %dma_start3A_267 : memref<1x128xi32, #tpu.memory_space<vmem>> -> memref<128xi32, #tpu.memory_space<vmem>>
    %dma_start3A_269 = arith.constant 0 : i32
    %dma_start3A_270 = tpu.memref_slice %arg2[%add3A_258, %dma_start3A_269] : memref<832x128xi32, #tpu.memory_space<hbm>> -> memref<1x128xi32, #tpu.memory_space<hbm>>
    %dma_start3A_271 = tpu.memref_squeeze %dma_start3A_270 : memref<1x128xi32, #tpu.memory_space<hbm>> -> memref<128xi32, #tpu.memory_space<hbm>>
    tpu.enqueue_dma source(%dma_start3A_271 : memref<128xi32, #tpu.memory_space<hbm>>) target(%dma_start3A_268 : memref<128xi32, #tpu.memory_space<vmem>>) target_semaphore(%arg9 : memref<!tpu.dma_semaphore, #tpu.memory_space<semaphore_mem>>)
    %add3A_272 = arith.constant 576 : i32
    %add3A_273 = arith.addi %add3A_272, %add3A : i32
    %dma_start3A_274 = arith.constant 18 : i32
    %dma_start3A_275 = arith.constant 0 : i32
    %dma_start3A_276 = tpu.memref_slice %arg5[%dma_start3A_274, %dma_start3A_275] : memref<26x128xi32, #tpu.memory_space<vmem>> -> memref<1x128xi32, #tpu.memory_space<vmem>>
    %dma_start3A_277 = tpu.memref_squeeze %dma_start3A_276 : memref<1x128xi32, #tpu.memory_space<vmem>> -> memref<128xi32, #tpu.memory_space<vmem>>
    %dma_start3A_278 = arith.constant 0 : i32
    %dma_start3A_279 = tpu.memref_slice %arg2[%add3A_273, %dma_start3A_278] : memref<832x128xi32, #tpu.memory_space<hbm>> -> memref<1x128xi32, #tpu.memory_space<hbm>>
    %dma_start3A_280 = tpu.memref_squeeze %dma_start3A_279 : memref<1x128xi32, #tpu.memory_space<hbm>> -> memref<128xi32, #tpu.memory_space<hbm>>
    %dma_start3A_281 = arith.constant 0 : i32
    %dma_start3A_282 = tpu.memref_slice %arg5[%dma_start3A_274, %dma_start3A_281] : memref<26x128xi32, #tpu.memory_space<vmem>> -> memref<1x128xi32, #tpu.memory_space<vmem>>
    %dma_start3A_283 = tpu.memref_squeeze %dma_start3A_282 : memref<1x128xi32, #tpu.memory_space<vmem>> -> memref<128xi32, #tpu.memory_space<vmem>>
    %dma_start3A_284 = arith.constant 0 : i32
    %dma_start3A_285 = tpu.memref_slice %arg2[%add3A_273, %dma_start3A_284] : memref<832x128xi32, #tpu.memory_space<hbm>> -> memref<1x128xi32, #tpu.memory_space<hbm>>
    %dma_start3A_286 = tpu.memref_squeeze %dma_start3A_285 : memref<1x128xi32, #tpu.memory_space<hbm>> -> memref<128xi32, #tpu.memory_space<hbm>>
    tpu.enqueue_dma source(%dma_start3A_286 : memref<128xi32, #tpu.memory_space<hbm>>) target(%dma_start3A_283 : memref<128xi32, #tpu.memory_space<vmem>>) target_semaphore(%arg9 : memref<!tpu.dma_semaphore, #tpu.memory_space<semaphore_mem>>)
    %add3A_287 = arith.constant 608 : i32
    %add3A_288 = arith.addi %add3A_287, %add3A : i32
    %dma_start3A_289 = arith.constant 19 : i32
    %dma_start3A_290 = arith.constant 0 : i32
    %dma_start3A_291 = tpu.memref_slice %arg5[%dma_start3A_289, %dma_start3A_290] : memref<26x128xi32, #tpu.memory_space<vmem>> -> memref<1x128xi32, #tpu.memory_space<vmem>>
    %dma_start3A_292 = tpu.memref_squeeze %dma_start3A_291 : memref<1x128xi32, #tpu.memory_space<vmem>> -> memref<128xi32, #tpu.memory_space<vmem>>
    %dma_start3A_293 = arith.constant 0 : i32
    %dma_start3A_294 = tpu.memref_slice %arg2[%add3A_288, %dma_start3A_293] : memref<832x128xi32, #tpu.memory_space<hbm>> -> memref<1x128xi32, #tpu.memory_space<hbm>>
    %dma_start3A_295 = tpu.memref_squeeze %dma_start3A_294 : memref<1x128xi32, #tpu.memory_space<hbm>> -> memref<128xi32, #tpu.memory_space<hbm>>
    %dma_start3A_296 = arith.constant 0 : i32
    %dma_start3A_297 = tpu.memref_slice %arg5[%dma_start3A_289, %dma_start3A_296] : memref<26x128xi32, #tpu.memory_space<vmem>> -> memref<1x128xi32, #tpu.memory_space<vmem>>
    %dma_start3A_298 = tpu.memref_squeeze %dma_start3A_297 : memref<1x128xi32, #tpu.memory_space<vmem>> -> memref<128xi32, #tpu.memory_space<vmem>>
    %dma_start3A_299 = arith.constant 0 : i32
    %dma_start3A_300 = tpu.memref_slice %arg2[%add3A_288, %dma_start3A_299] : memref<832x128xi32, #tpu.memory_space<hbm>> -> memref<1x128xi32, #tpu.memory_space<hbm>>
    %dma_start3A_301 = tpu.memref_squeeze %dma_start3A_300 : memref<1x128xi32, #tpu.memory_space<hbm>> -> memref<128xi32, #tpu.memory_space<hbm>>
    tpu.enqueue_dma source(%dma_start3A_301 : memref<128xi32, #tpu.memory_space<hbm>>) target(%dma_start3A_298 : memref<128xi32, #tpu.memory_space<vmem>>) target_semaphore(%arg9 : memref<!tpu.dma_semaphore, #tpu.memory_space<semaphore_mem>>)
    %add3A_302 = arith.constant 640 : i32
    %add3A_303 = arith.addi %add3A_302, %add3A : i32
    %dma_start3A_304 = arith.constant 20 : i32
    %dma_start3A_305 = arith.constant 0 : i32
    %dma_start3A_306 = tpu.memref_slice %arg5[%dma_start3A_304, %dma_start3A_305] : memref<26x128xi32, #tpu.memory_space<vmem>> -> memref<1x128xi32, #tpu.memory_space<vmem>>
    %dma_start3A_307 = tpu.memref_squeeze %dma_start3A_306 : memref<1x128xi32, #tpu.memory_space<vmem>> -> memref<128xi32, #tpu.memory_space<vmem>>
    %dma_start3A_308 = arith.constant 0 : i32
    %dma_start3A_309 = tpu.memref_slice %arg2[%add3A_303, %dma_start3A_308] : memref<832x128xi32, #tpu.memory_space<hbm>> -> memref<1x128xi32, #tpu.memory_space<hbm>>
    %dma_start3A_310 = tpu.memref_squeeze %dma_start3A_309 : memref<1x128xi32, #tpu.memory_space<hbm>> -> memref<128xi32, #tpu.memory_space<hbm>>
    %dma_start3A_311 = arith.constant 0 : i32
    %dma_start3A_312 = tpu.memref_slice %arg5[%dma_start3A_304, %dma_start3A_311] : memref<26x128xi32, #tpu.memory_space<vmem>> -> memref<1x128xi32, #tpu.memory_space<vmem>>
    %dma_start3A_313 = tpu.memref_squeeze %dma_start3A_312 : memref<1x128xi32, #tpu.memory_space<vmem>> -> memref<128xi32, #tpu.memory_space<vmem>>
    %dma_start3A_314 = arith.constant 0 : i32
    %dma_start3A_315 = tpu.memref_slice %arg2[%add3A_303, %dma_start3A_314] : memref<832x128xi32, #tpu.memory_space<hbm>> -> memref<1x128xi32, #tpu.memory_space<hbm>>
    %dma_start3A_316 = tpu.memref_squeeze %dma_start3A_315 : memref<1x128xi32, #tpu.memory_space<hbm>> -> memref<128xi32, #tpu.memory_space<hbm>>
    tpu.enqueue_dma source(%dma_start3A_316 : memref<128xi32, #tpu.memory_space<hbm>>) target(%dma_start3A_313 : memref<128xi32, #tpu.memory_space<vmem>>) target_semaphore(%arg9 : memref<!tpu.dma_semaphore, #tpu.memory_space<semaphore_mem>>)
    %add3A_317 = arith.constant 672 : i32
    %add3A_318 = arith.addi %add3A_317, %add3A : i32
    %dma_start3A_319 = arith.constant 21 : i32
    %dma_start3A_320 = arith.constant 0 : i32
    %dma_start3A_321 = tpu.memref_slice %arg5[%dma_start3A_319, %dma_start3A_320] : memref<26x128xi32, #tpu.memory_space<vmem>> -> memref<1x128xi32, #tpu.memory_space<vmem>>
    %dma_start3A_322 = tpu.memref_squeeze %dma_start3A_321 : memref<1x128xi32, #tpu.memory_space<vmem>> -> memref<128xi32, #tpu.memory_space<vmem>>
    %dma_start3A_323 = arith.constant 0 : i32
    %dma_start3A_324 = tpu.memref_slice %arg2[%add3A_318, %dma_start3A_323] : memref<832x128xi32, #tpu.memory_space<hbm>> -> memref<1x128xi32, #tpu.memory_space<hbm>>
    %dma_start3A_325 = tpu.memref_squeeze %dma_start3A_324 : memref<1x128xi32, #tpu.memory_space<hbm>> -> memref<128xi32, #tpu.memory_space<hbm>>
    %dma_start3A_326 = arith.constant 0 : i32
    %dma_start3A_327 = tpu.memref_slice %arg5[%dma_start3A_319, %dma_start3A_326] : memref<26x128xi32, #tpu.memory_space<vmem>> -> memref<1x128xi32, #tpu.memory_space<vmem>>
    %dma_start3A_328 = tpu.memref_squeeze %dma_start3A_327 : memref<1x128xi32, #tpu.memory_space<vmem>> -> memref<128xi32, #tpu.memory_space<vmem>>
    %dma_start3A_329 = arith.constant 0 : i32
    %dma_start3A_330 = tpu.memref_slice %arg2[%add3A_318, %dma_start3A_329] : memref<832x128xi32, #tpu.memory_space<hbm>> -> memref<1x128xi32, #tpu.memory_space<hbm>>
    %dma_start3A_331 = tpu.memref_squeeze %dma_start3A_330 : memref<1x128xi32, #tpu.memory_space<hbm>> -> memref<128xi32, #tpu.memory_space<hbm>>
    tpu.enqueue_dma source(%dma_start3A_331 : memref<128xi32, #tpu.memory_space<hbm>>) target(%dma_start3A_328 : memref<128xi32, #tpu.memory_space<vmem>>) target_semaphore(%arg9 : memref<!tpu.dma_semaphore, #tpu.memory_space<semaphore_mem>>)
    %add3A_332 = arith.constant 704 : i32
    %add3A_333 = arith.addi %add3A_332, %add3A : i32
    %dma_start3A_334 = arith.constant 22 : i32
    %dma_start3A_335 = arith.constant 0 : i32
    %dma_start3A_336 = tpu.memref_slice %arg5[%dma_start3A_334, %dma_start3A_335] : memref<26x128xi32, #tpu.memory_space<vmem>> -> memref<1x128xi32, #tpu.memory_space<vmem>>
    %dma_start3A_337 = tpu.memref_squeeze %dma_start3A_336 : memref<1x128xi32, #tpu.memory_space<vmem>> -> memref<128xi32, #tpu.memory_space<vmem>>
    %dma_start3A_338 = arith.constant 0 : i32
    %dma_start3A_339 = tpu.memref_slice %arg2[%add3A_333, %dma_start3A_338] : memref<832x128xi32, #tpu.memory_space<hbm>> -> memref<1x128xi32, #tpu.memory_space<hbm>>
    %dma_start3A_340 = tpu.memref_squeeze %dma_start3A_339 : memref<1x128xi32, #tpu.memory_space<hbm>> -> memref<128xi32, #tpu.memory_space<hbm>>
    %dma_start3A_341 = arith.constant 0 : i32
    %dma_start3A_342 = tpu.memref_slice %arg5[%dma_start3A_334, %dma_start3A_341] : memref<26x128xi32, #tpu.memory_space<vmem>> -> memref<1x128xi32, #tpu.memory_space<vmem>>
    %dma_start3A_343 = tpu.memref_squeeze %dma_start3A_342 : memref<1x128xi32, #tpu.memory_space<vmem>> -> memref<128xi32, #tpu.memory_space<vmem>>
    %dma_start3A_344 = arith.constant 0 : i32
    %dma_start3A_345 = tpu.memref_slice %arg2[%add3A_333, %dma_start3A_344] : memref<832x128xi32, #tpu.memory_space<hbm>> -> memref<1x128xi32, #tpu.memory_space<hbm>>
    %dma_start3A_346 = tpu.memref_squeeze %dma_start3A_345 : memref<1x128xi32, #tpu.memory_space<hbm>> -> memref<128xi32, #tpu.memory_space<hbm>>
    tpu.enqueue_dma source(%dma_start3A_346 : memref<128xi32, #tpu.memory_space<hbm>>) target(%dma_start3A_343 : memref<128xi32, #tpu.memory_space<vmem>>) target_semaphore(%arg9 : memref<!tpu.dma_semaphore, #tpu.memory_space<semaphore_mem>>)
    %add3A_347 = arith.constant 736 : i32
    %add3A_348 = arith.addi %add3A_347, %add3A : i32
    %dma_start3A_349 = arith.constant 23 : i32
    %dma_start3A_350 = arith.constant 0 : i32
    %dma_start3A_351 = tpu.memref_slice %arg5[%dma_start3A_349, %dma_start3A_350] : memref<26x128xi32, #tpu.memory_space<vmem>> -> memref<1x128xi32, #tpu.memory_space<vmem>>
    %dma_start3A_352 = tpu.memref_squeeze %dma_start3A_351 : memref<1x128xi32, #tpu.memory_space<vmem>> -> memref<128xi32, #tpu.memory_space<vmem>>
    %dma_start3A_353 = arith.constant 0 : i32
    %dma_start3A_354 = tpu.memref_slice %arg2[%add3A_348, %dma_start3A_353] : memref<832x128xi32, #tpu.memory_space<hbm>> -> memref<1x128xi32, #tpu.memory_space<hbm>>
    %dma_start3A_355 = tpu.memref_squeeze %dma_start3A_354 : memref<1x128xi32, #tpu.memory_space<hbm>> -> memref<128xi32, #tpu.memory_space<hbm>>
    %dma_start3A_356 = arith.constant 0 : i32
    %dma_start3A_357 = tpu.memref_slice %arg5[%dma_start3A_349, %dma_start3A_356] : memref<26x128xi32, #tpu.memory_space<vmem>> -> memref<1x128xi32, #tpu.memory_space<vmem>>
    %dma_start3A_358 = tpu.memref_squeeze %dma_start3A_357 : memref<1x128xi32, #tpu.memory_space<vmem>> -> memref<128xi32, #tpu.memory_space<vmem>>
    %dma_start3A_359 = arith.constant 0 : i32
    %dma_start3A_360 = tpu.memref_slice %arg2[%add3A_348, %dma_start3A_359] : memref<832x128xi32, #tpu.memory_space<hbm>> -> memref<1x128xi32, #tpu.memory_space<hbm>>
    %dma_start3A_361 = tpu.memref_squeeze %dma_start3A_360 : memref<1x128xi32, #tpu.memory_space<hbm>> -> memref<128xi32, #tpu.memory_space<hbm>>
    tpu.enqueue_dma source(%dma_start3A_361 : memref<128xi32, #tpu.memory_space<hbm>>) target(%dma_start3A_358 : memref<128xi32, #tpu.memory_space<vmem>>) target_semaphore(%arg9 : memref<!tpu.dma_semaphore, #tpu.memory_space<semaphore_mem>>)
    %add3A_362 = arith.constant 768 : i32
    %add3A_363 = arith.addi %add3A_362, %add3A : i32
    %dma_start3A_364 = arith.constant 24 : i32
    %dma_start3A_365 = arith.constant 0 : i32
    %dma_start3A_366 = tpu.memref_slice %arg5[%dma_start3A_364, %dma_start3A_365] : memref<26x128xi32, #tpu.memory_space<vmem>> -> memref<1x128xi32, #tpu.memory_space<vmem>>
    %dma_start3A_367 = tpu.memref_squeeze %dma_start3A_366 : memref<1x128xi32, #tpu.memory_space<vmem>> -> memref<128xi32, #tpu.memory_space<vmem>>
    %dma_start3A_368 = arith.constant 0 : i32
    %dma_start3A_369 = tpu.memref_slice %arg2[%add3A_363, %dma_start3A_368] : memref<832x128xi32, #tpu.memory_space<hbm>> -> memref<1x128xi32, #tpu.memory_space<hbm>>
    %dma_start3A_370 = tpu.memref_squeeze %dma_start3A_369 : memref<1x128xi32, #tpu.memory_space<hbm>> -> memref<128xi32, #tpu.memory_space<hbm>>
    %dma_start3A_371 = arith.constant 0 : i32
    %dma_start3A_372 = tpu.memref_slice %arg5[%dma_start3A_364, %dma_start3A_371] : memref<26x128xi32, #tpu.memory_space<vmem>> -> memref<1x128xi32, #tpu.memory_space<vmem>>
    %dma_start3A_373 = tpu.memref_squeeze %dma_start3A_372 : memref<1x128xi32, #tpu.memory_space<vmem>> -> memref<128xi32, #tpu.memory_space<vmem>>
    %dma_start3A_374 = arith.constant 0 : i32
    %dma_start3A_375 = tpu.memref_slice %arg2[%add3A_363, %dma_start3A_374] : memref<832x128xi32, #tpu.memory_space<hbm>> -> memref<1x128xi32, #tpu.memory_space<hbm>>
    %dma_start3A_376 = tpu.memref_squeeze %dma_start3A_375 : memref<1x128xi32, #tpu.memory_space<hbm>> -> memref<128xi32, #tpu.memory_space<hbm>>
    tpu.enqueue_dma source(%dma_start3A_376 : memref<128xi32, #tpu.memory_space<hbm>>) target(%dma_start3A_373 : memref<128xi32, #tpu.memory_space<vmem>>) target_semaphore(%arg9 : memref<!tpu.dma_semaphore, #tpu.memory_space<semaphore_mem>>)
    %add3A_377 = arith.constant 800 : i32
    %add3A_378 = arith.addi %add3A_377, %add3A : i32
    %dma_start3A_379 = arith.constant 25 : i32
    %dma_start3A_380 = arith.constant 0 : i32
    %dma_start3A_381 = tpu.memref_slice %arg5[%dma_start3A_379, %dma_start3A_380] : memref<26x128xi32, #tpu.memory_space<vmem>> -> memref<1x128xi32, #tpu.memory_space<vmem>>
    %dma_start3A_382 = tpu.memref_squeeze %dma_start3A_381 : memref<1x128xi32, #tpu.memory_space<vmem>> -> memref<128xi32, #tpu.memory_space<vmem>>
    %dma_start3A_383 = arith.constant 0 : i32
    %dma_start3A_384 = tpu.memref_slice %arg2[%add3A_378, %dma_start3A_383] : memref<832x128xi32, #tpu.memory_space<hbm>> -> memref<1x128xi32, #tpu.memory_space<hbm>>
    %dma_start3A_385 = tpu.memref_squeeze %dma_start3A_384 : memref<1x128xi32, #tpu.memory_space<hbm>> -> memref<128xi32, #tpu.memory_space<hbm>>
    %dma_start3A_386 = arith.constant 0 : i32
    %dma_start3A_387 = tpu.memref_slice %arg5[%dma_start3A_379, %dma_start3A_386] : memref<26x128xi32, #tpu.memory_space<vmem>> -> memref<1x128xi32, #tpu.memory_space<vmem>>
    %dma_start3A_388 = tpu.memref_squeeze %dma_start3A_387 : memref<1x128xi32, #tpu.memory_space<vmem>> -> memref<128xi32, #tpu.memory_space<vmem>>
    %dma_start3A_389 = arith.constant 0 : i32
    %dma_start3A_390 = tpu.memref_slice %arg2[%add3A_378, %dma_start3A_389] : memref<832x128xi32, #tpu.memory_space<hbm>> -> memref<1x128xi32, #tpu.memory_space<hbm>>
    %dma_start3A_391 = tpu.memref_squeeze %dma_start3A_390 : memref<1x128xi32, #tpu.memory_space<hbm>> -> memref<128xi32, #tpu.memory_space<hbm>>
    tpu.enqueue_dma source(%dma_start3A_391 : memref<128xi32, #tpu.memory_space<hbm>>) target(%dma_start3A_388 : memref<128xi32, #tpu.memory_space<vmem>>) target_semaphore(%arg9 : memref<!tpu.dma_semaphore, #tpu.memory_space<semaphore_mem>>)
    %dma_wait3A = arith.constant 0 : i32
    %dma_wait3A_392 = arith.constant 0 : i32
    %dma_wait3A_393 = tpu.memref_slice %arg2[%dma_wait3A, %dma_wait3A_392] : memref<832x128xi32, #tpu.memory_space<hbm>> -> memref<26x128xi32, #tpu.memory_space<hbm>>
    %dma_wait3A_394 = arith.constant 0 : i32
    %dma_wait3A_395 = arith.constant 0 : i32
    %dma_wait3A_396 = tpu.memref_slice %arg2[%dma_wait3A_394, %dma_wait3A_395] : memref<832x128xi32, #tpu.memory_space<hbm>> -> memref<26x128xi32, #tpu.memory_space<hbm>>
    tpu.wait_dma2 semaphore(%arg9 : memref<!tpu.dma_semaphore, #tpu.memory_space<semaphore_mem>>) src(%dma_wait3A_396 : memref<26x128xi32, #tpu.memory_space<hbm>>) dst(%arg5 : memref<26x128xi32, #tpu.memory_space<vmem>>)
    %dma_start3A_397 = arith.constant 0 : i32
    %dma_start3A_398 = arith.constant 0 : i32
    %dma_start3A_399 = arith.constant 0 : i32
    %dma_start3A_400 = tpu.memref_slice %arg6[%dma_start3A_398, %dma_start3A_399] : memref<3328x32xf32, #tpu.memory_space<vmem>> -> memref<128x32xf32, #tpu.memory_space<vmem>>
    %dma_start3A_401 = arith.constant 0 : i32
    %dma_start3A_402 = tpu.memref_slice %arg5[%dma_start3A_397, %dma_start3A_401] : memref<26x128xi32, #tpu.memory_space<vmem>> -> memref<1x128xi32, #tpu.memory_space<vmem>>
    %dma_start3A_403 = tpu.memref_squeeze %dma_start3A_402 : memref<1x128xi32, #tpu.memory_space<vmem>> -> memref<128xi32, #tpu.memory_space<vmem>>
    %dma_start3A_404 = arith.constant 0 : i32
    %dma_start3A_405 = arith.constant 0 : i32
    %dma_start3A_406 = tpu.memref_slice %arg3[%dma_start3A_404, %dma_start3A_405] : memref<1000000x32xf32, #tpu.memory_space<hbm>> -> memref<1000000x32xf32, #tpu.memory_space<hbm>>
    tpu.enqueue_indirect_dma source(%dma_start3A_406 : memref<1000000x32xf32, #tpu.memory_space<hbm>>) target(%dma_start3A_400 : memref<128x32xf32, #tpu.memory_space<vmem>>) offsets(%dma_start3A_403 : memref<128xi32, #tpu.memory_space<vmem>>) semaphore(%arg9 : memref<!tpu.dma_semaphore, #tpu.memory_space<semaphore_mem>>)
    %dma_start3A_407 = arith.constant 1 : i32
    %dma_start3A_408 = arith.constant 128 : i32
    %dma_start3A_409 = arith.constant 0 : i32
    %dma_start3A_410 = tpu.memref_slice %arg6[%dma_start3A_408, %dma_start3A_409] : memref<3328x32xf32, #tpu.memory_space<vmem>> -> memref<128x32xf32, #tpu.memory_space<vmem>>
    %dma_start3A_411 = arith.constant 0 : i32
    %dma_start3A_412 = tpu.memref_slice %arg5[%dma_start3A_407, %dma_start3A_411] : memref<26x128xi32, #tpu.memory_space<vmem>> -> memref<1x128xi32, #tpu.memory_space<vmem>>
    %dma_start3A_413 = tpu.memref_squeeze %dma_start3A_412 : memref<1x128xi32, #tpu.memory_space<vmem>> -> memref<128xi32, #tpu.memory_space<vmem>>
    %dma_start3A_414 = arith.constant 0 : i32
    %dma_start3A_415 = arith.constant 0 : i32
    %dma_start3A_416 = tpu.memref_slice %arg3[%dma_start3A_414, %dma_start3A_415] : memref<1000000x32xf32, #tpu.memory_space<hbm>> -> memref<1000000x32xf32, #tpu.memory_space<hbm>>
    tpu.enqueue_indirect_dma source(%dma_start3A_416 : memref<1000000x32xf32, #tpu.memory_space<hbm>>) target(%dma_start3A_410 : memref<128x32xf32, #tpu.memory_space<vmem>>) offsets(%dma_start3A_413 : memref<128xi32, #tpu.memory_space<vmem>>) semaphore(%arg9 : memref<!tpu.dma_semaphore, #tpu.memory_space<semaphore_mem>>)
    %dma_start3A_417 = arith.constant 2 : i32
    %dma_start3A_418 = arith.constant 256 : i32
    %dma_start3A_419 = arith.constant 0 : i32
    %dma_start3A_420 = tpu.memref_slice %arg6[%dma_start3A_418, %dma_start3A_419] : memref<3328x32xf32, #tpu.memory_space<vmem>> -> memref<128x32xf32, #tpu.memory_space<vmem>>
    %dma_start3A_421 = arith.constant 0 : i32
    %dma_start3A_422 = tpu.memref_slice %arg5[%dma_start3A_417, %dma_start3A_421] : memref<26x128xi32, #tpu.memory_space<vmem>> -> memref<1x128xi32, #tpu.memory_space<vmem>>
    %dma_start3A_423 = tpu.memref_squeeze %dma_start3A_422 : memref<1x128xi32, #tpu.memory_space<vmem>> -> memref<128xi32, #tpu.memory_space<vmem>>
    %dma_start3A_424 = arith.constant 0 : i32
    %dma_start3A_425 = arith.constant 0 : i32
    %dma_start3A_426 = tpu.memref_slice %arg3[%dma_start3A_424, %dma_start3A_425] : memref<1000000x32xf32, #tpu.memory_space<hbm>> -> memref<1000000x32xf32, #tpu.memory_space<hbm>>
    tpu.enqueue_indirect_dma source(%dma_start3A_426 : memref<1000000x32xf32, #tpu.memory_space<hbm>>) target(%dma_start3A_420 : memref<128x32xf32, #tpu.memory_space<vmem>>) offsets(%dma_start3A_423 : memref<128xi32, #tpu.memory_space<vmem>>) semaphore(%arg9 : memref<!tpu.dma_semaphore, #tpu.memory_space<semaphore_mem>>)
    %dma_start3A_427 = arith.constant 3 : i32
    %dma_start3A_428 = arith.constant 384 : i32
    %dma_start3A_429 = arith.constant 0 : i32
    %dma_start3A_430 = tpu.memref_slice %arg6[%dma_start3A_428, %dma_start3A_429] : memref<3328x32xf32, #tpu.memory_space<vmem>> -> memref<128x32xf32, #tpu.memory_space<vmem>>
    %dma_start3A_431 = arith.constant 0 : i32
    %dma_start3A_432 = tpu.memref_slice %arg5[%dma_start3A_427, %dma_start3A_431] : memref<26x128xi32, #tpu.memory_space<vmem>> -> memref<1x128xi32, #tpu.memory_space<vmem>>
    %dma_start3A_433 = tpu.memref_squeeze %dma_start3A_432 : memref<1x128xi32, #tpu.memory_space<vmem>> -> memref<128xi32, #tpu.memory_space<vmem>>
    %dma_start3A_434 = arith.constant 0 : i32
    %dma_start3A_435 = arith.constant 0 : i32
    %dma_start3A_436 = tpu.memref_slice %arg3[%dma_start3A_434, %dma_start3A_435] : memref<1000000x32xf32, #tpu.memory_space<hbm>> -> memref<1000000x32xf32, #tpu.memory_space<hbm>>
    tpu.enqueue_indirect_dma source(%dma_start3A_436 : memref<1000000x32xf32, #tpu.memory_space<hbm>>) target(%dma_start3A_430 : memref<128x32xf32, #tpu.memory_space<vmem>>) offsets(%dma_start3A_433 : memref<128xi32, #tpu.memory_space<vmem>>) semaphore(%arg9 : memref<!tpu.dma_semaphore, #tpu.memory_space<semaphore_mem>>)
    %dma_start3A_437 = arith.constant 4 : i32
    %dma_start3A_438 = arith.constant 512 : i32
    %dma_start3A_439 = arith.constant 0 : i32
    %dma_start3A_440 = tpu.memref_slice %arg6[%dma_start3A_438, %dma_start3A_439] : memref<3328x32xf32, #tpu.memory_space<vmem>> -> memref<128x32xf32, #tpu.memory_space<vmem>>
    %dma_start3A_441 = arith.constant 0 : i32
    %dma_start3A_442 = tpu.memref_slice %arg5[%dma_start3A_437, %dma_start3A_441] : memref<26x128xi32, #tpu.memory_space<vmem>> -> memref<1x128xi32, #tpu.memory_space<vmem>>
    %dma_start3A_443 = tpu.memref_squeeze %dma_start3A_442 : memref<1x128xi32, #tpu.memory_space<vmem>> -> memref<128xi32, #tpu.memory_space<vmem>>
    %dma_start3A_444 = arith.constant 0 : i32
    %dma_start3A_445 = arith.constant 0 : i32
    %dma_start3A_446 = tpu.memref_slice %arg3[%dma_start3A_444, %dma_start3A_445] : memref<1000000x32xf32, #tpu.memory_space<hbm>> -> memref<1000000x32xf32, #tpu.memory_space<hbm>>
    tpu.enqueue_indirect_dma source(%dma_start3A_446 : memref<1000000x32xf32, #tpu.memory_space<hbm>>) target(%dma_start3A_440 : memref<128x32xf32, #tpu.memory_space<vmem>>) offsets(%dma_start3A_443 : memref<128xi32, #tpu.memory_space<vmem>>) semaphore(%arg9 : memref<!tpu.dma_semaphore, #tpu.memory_space<semaphore_mem>>)
    %dma_start3A_447 = arith.constant 5 : i32
    %dma_start3A_448 = arith.constant 640 : i32
    %dma_start3A_449 = arith.constant 0 : i32
    %dma_start3A_450 = tpu.memref_slice %arg6[%dma_start3A_448, %dma_start3A_449] : memref<3328x32xf32, #tpu.memory_space<vmem>> -> memref<128x32xf32, #tpu.memory_space<vmem>>
    %dma_start3A_451 = arith.constant 0 : i32
    %dma_start3A_452 = tpu.memref_slice %arg5[%dma_start3A_447, %dma_start3A_451] : memref<26x128xi32, #tpu.memory_space<vmem>> -> memref<1x128xi32, #tpu.memory_space<vmem>>
    %dma_start3A_453 = tpu.memref_squeeze %dma_start3A_452 : memref<1x128xi32, #tpu.memory_space<vmem>> -> memref<128xi32, #tpu.memory_space<vmem>>
    %dma_start3A_454 = arith.constant 0 : i32
    %dma_start3A_455 = arith.constant 0 : i32
    %dma_start3A_456 = tpu.memref_slice %arg3[%dma_start3A_454, %dma_start3A_455] : memref<1000000x32xf32, #tpu.memory_space<hbm>> -> memref<1000000x32xf32, #tpu.memory_space<hbm>>
    tpu.enqueue_indirect_dma source(%dma_start3A_456 : memref<1000000x32xf32, #tpu.memory_space<hbm>>) target(%dma_start3A_450 : memref<128x32xf32, #tpu.memory_space<vmem>>) offsets(%dma_start3A_453 : memref<128xi32, #tpu.memory_space<vmem>>) semaphore(%arg9 : memref<!tpu.dma_semaphore, #tpu.memory_space<semaphore_mem>>)
    %dma_start3A_457 = arith.constant 6 : i32
    %dma_start3A_458 = arith.constant 768 : i32
    %dma_start3A_459 = arith.constant 0 : i32
    %dma_start3A_460 = tpu.memref_slice %arg6[%dma_start3A_458, %dma_start3A_459] : memref<3328x32xf32, #tpu.memory_space<vmem>> -> memref<128x32xf32, #tpu.memory_space<vmem>>
    %dma_start3A_461 = arith.constant 0 : i32
    %dma_start3A_462 = tpu.memref_slice %arg5[%dma_start3A_457, %dma_start3A_461] : memref<26x128xi32, #tpu.memory_space<vmem>> -> memref<1x128xi32, #tpu.memory_space<vmem>>
    %dma_start3A_463 = tpu.memref_squeeze %dma_start3A_462 : memref<1x128xi32, #tpu.memory_space<vmem>> -> memref<128xi32, #tpu.memory_space<vmem>>
    %dma_start3A_464 = arith.constant 0 : i32
    %dma_start3A_465 = arith.constant 0 : i32
    %dma_start3A_466 = tpu.memref_slice %arg3[%dma_start3A_464, %dma_start3A_465] : memref<1000000x32xf32, #tpu.memory_space<hbm>> -> memref<1000000x32xf32, #tpu.memory_space<hbm>>
    tpu.enqueue_indirect_dma source(%dma_start3A_466 : memref<1000000x32xf32, #tpu.memory_space<hbm>>) target(%dma_start3A_460 : memref<128x32xf32, #tpu.memory_space<vmem>>) offsets(%dma_start3A_463 : memref<128xi32, #tpu.memory_space<vmem>>) semaphore(%arg9 : memref<!tpu.dma_semaphore, #tpu.memory_space<semaphore_mem>>)
    %dma_start3A_467 = arith.constant 7 : i32
    %dma_start3A_468 = arith.constant 896 : i32
    %dma_start3A_469 = arith.constant 0 : i32
    %dma_start3A_470 = tpu.memref_slice %arg6[%dma_start3A_468, %dma_start3A_469] : memref<3328x32xf32, #tpu.memory_space<vmem>> -> memref<128x32xf32, #tpu.memory_space<vmem>>
    %dma_start3A_471 = arith.constant 0 : i32
    %dma_start3A_472 = tpu.memref_slice %arg5[%dma_start3A_467, %dma_start3A_471] : memref<26x128xi32, #tpu.memory_space<vmem>> -> memref<1x128xi32, #tpu.memory_space<vmem>>
    %dma_start3A_473 = tpu.memref_squeeze %dma_start3A_472 : memref<1x128xi32, #tpu.memory_space<vmem>> -> memref<128xi32, #tpu.memory_space<vmem>>
    %dma_start3A_474 = arith.constant 0 : i32
    %dma_start3A_475 = arith.constant 0 : i32
    %dma_start3A_476 = tpu.memref_slice %arg3[%dma_start3A_474, %dma_start3A_475] : memref<1000000x32xf32, #tpu.memory_space<hbm>> -> memref<1000000x32xf32, #tpu.memory_space<hbm>>
    tpu.enqueue_indirect_dma source(%dma_start3A_476 : memref<1000000x32xf32, #tpu.memory_space<hbm>>) target(%dma_start3A_470 : memref<128x32xf32, #tpu.memory_space<vmem>>) offsets(%dma_start3A_473 : memref<128xi32, #tpu.memory_space<vmem>>) semaphore(%arg9 : memref<!tpu.dma_semaphore, #tpu.memory_space<semaphore_mem>>)
    %dma_start3A_477 = arith.constant 8 : i32
    %dma_start3A_478 = arith.constant 1024 : i32
    %dma_start3A_479 = arith.constant 0 : i32
    %dma_start3A_480 = tpu.memref_slice %arg6[%dma_start3A_478, %dma_start3A_479] : memref<3328x32xf32, #tpu.memory_space<vmem>> -> memref<128x32xf32, #tpu.memory_space<vmem>>
    %dma_start3A_481 = arith.constant 0 : i32
    %dma_start3A_482 = tpu.memref_slice %arg5[%dma_start3A_477, %dma_start3A_481] : memref<26x128xi32, #tpu.memory_space<vmem>> -> memref<1x128xi32, #tpu.memory_space<vmem>>
    %dma_start3A_483 = tpu.memref_squeeze %dma_start3A_482 : memref<1x128xi32, #tpu.memory_space<vmem>> -> memref<128xi32, #tpu.memory_space<vmem>>
    %dma_start3A_484 = arith.constant 0 : i32
    %dma_start3A_485 = arith.constant 0 : i32
    %dma_start3A_486 = tpu.memref_slice %arg3[%dma_start3A_484, %dma_start3A_485] : memref<1000000x32xf32, #tpu.memory_space<hbm>> -> memref<1000000x32xf32, #tpu.memory_space<hbm>>
    tpu.enqueue_indirect_dma source(%dma_start3A_486 : memref<1000000x32xf32, #tpu.memory_space<hbm>>) target(%dma_start3A_480 : memref<128x32xf32, #tpu.memory_space<vmem>>) offsets(%dma_start3A_483 : memref<128xi32, #tpu.memory_space<vmem>>) semaphore(%arg9 : memref<!tpu.dma_semaphore, #tpu.memory_space<semaphore_mem>>)
    %dma_start3A_487 = arith.constant 9 : i32
    %dma_start3A_488 = arith.constant 1152 : i32
    %dma_start3A_489 = arith.constant 0 : i32
    %dma_start3A_490 = tpu.memref_slice %arg6[%dma_start3A_488, %dma_start3A_489] : memref<3328x32xf32, #tpu.memory_space<vmem>> -> memref<128x32xf32, #tpu.memory_space<vmem>>
    %dma_start3A_491 = arith.constant 0 : i32
    %dma_start3A_492 = tpu.memref_slice %arg5[%dma_start3A_487, %dma_start3A_491] : memref<26x128xi32, #tpu.memory_space<vmem>> -> memref<1x128xi32, #tpu.memory_space<vmem>>
    %dma_start3A_493 = tpu.memref_squeeze %dma_start3A_492 : memref<1x128xi32, #tpu.memory_space<vmem>> -> memref<128xi32, #tpu.memory_space<vmem>>
    %dma_start3A_494 = arith.constant 0 : i32
    %dma_start3A_495 = arith.constant 0 : i32
    %dma_start3A_496 = tpu.memref_slice %arg3[%dma_start3A_494, %dma_start3A_495] : memref<1000000x32xf32, #tpu.memory_space<hbm>> -> memref<1000000x32xf32, #tpu.memory_space<hbm>>
    tpu.enqueue_indirect_dma source(%dma_start3A_496 : memref<1000000x32xf32, #tpu.memory_space<hbm>>) target(%dma_start3A_490 : memref<128x32xf32, #tpu.memory_space<vmem>>) offsets(%dma_start3A_493 : memref<128xi32, #tpu.memory_space<vmem>>) semaphore(%arg9 : memref<!tpu.dma_semaphore, #tpu.memory_space<semaphore_mem>>)
    %dma_start3A_497 = arith.constant 10 : i32
    %dma_start3A_498 = arith.constant 1280 : i32
    %dma_start3A_499 = arith.constant 0 : i32
    %dma_start3A_500 = tpu.memref_slice %arg6[%dma_start3A_498, %dma_start3A_499] : memref<3328x32xf32, #tpu.memory_space<vmem>> -> memref<128x32xf32, #tpu.memory_space<vmem>>
    %dma_start3A_501 = arith.constant 0 : i32
    %dma_start3A_502 = tpu.memref_slice %arg5[%dma_start3A_497, %dma_start3A_501] : memref<26x128xi32, #tpu.memory_space<vmem>> -> memref<1x128xi32, #tpu.memory_space<vmem>>
    %dma_start3A_503 = tpu.memref_squeeze %dma_start3A_502 : memref<1x128xi32, #tpu.memory_space<vmem>> -> memref<128xi32, #tpu.memory_space<vmem>>
    %dma_start3A_504 = arith.constant 0 : i32
    %dma_start3A_505 = arith.constant 0 : i32
    %dma_start3A_506 = tpu.memref_slice %arg3[%dma_start3A_504, %dma_start3A_505] : memref<1000000x32xf32, #tpu.memory_space<hbm>> -> memref<1000000x32xf32, #tpu.memory_space<hbm>>
    tpu.enqueue_indirect_dma source(%dma_start3A_506 : memref<1000000x32xf32, #tpu.memory_space<hbm>>) target(%dma_start3A_500 : memref<128x32xf32, #tpu.memory_space<vmem>>) offsets(%dma_start3A_503 : memref<128xi32, #tpu.memory_space<vmem>>) semaphore(%arg9 : memref<!tpu.dma_semaphore, #tpu.memory_space<semaphore_mem>>)
    %dma_start3A_507 = arith.constant 11 : i32
    %dma_start3A_508 = arith.constant 1408 : i32
    %dma_start3A_509 = arith.constant 0 : i32
    %dma_start3A_510 = tpu.memref_slice %arg6[%dma_start3A_508, %dma_start3A_509] : memref<3328x32xf32, #tpu.memory_space<vmem>> -> memref<128x32xf32, #tpu.memory_space<vmem>>
    %dma_start3A_511 = arith.constant 0 : i32
    %dma_start3A_512 = tpu.memref_slice %arg5[%dma_start3A_507, %dma_start3A_511] : memref<26x128xi32, #tpu.memory_space<vmem>> -> memref<1x128xi32, #tpu.memory_space<vmem>>
    %dma_start3A_513 = tpu.memref_squeeze %dma_start3A_512 : memref<1x128xi32, #tpu.memory_space<vmem>> -> memref<128xi32, #tpu.memory_space<vmem>>
    %dma_start3A_514 = arith.constant 0 : i32
    %dma_start3A_515 = arith.constant 0 : i32
    %dma_start3A_516 = tpu.memref_slice %arg3[%dma_start3A_514, %dma_start3A_515] : memref<1000000x32xf32, #tpu.memory_space<hbm>> -> memref<1000000x32xf32, #tpu.memory_space<hbm>>
    tpu.enqueue_indirect_dma source(%dma_start3A_516 : memref<1000000x32xf32, #tpu.memory_space<hbm>>) target(%dma_start3A_510 : memref<128x32xf32, #tpu.memory_space<vmem>>) offsets(%dma_start3A_513 : memref<128xi32, #tpu.memory_space<vmem>>) semaphore(%arg9 : memref<!tpu.dma_semaphore, #tpu.memory_space<semaphore_mem>>)
    %dma_start3A_517 = arith.constant 12 : i32
    %dma_start3A_518 = arith.constant 1536 : i32
    %dma_start3A_519 = arith.constant 0 : i32
    %dma_start3A_520 = tpu.memref_slice %arg6[%dma_start3A_518, %dma_start3A_519] : memref<3328x32xf32, #tpu.memory_space<vmem>> -> memref<128x32xf32, #tpu.memory_space<vmem>>
    %dma_start3A_521 = arith.constant 0 : i32
    %dma_start3A_522 = tpu.memref_slice %arg5[%dma_start3A_517, %dma_start3A_521] : memref<26x128xi32, #tpu.memory_space<vmem>> -> memref<1x128xi32, #tpu.memory_space<vmem>>
    %dma_start3A_523 = tpu.memref_squeeze %dma_start3A_522 : memref<1x128xi32, #tpu.memory_space<vmem>> -> memref<128xi32, #tpu.memory_space<vmem>>
    %dma_start3A_524 = arith.constant 0 : i32
    %dma_start3A_525 = arith.constant 0 : i32
    %dma_start3A_526 = tpu.memref_slice %arg3[%dma_start3A_524, %dma_start3A_525] : memref<1000000x32xf32, #tpu.memory_space<hbm>> -> memref<1000000x32xf32, #tpu.memory_space<hbm>>
    tpu.enqueue_indirect_dma source(%dma_start3A_526 : memref<1000000x32xf32, #tpu.memory_space<hbm>>) target(%dma_start3A_520 : memref<128x32xf32, #tpu.memory_space<vmem>>) offsets(%dma_start3A_523 : memref<128xi32, #tpu.memory_space<vmem>>) semaphore(%arg9 : memref<!tpu.dma_semaphore, #tpu.memory_space<semaphore_mem>>)
    %dma_start3A_527 = arith.constant 13 : i32
    %dma_start3A_528 = arith.constant 1664 : i32
    %dma_start3A_529 = arith.constant 0 : i32
    %dma_start3A_530 = tpu.memref_slice %arg6[%dma_start3A_528, %dma_start3A_529] : memref<3328x32xf32, #tpu.memory_space<vmem>> -> memref<128x32xf32, #tpu.memory_space<vmem>>
    %dma_start3A_531 = arith.constant 0 : i32
    %dma_start3A_532 = tpu.memref_slice %arg5[%dma_start3A_527, %dma_start3A_531] : memref<26x128xi32, #tpu.memory_space<vmem>> -> memref<1x128xi32, #tpu.memory_space<vmem>>
    %dma_start3A_533 = tpu.memref_squeeze %dma_start3A_532 : memref<1x128xi32, #tpu.memory_space<vmem>> -> memref<128xi32, #tpu.memory_space<vmem>>
    %dma_start3A_534 = arith.constant 0 : i32
    %dma_start3A_535 = arith.constant 0 : i32
    %dma_start3A_536 = tpu.memref_slice %arg3[%dma_start3A_534, %dma_start3A_535] : memref<1000000x32xf32, #tpu.memory_space<hbm>> -> memref<1000000x32xf32, #tpu.memory_space<hbm>>
    tpu.enqueue_indirect_dma source(%dma_start3A_536 : memref<1000000x32xf32, #tpu.memory_space<hbm>>) target(%dma_start3A_530 : memref<128x32xf32, #tpu.memory_space<vmem>>) offsets(%dma_start3A_533 : memref<128xi32, #tpu.memory_space<vmem>>) semaphore(%arg9 : memref<!tpu.dma_semaphore, #tpu.memory_space<semaphore_mem>>)
    %dma_start3A_537 = arith.constant 14 : i32
    %dma_start3A_538 = arith.constant 1792 : i32
    %dma_start3A_539 = arith.constant 0 : i32
    %dma_start3A_540 = tpu.memref_slice %arg6[%dma_start3A_538, %dma_start3A_539] : memref<3328x32xf32, #tpu.memory_space<vmem>> -> memref<128x32xf32, #tpu.memory_space<vmem>>
    %dma_start3A_541 = arith.constant 0 : i32
    %dma_start3A_542 = tpu.memref_slice %arg5[%dma_start3A_537, %dma_start3A_541] : memref<26x128xi32, #tpu.memory_space<vmem>> -> memref<1x128xi32, #tpu.memory_space<vmem>>
    %dma_start3A_543 = tpu.memref_squeeze %dma_start3A_542 : memref<1x128xi32, #tpu.memory_space<vmem>> -> memref<128xi32, #tpu.memory_space<vmem>>
    %dma_start3A_544 = arith.constant 0 : i32
    %dma_start3A_545 = arith.constant 0 : i32
    %dma_start3A_546 = tpu.memref_slice %arg3[%dma_start3A_544, %dma_start3A_545] : memref<1000000x32xf32, #tpu.memory_space<hbm>> -> memref<1000000x32xf32, #tpu.memory_space<hbm>>
    tpu.enqueue_indirect_dma source(%dma_start3A_546 : memref<1000000x32xf32, #tpu.memory_space<hbm>>) target(%dma_start3A_540 : memref<128x32xf32, #tpu.memory_space<vmem>>) offsets(%dma_start3A_543 : memref<128xi32, #tpu.memory_space<vmem>>) semaphore(%arg9 : memref<!tpu.dma_semaphore, #tpu.memory_space<semaphore_mem>>)
    %dma_start3A_547 = arith.constant 15 : i32
    %dma_start3A_548 = arith.constant 1920 : i32
    %dma_start3A_549 = arith.constant 0 : i32
    %dma_start3A_550 = tpu.memref_slice %arg6[%dma_start3A_548, %dma_start3A_549] : memref<3328x32xf32, #tpu.memory_space<vmem>> -> memref<128x32xf32, #tpu.memory_space<vmem>>
    %dma_start3A_551 = arith.constant 0 : i32
    %dma_start3A_552 = tpu.memref_slice %arg5[%dma_start3A_547, %dma_start3A_551] : memref<26x128xi32, #tpu.memory_space<vmem>> -> memref<1x128xi32, #tpu.memory_space<vmem>>
    %dma_start3A_553 = tpu.memref_squeeze %dma_start3A_552 : memref<1x128xi32, #tpu.memory_space<vmem>> -> memref<128xi32, #tpu.memory_space<vmem>>
    %dma_start3A_554 = arith.constant 0 : i32
    %dma_start3A_555 = arith.constant 0 : i32
    %dma_start3A_556 = tpu.memref_slice %arg3[%dma_start3A_554, %dma_start3A_555] : memref<1000000x32xf32, #tpu.memory_space<hbm>> -> memref<1000000x32xf32, #tpu.memory_space<hbm>>
    tpu.enqueue_indirect_dma source(%dma_start3A_556 : memref<1000000x32xf32, #tpu.memory_space<hbm>>) target(%dma_start3A_550 : memref<128x32xf32, #tpu.memory_space<vmem>>) offsets(%dma_start3A_553 : memref<128xi32, #tpu.memory_space<vmem>>) semaphore(%arg9 : memref<!tpu.dma_semaphore, #tpu.memory_space<semaphore_mem>>)
    %dma_start3A_557 = arith.constant 16 : i32
    %dma_start3A_558 = arith.constant 2048 : i32
    %dma_start3A_559 = arith.constant 0 : i32
    %dma_start3A_560 = tpu.memref_slice %arg6[%dma_start3A_558, %dma_start3A_559] : memref<3328x32xf32, #tpu.memory_space<vmem>> -> memref<128x32xf32, #tpu.memory_space<vmem>>
    %dma_start3A_561 = arith.constant 0 : i32
    %dma_start3A_562 = tpu.memref_slice %arg5[%dma_start3A_557, %dma_start3A_561] : memref<26x128xi32, #tpu.memory_space<vmem>> -> memref<1x128xi32, #tpu.memory_space<vmem>>
    %dma_start3A_563 = tpu.memref_squeeze %dma_start3A_562 : memref<1x128xi32, #tpu.memory_space<vmem>> -> memref<128xi32, #tpu.memory_space<vmem>>
    %dma_start3A_564 = arith.constant 0 : i32
    %dma_start3A_565 = arith.constant 0 : i32
    %dma_start3A_566 = tpu.memref_slice %arg3[%dma_start3A_564, %dma_start3A_565] : memref<1000000x32xf32, #tpu.memory_space<hbm>> -> memref<1000000x32xf32, #tpu.memory_space<hbm>>
    tpu.enqueue_indirect_dma source(%dma_start3A_566 : memref<1000000x32xf32, #tpu.memory_space<hbm>>) target(%dma_start3A_560 : memref<128x32xf32, #tpu.memory_space<vmem>>) offsets(%dma_start3A_563 : memref<128xi32, #tpu.memory_space<vmem>>) semaphore(%arg9 : memref<!tpu.dma_semaphore, #tpu.memory_space<semaphore_mem>>)
    %dma_start3A_567 = arith.constant 17 : i32
    %dma_start3A_568 = arith.constant 2176 : i32
    %dma_start3A_569 = arith.constant 0 : i32
    %dma_start3A_570 = tpu.memref_slice %arg6[%dma_start3A_568, %dma_start3A_569] : memref<3328x32xf32, #tpu.memory_space<vmem>> -> memref<128x32xf32, #tpu.memory_space<vmem>>
    %dma_start3A_571 = arith.constant 0 : i32
    %dma_start3A_572 = tpu.memref_slice %arg5[%dma_start3A_567, %dma_start3A_571] : memref<26x128xi32, #tpu.memory_space<vmem>> -> memref<1x128xi32, #tpu.memory_space<vmem>>
    %dma_start3A_573 = tpu.memref_squeeze %dma_start3A_572 : memref<1x128xi32, #tpu.memory_space<vmem>> -> memref<128xi32, #tpu.memory_space<vmem>>
    %dma_start3A_574 = arith.constant 0 : i32
    %dma_start3A_575 = arith.constant 0 : i32
    %dma_start3A_576 = tpu.memref_slice %arg3[%dma_start3A_574, %dma_start3A_575] : memref<1000000x32xf32, #tpu.memory_space<hbm>> -> memref<1000000x32xf32, #tpu.memory_space<hbm>>
    tpu.enqueue_indirect_dma source(%dma_start3A_576 : memref<1000000x32xf32, #tpu.memory_space<hbm>>) target(%dma_start3A_570 : memref<128x32xf32, #tpu.memory_space<vmem>>) offsets(%dma_start3A_573 : memref<128xi32, #tpu.memory_space<vmem>>) semaphore(%arg9 : memref<!tpu.dma_semaphore, #tpu.memory_space<semaphore_mem>>)
    %dma_start3A_577 = arith.constant 18 : i32
    %dma_start3A_578 = arith.constant 2304 : i32
    %dma_start3A_579 = arith.constant 0 : i32
    %dma_start3A_580 = tpu.memref_slice %arg6[%dma_start3A_578, %dma_start3A_579] : memref<3328x32xf32, #tpu.memory_space<vmem>> -> memref<128x32xf32, #tpu.memory_space<vmem>>
    %dma_start3A_581 = arith.constant 0 : i32
    %dma_start3A_582 = tpu.memref_slice %arg5[%dma_start3A_577, %dma_start3A_581] : memref<26x128xi32, #tpu.memory_space<vmem>> -> memref<1x128xi32, #tpu.memory_space<vmem>>
    %dma_start3A_583 = tpu.memref_squeeze %dma_start3A_582 : memref<1x128xi32, #tpu.memory_space<vmem>> -> memref<128xi32, #tpu.memory_space<vmem>>
    %dma_start3A_584 = arith.constant 0 : i32
    %dma_start3A_585 = arith.constant 0 : i32
    %dma_start3A_586 = tpu.memref_slice %arg3[%dma_start3A_584, %dma_start3A_585] : memref<1000000x32xf32, #tpu.memory_space<hbm>> -> memref<1000000x32xf32, #tpu.memory_space<hbm>>
    tpu.enqueue_indirect_dma source(%dma_start3A_586 : memref<1000000x32xf32, #tpu.memory_space<hbm>>) target(%dma_start3A_580 : memref<128x32xf32, #tpu.memory_space<vmem>>) offsets(%dma_start3A_583 : memref<128xi32, #tpu.memory_space<vmem>>) semaphore(%arg9 : memref<!tpu.dma_semaphore, #tpu.memory_space<semaphore_mem>>)
    %dma_start3A_587 = arith.constant 19 : i32
    %dma_start3A_588 = arith.constant 2432 : i32
    %dma_start3A_589 = arith.constant 0 : i32
    %dma_start3A_590 = tpu.memref_slice %arg6[%dma_start3A_588, %dma_start3A_589] : memref<3328x32xf32, #tpu.memory_space<vmem>> -> memref<128x32xf32, #tpu.memory_space<vmem>>
    %dma_start3A_591 = arith.constant 0 : i32
    %dma_start3A_592 = tpu.memref_slice %arg5[%dma_start3A_587, %dma_start3A_591] : memref<26x128xi32, #tpu.memory_space<vmem>> -> memref<1x128xi32, #tpu.memory_space<vmem>>
    %dma_start3A_593 = tpu.memref_squeeze %dma_start3A_592 : memref<1x128xi32, #tpu.memory_space<vmem>> -> memref<128xi32, #tpu.memory_space<vmem>>
    %dma_start3A_594 = arith.constant 0 : i32
    %dma_start3A_595 = arith.constant 0 : i32
    %dma_start3A_596 = tpu.memref_slice %arg3[%dma_start3A_594, %dma_start3A_595] : memref<1000000x32xf32, #tpu.memory_space<hbm>> -> memref<1000000x32xf32, #tpu.memory_space<hbm>>
    tpu.enqueue_indirect_dma source(%dma_start3A_596 : memref<1000000x32xf32, #tpu.memory_space<hbm>>) target(%dma_start3A_590 : memref<128x32xf32, #tpu.memory_space<vmem>>) offsets(%dma_start3A_593 : memref<128xi32, #tpu.memory_space<vmem>>) semaphore(%arg9 : memref<!tpu.dma_semaphore, #tpu.memory_space<semaphore_mem>>)
    %dma_start3A_597 = arith.constant 20 : i32
    %dma_start3A_598 = arith.constant 2560 : i32
    %dma_start3A_599 = arith.constant 0 : i32
    %dma_start3A_600 = tpu.memref_slice %arg6[%dma_start3A_598, %dma_start3A_599] : memref<3328x32xf32, #tpu.memory_space<vmem>> -> memref<128x32xf32, #tpu.memory_space<vmem>>
    %dma_start3A_601 = arith.constant 0 : i32
    %dma_start3A_602 = tpu.memref_slice %arg5[%dma_start3A_597, %dma_start3A_601] : memref<26x128xi32, #tpu.memory_space<vmem>> -> memref<1x128xi32, #tpu.memory_space<vmem>>
    %dma_start3A_603 = tpu.memref_squeeze %dma_start3A_602 : memref<1x128xi32, #tpu.memory_space<vmem>> -> memref<128xi32, #tpu.memory_space<vmem>>
    %dma_start3A_604 = arith.constant 0 : i32
    %dma_start3A_605 = arith.constant 0 : i32
    %dma_start3A_606 = tpu.memref_slice %arg3[%dma_start3A_604, %dma_start3A_605] : memref<1000000x32xf32, #tpu.memory_space<hbm>> -> memref<1000000x32xf32, #tpu.memory_space<hbm>>
    tpu.enqueue_indirect_dma source(%dma_start3A_606 : memref<1000000x32xf32, #tpu.memory_space<hbm>>) target(%dma_start3A_600 : memref<128x32xf32, #tpu.memory_space<vmem>>) offsets(%dma_start3A_603 : memref<128xi32, #tpu.memory_space<vmem>>) semaphore(%arg9 : memref<!tpu.dma_semaphore, #tpu.memory_space<semaphore_mem>>)
    %dma_start3A_607 = arith.constant 21 : i32
    %dma_start3A_608 = arith.constant 2688 : i32
    %dma_start3A_609 = arith.constant 0 : i32
    %dma_start3A_610 = tpu.memref_slice %arg6[%dma_start3A_608, %dma_start3A_609] : memref<3328x32xf32, #tpu.memory_space<vmem>> -> memref<128x32xf32, #tpu.memory_space<vmem>>
    %dma_start3A_611 = arith.constant 0 : i32
    %dma_start3A_612 = tpu.memref_slice %arg5[%dma_start3A_607, %dma_start3A_611] : memref<26x128xi32, #tpu.memory_space<vmem>> -> memref<1x128xi32, #tpu.memory_space<vmem>>
    %dma_start3A_613 = tpu.memref_squeeze %dma_start3A_612 : memref<1x128xi32, #tpu.memory_space<vmem>> -> memref<128xi32, #tpu.memory_space<vmem>>
    %dma_start3A_614 = arith.constant 0 : i32
    %dma_start3A_615 = arith.constant 0 : i32
    %dma_start3A_616 = tpu.memref_slice %arg3[%dma_start3A_614, %dma_start3A_615] : memref<1000000x32xf32, #tpu.memory_space<hbm>> -> memref<1000000x32xf32, #tpu.memory_space<hbm>>
    tpu.enqueue_indirect_dma source(%dma_start3A_616 : memref<1000000x32xf32, #tpu.memory_space<hbm>>) target(%dma_start3A_610 : memref<128x32xf32, #tpu.memory_space<vmem>>) offsets(%dma_start3A_613 : memref<128xi32, #tpu.memory_space<vmem>>) semaphore(%arg9 : memref<!tpu.dma_semaphore, #tpu.memory_space<semaphore_mem>>)
    %dma_start3A_617 = arith.constant 22 : i32
    %dma_start3A_618 = arith.constant 2816 : i32
    %dma_start3A_619 = arith.constant 0 : i32
    %dma_start3A_620 = tpu.memref_slice %arg6[%dma_start3A_618, %dma_start3A_619] : memref<3328x32xf32, #tpu.memory_space<vmem>> -> memref<128x32xf32, #tpu.memory_space<vmem>>
    %dma_start3A_621 = arith.constant 0 : i32
    %dma_start3A_622 = tpu.memref_slice %arg5[%dma_start3A_617, %dma_start3A_621] : memref<26x128xi32, #tpu.memory_space<vmem>> -> memref<1x128xi32, #tpu.memory_space<vmem>>
    %dma_start3A_623 = tpu.memref_squeeze %dma_start3A_622 : memref<1x128xi32, #tpu.memory_space<vmem>> -> memref<128xi32, #tpu.memory_space<vmem>>
    %dma_start3A_624 = arith.constant 0 : i32
    %dma_start3A_625 = arith.constant 0 : i32
    %dma_start3A_626 = tpu.memref_slice %arg3[%dma_start3A_624, %dma_start3A_625] : memref<1000000x32xf32, #tpu.memory_space<hbm>> -> memref<1000000x32xf32, #tpu.memory_space<hbm>>
    tpu.enqueue_indirect_dma source(%dma_start3A_626 : memref<1000000x32xf32, #tpu.memory_space<hbm>>) target(%dma_start3A_620 : memref<128x32xf32, #tpu.memory_space<vmem>>) offsets(%dma_start3A_623 : memref<128xi32, #tpu.memory_space<vmem>>) semaphore(%arg9 : memref<!tpu.dma_semaphore, #tpu.memory_space<semaphore_mem>>)
    %dma_start3A_627 = arith.constant 23 : i32
    %dma_start3A_628 = arith.constant 2944 : i32
    %dma_start3A_629 = arith.constant 0 : i32
    %dma_start3A_630 = tpu.memref_slice %arg6[%dma_start3A_628, %dma_start3A_629] : memref<3328x32xf32, #tpu.memory_space<vmem>> -> memref<128x32xf32, #tpu.memory_space<vmem>>
    %dma_start3A_631 = arith.constant 0 : i32
    %dma_start3A_632 = tpu.memref_slice %arg5[%dma_start3A_627, %dma_start3A_631] : memref<26x128xi32, #tpu.memory_space<vmem>> -> memref<1x128xi32, #tpu.memory_space<vmem>>
    %dma_start3A_633 = tpu.memref_squeeze %dma_start3A_632 : memref<1x128xi32, #tpu.memory_space<vmem>> -> memref<128xi32, #tpu.memory_space<vmem>>
    %dma_start3A_634 = arith.constant 0 : i32
    %dma_start3A_635 = arith.constant 0 : i32
    %dma_start3A_636 = tpu.memref_slice %arg3[%dma_start3A_634, %dma_start3A_635] : memref<1000000x32xf32, #tpu.memory_space<hbm>> -> memref<1000000x32xf32, #tpu.memory_space<hbm>>
    tpu.enqueue_indirect_dma source(%dma_start3A_636 : memref<1000000x32xf32, #tpu.memory_space<hbm>>) target(%dma_start3A_630 : memref<128x32xf32, #tpu.memory_space<vmem>>) offsets(%dma_start3A_633 : memref<128xi32, #tpu.memory_space<vmem>>) semaphore(%arg9 : memref<!tpu.dma_semaphore, #tpu.memory_space<semaphore_mem>>)
    %dma_start3A_637 = arith.constant 24 : i32
    %dma_start3A_638 = arith.constant 3072 : i32
    %dma_start3A_639 = arith.constant 0 : i32
    %dma_start3A_640 = tpu.memref_slice %arg6[%dma_start3A_638, %dma_start3A_639] : memref<3328x32xf32, #tpu.memory_space<vmem>> -> memref<128x32xf32, #tpu.memory_space<vmem>>
    %dma_start3A_641 = arith.constant 0 : i32
    %dma_start3A_642 = tpu.memref_slice %arg5[%dma_start3A_637, %dma_start3A_641] : memref<26x128xi32, #tpu.memory_space<vmem>> -> memref<1x128xi32, #tpu.memory_space<vmem>>
    %dma_start3A_643 = tpu.memref_squeeze %dma_start3A_642 : memref<1x128xi32, #tpu.memory_space<vmem>> -> memref<128xi32, #tpu.memory_space<vmem>>
    %dma_start3A_644 = arith.constant 0 : i32
    %dma_start3A_645 = arith.constant 0 : i32
    %dma_start3A_646 = tpu.memref_slice %arg3[%dma_start3A_644, %dma_start3A_645] : memref<1000000x32xf32, #tpu.memory_space<hbm>> -> memref<1000000x32xf32, #tpu.memory_space<hbm>>
    tpu.enqueue_indirect_dma source(%dma_start3A_646 : memref<1000000x32xf32, #tpu.memory_space<hbm>>) target(%dma_start3A_640 : memref<128x32xf32, #tpu.memory_space<vmem>>) offsets(%dma_start3A_643 : memref<128xi32, #tpu.memory_space<vmem>>) semaphore(%arg9 : memref<!tpu.dma_semaphore, #tpu.memory_space<semaphore_mem>>)
    %dma_start3A_647 = arith.constant 25 : i32
    %dma_start3A_648 = arith.constant 3200 : i32
    %dma_start3A_649 = arith.constant 0 : i32
    %dma_start3A_650 = tpu.memref_slice %arg6[%dma_start3A_648, %dma_start3A_649] : memref<3328x32xf32, #tpu.memory_space<vmem>> -> memref<128x32xf32, #tpu.memory_space<vmem>>
    %dma_start3A_651 = arith.constant 0 : i32
    %dma_start3A_652 = tpu.memref_slice %arg5[%dma_start3A_647, %dma_start3A_651] : memref<26x128xi32, #tpu.memory_space<vmem>> -> memref<1x128xi32, #tpu.memory_space<vmem>>
    %dma_start3A_653 = tpu.memref_squeeze %dma_start3A_652 : memref<1x128xi32, #tpu.memory_space<vmem>> -> memref<128xi32, #tpu.memory_space<vmem>>
    %dma_start3A_654 = arith.constant 0 : i32
    %dma_start3A_655 = arith.constant 0 : i32
    %dma_start3A_656 = tpu.memref_slice %arg3[%dma_start3A_654, %dma_start3A_655] : memref<1000000x32xf32, #tpu.memory_space<hbm>> -> memref<1000000x32xf32, #tpu.memory_space<hbm>>
    tpu.enqueue_indirect_dma source(%dma_start3A_656 : memref<1000000x32xf32, #tpu.memory_space<hbm>>) target(%dma_start3A_650 : memref<128x32xf32, #tpu.memory_space<vmem>>) offsets(%dma_start3A_653 : memref<128xi32, #tpu.memory_space<vmem>>) semaphore(%arg9 : memref<!tpu.dma_semaphore, #tpu.memory_space<semaphore_mem>>)
    %dma_wait3A_657 = arith.constant 0 : i32
    %dma_wait3A_658 = arith.constant 0 : i32
    %dma_wait3A_659 = tpu.memref_slice %arg3[%dma_wait3A_657, %dma_wait3A_658] : memref<1000000x32xf32, #tpu.memory_space<hbm>> -> memref<3328x32xf32, #tpu.memory_space<hbm>>
    %dma_wait3A_660 = arith.constant 0 : i32
    %dma_wait3A_661 = arith.constant 0 : i32
    %dma_wait3A_662 = tpu.memref_slice %arg3[%dma_wait3A_660, %dma_wait3A_661] : memref<1000000x32xf32, #tpu.memory_space<hbm>> -> memref<3328x32xf32, #tpu.memory_space<hbm>>
    tpu.wait_dma2 semaphore(%arg9 : memref<!tpu.dma_semaphore, #tpu.memory_space<semaphore_mem>>) src(%dma_wait3A_662 : memref<3328x32xf32, #tpu.memory_space<hbm>>) dst(%arg6 : memref<3328x32xf32, #tpu.memory_space<vmem>>)
    %iota3A = tpu.iota {dimensions = array<i32: 0>} : vector<16xi32>
    %add3A_663 = arith.constant 0 : i32
    %add3A_664 = vector.broadcast %add3A_663 : i32 to vector<16xi32>
    %add3A_665 = arith.addi %iota3A, %add3A_664 : vector<16xi32>
    %and3A = arith.constant 15 : i32
    %and3A_666 = vector.broadcast %and3A : i32 to vector<16xi32>
    %and3A_667 = arith.andi %add3A_665, %and3A_666 : vector<16xi32>
    %add3A_668 = arith.constant 1 : i32
    %add3A_669 = vector.broadcast %add3A_668 : i32 to vector<16xi32>
    %add3A_670 = arith.addi %iota3A, %add3A_669 : vector<16xi32>
    %and3A_671 = arith.constant 15 : i32
    %and3A_672 = vector.broadcast %and3A_671 : i32 to vector<16xi32>
    %and3A_673 = arith.andi %add3A_670, %and3A_672 : vector<16xi32>
    %add3A_674 = arith.constant 2 : i32
    %add3A_675 = vector.broadcast %add3A_674 : i32 to vector<16xi32>
    %add3A_676 = arith.addi %iota3A, %add3A_675 : vector<16xi32>
    %and3A_677 = arith.constant 15 : i32
    %and3A_678 = vector.broadcast %and3A_677 : i32 to vector<16xi32>
    %and3A_679 = arith.andi %add3A_676, %and3A_678 : vector<16xi32>
    %add3A_680 = arith.constant 3 : i32
    %add3A_681 = vector.broadcast %add3A_680 : i32 to vector<16xi32>
    %add3A_682 = arith.addi %iota3A, %add3A_681 : vector<16xi32>
    %and3A_683 = arith.constant 15 : i32
    %and3A_684 = vector.broadcast %and3A_683 : i32 to vector<16xi32>
    %and3A_685 = arith.andi %add3A_682, %and3A_684 : vector<16xi32>
    %add3A_686 = arith.constant 4 : i32
    %add3A_687 = vector.broadcast %add3A_686 : i32 to vector<16xi32>
    %add3A_688 = arith.addi %iota3A, %add3A_687 : vector<16xi32>
    %and3A_689 = arith.constant 15 : i32
    %and3A_690 = vector.broadcast %and3A_689 : i32 to vector<16xi32>
    %and3A_691 = arith.andi %add3A_688, %and3A_690 : vector<16xi32>
    %add3A_692 = arith.constant 5 : i32
    %add3A_693 = vector.broadcast %add3A_692 : i32 to vector<16xi32>
    %add3A_694 = arith.addi %iota3A, %add3A_693 : vector<16xi32>
    %and3A_695 = arith.constant 15 : i32
    %and3A_696 = vector.broadcast %and3A_695 : i32 to vector<16xi32>
    %and3A_697 = arith.andi %add3A_694, %and3A_696 : vector<16xi32>
    %add3A_698 = arith.constant 6 : i32
    %add3A_699 = vector.broadcast %add3A_698 : i32 to vector<16xi32>
    %add3A_700 = arith.addi %iota3A, %add3A_699 : vector<16xi32>
    %and3A_701 = arith.constant 15 : i32
    %and3A_702 = vector.broadcast %and3A_701 : i32 to vector<16xi32>
    %and3A_703 = arith.andi %add3A_700, %and3A_702 : vector<16xi32>
    %add3A_704 = arith.constant 7 : i32
    %add3A_705 = vector.broadcast %add3A_704 : i32 to vector<16xi32>
    %add3A_706 = arith.addi %iota3A, %add3A_705 : vector<16xi32>
    %and3A_707 = arith.constant 15 : i32
    %and3A_708 = vector.broadcast %and3A_707 : i32 to vector<16xi32>
    %and3A_709 = arith.andi %add3A_706, %and3A_708 : vector<16xi32>
    %add3A_710 = arith.constant 8 : i32
    %add3A_711 = vector.broadcast %add3A_710 : i32 to vector<16xi32>
    %add3A_712 = arith.addi %iota3A, %add3A_711 : vector<16xi32>
    %and3A_713 = arith.constant 15 : i32
    %and3A_714 = vector.broadcast %and3A_713 : i32 to vector<16xi32>
    %and3A_715 = arith.andi %add3A_712, %and3A_714 : vector<16xi32>
    %add3A_716 = arith.constant 9 : i32
    %add3A_717 = vector.broadcast %add3A_716 : i32 to vector<16xi32>
    %add3A_718 = arith.addi %iota3A, %add3A_717 : vector<16xi32>
    %and3A_719 = arith.constant 15 : i32
    %and3A_720 = vector.broadcast %and3A_719 : i32 to vector<16xi32>
    %and3A_721 = arith.andi %add3A_718, %and3A_720 : vector<16xi32>
    %add3A_722 = arith.constant 10 : i32
    %add3A_723 = vector.broadcast %add3A_722 : i32 to vector<16xi32>
    %add3A_724 = arith.addi %iota3A, %add3A_723 : vector<16xi32>
    %and3A_725 = arith.constant 15 : i32
    %and3A_726 = vector.broadcast %and3A_725 : i32 to vector<16xi32>
    %and3A_727 = arith.andi %add3A_724, %and3A_726 : vector<16xi32>
    %add3A_728 = arith.constant 11 : i32
    %add3A_729 = vector.broadcast %add3A_728 : i32 to vector<16xi32>
    %add3A_730 = arith.addi %iota3A, %add3A_729 : vector<16xi32>
    %and3A_731 = arith.constant 15 : i32
    %and3A_732 = vector.broadcast %and3A_731 : i32 to vector<16xi32>
    %and3A_733 = arith.andi %add3A_730, %and3A_732 : vector<16xi32>
    %add3A_734 = arith.constant 12 : i32
    %add3A_735 = vector.broadcast %add3A_734 : i32 to vector<16xi32>
    %add3A_736 = arith.addi %iota3A, %add3A_735 : vector<16xi32>
    %and3A_737 = arith.constant 15 : i32
    %and3A_738 = vector.broadcast %and3A_737 : i32 to vector<16xi32>
    %and3A_739 = arith.andi %add3A_736, %and3A_738 : vector<16xi32>
    %add3A_740 = arith.constant 13 : i32
    %add3A_741 = vector.broadcast %add3A_740 : i32 to vector<16xi32>
    %add3A_742 = arith.addi %iota3A, %add3A_741 : vector<16xi32>
    %and3A_743 = arith.constant 15 : i32
    %and3A_744 = vector.broadcast %and3A_743 : i32 to vector<16xi32>
    %and3A_745 = arith.andi %add3A_742, %and3A_744 : vector<16xi32>
    %add3A_746 = arith.constant 14 : i32
    %add3A_747 = vector.broadcast %add3A_746 : i32 to vector<16xi32>
    %add3A_748 = arith.addi %iota3A, %add3A_747 : vector<16xi32>
    %and3A_749 = arith.constant 15 : i32
    %and3A_750 = vector.broadcast %and3A_749 : i32 to vector<16xi32>
    %and3A_751 = arith.andi %add3A_748, %and3A_750 : vector<16xi32>
    %add3A_752 = arith.constant 15 : i32
    %add3A_753 = vector.broadcast %add3A_752 : i32 to vector<16xi32>
    %add3A_754 = arith.addi %iota3A, %add3A_753 : vector<16xi32>
    %and3A_755 = arith.constant 15 : i32
    %and3A_756 = vector.broadcast %and3A_755 : i32 to vector<16xi32>
    %and3A_757 = arith.andi %add3A_754, %and3A_756 : vector<16xi32>
    %scan3A = arith.constant 0 : i32
    %scan3A_758 = arith.constant 0 : i32
    %scan3A_759 = arith.constant 8 : i32
    %scan3A_760 = arith.addi %scan3A_758, %scan3A_759 : i32
    %scan3A_761 = arith.constant 1 : i32
    %scan3A_762 = scf.for %scan3A_810 = %scan3A_758 to %scan3A_760 step %scan3A_761 iter_args(%scan3A_811 = %scan3A) -> (i32)  : i32 {
      %mul3A_812 = arith.constant 16 : i32
      %mul3A_813 = arith.muli %scan3A_810, %mul3A_812 : i32
      %add3A_814 = arith.constant 0 : i32
      %add3A_815 = arith.addi %add3A_814, %mul3A_813 : i32
      %add3A_816 = vector.broadcast %add3A_815 : i32 to vector<16xi32>
      %add3A_817 = arith.addi %add3A_816, %iota3A : vector<16xi32>
      %add3A_818 = arith.constant 0 : i32
      %add3A_819 = vector.broadcast %add3A_818 : i32 to vector<16xi32>
      %add3A_820 = arith.addi %and3A_667, %add3A_819 : vector<16xi32>
      %gather3A = tpu.vector_load_idx %arg6[%add3A_817, %add3A_820] : memref<3328x32xf32, #tpu.memory_space<vmem>>[vector<16xi32>, vector<16xi32>], vector<16xf32>,
      %mul3A_821 = arith.constant 16 : i32
      %mul3A_822 = arith.muli %scan3A_810, %mul3A_821 : i32
      %add3A_823 = vector.broadcast %mul3A_822 : i32 to vector<16xi32>
      %add3A_824 = arith.addi %add3A_823, %iota3A : vector<16xi32>
      tpu.vector_store_idx %arg7[%add3A_820, %add3A_824], %gather3A : memref<32x128xf32, #tpu.memory_space<vmem>>[vector<16xi32>, vector<16xi32>], vector<16xf32>,
      %add3A_825 = arith.constant 0 : i32
      %add3A_826 = vector.broadcast %add3A_825 : i32 to vector<16xi32>
      %add3A_827 = arith.addi %and3A_673, %add3A_826 : vector<16xi32>
      %gather3A_828 = tpu.vector_load_idx %arg6[%add3A_817, %add3A_827] : memref<3328x32xf32, #tpu.memory_space<vmem>>[vector<16xi32>, vector<16xi32>], vector<16xf32>,
      %mul3A_829 = arith.constant 16 : i32
      %mul3A_830 = arith.muli %scan3A_810, %mul3A_829 : i32
      %add3A_831 = vector.broadcast %mul3A_830 : i32 to vector<16xi32>
      %add3A_832 = arith.addi %add3A_831, %iota3A : vector<16xi32>
      tpu.vector_store_idx %arg7[%add3A_827, %add3A_832], %gather3A_828 : memref<32x128xf32, #tpu.memory_space<vmem>>[vector<16xi32>, vector<16xi32>], vector<16xf32>,
      %add3A_833 = arith.constant 0 : i32
      %add3A_834 = vector.broadcast %add3A_833 : i32 to vector<16xi32>
      %add3A_835 = arith.addi %and3A_679, %add3A_834 : vector<16xi32>
      %gather3A_836 = tpu.vector_load_idx %arg6[%add3A_817, %add3A_835] : memref<3328x32xf32, #tpu.memory_space<vmem>>[vector<16xi32>, vector<16xi32>], vector<16xf32>,
      %mul3A_837 = arith.constant 16 : i32
      %mul3A_838 = arith.muli %scan3A_810, %mul3A_837 : i32
      %add3A_839 = vector.broadcast %mul3A_838 : i32 to vector<16xi32>
      %add3A_840 = arith.addi %add3A_839, %iota3A : vector<16xi32>
      tpu.vector_store_idx %arg7[%add3A_835, %add3A_840], %gather3A_836 : memref<32x128xf32, #tpu.memory_space<vmem>>[vector<16xi32>, vector<16xi32>], vector<16xf32>,
      %add3A_841 = arith.constant 0 : i32
      %add3A_842 = vector.broadcast %add3A_841 : i32 to vector<16xi32>
      %add3A_843 = arith.addi %and3A_685, %add3A_842 : vector<16xi32>
      %gather3A_844 = tpu.vector_load_idx %arg6[%add3A_817, %add3A_843] : memref<3328x32xf32, #tpu.memory_space<vmem>>[vector<16xi32>, vector<16xi32>], vector<16xf32>,
      %mul3A_845 = arith.constant 16 : i32
      %mul3A_846 = arith.muli %scan3A_810, %mul3A_845 : i32
      %add3A_847 = vector.broadcast %mul3A_846 : i32 to vector<16xi32>
      %add3A_848 = arith.addi %add3A_847, %iota3A : vector<16xi32>
      tpu.vector_store_idx %arg7[%add3A_843, %add3A_848], %gather3A_844 : memref<32x128xf32, #tpu.memory_space<vmem>>[vector<16xi32>, vector<16xi32>], vector<16xf32>,
      %add3A_849 = arith.constant 0 : i32
      %add3A_850 = vector.broadcast %add3A_849 : i32 to vector<16xi32>
      %add3A_851 = arith.addi %and3A_691, %add3A_850 : vector<16xi32>
      %gather3A_852 = tpu.vector_load_idx %arg6[%add3A_817, %add3A_851] : memref<3328x32xf32, #tpu.memory_space<vmem>>[vector<16xi32>, vector<16xi32>], vector<16xf32>,
      %mul3A_853 = arith.constant 16 : i32
      %mul3A_854 = arith.muli %scan3A_810, %mul3A_853 : i32
      %add3A_855 = vector.broadcast %mul3A_854 : i32 to vector<16xi32>
      %add3A_856 = arith.addi %add3A_855, %iota3A : vector<16xi32>
      tpu.vector_store_idx %arg7[%add3A_851, %add3A_856], %gather3A_852 : memref<32x128xf32, #tpu.memory_space<vmem>>[vector<16xi32>, vector<16xi32>], vector<16xf32>,
      %add3A_857 = arith.constant 0 : i32
      %add3A_858 = vector.broadcast %add3A_857 : i32 to vector<16xi32>
      %add3A_859 = arith.addi %and3A_697, %add3A_858 : vector<16xi32>
      %gather3A_860 = tpu.vector_load_idx %arg6[%add3A_817, %add3A_859] : memref<3328x32xf32, #tpu.memory_space<vmem>>[vector<16xi32>, vector<16xi32>], vector<16xf32>,
      %mul3A_861 = arith.constant 16 : i32
      %mul3A_862 = arith.muli %scan3A_810, %mul3A_861 : i32
      %add3A_863 = vector.broadcast %mul3A_862 : i32 to vector<16xi32>
      %add3A_864 = arith.addi %add3A_863, %iota3A : vector<16xi32>
      tpu.vector_store_idx %arg7[%add3A_859, %add3A_864], %gather3A_860 : memref<32x128xf32, #tpu.memory_space<vmem>>[vector<16xi32>, vector<16xi32>], vector<16xf32>,
      %add3A_865 = arith.constant 0 : i32
      %add3A_866 = vector.broadcast %add3A_865 : i32 to vector<16xi32>
      %add3A_867 = arith.addi %and3A_703, %add3A_866 : vector<16xi32>
      %gather3A_868 = tpu.vector_load_idx %arg6[%add3A_817, %add3A_867] : memref<3328x32xf32, #tpu.memory_space<vmem>>[vector<16xi32>, vector<16xi32>], vector<16xf32>,
      %mul3A_869 = arith.constant 16 : i32
      %mul3A_870 = arith.muli %scan3A_810, %mul3A_869 : i32
      %add3A_871 = vector.broadcast %mul3A_870 : i32 to vector<16xi32>
      %add3A_872 = arith.addi %add3A_871, %iota3A : vector<16xi32>
      tpu.vector_store_idx %arg7[%add3A_867, %add3A_872], %gather3A_868 : memref<32x128xf32, #tpu.memory_space<vmem>>[vector<16xi32>, vector<16xi32>], vector<16xf32>,
      %add3A_873 = arith.constant 0 : i32
      %add3A_874 = vector.broadcast %add3A_873 : i32 to vector<16xi32>
      %add3A_875 = arith.addi %and3A_709, %add3A_874 : vector<16xi32>
      %gather3A_876 = tpu.vector_load_idx %arg6[%add3A_817, %add3A_875] : memref<3328x32xf32, #tpu.memory_space<vmem>>[vector<16xi32>, vector<16xi32>], vector<16xf32>,
      %mul3A_877 = arith.constant 16 : i32
      %mul3A_878 = arith.muli %scan3A_810, %mul3A_877 : i32
      %add3A_879 = vector.broadcast %mul3A_878 : i32 to vector<16xi32>
      %add3A_880 = arith.addi %add3A_879, %iota3A : vector<16xi32>
      tpu.vector_store_idx %arg7[%add3A_875, %add3A_880], %gather3A_876 : memref<32x128xf32, #tpu.memory_space<vmem>>[vector<16xi32>, vector<16xi32>], vector<16xf32>,
      %add3A_881 = arith.constant 0 : i32
      %add3A_882 = vector.broadcast %add3A_881 : i32 to vector<16xi32>
      %add3A_883 = arith.addi %and3A_715, %add3A_882 : vector<16xi32>
      %gather3A_884 = tpu.vector_load_idx %arg6[%add3A_817, %add3A_883] : memref<3328x32xf32, #tpu.memory_space<vmem>>[vector<16xi32>, vector<16xi32>], vector<16xf32>,
      %mul3A_885 = arith.constant 16 : i32
      %mul3A_886 = arith.muli %scan3A_810, %mul3A_885 : i32
      %add3A_887 = vector.broadcast %mul3A_886 : i32 to vector<16xi32>
      %add3A_888 = arith.addi %add3A_887, %iota3A : vector<16xi32>
      tpu.vector_store_idx %arg7[%add3A_883, %add3A_888], %gather3A_884 : memref<32x128xf32, #tpu.memory_space<vmem>>[vector<16xi32>, vector<16xi32>], vector<16xf32>,
      %add3A_889 = arith.constant 0 : i32
      %add3A_890 = vector.broadcast %add3A_889 : i32 to vector<16xi32>
      %add3A_891 = arith.addi %and3A_721, %add3A_890 : vector<16xi32>
      %gather3A_892 = tpu.vector_load_idx %arg6[%add3A_817, %add3A_891] : memref<3328x32xf32, #tpu.memory_space<vmem>>[vector<16xi32>, vector<16xi32>], vector<16xf32>,
      %mul3A_893 = arith.constant 16 : i32
      %mul3A_894 = arith.muli %scan3A_810, %mul3A_893 : i32
      %add3A_895 = vector.broadcast %mul3A_894 : i32 to vector<16xi32>
      %add3A_896 = arith.addi %add3A_895, %iota3A : vector<16xi32>
      tpu.vector_store_idx %arg7[%add3A_891, %add3A_896], %gather3A_892 : memref<32x128xf32, #tpu.memory_space<vmem>>[vector<16xi32>, vector<16xi32>], vector<16xf32>,
      %add3A_897 = arith.constant 0 : i32
      %add3A_898 = vector.broadcast %add3A_897 : i32 to vector<16xi32>
      %add3A_899 = arith.addi %and3A_727, %add3A_898 : vector<16xi32>
      %gather3A_900 = tpu.vector_load_idx %arg6[%add3A_817, %add3A_899] : memref<3328x32xf32, #tpu.memory_space<vmem>>[vector<16xi32>, vector<16xi32>], vector<16xf32>,
      %mul3A_901 = arith.constant 16 : i32
      %mul3A_902 = arith.muli %scan3A_810, %mul3A_901 : i32
      %add3A_903 = vector.broadcast %mul3A_902 : i32 to vector<16xi32>
      %add3A_904 = arith.addi %add3A_903, %iota3A : vector<16xi32>
      tpu.vector_store_idx %arg7[%add3A_899, %add3A_904], %gather3A_900 : memref<32x128xf32, #tpu.memory_space<vmem>>[vector<16xi32>, vector<16xi32>], vector<16xf32>,
      %add3A_905 = arith.constant 0 : i32
      %add3A_906 = vector.broadcast %add3A_905 : i32 to vector<16xi32>
      %add3A_907 = arith.addi %and3A_733, %add3A_906 : vector<16xi32>
      %gather3A_908 = tpu.vector_load_idx %arg6[%add3A_817, %add3A_907] : memref<3328x32xf32, #tpu.memory_space<vmem>>[vector<16xi32>, vector<16xi32>], vector<16xf32>,
      %mul3A_909 = arith.constant 16 : i32
      %mul3A_910 = arith.muli %scan3A_810, %mul3A_909 : i32
      %add3A_911 = vector.broadcast %mul3A_910 : i32 to vector<16xi32>
      %add3A_912 = arith.addi %add3A_911, %iota3A : vector<16xi32>
      tpu.vector_store_idx %arg7[%add3A_907, %add3A_912], %gather3A_908 : memref<32x128xf32, #tpu.memory_space<vmem>>[vector<16xi32>, vector<16xi32>], vector<16xf32>,
      %add3A_913 = arith.constant 0 : i32
      %add3A_914 = vector.broadcast %add3A_913 : i32 to vector<16xi32>
      %add3A_915 = arith.addi %and3A_739, %add3A_914 : vector<16xi32>
      %gather3A_916 = tpu.vector_load_idx %arg6[%add3A_817, %add3A_915] : memref<3328x32xf32, #tpu.memory_space<vmem>>[vector<16xi32>, vector<16xi32>], vector<16xf32>,
      %mul3A_917 = arith.constant 16 : i32
      %mul3A_918 = arith.muli %scan3A_810, %mul3A_917 : i32
      %add3A_919 = vector.broadcast %mul3A_918 : i32 to vector<16xi32>
      %add3A_920 = arith.addi %add3A_919, %iota3A : vector<16xi32>
      tpu.vector_store_idx %arg7[%add3A_915, %add3A_920], %gather3A_916 : memref<32x128xf32, #tpu.memory_space<vmem>>[vector<16xi32>, vector<16xi32>], vector<16xf32>,
      %add3A_921 = arith.constant 0 : i32
      %add3A_922 = vector.broadcast %add3A_921 : i32 to vector<16xi32>
      %add3A_923 = arith.addi %and3A_745, %add3A_922 : vector<16xi32>
      %gather3A_924 = tpu.vector_load_idx %arg6[%add3A_817, %add3A_923] : memref<3328x32xf32, #tpu.memory_space<vmem>>[vector<16xi32>, vector<16xi32>], vector<16xf32>,
      %mul3A_925 = arith.constant 16 : i32
      %mul3A_926 = arith.muli %scan3A_810, %mul3A_925 : i32
      %add3A_927 = vector.broadcast %mul3A_926 : i32 to vector<16xi32>
      %add3A_928 = arith.addi %add3A_927, %iota3A : vector<16xi32>
      tpu.vector_store_idx %arg7[%add3A_923, %add3A_928], %gather3A_924 : memref<32x128xf32, #tpu.memory_space<vmem>>[vector<16xi32>, vector<16xi32>], vector<16xf32>,
      %add3A_929 = arith.constant 0 : i32
      %add3A_930 = vector.broadcast %add3A_929 : i32 to vector<16xi32>
      %add3A_931 = arith.addi %and3A_751, %add3A_930 : vector<16xi32>
      %gather3A_932 = tpu.vector_load_idx %arg6[%add3A_817, %add3A_931] : memref<3328x32xf32, #tpu.memory_space<vmem>>[vector<16xi32>, vector<16xi32>], vector<16xf32>,
      %mul3A_933 = arith.constant 16 : i32
      %mul3A_934 = arith.muli %scan3A_810, %mul3A_933 : i32
      %add3A_935 = vector.broadcast %mul3A_934 : i32 to vector<16xi32>
      %add3A_936 = arith.addi %add3A_935, %iota3A : vector<16xi32>
      tpu.vector_store_idx %arg7[%add3A_931, %add3A_936], %gather3A_932 : memref<32x128xf32, #tpu.memory_space<vmem>>[vector<16xi32>, vector<16xi32>], vector<16xf32>,
      %add3A_937 = arith.constant 0 : i32
      %add3A_938 = vector.broadcast %add3A_937 : i32 to vector<16xi32>
      %add3A_939 = arith.addi %and3A_757, %add3A_938 : vector<16xi32>
      %gather3A_940 = tpu.vector_load_idx %arg6[%add3A_817, %add3A_939] : memref<3328x32xf32, #tpu.memory_space<vmem>>[vector<16xi32>, vector<16xi32>], vector<16xf32>,
      %mul3A_941 = arith.constant 16 : i32
      %mul3A_942 = arith.muli %scan3A_810, %mul3A_941 : i32
      %add3A_943 = vector.broadcast %mul3A_942 : i32 to vector<16xi32>
      %add3A_944 = arith.addi %add3A_943, %iota3A : vector<16xi32>
      tpu.vector_store_idx %arg7[%add3A_939, %add3A_944], %gather3A_940 : memref<32x128xf32, #tpu.memory_space<vmem>>[vector<16xi32>, vector<16xi32>], vector<16xf32>,
      %add3A_945 = arith.constant 16 : i32
      %add3A_946 = vector.broadcast %add3A_945 : i32 to vector<16xi32>
      %add3A_947 = arith.addi %and3A_667, %add3A_946 : vector<16xi32>
      %gather3A_948 = tpu.vector_load_idx %arg6[%add3A_817, %add3A_947] : memref<3328x32xf32, #tpu.memory_space<vmem>>[vector<16xi32>, vector<16xi32>], vector<16xf32>,
      %mul3A_949 = arith.constant 16 : i32
      %mul3A_950 = arith.muli %scan3A_810, %mul3A_949 : i32
      %add3A_951 = vector.broadcast %mul3A_950 : i32 to vector<16xi32>
      %add3A_952 = arith.addi %add3A_951, %iota3A : vector<16xi32>
      tpu.vector_store_idx %arg7[%add3A_947, %add3A_952], %gather3A_948 : memref<32x128xf32, #tpu.memory_space<vmem>>[vector<16xi32>, vector<16xi32>], vector<16xf32>,
      %add3A_953 = arith.constant 16 : i32
      %add3A_954 = vector.broadcast %add3A_953 : i32 to vector<16xi32>
      %add3A_955 = arith.addi %and3A_673, %add3A_954 : vector<16xi32>
      %gather3A_956 = tpu.vector_load_idx %arg6[%add3A_817, %add3A_955] : memref<3328x32xf32, #tpu.memory_space<vmem>>[vector<16xi32>, vector<16xi32>], vector<16xf32>,
      %mul3A_957 = arith.constant 16 : i32
      %mul3A_958 = arith.muli %scan3A_810, %mul3A_957 : i32
      %add3A_959 = vector.broadcast %mul3A_958 : i32 to vector<16xi32>
      %add3A_960 = arith.addi %add3A_959, %iota3A : vector<16xi32>
      tpu.vector_store_idx %arg7[%add3A_955, %add3A_960], %gather3A_956 : memref<32x128xf32, #tpu.memory_space<vmem>>[vector<16xi32>, vector<16xi32>], vector<16xf32>,
      %add3A_961 = arith.constant 16 : i32
      %add3A_962 = vector.broadcast %add3A_961 : i32 to vector<16xi32>
      %add3A_963 = arith.addi %and3A_679, %add3A_962 : vector<16xi32>
      %gather3A_964 = tpu.vector_load_idx %arg6[%add3A_817, %add3A_963] : memref<3328x32xf32, #tpu.memory_space<vmem>>[vector<16xi32>, vector<16xi32>], vector<16xf32>,
      %mul3A_965 = arith.constant 16 : i32
      %mul3A_966 = arith.muli %scan3A_810, %mul3A_965 : i32
      %add3A_967 = vector.broadcast %mul3A_966 : i32 to vector<16xi32>
      %add3A_968 = arith.addi %add3A_967, %iota3A : vector<16xi32>
      tpu.vector_store_idx %arg7[%add3A_963, %add3A_968], %gather3A_964 : memref<32x128xf32, #tpu.memory_space<vmem>>[vector<16xi32>, vector<16xi32>], vector<16xf32>,
      %add3A_969 = arith.constant 16 : i32
      %add3A_970 = vector.broadcast %add3A_969 : i32 to vector<16xi32>
      %add3A_971 = arith.addi %and3A_685, %add3A_970 : vector<16xi32>
      %gather3A_972 = tpu.vector_load_idx %arg6[%add3A_817, %add3A_971] : memref<3328x32xf32, #tpu.memory_space<vmem>>[vector<16xi32>, vector<16xi32>], vector<16xf32>,
      %mul3A_973 = arith.constant 16 : i32
      %mul3A_974 = arith.muli %scan3A_810, %mul3A_973 : i32
      %add3A_975 = vector.broadcast %mul3A_974 : i32 to vector<16xi32>
      %add3A_976 = arith.addi %add3A_975, %iota3A : vector<16xi32>
      tpu.vector_store_idx %arg7[%add3A_971, %add3A_976], %gather3A_972 : memref<32x128xf32, #tpu.memory_space<vmem>>[vector<16xi32>, vector<16xi32>], vector<16xf32>,
      %add3A_977 = arith.constant 16 : i32
      %add3A_978 = vector.broadcast %add3A_977 : i32 to vector<16xi32>
      %add3A_979 = arith.addi %and3A_691, %add3A_978 : vector<16xi32>
      %gather3A_980 = tpu.vector_load_idx %arg6[%add3A_817, %add3A_979] : memref<3328x32xf32, #tpu.memory_space<vmem>>[vector<16xi32>, vector<16xi32>], vector<16xf32>,
      %mul3A_981 = arith.constant 16 : i32
      %mul3A_982 = arith.muli %scan3A_810, %mul3A_981 : i32
      %add3A_983 = vector.broadcast %mul3A_982 : i32 to vector<16xi32>
      %add3A_984 = arith.addi %add3A_983, %iota3A : vector<16xi32>
      tpu.vector_store_idx %arg7[%add3A_979, %add3A_984], %gather3A_980 : memref<32x128xf32, #tpu.memory_space<vmem>>[vector<16xi32>, vector<16xi32>], vector<16xf32>,
      %add3A_985 = arith.constant 16 : i32
      %add3A_986 = vector.broadcast %add3A_985 : i32 to vector<16xi32>
      %add3A_987 = arith.addi %and3A_697, %add3A_986 : vector<16xi32>
      %gather3A_988 = tpu.vector_load_idx %arg6[%add3A_817, %add3A_987] : memref<3328x32xf32, #tpu.memory_space<vmem>>[vector<16xi32>, vector<16xi32>], vector<16xf32>,
      %mul3A_989 = arith.constant 16 : i32
      %mul3A_990 = arith.muli %scan3A_810, %mul3A_989 : i32
      %add3A_991 = vector.broadcast %mul3A_990 : i32 to vector<16xi32>
      %add3A_992 = arith.addi %add3A_991, %iota3A : vector<16xi32>
      tpu.vector_store_idx %arg7[%add3A_987, %add3A_992], %gather3A_988 : memref<32x128xf32, #tpu.memory_space<vmem>>[vector<16xi32>, vector<16xi32>], vector<16xf32>,
      %add3A_993 = arith.constant 16 : i32
      %add3A_994 = vector.broadcast %add3A_993 : i32 to vector<16xi32>
      %add3A_995 = arith.addi %and3A_703, %add3A_994 : vector<16xi32>
      %gather3A_996 = tpu.vector_load_idx %arg6[%add3A_817, %add3A_995] : memref<3328x32xf32, #tpu.memory_space<vmem>>[vector<16xi32>, vector<16xi32>], vector<16xf32>,
      %mul3A_997 = arith.constant 16 : i32
      %mul3A_998 = arith.muli %scan3A_810, %mul3A_997 : i32
      %add3A_999 = vector.broadcast %mul3A_998 : i32 to vector<16xi32>
      %add3A_1000 = arith.addi %add3A_999, %iota3A : vector<16xi32>
      tpu.vector_store_idx %arg7[%add3A_995, %add3A_1000], %gather3A_996 : memref<32x128xf32, #tpu.memory_space<vmem>>[vector<16xi32>, vector<16xi32>], vector<16xf32>,
      %add3A_1001 = arith.constant 16 : i32
      %add3A_1002 = vector.broadcast %add3A_1001 : i32 to vector<16xi32>
      %add3A_1003 = arith.addi %and3A_709, %add3A_1002 : vector<16xi32>
      %gather3A_1004 = tpu.vector_load_idx %arg6[%add3A_817, %add3A_1003] : memref<3328x32xf32, #tpu.memory_space<vmem>>[vector<16xi32>, vector<16xi32>], vector<16xf32>,
      %mul3A_1005 = arith.constant 16 : i32
      %mul3A_1006 = arith.muli %scan3A_810, %mul3A_1005 : i32
      %add3A_1007 = vector.broadcast %mul3A_1006 : i32 to vector<16xi32>
      %add3A_1008 = arith.addi %add3A_1007, %iota3A : vector<16xi32>
      tpu.vector_store_idx %arg7[%add3A_1003, %add3A_1008], %gather3A_1004 : memref<32x128xf32, #tpu.memory_space<vmem>>[vector<16xi32>, vector<16xi32>], vector<16xf32>,
      %add3A_1009 = arith.constant 16 : i32
      %add3A_1010 = vector.broadcast %add3A_1009 : i32 to vector<16xi32>
      %add3A_1011 = arith.addi %and3A_715, %add3A_1010 : vector<16xi32>
      %gather3A_1012 = tpu.vector_load_idx %arg6[%add3A_817, %add3A_1011] : memref<3328x32xf32, #tpu.memory_space<vmem>>[vector<16xi32>, vector<16xi32>], vector<16xf32>,
      %mul3A_1013 = arith.constant 16 : i32
      %mul3A_1014 = arith.muli %scan3A_810, %mul3A_1013 : i32
      %add3A_1015 = vector.broadcast %mul3A_1014 : i32 to vector<16xi32>
      %add3A_1016 = arith.addi %add3A_1015, %iota3A : vector<16xi32>
      tpu.vector_store_idx %arg7[%add3A_1011, %add3A_1016], %gather3A_1012 : memref<32x128xf32, #tpu.memory_space<vmem>>[vector<16xi32>, vector<16xi32>], vector<16xf32>,
      %add3A_1017 = arith.constant 16 : i32
      %add3A_1018 = vector.broadcast %add3A_1017 : i32 to vector<16xi32>
      %add3A_1019 = arith.addi %and3A_721, %add3A_1018 : vector<16xi32>
      %gather3A_1020 = tpu.vector_load_idx %arg6[%add3A_817, %add3A_1019] : memref<3328x32xf32, #tpu.memory_space<vmem>>[vector<16xi32>, vector<16xi32>], vector<16xf32>,
      %mul3A_1021 = arith.constant 16 : i32
      %mul3A_1022 = arith.muli %scan3A_810, %mul3A_1021 : i32
      %add3A_1023 = vector.broadcast %mul3A_1022 : i32 to vector<16xi32>
      %add3A_1024 = arith.addi %add3A_1023, %iota3A : vector<16xi32>
      tpu.vector_store_idx %arg7[%add3A_1019, %add3A_1024], %gather3A_1020 : memref<32x128xf32, #tpu.memory_space<vmem>>[vector<16xi32>, vector<16xi32>], vector<16xf32>,
      %add3A_1025 = arith.constant 16 : i32
      %add3A_1026 = vector.broadcast %add3A_1025 : i32 to vector<16xi32>
      %add3A_1027 = arith.addi %and3A_727, %add3A_1026 : vector<16xi32>
      %gather3A_1028 = tpu.vector_load_idx %arg6[%add3A_817, %add3A_1027] : memref<3328x32xf32, #tpu.memory_space<vmem>>[vector<16xi32>, vector<16xi32>], vector<16xf32>,
      %mul3A_1029 = arith.constant 16 : i32
      %mul3A_1030 = arith.muli %scan3A_810, %mul3A_1029 : i32
      %add3A_1031 = vector.broadcast %mul3A_1030 : i32 to vector<16xi32>
      %add3A_1032 = arith.addi %add3A_1031, %iota3A : vector<16xi32>
      tpu.vector_store_idx %arg7[%add3A_1027, %add3A_1032], %gather3A_1028 : memref<32x128xf32, #tpu.memory_space<vmem>>[vector<16xi32>, vector<16xi32>], vector<16xf32>,
      %add3A_1033 = arith.constant 16 : i32
      %add3A_1034 = vector.broadcast %add3A_1033 : i32 to vector<16xi32>
      %add3A_1035 = arith.addi %and3A_733, %add3A_1034 : vector<16xi32>
      %gather3A_1036 = tpu.vector_load_idx %arg6[%add3A_817, %add3A_1035] : memref<3328x32xf32, #tpu.memory_space<vmem>>[vector<16xi32>, vector<16xi32>], vector<16xf32>,
      %mul3A_1037 = arith.constant 16 : i32
      %mul3A_1038 = arith.muli %scan3A_810, %mul3A_1037 : i32
      %add3A_1039 = vector.broadcast %mul3A_1038 : i32 to vector<16xi32>
      %add3A_1040 = arith.addi %add3A_1039, %iota3A : vector<16xi32>
      tpu.vector_store_idx %arg7[%add3A_1035, %add3A_1040], %gather3A_1036 : memref<32x128xf32, #tpu.memory_space<vmem>>[vector<16xi32>, vector<16xi32>], vector<16xf32>,
      %add3A_1041 = arith.constant 16 : i32
      %add3A_1042 = vector.broadcast %add3A_1041 : i32 to vector<16xi32>
      %add3A_1043 = arith.addi %and3A_739, %add3A_1042 : vector<16xi32>
      %gather3A_1044 = tpu.vector_load_idx %arg6[%add3A_817, %add3A_1043] : memref<3328x32xf32, #tpu.memory_space<vmem>>[vector<16xi32>, vector<16xi32>], vector<16xf32>,
      %mul3A_1045 = arith.constant 16 : i32
      %mul3A_1046 = arith.muli %scan3A_810, %mul3A_1045 : i32
      %add3A_1047 = vector.broadcast %mul3A_1046 : i32 to vector<16xi32>
      %add3A_1048 = arith.addi %add3A_1047, %iota3A : vector<16xi32>
      tpu.vector_store_idx %arg7[%add3A_1043, %add3A_1048], %gather3A_1044 : memref<32x128xf32, #tpu.memory_space<vmem>>[vector<16xi32>, vector<16xi32>], vector<16xf32>,
      %add3A_1049 = arith.constant 16 : i32
      %add3A_1050 = vector.broadcast %add3A_1049 : i32 to vector<16xi32>
      %add3A_1051 = arith.addi %and3A_745, %add3A_1050 : vector<16xi32>
      %gather3A_1052 = tpu.vector_load_idx %arg6[%add3A_817, %add3A_1051] : memref<3328x32xf32, #tpu.memory_space<vmem>>[vector<16xi32>, vector<16xi32>], vector<16xf32>,
      %mul3A_1053 = arith.constant 16 : i32
      %mul3A_1054 = arith.muli %scan3A_810, %mul3A_1053 : i32
      %add3A_1055 = vector.broadcast %mul3A_1054 : i32 to vector<16xi32>
      %add3A_1056 = arith.addi %add3A_1055, %iota3A : vector<16xi32>
      tpu.vector_store_idx %arg7[%add3A_1051, %add3A_1056], %gather3A_1052 : memref<32x128xf32, #tpu.memory_space<vmem>>[vector<16xi32>, vector<16xi32>], vector<16xf32>,
      %add3A_1057 = arith.constant 16 : i32
      %add3A_1058 = vector.broadcast %add3A_1057 : i32 to vector<16xi32>
      %add3A_1059 = arith.addi %and3A_751, %add3A_1058 : vector<16xi32>
      %gather3A_1060 = tpu.vector_load_idx %arg6[%add3A_817, %add3A_1059] : memref<3328x32xf32, #tpu.memory_space<vmem>>[vector<16xi32>, vector<16xi32>], vector<16xf32>,
      %mul3A_1061 = arith.constant 16 : i32
      %mul3A_1062 = arith.muli %scan3A_810, %mul3A_1061 : i32
      %add3A_1063 = vector.broadcast %mul3A_1062 : i32 to vector<16xi32>
      %add3A_1064 = arith.addi %add3A_1063, %iota3A : vector<16xi32>
      tpu.vector_store_idx %arg7[%add3A_1059, %add3A_1064], %gather3A_1060 : memref<32x128xf32, #tpu.memory_space<vmem>>[vector<16xi32>, vector<16xi32>], vector<16xf32>,
      %add3A_1065 = arith.constant 16 : i32
      %add3A_1066 = vector.broadcast %add3A_1065 : i32 to vector<16xi32>
      %add3A_1067 = arith.addi %and3A_757, %add3A_1066 : vector<16xi32>
      %gather3A_1068 = tpu.vector_load_idx %arg6[%add3A_817, %add3A_1067] : memref<3328x32xf32, #tpu.memory_space<vmem>>[vector<16xi32>, vector<16xi32>], vector<16xf32>,
      %mul3A_1069 = arith.constant 16 : i32
      %mul3A_1070 = arith.muli %scan3A_810, %mul3A_1069 : i32
      %add3A_1071 = vector.broadcast %mul3A_1070 : i32 to vector<16xi32>
      %add3A_1072 = arith.addi %add3A_1071, %iota3A : vector<16xi32>
      tpu.vector_store_idx %arg7[%add3A_1067, %add3A_1072], %gather3A_1068 : memref<32x128xf32, #tpu.memory_space<vmem>>[vector<16xi32>, vector<16xi32>], vector<16xf32>,
      %scan3A_1073 = arith.constant 0 : i32
      scf.yield %scan3A_1073 : i32
    }
    %scan3A_763 = arith.constant 8 : i32
    %dma_start3A_764 = arith.constant 0 : i32
    %dma_start3A_765 = arith.constant 0 : i32
    %dma_start3A_766 = tpu.memref_slice %arg4[%dma_start3A_764, %dma_start3A_765, %mul3A_2] : memref<26x32x4096xf32, #tpu.memory_space<hbm>> -> memref<1x32x128xf32, #tpu.memory_space<hbm>>
    %dma_start3A_767 = tpu.memref_squeeze %dma_start3A_766 : memref<1x32x128xf32, #tpu.memory_space<hbm>> -> memref<32x128xf32, #tpu.memory_space<hbm>>
    %dma_start3A_768 = arith.constant 0 : i32
    %dma_start3A_769 = tpu.memref_slice %arg4[%dma_start3A_764, %dma_start3A_768, %mul3A_2] : memref<26x32x4096xf32, #tpu.memory_space<hbm>> -> memref<1x32x128xf32, #tpu.memory_space<hbm>>
    %dma_start3A_770 = tpu.memref_squeeze %dma_start3A_769 : memref<1x32x128xf32, #tpu.memory_space<hbm>> -> memref<32x128xf32, #tpu.memory_space<hbm>>
    tpu.enqueue_dma source(%arg7 : memref<32x128xf32, #tpu.memory_space<vmem>>) target(%dma_start3A_770 : memref<32x128xf32, #tpu.memory_space<hbm>>) target_semaphore(%arg10 : memref<!tpu.dma_semaphore, #tpu.memory_space<semaphore_mem>>)
    %scan3A_771 = arith.constant 0 : i32
    %scan3A_772 = arith.constant 0 : i32
    %scan3A_773 = arith.constant 8 : i32
    %scan3A_774 = arith.addi %scan3A_772, %scan3A_773 : i32
    %scan3A_775 = arith.constant 1 : i32
    %scan3A_776 = scf.for %scan3A_810 = %scan3A_772 to %scan3A_774 step %scan3A_775 iter_args(%scan3A_811 = %scan3A_771) -> (i32)  : i32 {
      %mul3A_812 = arith.constant 16 : i32
      %mul3A_813 = arith.muli %scan3A_810, %mul3A_812 : i32
      %add3A_814 = arith.constant 128 : i32
      %add3A_815 = arith.addi %add3A_814, %mul3A_813 : i32
      %add3A_816 = vector.broadcast %add3A_815 : i32 to vector<16xi32>
      %add3A_817 = arith.addi %add3A_816, %iota3A : vector<16xi32>
      %add3A_818 = arith.constant 0 : i32
      %add3A_819 = vector.broadcast %add3A_818 : i32 to vector<16xi32>
      %add3A_820 = arith.addi %and3A_667, %add3A_819 : vector<16xi32>
      %gather3A = tpu.vector_load_idx %arg6[%add3A_817, %add3A_820] : memref<3328x32xf32, #tpu.memory_space<vmem>>[vector<16xi32>, vector<16xi32>], vector<16xf32>,
      %mul3A_821 = arith.constant 16 : i32
      %mul3A_822 = arith.muli %scan3A_810, %mul3A_821 : i32
      %add3A_823 = vector.broadcast %mul3A_822 : i32 to vector<16xi32>
      %add3A_824 = arith.addi %add3A_823, %iota3A : vector<16xi32>
      tpu.vector_store_idx %arg8[%add3A_820, %add3A_824], %gather3A : memref<32x128xf32, #tpu.memory_space<vmem>>[vector<16xi32>, vector<16xi32>], vector<16xf32>,
      %add3A_825 = arith.constant 0 : i32
      %add3A_826 = vector.broadcast %add3A_825 : i32 to vector<16xi32>
      %add3A_827 = arith.addi %and3A_673, %add3A_826 : vector<16xi32>
      %gather3A_828 = tpu.vector_load_idx %arg6[%add3A_817, %add3A_827] : memref<3328x32xf32, #tpu.memory_space<vmem>>[vector<16xi32>, vector<16xi32>], vector<16xf32>,
      %mul3A_829 = arith.constant 16 : i32
      %mul3A_830 = arith.muli %scan3A_810, %mul3A_829 : i32
      %add3A_831 = vector.broadcast %mul3A_830 : i32 to vector<16xi32>
      %add3A_832 = arith.addi %add3A_831, %iota3A : vector<16xi32>
      tpu.vector_store_idx %arg8[%add3A_827, %add3A_832], %gather3A_828 : memref<32x128xf32, #tpu.memory_space<vmem>>[vector<16xi32>, vector<16xi32>], vector<16xf32>,
      %add3A_833 = arith.constant 0 : i32
      %add3A_834 = vector.broadcast %add3A_833 : i32 to vector<16xi32>
      %add3A_835 = arith.addi %and3A_679, %add3A_834 : vector<16xi32>
      %gather3A_836 = tpu.vector_load_idx %arg6[%add3A_817, %add3A_835] : memref<3328x32xf32, #tpu.memory_space<vmem>>[vector<16xi32>, vector<16xi32>], vector<16xf32>,
      %mul3A_837 = arith.constant 16 : i32
      %mul3A_838 = arith.muli %scan3A_810, %mul3A_837 : i32
      %add3A_839 = vector.broadcast %mul3A_838 : i32 to vector<16xi32>
      %add3A_840 = arith.addi %add3A_839, %iota3A : vector<16xi32>
      tpu.vector_store_idx %arg8[%add3A_835, %add3A_840], %gather3A_836 : memref<32x128xf32, #tpu.memory_space<vmem>>[vector<16xi32>, vector<16xi32>], vector<16xf32>,
      %add3A_841 = arith.constant 0 : i32
      %add3A_842 = vector.broadcast %add3A_841 : i32 to vector<16xi32>
      %add3A_843 = arith.addi %and3A_685, %add3A_842 : vector<16xi32>
      %gather3A_844 = tpu.vector_load_idx %arg6[%add3A_817, %add3A_843] : memref<3328x32xf32, #tpu.memory_space<vmem>>[vector<16xi32>, vector<16xi32>], vector<16xf32>,
      %mul3A_845 = arith.constant 16 : i32
      %mul3A_846 = arith.muli %scan3A_810, %mul3A_845 : i32
      %add3A_847 = vector.broadcast %mul3A_846 : i32 to vector<16xi32>
      %add3A_848 = arith.addi %add3A_847, %iota3A : vector<16xi32>
      tpu.vector_store_idx %arg8[%add3A_843, %add3A_848], %gather3A_844 : memref<32x128xf32, #tpu.memory_space<vmem>>[vector<16xi32>, vector<16xi32>], vector<16xf32>,
      %add3A_849 = arith.constant 0 : i32
      %add3A_850 = vector.broadcast %add3A_849 : i32 to vector<16xi32>
      %add3A_851 = arith.addi %and3A_691, %add3A_850 : vector<16xi32>
      %gather3A_852 = tpu.vector_load_idx %arg6[%add3A_817, %add3A_851] : memref<3328x32xf32, #tpu.memory_space<vmem>>[vector<16xi32>, vector<16xi32>], vector<16xf32>,
      %mul3A_853 = arith.constant 16 : i32
      %mul3A_854 = arith.muli %scan3A_810, %mul3A_853 : i32
      %add3A_855 = vector.broadcast %mul3A_854 : i32 to vector<16xi32>
      %add3A_856 = arith.addi %add3A_855, %iota3A : vector<16xi32>
      tpu.vector_store_idx %arg8[%add3A_851, %add3A_856], %gather3A_852 : memref<32x128xf32, #tpu.memory_space<vmem>>[vector<16xi32>, vector<16xi32>], vector<16xf32>,
      %add3A_857 = arith.constant 0 : i32
      %add3A_858 = vector.broadcast %add3A_857 : i32 to vector<16xi32>
      %add3A_859 = arith.addi %and3A_697, %add3A_858 : vector<16xi32>
      %gather3A_860 = tpu.vector_load_idx %arg6[%add3A_817, %add3A_859] : memref<3328x32xf32, #tpu.memory_space<vmem>>[vector<16xi32>, vector<16xi32>], vector<16xf32>,
      %mul3A_861 = arith.constant 16 : i32
      %mul3A_862 = arith.muli %scan3A_810, %mul3A_861 : i32
      %add3A_863 = vector.broadcast %mul3A_862 : i32 to vector<16xi32>
      %add3A_864 = arith.addi %add3A_863, %iota3A : vector<16xi32>
      tpu.vector_store_idx %arg8[%add3A_859, %add3A_864], %gather3A_860 : memref<32x128xf32, #tpu.memory_space<vmem>>[vector<16xi32>, vector<16xi32>], vector<16xf32>,
      %add3A_865 = arith.constant 0 : i32
      %add3A_866 = vector.broadcast %add3A_865 : i32 to vector<16xi32>
      %add3A_867 = arith.addi %and3A_703, %add3A_866 : vector<16xi32>
      %gather3A_868 = tpu.vector_load_idx %arg6[%add3A_817, %add3A_867] : memref<3328x32xf32, #tpu.memory_space<vmem>>[vector<16xi32>, vector<16xi32>], vector<16xf32>,
      %mul3A_869 = arith.constant 16 : i32
      %mul3A_870 = arith.muli %scan3A_810, %mul3A_869 : i32
      %add3A_871 = vector.broadcast %mul3A_870 : i32 to vector<16xi32>
      %add3A_872 = arith.addi %add3A_871, %iota3A : vector<16xi32>
      tpu.vector_store_idx %arg8[%add3A_867, %add3A_872], %gather3A_868 : memref<32x128xf32, #tpu.memory_space<vmem>>[vector<16xi32>, vector<16xi32>], vector<16xf32>,
      %add3A_873 = arith.constant 0 : i32
      %add3A_874 = vector.broadcast %add3A_873 : i32 to vector<16xi32>
      %add3A_875 = arith.addi %and3A_709, %add3A_874 : vector<16xi32>
      %gather3A_876 = tpu.vector_load_idx %arg6[%add3A_817, %add3A_875] : memref<3328x32xf32, #tpu.memory_space<vmem>>[vector<16xi32>, vector<16xi32>], vector<16xf32>,
      %mul3A_877 = arith.constant 16 : i32
      %mul3A_878 = arith.muli %scan3A_810, %mul3A_877 : i32
      %add3A_879 = vector.broadcast %mul3A_878 : i32 to vector<16xi32>
      %add3A_880 = arith.addi %add3A_879, %iota3A : vector<16xi32>
      tpu.vector_store_idx %arg8[%add3A_875, %add3A_880], %gather3A_876 : memref<32x128xf32, #tpu.memory_space<vmem>>[vector<16xi32>, vector<16xi32>], vector<16xf32>,
      %add3A_881 = arith.constant 0 : i32
      %add3A_882 = vector.broadcast %add3A_881 : i32 to vector<16xi32>
      %add3A_883 = arith.addi %and3A_715, %add3A_882 : vector<16xi32>
      %gather3A_884 = tpu.vector_load_idx %arg6[%add3A_817, %add3A_883] : memref<3328x32xf32, #tpu.memory_space<vmem>>[vector<16xi32>, vector<16xi32>], vector<16xf32>,
      %mul3A_885 = arith.constant 16 : i32
      %mul3A_886 = arith.muli %scan3A_810, %mul3A_885 : i32
      %add3A_887 = vector.broadcast %mul3A_886 : i32 to vector<16xi32>
      %add3A_888 = arith.addi %add3A_887, %iota3A : vector<16xi32>
      tpu.vector_store_idx %arg8[%add3A_883, %add3A_888], %gather3A_884 : memref<32x128xf32, #tpu.memory_space<vmem>>[vector<16xi32>, vector<16xi32>], vector<16xf32>,
      %add3A_889 = arith.constant 0 : i32
      %add3A_890 = vector.broadcast %add3A_889 : i32 to vector<16xi32>
      %add3A_891 = arith.addi %and3A_721, %add3A_890 : vector<16xi32>
      %gather3A_892 = tpu.vector_load_idx %arg6[%add3A_817, %add3A_891] : memref<3328x32xf32, #tpu.memory_space<vmem>>[vector<16xi32>, vector<16xi32>], vector<16xf32>,
      %mul3A_893 = arith.constant 16 : i32
      %mul3A_894 = arith.muli %scan3A_810, %mul3A_893 : i32
      %add3A_895 = vector.broadcast %mul3A_894 : i32 to vector<16xi32>
      %add3A_896 = arith.addi %add3A_895, %iota3A : vector<16xi32>
      tpu.vector_store_idx %arg8[%add3A_891, %add3A_896], %gather3A_892 : memref<32x128xf32, #tpu.memory_space<vmem>>[vector<16xi32>, vector<16xi32>], vector<16xf32>,
      %add3A_897 = arith.constant 0 : i32
      %add3A_898 = vector.broadcast %add3A_897 : i32 to vector<16xi32>
      %add3A_899 = arith.addi %and3A_727, %add3A_898 : vector<16xi32>
      %gather3A_900 = tpu.vector_load_idx %arg6[%add3A_817, %add3A_899] : memref<3328x32xf32, #tpu.memory_space<vmem>>[vector<16xi32>, vector<16xi32>], vector<16xf32>,
      %mul3A_901 = arith.constant 16 : i32
      %mul3A_902 = arith.muli %scan3A_810, %mul3A_901 : i32
      %add3A_903 = vector.broadcast %mul3A_902 : i32 to vector<16xi32>
      %add3A_904 = arith.addi %add3A_903, %iota3A : vector<16xi32>
      tpu.vector_store_idx %arg8[%add3A_899, %add3A_904], %gather3A_900 : memref<32x128xf32, #tpu.memory_space<vmem>>[vector<16xi32>, vector<16xi32>], vector<16xf32>,
      %add3A_905 = arith.constant 0 : i32
      %add3A_906 = vector.broadcast %add3A_905 : i32 to vector<16xi32>
      %add3A_907 = arith.addi %and3A_733, %add3A_906 : vector<16xi32>
      %gather3A_908 = tpu.vector_load_idx %arg6[%add3A_817, %add3A_907] : memref<3328x32xf32, #tpu.memory_space<vmem>>[vector<16xi32>, vector<16xi32>], vector<16xf32>,
      %mul3A_909 = arith.constant 16 : i32
      %mul3A_910 = arith.muli %scan3A_810, %mul3A_909 : i32
      %add3A_911 = vector.broadcast %mul3A_910 : i32 to vector<16xi32>
      %add3A_912 = arith.addi %add3A_911, %iota3A : vector<16xi32>
      tpu.vector_store_idx %arg8[%add3A_907, %add3A_912], %gather3A_908 : memref<32x128xf32, #tpu.memory_space<vmem>>[vector<16xi32>, vector<16xi32>], vector<16xf32>,
      %add3A_913 = arith.constant 0 : i32
      %add3A_914 = vector.broadcast %add3A_913 : i32 to vector<16xi32>
      %add3A_915 = arith.addi %and3A_739, %add3A_914 : vector<16xi32>
      %gather3A_916 = tpu.vector_load_idx %arg6[%add3A_817, %add3A_915] : memref<3328x32xf32, #tpu.memory_space<vmem>>[vector<16xi32>, vector<16xi32>], vector<16xf32>,
      %mul3A_917 = arith.constant 16 : i32
      %mul3A_918 = arith.muli %scan3A_810, %mul3A_917 : i32
      %add3A_919 = vector.broadcast %mul3A_918 : i32 to vector<16xi32>
      %add3A_920 = arith.addi %add3A_919, %iota3A : vector<16xi32>
      tpu.vector_store_idx %arg8[%add3A_915, %add3A_920], %gather3A_916 : memref<32x128xf32, #tpu.memory_space<vmem>>[vector<16xi32>, vector<16xi32>], vector<16xf32>,
      %add3A_921 = arith.constant 0 : i32
      %add3A_922 = vector.broadcast %add3A_921 : i32 to vector<16xi32>
      %add3A_923 = arith.addi %and3A_745, %add3A_922 : vector<16xi32>
      %gather3A_924 = tpu.vector_load_idx %arg6[%add3A_817, %add3A_923] : memref<3328x32xf32, #tpu.memory_space<vmem>>[vector<16xi32>, vector<16xi32>], vector<16xf32>,
      %mul3A_925 = arith.constant 16 : i32
      %mul3A_926 = arith.muli %scan3A_810, %mul3A_925 : i32
      %add3A_927 = vector.broadcast %mul3A_926 : i32 to vector<16xi32>
      %add3A_928 = arith.addi %add3A_927, %iota3A : vector<16xi32>
      tpu.vector_store_idx %arg8[%add3A_923, %add3A_928], %gather3A_924 : memref<32x128xf32, #tpu.memory_space<vmem>>[vector<16xi32>, vector<16xi32>], vector<16xf32>,
      %add3A_929 = arith.constant 0 : i32
      %add3A_930 = vector.broadcast %add3A_929 : i32 to vector<16xi32>
      %add3A_931 = arith.addi %and3A_751, %add3A_930 : vector<16xi32>
      %gather3A_932 = tpu.vector_load_idx %arg6[%add3A_817, %add3A_931] : memref<3328x32xf32, #tpu.memory_space<vmem>>[vector<16xi32>, vector<16xi32>], vector<16xf32>,
      %mul3A_933 = arith.constant 16 : i32
      %mul3A_934 = arith.muli %scan3A_810, %mul3A_933 : i32
      %add3A_935 = vector.broadcast %mul3A_934 : i32 to vector<16xi32>
      %add3A_936 = arith.addi %add3A_935, %iota3A : vector<16xi32>
      tpu.vector_store_idx %arg8[%add3A_931, %add3A_936], %gather3A_932 : memref<32x128xf32, #tpu.memory_space<vmem>>[vector<16xi32>, vector<16xi32>], vector<16xf32>,
      %add3A_937 = arith.constant 0 : i32
      %add3A_938 = vector.broadcast %add3A_937 : i32 to vector<16xi32>
      %add3A_939 = arith.addi %and3A_757, %add3A_938 : vector<16xi32>
      %gather3A_940 = tpu.vector_load_idx %arg6[%add3A_817, %add3A_939] : memref<3328x32xf32, #tpu.memory_space<vmem>>[vector<16xi32>, vector<16xi32>], vector<16xf32>,
      %mul3A_941 = arith.constant 16 : i32
      %mul3A_942 = arith.muli %scan3A_810, %mul3A_941 : i32
      %add3A_943 = vector.broadcast %mul3A_942 : i32 to vector<16xi32>
      %add3A_944 = arith.addi %add3A_943, %iota3A : vector<16xi32>
      tpu.vector_store_idx %arg8[%add3A_939, %add3A_944], %gather3A_940 : memref<32x128xf32, #tpu.memory_space<vmem>>[vector<16xi32>, vector<16xi32>], vector<16xf32>,
      %add3A_945 = arith.constant 16 : i32
      %add3A_946 = vector.broadcast %add3A_945 : i32 to vector<16xi32>
      %add3A_947 = arith.addi %and3A_667, %add3A_946 : vector<16xi32>
      %gather3A_948 = tpu.vector_load_idx %arg6[%add3A_817, %add3A_947] : memref<3328x32xf32, #tpu.memory_space<vmem>>[vector<16xi32>, vector<16xi32>], vector<16xf32>,
      %mul3A_949 = arith.constant 16 : i32
      %mul3A_950 = arith.muli %scan3A_810, %mul3A_949 : i32
      %add3A_951 = vector.broadcast %mul3A_950 : i32 to vector<16xi32>
      %add3A_952 = arith.addi %add3A_951, %iota3A : vector<16xi32>
      tpu.vector_store_idx %arg8[%add3A_947, %add3A_952], %gather3A_948 : memref<32x128xf32, #tpu.memory_space<vmem>>[vector<16xi32>, vector<16xi32>], vector<16xf32>,
      %add3A_953 = arith.constant 16 : i32
      %add3A_954 = vector.broadcast %add3A_953 : i32 to vector<16xi32>
      %add3A_955 = arith.addi %and3A_673, %add3A_954 : vector<16xi32>
      %gather3A_956 = tpu.vector_load_idx %arg6[%add3A_817, %add3A_955] : memref<3328x32xf32, #tpu.memory_space<vmem>>[vector<16xi32>, vector<16xi32>], vector<16xf32>,
      %mul3A_957 = arith.constant 16 : i32
      %mul3A_958 = arith.muli %scan3A_810, %mul3A_957 : i32
      %add3A_959 = vector.broadcast %mul3A_958 : i32 to vector<16xi32>
      %add3A_960 = arith.addi %add3A_959, %iota3A : vector<16xi32>
      tpu.vector_store_idx %arg8[%add3A_955, %add3A_960], %gather3A_956 : memref<32x128xf32, #tpu.memory_space<vmem>>[vector<16xi32>, vector<16xi32>], vector<16xf32>,
      %add3A_961 = arith.constant 16 : i32
      %add3A_962 = vector.broadcast %add3A_961 : i32 to vector<16xi32>
      %add3A_963 = arith.addi %and3A_679, %add3A_962 : vector<16xi32>
      %gather3A_964 = tpu.vector_load_idx %arg6[%add3A_817, %add3A_963] : memref<3328x32xf32, #tpu.memory_space<vmem>>[vector<16xi32>, vector<16xi32>], vector<16xf32>,
      %mul3A_965 = arith.constant 16 : i32
      %mul3A_966 = arith.muli %scan3A_810, %mul3A_965 : i32
      %add3A_967 = vector.broadcast %mul3A_966 : i32 to vector<16xi32>
      %add3A_968 = arith.addi %add3A_967, %iota3A : vector<16xi32>
      tpu.vector_store_idx %arg8[%add3A_963, %add3A_968], %gather3A_964 : memref<32x128xf32, #tpu.memory_space<vmem>>[vector<16xi32>, vector<16xi32>], vector<16xf32>,
      %add3A_969 = arith.constant 16 : i32
      %add3A_970 = vector.broadcast %add3A_969 : i32 to vector<16xi32>
      %add3A_971 = arith.addi %and3A_685, %add3A_970 : vector<16xi32>
      %gather3A_972 = tpu.vector_load_idx %arg6[%add3A_817, %add3A_971] : memref<3328x32xf32, #tpu.memory_space<vmem>>[vector<16xi32>, vector<16xi32>], vector<16xf32>,
      %mul3A_973 = arith.constant 16 : i32
      %mul3A_974 = arith.muli %scan3A_810, %mul3A_973 : i32
      %add3A_975 = vector.broadcast %mul3A_974 : i32 to vector<16xi32>
      %add3A_976 = arith.addi %add3A_975, %iota3A : vector<16xi32>
      tpu.vector_store_idx %arg8[%add3A_971, %add3A_976], %gather3A_972 : memref<32x128xf32, #tpu.memory_space<vmem>>[vector<16xi32>, vector<16xi32>], vector<16xf32>,
      %add3A_977 = arith.constant 16 : i32
      %add3A_978 = vector.broadcast %add3A_977 : i32 to vector<16xi32>
      %add3A_979 = arith.addi %and3A_691, %add3A_978 : vector<16xi32>
      %gather3A_980 = tpu.vector_load_idx %arg6[%add3A_817, %add3A_979] : memref<3328x32xf32, #tpu.memory_space<vmem>>[vector<16xi32>, vector<16xi32>], vector<16xf32>,
      %mul3A_981 = arith.constant 16 : i32
      %mul3A_982 = arith.muli %scan3A_810, %mul3A_981 : i32
      %add3A_983 = vector.broadcast %mul3A_982 : i32 to vector<16xi32>
      %add3A_984 = arith.addi %add3A_983, %iota3A : vector<16xi32>
      tpu.vector_store_idx %arg8[%add3A_979, %add3A_984], %gather3A_980 : memref<32x128xf32, #tpu.memory_space<vmem>>[vector<16xi32>, vector<16xi32>], vector<16xf32>,
      %add3A_985 = arith.constant 16 : i32
      %add3A_986 = vector.broadcast %add3A_985 : i32 to vector<16xi32>
      %add3A_987 = arith.addi %and3A_697, %add3A_986 : vector<16xi32>
      %gather3A_988 = tpu.vector_load_idx %arg6[%add3A_817, %add3A_987] : memref<3328x32xf32, #tpu.memory_space<vmem>>[vector<16xi32>, vector<16xi32>], vector<16xf32>,
      %mul3A_989 = arith.constant 16 : i32
      %mul3A_990 = arith.muli %scan3A_810, %mul3A_989 : i32
      %add3A_991 = vector.broadcast %mul3A_990 : i32 to vector<16xi32>
      %add3A_992 = arith.addi %add3A_991, %iota3A : vector<16xi32>
      tpu.vector_store_idx %arg8[%add3A_987, %add3A_992], %gather3A_988 : memref<32x128xf32, #tpu.memory_space<vmem>>[vector<16xi32>, vector<16xi32>], vector<16xf32>,
      %add3A_993 = arith.constant 16 : i32
      %add3A_994 = vector.broadcast %add3A_993 : i32 to vector<16xi32>
      %add3A_995 = arith.addi %and3A_703, %add3A_994 : vector<16xi32>
      %gather3A_996 = tpu.vector_load_idx %arg6[%add3A_817, %add3A_995] : memref<3328x32xf32, #tpu.memory_space<vmem>>[vector<16xi32>, vector<16xi32>], vector<16xf32>,
      %mul3A_997 = arith.constant 16 : i32
      %mul3A_998 = arith.muli %scan3A_810, %mul3A_997 : i32
      %add3A_999 = vector.broadcast %mul3A_998 : i32 to vector<16xi32>
      %add3A_1000 = arith.addi %add3A_999, %iota3A : vector<16xi32>
      tpu.vector_store_idx %arg8[%add3A_995, %add3A_1000], %gather3A_996 : memref<32x128xf32, #tpu.memory_space<vmem>>[vector<16xi32>, vector<16xi32>], vector<16xf32>,
      %add3A_1001 = arith.constant 16 : i32
      %add3A_1002 = vector.broadcast %add3A_1001 : i32 to vector<16xi32>
      %add3A_1003 = arith.addi %and3A_709, %add3A_1002 : vector<16xi32>
      %gather3A_1004 = tpu.vector_load_idx %arg6[%add3A_817, %add3A_1003] : memref<3328x32xf32, #tpu.memory_space<vmem>>[vector<16xi32>, vector<16xi32>], vector<16xf32>,
      %mul3A_1005 = arith.constant 16 : i32
      %mul3A_1006 = arith.muli %scan3A_810, %mul3A_1005 : i32
      %add3A_1007 = vector.broadcast %mul3A_1006 : i32 to vector<16xi32>
      %add3A_1008 = arith.addi %add3A_1007, %iota3A : vector<16xi32>
      tpu.vector_store_idx %arg8[%add3A_1003, %add3A_1008], %gather3A_1004 : memref<32x128xf32, #tpu.memory_space<vmem>>[vector<16xi32>, vector<16xi32>], vector<16xf32>,
      %add3A_1009 = arith.constant 16 : i32
      %add3A_1010 = vector.broadcast %add3A_1009 : i32 to vector<16xi32>
      %add3A_1011 = arith.addi %and3A_715, %add3A_1010 : vector<16xi32>
      %gather3A_1012 = tpu.vector_load_idx %arg6[%add3A_817, %add3A_1011] : memref<3328x32xf32, #tpu.memory_space<vmem>>[vector<16xi32>, vector<16xi32>], vector<16xf32>,
      %mul3A_1013 = arith.constant 16 : i32
      %mul3A_1014 = arith.muli %scan3A_810, %mul3A_1013 : i32
      %add3A_1015 = vector.broadcast %mul3A_1014 : i32 to vector<16xi32>
      %add3A_1016 = arith.addi %add3A_1015, %iota3A : vector<16xi32>
      tpu.vector_store_idx %arg8[%add3A_1011, %add3A_1016], %gather3A_1012 : memref<32x128xf32, #tpu.memory_space<vmem>>[vector<16xi32>, vector<16xi32>], vector<16xf32>,
      %add3A_1017 = arith.constant 16 : i32
      %add3A_1018 = vector.broadcast %add3A_1017 : i32 to vector<16xi32>
      %add3A_1019 = arith.addi %and3A_721, %add3A_1018 : vector<16xi32>
      %gather3A_1020 = tpu.vector_load_idx %arg6[%add3A_817, %add3A_1019] : memref<3328x32xf32, #tpu.memory_space<vmem>>[vector<16xi32>, vector<16xi32>], vector<16xf32>,
      %mul3A_1021 = arith.constant 16 : i32
      %mul3A_1022 = arith.muli %scan3A_810, %mul3A_1021 : i32
      %add3A_1023 = vector.broadcast %mul3A_1022 : i32 to vector<16xi32>
      %add3A_1024 = arith.addi %add3A_1023, %iota3A : vector<16xi32>
      tpu.vector_store_idx %arg8[%add3A_1019, %add3A_1024], %gather3A_1020 : memref<32x128xf32, #tpu.memory_space<vmem>>[vector<16xi32>, vector<16xi32>], vector<16xf32>,
      %add3A_1025 = arith.constant 16 : i32
      %add3A_1026 = vector.broadcast %add3A_1025 : i32 to vector<16xi32>
      %add3A_1027 = arith.addi %and3A_727, %add3A_1026 : vector<16xi32>
      %gather3A_1028 = tpu.vector_load_idx %arg6[%add3A_817, %add3A_1027] : memref<3328x32xf32, #tpu.memory_space<vmem>>[vector<16xi32>, vector<16xi32>], vector<16xf32>,
      %mul3A_1029 = arith.constant 16 : i32
      %mul3A_1030 = arith.muli %scan3A_810, %mul3A_1029 : i32
      %add3A_1031 = vector.broadcast %mul3A_1030 : i32 to vector<16xi32>
      %add3A_1032 = arith.addi %add3A_1031, %iota3A : vector<16xi32>
      tpu.vector_store_idx %arg8[%add3A_1027, %add3A_1032], %gather3A_1028 : memref<32x128xf32, #tpu.memory_space<vmem>>[vector<16xi32>, vector<16xi32>], vector<16xf32>,
      %add3A_1033 = arith.constant 16 : i32
      %add3A_1034 = vector.broadcast %add3A_1033 : i32 to vector<16xi32>
      %add3A_1035 = arith.addi %and3A_733, %add3A_1034 : vector<16xi32>
      %gather3A_1036 = tpu.vector_load_idx %arg6[%add3A_817, %add3A_1035] : memref<3328x32xf32, #tpu.memory_space<vmem>>[vector<16xi32>, vector<16xi32>], vector<16xf32>,
      %mul3A_1037 = arith.constant 16 : i32
      %mul3A_1038 = arith.muli %scan3A_810, %mul3A_1037 : i32
      %add3A_1039 = vector.broadcast %mul3A_1038 : i32 to vector<16xi32>
      %add3A_1040 = arith.addi %add3A_1039, %iota3A : vector<16xi32>
      tpu.vector_store_idx %arg8[%add3A_1035, %add3A_1040], %gather3A_1036 : memref<32x128xf32, #tpu.memory_space<vmem>>[vector<16xi32>, vector<16xi32>], vector<16xf32>,
      %add3A_1041 = arith.constant 16 : i32
      %add3A_1042 = vector.broadcast %add3A_1041 : i32 to vector<16xi32>
      %add3A_1043 = arith.addi %and3A_739, %add3A_1042 : vector<16xi32>
      %gather3A_1044 = tpu.vector_load_idx %arg6[%add3A_817, %add3A_1043] : memref<3328x32xf32, #tpu.memory_space<vmem>>[vector<16xi32>, vector<16xi32>], vector<16xf32>,
      %mul3A_1045 = arith.constant 16 : i32
      %mul3A_1046 = arith.muli %scan3A_810, %mul3A_1045 : i32
      %add3A_1047 = vector.broadcast %mul3A_1046 : i32 to vector<16xi32>
      %add3A_1048 = arith.addi %add3A_1047, %iota3A : vector<16xi32>
      tpu.vector_store_idx %arg8[%add3A_1043, %add3A_1048], %gather3A_1044 : memref<32x128xf32, #tpu.memory_space<vmem>>[vector<16xi32>, vector<16xi32>], vector<16xf32>,
      %add3A_1049 = arith.constant 16 : i32
      %add3A_1050 = vector.broadcast %add3A_1049 : i32 to vector<16xi32>
      %add3A_1051 = arith.addi %and3A_745, %add3A_1050 : vector<16xi32>
      %gather3A_1052 = tpu.vector_load_idx %arg6[%add3A_817, %add3A_1051] : memref<3328x32xf32, #tpu.memory_space<vmem>>[vector<16xi32>, vector<16xi32>], vector<16xf32>,
      %mul3A_1053 = arith.constant 16 : i32
      %mul3A_1054 = arith.muli %scan3A_810, %mul3A_1053 : i32
      %add3A_1055 = vector.broadcast %mul3A_1054 : i32 to vector<16xi32>
      %add3A_1056 = arith.addi %add3A_1055, %iota3A : vector<16xi32>
      tpu.vector_store_idx %arg8[%add3A_1051, %add3A_1056], %gather3A_1052 : memref<32x128xf32, #tpu.memory_space<vmem>>[vector<16xi32>, vector<16xi32>], vector<16xf32>,
      %add3A_1057 = arith.constant 16 : i32
      %add3A_1058 = vector.broadcast %add3A_1057 : i32 to vector<16xi32>
      %add3A_1059 = arith.addi %and3A_751, %add3A_1058 : vector<16xi32>
      %gather3A_1060 = tpu.vector_load_idx %arg6[%add3A_817, %add3A_1059] : memref<3328x32xf32, #tpu.memory_space<vmem>>[vector<16xi32>, vector<16xi32>], vector<16xf32>,
      %mul3A_1061 = arith.constant 16 : i32
      %mul3A_1062 = arith.muli %scan3A_810, %mul3A_1061 : i32
      %add3A_1063 = vector.broadcast %mul3A_1062 : i32 to vector<16xi32>
      %add3A_1064 = arith.addi %add3A_1063, %iota3A : vector<16xi32>
      tpu.vector_store_idx %arg8[%add3A_1059, %add3A_1064], %gather3A_1060 : memref<32x128xf32, #tpu.memory_space<vmem>>[vector<16xi32>, vector<16xi32>], vector<16xf32>,
      %add3A_1065 = arith.constant 16 : i32
      %add3A_1066 = vector.broadcast %add3A_1065 : i32 to vector<16xi32>
      %add3A_1067 = arith.addi %and3A_757, %add3A_1066 : vector<16xi32>
      %gather3A_1068 = tpu.vector_load_idx %arg6[%add3A_817, %add3A_1067] : memref<3328x32xf32, #tpu.memory_space<vmem>>[vector<16xi32>, vector<16xi32>], vector<16xf32>,
      %mul3A_1069 = arith.constant 16 : i32
      %mul3A_1070 = arith.muli %scan3A_810, %mul3A_1069 : i32
      %add3A_1071 = vector.broadcast %mul3A_1070 : i32 to vector<16xi32>
      %add3A_1072 = arith.addi %add3A_1071, %iota3A : vector<16xi32>
      tpu.vector_store_idx %arg8[%add3A_1067, %add3A_1072], %gather3A_1068 : memref<32x128xf32, #tpu.memory_space<vmem>>[vector<16xi32>, vector<16xi32>], vector<16xf32>,
      %scan3A_1073 = arith.constant 0 : i32
      scf.yield %scan3A_1073 : i32
    }
    %scan3A_777 = arith.constant 8 : i32
    %dma_start3A_778 = arith.constant 1 : i32
    %dma_start3A_779 = arith.constant 0 : i32
    %dma_start3A_780 = tpu.memref_slice %arg4[%dma_start3A_778, %dma_start3A_779, %mul3A_2] : memref<26x32x4096xf32, #tpu.memory_space<hbm>> -> memref<1x32x128xf32, #tpu.memory_space<hbm>>
    %dma_start3A_781 = tpu.memref_squeeze %dma_start3A_780 : memref<1x32x128xf32, #tpu.memory_space<hbm>> -> memref<32x128xf32, #tpu.memory_space<hbm>>
    %dma_start3A_782 = arith.constant 0 : i32
    %dma_start3A_783 = tpu.memref_slice %arg4[%dma_start3A_778, %dma_start3A_782, %mul3A_2] : memref<26x32x4096xf32, #tpu.memory_space<hbm>> -> memref<1x32x128xf32, #tpu.memory_space<hbm>>
    %dma_start3A_784 = tpu.memref_squeeze %dma_start3A_783 : memref<1x32x128xf32, #tpu.memory_space<hbm>> -> memref<32x128xf32, #tpu.memory_space<hbm>>
    tpu.enqueue_dma source(%arg8 : memref<32x128xf32, #tpu.memory_space<vmem>>) target(%dma_start3A_784 : memref<32x128xf32, #tpu.memory_space<hbm>>) target_semaphore(%arg11 : memref<!tpu.dma_semaphore, #tpu.memory_space<semaphore_mem>>)
    %scan3A_785 = arith.constant 0 : i32
    %scan3A_786 = arith.constant 1 : i32
    %scan3A_787 = arith.constant 12 : i32
    %scan3A_788 = arith.addi %scan3A_786, %scan3A_787 : i32
    %scan3A_789 = arith.constant 1 : i32
    %scan3A_790 = scf.for %scan3A_810 = %scan3A_786 to %scan3A_788 step %scan3A_789 iter_args(%scan3A_811 = %scan3A_785) -> (i32)  : i32 {
      %dma_wait3A_812 = arith.constant 0 : i32
      %dma_wait3A_813 = arith.constant 0 : i32
      %dma_wait3A_814 = arith.constant 0 : i32
      %dma_wait3A_815 = tpu.memref_slice %arg4[%dma_wait3A_812, %dma_wait3A_813, %dma_wait3A_814] : memref<26x32x4096xf32, #tpu.memory_space<hbm>> -> memref<1x32x128xf32, #tpu.memory_space<hbm>>
      %dma_wait3A_816 = tpu.memref_squeeze %dma_wait3A_815 : memref<1x32x128xf32, #tpu.memory_space<hbm>> -> memref<32x128xf32, #tpu.memory_space<hbm>>
      %dma_wait3A_817 = arith.constant 0 : i32
      %dma_wait3A_818 = arith.constant 0 : i32
      %dma_wait3A_819 = tpu.memref_slice %arg4[%dma_wait3A_812, %dma_wait3A_817, %dma_wait3A_818] : memref<26x32x4096xf32, #tpu.memory_space<hbm>> -> memref<1x32x128xf32, #tpu.memory_space<hbm>>
      %dma_wait3A_820 = tpu.memref_squeeze %dma_wait3A_819 : memref<1x32x128xf32, #tpu.memory_space<hbm>> -> memref<32x128xf32, #tpu.memory_space<hbm>>
      tpu.wait_dma2 semaphore(%arg10 : memref<!tpu.dma_semaphore, #tpu.memory_space<semaphore_mem>>) src(%dma_wait3A_820 : memref<32x128xf32, #tpu.memory_space<hbm>>) dst(%arg7 : memref<32x128xf32, #tpu.memory_space<vmem>>)
      %mul3A_821 = arith.constant 2 : i32
      %mul3A_822 = arith.muli %mul3A_821, %scan3A_810 : i32
      %add3A_823 = arith.constant 0 : i32
      %add3A_824 = arith.addi %mul3A_822, %add3A_823 : i32
      %scan3A_825 = arith.constant 0 : i32
      %scan3A_826 = arith.constant 0 : i32
      %scan3A_827 = arith.constant 8 : i32
      %scan3A_828 = arith.addi %scan3A_826, %scan3A_827 : i32
      %scan3A_829 = arith.constant 1 : i32
      %scan3A_830 = scf.for %scan3A_865 = %scan3A_826 to %scan3A_828 step %scan3A_829 iter_args(%scan3A_866 = %scan3A_825) -> (i32)  : i32 {
        %mul3A_867 = arith.constant 128 : i32
        %mul3A_868 = arith.muli %add3A_824, %mul3A_867 : i32
        %mul3A_869 = arith.constant 16 : i32
        %mul3A_870 = arith.muli %scan3A_865, %mul3A_869 : i32
        %add3A_871 = arith.addi %mul3A_868, %mul3A_870 : i32
        %add3A_872 = vector.broadcast %add3A_871 : i32 to vector<16xi32>
        %add3A_873 = arith.addi %add3A_872, %iota3A : vector<16xi32>
        %add3A_874 = arith.constant 0 : i32
        %add3A_875 = vector.broadcast %add3A_874 : i32 to vector<16xi32>
        %add3A_876 = arith.addi %and3A_667, %add3A_875 : vector<16xi32>
        %gather3A = tpu.vector_load_idx %arg6[%add3A_873, %add3A_876] : memref<3328x32xf32, #tpu.memory_space<vmem>>[vector<16xi32>, vector<16xi32>], vector<16xf32>,
        %mul3A_877 = arith.constant 16 : i32
        %mul3A_878 = arith.muli %scan3A_865, %mul3A_877 : i32
        %add3A_879 = vector.broadcast %mul3A_878 : i32 to vector<16xi32>
        %add3A_880 = arith.addi %add3A_879, %iota3A : vector<16xi32>
        tpu.vector_store_idx %arg7[%add3A_876, %add3A_880], %gather3A : memref<32x128xf32, #tpu.memory_space<vmem>>[vector<16xi32>, vector<16xi32>], vector<16xf32>,
        %add3A_881 = arith.constant 0 : i32
        %add3A_882 = vector.broadcast %add3A_881 : i32 to vector<16xi32>
        %add3A_883 = arith.addi %and3A_673, %add3A_882 : vector<16xi32>
        %gather3A_884 = tpu.vector_load_idx %arg6[%add3A_873, %add3A_883] : memref<3328x32xf32, #tpu.memory_space<vmem>>[vector<16xi32>, vector<16xi32>], vector<16xf32>,
        %mul3A_885 = arith.constant 16 : i32
        %mul3A_886 = arith.muli %scan3A_865, %mul3A_885 : i32
        %add3A_887 = vector.broadcast %mul3A_886 : i32 to vector<16xi32>
        %add3A_888 = arith.addi %add3A_887, %iota3A : vector<16xi32>
        tpu.vector_store_idx %arg7[%add3A_883, %add3A_888], %gather3A_884 : memref<32x128xf32, #tpu.memory_space<vmem>>[vector<16xi32>, vector<16xi32>], vector<16xf32>,
        %add3A_889 = arith.constant 0 : i32
        %add3A_890 = vector.broadcast %add3A_889 : i32 to vector<16xi32>
        %add3A_891 = arith.addi %and3A_679, %add3A_890 : vector<16xi32>
        %gather3A_892 = tpu.vector_load_idx %arg6[%add3A_873, %add3A_891] : memref<3328x32xf32, #tpu.memory_space<vmem>>[vector<16xi32>, vector<16xi32>], vector<16xf32>,
        %mul3A_893 = arith.constant 16 : i32
        %mul3A_894 = arith.muli %scan3A_865, %mul3A_893 : i32
        %add3A_895 = vector.broadcast %mul3A_894 : i32 to vector<16xi32>
        %add3A_896 = arith.addi %add3A_895, %iota3A : vector<16xi32>
        tpu.vector_store_idx %arg7[%add3A_891, %add3A_896], %gather3A_892 : memref<32x128xf32, #tpu.memory_space<vmem>>[vector<16xi32>, vector<16xi32>], vector<16xf32>,
        %add3A_897 = arith.constant 0 : i32
        %add3A_898 = vector.broadcast %add3A_897 : i32 to vector<16xi32>
        %add3A_899 = arith.addi %and3A_685, %add3A_898 : vector<16xi32>
        %gather3A_900 = tpu.vector_load_idx %arg6[%add3A_873, %add3A_899] : memref<3328x32xf32, #tpu.memory_space<vmem>>[vector<16xi32>, vector<16xi32>], vector<16xf32>,
        %mul3A_901 = arith.constant 16 : i32
        %mul3A_902 = arith.muli %scan3A_865, %mul3A_901 : i32
        %add3A_903 = vector.broadcast %mul3A_902 : i32 to vector<16xi32>
        %add3A_904 = arith.addi %add3A_903, %iota3A : vector<16xi32>
        tpu.vector_store_idx %arg7[%add3A_899, %add3A_904], %gather3A_900 : memref<32x128xf32, #tpu.memory_space<vmem>>[vector<16xi32>, vector<16xi32>], vector<16xf32>,
        %add3A_905 = arith.constant 0 : i32
        %add3A_906 = vector.broadcast %add3A_905 : i32 to vector<16xi32>
        %add3A_907 = arith.addi %and3A_691, %add3A_906 : vector<16xi32>
        %gather3A_908 = tpu.vector_load_idx %arg6[%add3A_873, %add3A_907] : memref<3328x32xf32, #tpu.memory_space<vmem>>[vector<16xi32>, vector<16xi32>], vector<16xf32>,
        %mul3A_909 = arith.constant 16 : i32
        %mul3A_910 = arith.muli %scan3A_865, %mul3A_909 : i32
        %add3A_911 = vector.broadcast %mul3A_910 : i32 to vector<16xi32>
        %add3A_912 = arith.addi %add3A_911, %iota3A : vector<16xi32>
        tpu.vector_store_idx %arg7[%add3A_907, %add3A_912], %gather3A_908 : memref<32x128xf32, #tpu.memory_space<vmem>>[vector<16xi32>, vector<16xi32>], vector<16xf32>,
        %add3A_913 = arith.constant 0 : i32
        %add3A_914 = vector.broadcast %add3A_913 : i32 to vector<16xi32>
        %add3A_915 = arith.addi %and3A_697, %add3A_914 : vector<16xi32>
        %gather3A_916 = tpu.vector_load_idx %arg6[%add3A_873, %add3A_915] : memref<3328x32xf32, #tpu.memory_space<vmem>>[vector<16xi32>, vector<16xi32>], vector<16xf32>,
        %mul3A_917 = arith.constant 16 : i32
        %mul3A_918 = arith.muli %scan3A_865, %mul3A_917 : i32
        %add3A_919 = vector.broadcast %mul3A_918 : i32 to vector<16xi32>
        %add3A_920 = arith.addi %add3A_919, %iota3A : vector<16xi32>
        tpu.vector_store_idx %arg7[%add3A_915, %add3A_920], %gather3A_916 : memref<32x128xf32, #tpu.memory_space<vmem>>[vector<16xi32>, vector<16xi32>], vector<16xf32>,
        %add3A_921 = arith.constant 0 : i32
        %add3A_922 = vector.broadcast %add3A_921 : i32 to vector<16xi32>
        %add3A_923 = arith.addi %and3A_703, %add3A_922 : vector<16xi32>
        %gather3A_924 = tpu.vector_load_idx %arg6[%add3A_873, %add3A_923] : memref<3328x32xf32, #tpu.memory_space<vmem>>[vector<16xi32>, vector<16xi32>], vector<16xf32>,
        %mul3A_925 = arith.constant 16 : i32
        %mul3A_926 = arith.muli %scan3A_865, %mul3A_925 : i32
        %add3A_927 = vector.broadcast %mul3A_926 : i32 to vector<16xi32>
        %add3A_928 = arith.addi %add3A_927, %iota3A : vector<16xi32>
        tpu.vector_store_idx %arg7[%add3A_923, %add3A_928], %gather3A_924 : memref<32x128xf32, #tpu.memory_space<vmem>>[vector<16xi32>, vector<16xi32>], vector<16xf32>,
        %add3A_929 = arith.constant 0 : i32
        %add3A_930 = vector.broadcast %add3A_929 : i32 to vector<16xi32>
        %add3A_931 = arith.addi %and3A_709, %add3A_930 : vector<16xi32>
        %gather3A_932 = tpu.vector_load_idx %arg6[%add3A_873, %add3A_931] : memref<3328x32xf32, #tpu.memory_space<vmem>>[vector<16xi32>, vector<16xi32>], vector<16xf32>,
        %mul3A_933 = arith.constant 16 : i32
        %mul3A_934 = arith.muli %scan3A_865, %mul3A_933 : i32
        %add3A_935 = vector.broadcast %mul3A_934 : i32 to vector<16xi32>
        %add3A_936 = arith.addi %add3A_935, %iota3A : vector<16xi32>
        tpu.vector_store_idx %arg7[%add3A_931, %add3A_936], %gather3A_932 : memref<32x128xf32, #tpu.memory_space<vmem>>[vector<16xi32>, vector<16xi32>], vector<16xf32>,
        %add3A_937 = arith.constant 0 : i32
        %add3A_938 = vector.broadcast %add3A_937 : i32 to vector<16xi32>
        %add3A_939 = arith.addi %and3A_715, %add3A_938 : vector<16xi32>
        %gather3A_940 = tpu.vector_load_idx %arg6[%add3A_873, %add3A_939] : memref<3328x32xf32, #tpu.memory_space<vmem>>[vector<16xi32>, vector<16xi32>], vector<16xf32>,
        %mul3A_941 = arith.constant 16 : i32
        %mul3A_942 = arith.muli %scan3A_865, %mul3A_941 : i32
        %add3A_943 = vector.broadcast %mul3A_942 : i32 to vector<16xi32>
        %add3A_944 = arith.addi %add3A_943, %iota3A : vector<16xi32>
        tpu.vector_store_idx %arg7[%add3A_939, %add3A_944], %gather3A_940 : memref<32x128xf32, #tpu.memory_space<vmem>>[vector<16xi32>, vector<16xi32>], vector<16xf32>,
        %add3A_945 = arith.constant 0 : i32
        %add3A_946 = vector.broadcast %add3A_945 : i32 to vector<16xi32>
        %add3A_947 = arith.addi %and3A_721, %add3A_946 : vector<16xi32>
        %gather3A_948 = tpu.vector_load_idx %arg6[%add3A_873, %add3A_947] : memref<3328x32xf32, #tpu.memory_space<vmem>>[vector<16xi32>, vector<16xi32>], vector<16xf32>,
        %mul3A_949 = arith.constant 16 : i32
        %mul3A_950 = arith.muli %scan3A_865, %mul3A_949 : i32
        %add3A_951 = vector.broadcast %mul3A_950 : i32 to vector<16xi32>
        %add3A_952 = arith.addi %add3A_951, %iota3A : vector<16xi32>
        tpu.vector_store_idx %arg7[%add3A_947, %add3A_952], %gather3A_948 : memref<32x128xf32, #tpu.memory_space<vmem>>[vector<16xi32>, vector<16xi32>], vector<16xf32>,
        %add3A_953 = arith.constant 0 : i32
        %add3A_954 = vector.broadcast %add3A_953 : i32 to vector<16xi32>
        %add3A_955 = arith.addi %and3A_727, %add3A_954 : vector<16xi32>
        %gather3A_956 = tpu.vector_load_idx %arg6[%add3A_873, %add3A_955] : memref<3328x32xf32, #tpu.memory_space<vmem>>[vector<16xi32>, vector<16xi32>], vector<16xf32>,
        %mul3A_957 = arith.constant 16 : i32
        %mul3A_958 = arith.muli %scan3A_865, %mul3A_957 : i32
        %add3A_959 = vector.broadcast %mul3A_958 : i32 to vector<16xi32>
        %add3A_960 = arith.addi %add3A_959, %iota3A : vector<16xi32>
        tpu.vector_store_idx %arg7[%add3A_955, %add3A_960], %gather3A_956 : memref<32x128xf32, #tpu.memory_space<vmem>>[vector<16xi32>, vector<16xi32>], vector<16xf32>,
        %add3A_961 = arith.constant 0 : i32
        %add3A_962 = vector.broadcast %add3A_961 : i32 to vector<16xi32>
        %add3A_963 = arith.addi %and3A_733, %add3A_962 : vector<16xi32>
        %gather3A_964 = tpu.vector_load_idx %arg6[%add3A_873, %add3A_963] : memref<3328x32xf32, #tpu.memory_space<vmem>>[vector<16xi32>, vector<16xi32>], vector<16xf32>,
        %mul3A_965 = arith.constant 16 : i32
        %mul3A_966 = arith.muli %scan3A_865, %mul3A_965 : i32
        %add3A_967 = vector.broadcast %mul3A_966 : i32 to vector<16xi32>
        %add3A_968 = arith.addi %add3A_967, %iota3A : vector<16xi32>
        tpu.vector_store_idx %arg7[%add3A_963, %add3A_968], %gather3A_964 : memref<32x128xf32, #tpu.memory_space<vmem>>[vector<16xi32>, vector<16xi32>], vector<16xf32>,
        %add3A_969 = arith.constant 0 : i32
        %add3A_970 = vector.broadcast %add3A_969 : i32 to vector<16xi32>
        %add3A_971 = arith.addi %and3A_739, %add3A_970 : vector<16xi32>
        %gather3A_972 = tpu.vector_load_idx %arg6[%add3A_873, %add3A_971] : memref<3328x32xf32, #tpu.memory_space<vmem>>[vector<16xi32>, vector<16xi32>], vector<16xf32>,
        %mul3A_973 = arith.constant 16 : i32
        %mul3A_974 = arith.muli %scan3A_865, %mul3A_973 : i32
        %add3A_975 = vector.broadcast %mul3A_974 : i32 to vector<16xi32>
        %add3A_976 = arith.addi %add3A_975, %iota3A : vector<16xi32>
        tpu.vector_store_idx %arg7[%add3A_971, %add3A_976], %gather3A_972 : memref<32x128xf32, #tpu.memory_space<vmem>>[vector<16xi32>, vector<16xi32>], vector<16xf32>,
        %add3A_977 = arith.constant 0 : i32
        %add3A_978 = vector.broadcast %add3A_977 : i32 to vector<16xi32>
        %add3A_979 = arith.addi %and3A_745, %add3A_978 : vector<16xi32>
        %gather3A_980 = tpu.vector_load_idx %arg6[%add3A_873, %add3A_979] : memref<3328x32xf32, #tpu.memory_space<vmem>>[vector<16xi32>, vector<16xi32>], vector<16xf32>,
        %mul3A_981 = arith.constant 16 : i32
        %mul3A_982 = arith.muli %scan3A_865, %mul3A_981 : i32
        %add3A_983 = vector.broadcast %mul3A_982 : i32 to vector<16xi32>
        %add3A_984 = arith.addi %add3A_983, %iota3A : vector<16xi32>
        tpu.vector_store_idx %arg7[%add3A_979, %add3A_984], %gather3A_980 : memref<32x128xf32, #tpu.memory_space<vmem>>[vector<16xi32>, vector<16xi32>], vector<16xf32>,
        %add3A_985 = arith.constant 0 : i32
        %add3A_986 = vector.broadcast %add3A_985 : i32 to vector<16xi32>
        %add3A_987 = arith.addi %and3A_751, %add3A_986 : vector<16xi32>
        %gather3A_988 = tpu.vector_load_idx %arg6[%add3A_873, %add3A_987] : memref<3328x32xf32, #tpu.memory_space<vmem>>[vector<16xi32>, vector<16xi32>], vector<16xf32>,
        %mul3A_989 = arith.constant 16 : i32
        %mul3A_990 = arith.muli %scan3A_865, %mul3A_989 : i32
        %add3A_991 = vector.broadcast %mul3A_990 : i32 to vector<16xi32>
        %add3A_992 = arith.addi %add3A_991, %iota3A : vector<16xi32>
        tpu.vector_store_idx %arg7[%add3A_987, %add3A_992], %gather3A_988 : memref<32x128xf32, #tpu.memory_space<vmem>>[vector<16xi32>, vector<16xi32>], vector<16xf32>,
        %add3A_993 = arith.constant 0 : i32
        %add3A_994 = vector.broadcast %add3A_993 : i32 to vector<16xi32>
        %add3A_995 = arith.addi %and3A_757, %add3A_994 : vector<16xi32>
        %gather3A_996 = tpu.vector_load_idx %arg6[%add3A_873, %add3A_995] : memref<3328x32xf32, #tpu.memory_space<vmem>>[vector<16xi32>, vector<16xi32>], vector<16xf32>,
        %mul3A_997 = arith.constant 16 : i32
        %mul3A_998 = arith.muli %scan3A_865, %mul3A_997 : i32
        %add3A_999 = vector.broadcast %mul3A_998 : i32 to vector<16xi32>
        %add3A_1000 = arith.addi %add3A_999, %iota3A : vector<16xi32>
        tpu.vector_store_idx %arg7[%add3A_995, %add3A_1000], %gather3A_996 : memref<32x128xf32, #tpu.memory_space<vmem>>[vector<16xi32>, vector<16xi32>], vector<16xf32>,
        %add3A_1001 = arith.constant 16 : i32
        %add3A_1002 = vector.broadcast %add3A_1001 : i32 to vector<16xi32>
        %add3A_1003 = arith.addi %and3A_667, %add3A_1002 : vector<16xi32>
        %gather3A_1004 = tpu.vector_load_idx %arg6[%add3A_873, %add3A_1003] : memref<3328x32xf32, #tpu.memory_space<vmem>>[vector<16xi32>, vector<16xi32>], vector<16xf32>,
        %mul3A_1005 = arith.constant 16 : i32
        %mul3A_1006 = arith.muli %scan3A_865, %mul3A_1005 : i32
        %add3A_1007 = vector.broadcast %mul3A_1006 : i32 to vector<16xi32>
        %add3A_1008 = arith.addi %add3A_1007, %iota3A : vector<16xi32>
        tpu.vector_store_idx %arg7[%add3A_1003, %add3A_1008], %gather3A_1004 : memref<32x128xf32, #tpu.memory_space<vmem>>[vector<16xi32>, vector<16xi32>], vector<16xf32>,
        %add3A_1009 = arith.constant 16 : i32
        %add3A_1010 = vector.broadcast %add3A_1009 : i32 to vector<16xi32>
        %add3A_1011 = arith.addi %and3A_673, %add3A_1010 : vector<16xi32>
        %gather3A_1012 = tpu.vector_load_idx %arg6[%add3A_873, %add3A_1011] : memref<3328x32xf32, #tpu.memory_space<vmem>>[vector<16xi32>, vector<16xi32>], vector<16xf32>,
        %mul3A_1013 = arith.constant 16 : i32
        %mul3A_1014 = arith.muli %scan3A_865, %mul3A_1013 : i32
        %add3A_1015 = vector.broadcast %mul3A_1014 : i32 to vector<16xi32>
        %add3A_1016 = arith.addi %add3A_1015, %iota3A : vector<16xi32>
        tpu.vector_store_idx %arg7[%add3A_1011, %add3A_1016], %gather3A_1012 : memref<32x128xf32, #tpu.memory_space<vmem>>[vector<16xi32>, vector<16xi32>], vector<16xf32>,
        %add3A_1017 = arith.constant 16 : i32
        %add3A_1018 = vector.broadcast %add3A_1017 : i32 to vector<16xi32>
        %add3A_1019 = arith.addi %and3A_679, %add3A_1018 : vector<16xi32>
        %gather3A_1020 = tpu.vector_load_idx %arg6[%add3A_873, %add3A_1019] : memref<3328x32xf32, #tpu.memory_space<vmem>>[vector<16xi32>, vector<16xi32>], vector<16xf32>,
        %mul3A_1021 = arith.constant 16 : i32
        %mul3A_1022 = arith.muli %scan3A_865, %mul3A_1021 : i32
        %add3A_1023 = vector.broadcast %mul3A_1022 : i32 to vector<16xi32>
        %add3A_1024 = arith.addi %add3A_1023, %iota3A : vector<16xi32>
        tpu.vector_store_idx %arg7[%add3A_1019, %add3A_1024], %gather3A_1020 : memref<32x128xf32, #tpu.memory_space<vmem>>[vector<16xi32>, vector<16xi32>], vector<16xf32>,
        %add3A_1025 = arith.constant 16 : i32
        %add3A_1026 = vector.broadcast %add3A_1025 : i32 to vector<16xi32>
        %add3A_1027 = arith.addi %and3A_685, %add3A_1026 : vector<16xi32>
        %gather3A_1028 = tpu.vector_load_idx %arg6[%add3A_873, %add3A_1027] : memref<3328x32xf32, #tpu.memory_space<vmem>>[vector<16xi32>, vector<16xi32>], vector<16xf32>,
        %mul3A_1029 = arith.constant 16 : i32
        %mul3A_1030 = arith.muli %scan3A_865, %mul3A_1029 : i32
        %add3A_1031 = vector.broadcast %mul3A_1030 : i32 to vector<16xi32>
        %add3A_1032 = arith.addi %add3A_1031, %iota3A : vector<16xi32>
        tpu.vector_store_idx %arg7[%add3A_1027, %add3A_1032], %gather3A_1028 : memref<32x128xf32, #tpu.memory_space<vmem>>[vector<16xi32>, vector<16xi32>], vector<16xf32>,
        %add3A_1033 = arith.constant 16 : i32
        %add3A_1034 = vector.broadcast %add3A_1033 : i32 to vector<16xi32>
        %add3A_1035 = arith.addi %and3A_691, %add3A_1034 : vector<16xi32>
        %gather3A_1036 = tpu.vector_load_idx %arg6[%add3A_873, %add3A_1035] : memref<3328x32xf32, #tpu.memory_space<vmem>>[vector<16xi32>, vector<16xi32>], vector<16xf32>,
        %mul3A_1037 = arith.constant 16 : i32
        %mul3A_1038 = arith.muli %scan3A_865, %mul3A_1037 : i32
        %add3A_1039 = vector.broadcast %mul3A_1038 : i32 to vector<16xi32>
        %add3A_1040 = arith.addi %add3A_1039, %iota3A : vector<16xi32>
        tpu.vector_store_idx %arg7[%add3A_1035, %add3A_1040], %gather3A_1036 : memref<32x128xf32, #tpu.memory_space<vmem>>[vector<16xi32>, vector<16xi32>], vector<16xf32>,
        %add3A_1041 = arith.constant 16 : i32
        %add3A_1042 = vector.broadcast %add3A_1041 : i32 to vector<16xi32>
        %add3A_1043 = arith.addi %and3A_697, %add3A_1042 : vector<16xi32>
        %gather3A_1044 = tpu.vector_load_idx %arg6[%add3A_873, %add3A_1043] : memref<3328x32xf32, #tpu.memory_space<vmem>>[vector<16xi32>, vector<16xi32>], vector<16xf32>,
        %mul3A_1045 = arith.constant 16 : i32
        %mul3A_1046 = arith.muli %scan3A_865, %mul3A_1045 : i32
        %add3A_1047 = vector.broadcast %mul3A_1046 : i32 to vector<16xi32>
        %add3A_1048 = arith.addi %add3A_1047, %iota3A : vector<16xi32>
        tpu.vector_store_idx %arg7[%add3A_1043, %add3A_1048], %gather3A_1044 : memref<32x128xf32, #tpu.memory_space<vmem>>[vector<16xi32>, vector<16xi32>], vector<16xf32>,
        %add3A_1049 = arith.constant 16 : i32
        %add3A_1050 = vector.broadcast %add3A_1049 : i32 to vector<16xi32>
        %add3A_1051 = arith.addi %and3A_703, %add3A_1050 : vector<16xi32>
        %gather3A_1052 = tpu.vector_load_idx %arg6[%add3A_873, %add3A_1051] : memref<3328x32xf32, #tpu.memory_space<vmem>>[vector<16xi32>, vector<16xi32>], vector<16xf32>,
        %mul3A_1053 = arith.constant 16 : i32
        %mul3A_1054 = arith.muli %scan3A_865, %mul3A_1053 : i32
        %add3A_1055 = vector.broadcast %mul3A_1054 : i32 to vector<16xi32>
        %add3A_1056 = arith.addi %add3A_1055, %iota3A : vector<16xi32>
        tpu.vector_store_idx %arg7[%add3A_1051, %add3A_1056], %gather3A_1052 : memref<32x128xf32, #tpu.memory_space<vmem>>[vector<16xi32>, vector<16xi32>], vector<16xf32>,
        %add3A_1057 = arith.constant 16 : i32
        %add3A_1058 = vector.broadcast %add3A_1057 : i32 to vector<16xi32>
        %add3A_1059 = arith.addi %and3A_709, %add3A_1058 : vector<16xi32>
        %gather3A_1060 = tpu.vector_load_idx %arg6[%add3A_873, %add3A_1059] : memref<3328x32xf32, #tpu.memory_space<vmem>>[vector<16xi32>, vector<16xi32>], vector<16xf32>,
        %mul3A_1061 = arith.constant 16 : i32
        %mul3A_1062 = arith.muli %scan3A_865, %mul3A_1061 : i32
        %add3A_1063 = vector.broadcast %mul3A_1062 : i32 to vector<16xi32>
        %add3A_1064 = arith.addi %add3A_1063, %iota3A : vector<16xi32>
        tpu.vector_store_idx %arg7[%add3A_1059, %add3A_1064], %gather3A_1060 : memref<32x128xf32, #tpu.memory_space<vmem>>[vector<16xi32>, vector<16xi32>], vector<16xf32>,
        %add3A_1065 = arith.constant 16 : i32
        %add3A_1066 = vector.broadcast %add3A_1065 : i32 to vector<16xi32>
        %add3A_1067 = arith.addi %and3A_715, %add3A_1066 : vector<16xi32>
        %gather3A_1068 = tpu.vector_load_idx %arg6[%add3A_873, %add3A_1067] : memref<3328x32xf32, #tpu.memory_space<vmem>>[vector<16xi32>, vector<16xi32>], vector<16xf32>,
        %mul3A_1069 = arith.constant 16 : i32
        %mul3A_1070 = arith.muli %scan3A_865, %mul3A_1069 : i32
        %add3A_1071 = vector.broadcast %mul3A_1070 : i32 to vector<16xi32>
        %add3A_1072 = arith.addi %add3A_1071, %iota3A : vector<16xi32>
        tpu.vector_store_idx %arg7[%add3A_1067, %add3A_1072], %gather3A_1068 : memref<32x128xf32, #tpu.memory_space<vmem>>[vector<16xi32>, vector<16xi32>], vector<16xf32>,
        %add3A_1073 = arith.constant 16 : i32
        %add3A_1074 = vector.broadcast %add3A_1073 : i32 to vector<16xi32>
        %add3A_1075 = arith.addi %and3A_721, %add3A_1074 : vector<16xi32>
        %gather3A_1076 = tpu.vector_load_idx %arg6[%add3A_873, %add3A_1075] : memref<3328x32xf32, #tpu.memory_space<vmem>>[vector<16xi32>, vector<16xi32>], vector<16xf32>,
        %mul3A_1077 = arith.constant 16 : i32
        %mul3A_1078 = arith.muli %scan3A_865, %mul3A_1077 : i32
        %add3A_1079 = vector.broadcast %mul3A_1078 : i32 to vector<16xi32>
        %add3A_1080 = arith.addi %add3A_1079, %iota3A : vector<16xi32>
        tpu.vector_store_idx %arg7[%add3A_1075, %add3A_1080], %gather3A_1076 : memref<32x128xf32, #tpu.memory_space<vmem>>[vector<16xi32>, vector<16xi32>], vector<16xf32>,
        %add3A_1081 = arith.constant 16 : i32
        %add3A_1082 = vector.broadcast %add3A_1081 : i32 to vector<16xi32>
        %add3A_1083 = arith.addi %and3A_727, %add3A_1082 : vector<16xi32>
        %gather3A_1084 = tpu.vector_load_idx %arg6[%add3A_873, %add3A_1083] : memref<3328x32xf32, #tpu.memory_space<vmem>>[vector<16xi32>, vector<16xi32>], vector<16xf32>,
        %mul3A_1085 = arith.constant 16 : i32
        %mul3A_1086 = arith.muli %scan3A_865, %mul3A_1085 : i32
        %add3A_1087 = vector.broadcast %mul3A_1086 : i32 to vector<16xi32>
        %add3A_1088 = arith.addi %add3A_1087, %iota3A : vector<16xi32>
        tpu.vector_store_idx %arg7[%add3A_1083, %add3A_1088], %gather3A_1084 : memref<32x128xf32, #tpu.memory_space<vmem>>[vector<16xi32>, vector<16xi32>], vector<16xf32>,
        %add3A_1089 = arith.constant 16 : i32
        %add3A_1090 = vector.broadcast %add3A_1089 : i32 to vector<16xi32>
        %add3A_1091 = arith.addi %and3A_733, %add3A_1090 : vector<16xi32>
        %gather3A_1092 = tpu.vector_load_idx %arg6[%add3A_873, %add3A_1091] : memref<3328x32xf32, #tpu.memory_space<vmem>>[vector<16xi32>, vector<16xi32>], vector<16xf32>,
        %mul3A_1093 = arith.constant 16 : i32
        %mul3A_1094 = arith.muli %scan3A_865, %mul3A_1093 : i32
        %add3A_1095 = vector.broadcast %mul3A_1094 : i32 to vector<16xi32>
        %add3A_1096 = arith.addi %add3A_1095, %iota3A : vector<16xi32>
        tpu.vector_store_idx %arg7[%add3A_1091, %add3A_1096], %gather3A_1092 : memref<32x128xf32, #tpu.memory_space<vmem>>[vector<16xi32>, vector<16xi32>], vector<16xf32>,
        %add3A_1097 = arith.constant 16 : i32
        %add3A_1098 = vector.broadcast %add3A_1097 : i32 to vector<16xi32>
        %add3A_1099 = arith.addi %and3A_739, %add3A_1098 : vector<16xi32>
        %gather3A_1100 = tpu.vector_load_idx %arg6[%add3A_873, %add3A_1099] : memref<3328x32xf32, #tpu.memory_space<vmem>>[vector<16xi32>, vector<16xi32>], vector<16xf32>,
        %mul3A_1101 = arith.constant 16 : i32
        %mul3A_1102 = arith.muli %scan3A_865, %mul3A_1101 : i32
        %add3A_1103 = vector.broadcast %mul3A_1102 : i32 to vector<16xi32>
        %add3A_1104 = arith.addi %add3A_1103, %iota3A : vector<16xi32>
        tpu.vector_store_idx %arg7[%add3A_1099, %add3A_1104], %gather3A_1100 : memref<32x128xf32, #tpu.memory_space<vmem>>[vector<16xi32>, vector<16xi32>], vector<16xf32>,
        %add3A_1105 = arith.constant 16 : i32
        %add3A_1106 = vector.broadcast %add3A_1105 : i32 to vector<16xi32>
        %add3A_1107 = arith.addi %and3A_745, %add3A_1106 : vector<16xi32>
        %gather3A_1108 = tpu.vector_load_idx %arg6[%add3A_873, %add3A_1107] : memref<3328x32xf32, #tpu.memory_space<vmem>>[vector<16xi32>, vector<16xi32>], vector<16xf32>,
        %mul3A_1109 = arith.constant 16 : i32
        %mul3A_1110 = arith.muli %scan3A_865, %mul3A_1109 : i32
        %add3A_1111 = vector.broadcast %mul3A_1110 : i32 to vector<16xi32>
        %add3A_1112 = arith.addi %add3A_1111, %iota3A : vector<16xi32>
        tpu.vector_store_idx %arg7[%add3A_1107, %add3A_1112], %gather3A_1108 : memref<32x128xf32, #tpu.memory_space<vmem>>[vector<16xi32>, vector<16xi32>], vector<16xf32>,
        %add3A_1113 = arith.constant 16 : i32
        %add3A_1114 = vector.broadcast %add3A_1113 : i32 to vector<16xi32>
        %add3A_1115 = arith.addi %and3A_751, %add3A_1114 : vector<16xi32>
        %gather3A_1116 = tpu.vector_load_idx %arg6[%add3A_873, %add3A_1115] : memref<3328x32xf32, #tpu.memory_space<vmem>>[vector<16xi32>, vector<16xi32>], vector<16xf32>,
        %mul3A_1117 = arith.constant 16 : i32
        %mul3A_1118 = arith.muli %scan3A_865, %mul3A_1117 : i32
        %add3A_1119 = vector.broadcast %mul3A_1118 : i32 to vector<16xi32>
        %add3A_1120 = arith.addi %add3A_1119, %iota3A : vector<16xi32>
        tpu.vector_store_idx %arg7[%add3A_1115, %add3A_1120], %gather3A_1116 : memref<32x128xf32, #tpu.memory_space<vmem>>[vector<16xi32>, vector<16xi32>], vector<16xf32>,
        %add3A_1121 = arith.constant 16 : i32
        %add3A_1122 = vector.broadcast %add3A_1121 : i32 to vector<16xi32>
        %add3A_1123 = arith.addi %and3A_757, %add3A_1122 : vector<16xi32>
        %gather3A_1124 = tpu.vector_load_idx %arg6[%add3A_873, %add3A_1123] : memref<3328x32xf32, #tpu.memory_space<vmem>>[vector<16xi32>, vector<16xi32>], vector<16xf32>,
        %mul3A_1125 = arith.constant 16 : i32
        %mul3A_1126 = arith.muli %scan3A_865, %mul3A_1125 : i32
        %add3A_1127 = vector.broadcast %mul3A_1126 : i32 to vector<16xi32>
        %add3A_1128 = arith.addi %add3A_1127, %iota3A : vector<16xi32>
        tpu.vector_store_idx %arg7[%add3A_1123, %add3A_1128], %gather3A_1124 : memref<32x128xf32, #tpu.memory_space<vmem>>[vector<16xi32>, vector<16xi32>], vector<16xf32>,
        %scan3A_1129 = arith.constant 0 : i32
        scf.yield %scan3A_1129 : i32
      }
      %scan3A_831 = arith.constant 8 : i32
      %dma_start3A_832 = arith.constant 0 : i32
      %dma_start3A_833 = tpu.memref_slice %arg4[%add3A_824, %dma_start3A_832, %mul3A_2] : memref<26x32x4096xf32, #tpu.memory_space<hbm>> -> memref<1x32x128xf32, #tpu.memory_space<hbm>>
      %dma_start3A_834 = tpu.memref_squeeze %dma_start3A_833 : memref<1x32x128xf32, #tpu.memory_space<hbm>> -> memref<32x128xf32, #tpu.memory_space<hbm>>
      %dma_start3A_835 = arith.constant 0 : i32
      %dma_start3A_836 = tpu.memref_slice %arg4[%add3A_824, %dma_start3A_835, %mul3A_2] : memref<26x32x4096xf32, #tpu.memory_space<hbm>> -> memref<1x32x128xf32, #tpu.memory_space<hbm>>
      %dma_start3A_837 = tpu.memref_squeeze %dma_start3A_836 : memref<1x32x128xf32, #tpu.memory_space<hbm>> -> memref<32x128xf32, #tpu.memory_space<hbm>>
      tpu.enqueue_dma source(%arg7 : memref<32x128xf32, #tpu.memory_space<vmem>>) target(%dma_start3A_837 : memref<32x128xf32, #tpu.memory_space<hbm>>) target_semaphore(%arg10 : memref<!tpu.dma_semaphore, #tpu.memory_space<semaphore_mem>>)
      %dma_wait3A_838 = arith.constant 0 : i32
      %dma_wait3A_839 = arith.constant 0 : i32
      %dma_wait3A_840 = arith.constant 0 : i32
      %dma_wait3A_841 = tpu.memref_slice %arg4[%dma_wait3A_838, %dma_wait3A_839, %dma_wait3A_840] : memref<26x32x4096xf32, #tpu.memory_space<hbm>> -> memref<1x32x128xf32, #tpu.memory_space<hbm>>
      %dma_wait3A_842 = tpu.memref_squeeze %dma_wait3A_841 : memref<1x32x128xf32, #tpu.memory_space<hbm>> -> memref<32x128xf32, #tpu.memory_space<hbm>>
      %dma_wait3A_843 = arith.constant 0 : i32
      %dma_wait3A_844 = arith.constant 0 : i32
      %dma_wait3A_845 = tpu.memref_slice %arg4[%dma_wait3A_838, %dma_wait3A_843, %dma_wait3A_844] : memref<26x32x4096xf32, #tpu.memory_space<hbm>> -> memref<1x32x128xf32, #tpu.memory_space<hbm>>
      %dma_wait3A_846 = tpu.memref_squeeze %dma_wait3A_845 : memref<1x32x128xf32, #tpu.memory_space<hbm>> -> memref<32x128xf32, #tpu.memory_space<hbm>>
      tpu.wait_dma2 semaphore(%arg11 : memref<!tpu.dma_semaphore, #tpu.memory_space<semaphore_mem>>) src(%dma_wait3A_846 : memref<32x128xf32, #tpu.memory_space<hbm>>) dst(%arg8 : memref<32x128xf32, #tpu.memory_space<vmem>>)
      %mul3A_847 = arith.constant 2 : i32
      %mul3A_848 = arith.muli %mul3A_847, %scan3A_810 : i32
      %add3A_849 = arith.constant 1 : i32
      %add3A_850 = arith.addi %mul3A_848, %add3A_849 : i32
      %scan3A_851 = arith.constant 0 : i32
      %scan3A_852 = arith.constant 0 : i32
      %scan3A_853 = arith.constant 8 : i32
      %scan3A_854 = arith.addi %scan3A_852, %scan3A_853 : i32
      %scan3A_855 = arith.constant 1 : i32
      %scan3A_856 = scf.for %scan3A_865 = %scan3A_852 to %scan3A_854 step %scan3A_855 iter_args(%scan3A_866 = %scan3A_851) -> (i32)  : i32 {
        %mul3A_867 = arith.constant 128 : i32
        %mul3A_868 = arith.muli %add3A_850, %mul3A_867 : i32
        %mul3A_869 = arith.constant 16 : i32
        %mul3A_870 = arith.muli %scan3A_865, %mul3A_869 : i32
        %add3A_871 = arith.addi %mul3A_868, %mul3A_870 : i32
        %add3A_872 = vector.broadcast %add3A_871 : i32 to vector<16xi32>
        %add3A_873 = arith.addi %add3A_872, %iota3A : vector<16xi32>
        %add3A_874 = arith.constant 0 : i32
        %add3A_875 = vector.broadcast %add3A_874 : i32 to vector<16xi32>
        %add3A_876 = arith.addi %and3A_667, %add3A_875 : vector<16xi32>
        %gather3A = tpu.vector_load_idx %arg6[%add3A_873, %add3A_876] : memref<3328x32xf32, #tpu.memory_space<vmem>>[vector<16xi32>, vector<16xi32>], vector<16xf32>,
        %mul3A_877 = arith.constant 16 : i32
        %mul3A_878 = arith.muli %scan3A_865, %mul3A_877 : i32
        %add3A_879 = vector.broadcast %mul3A_878 : i32 to vector<16xi32>
        %add3A_880 = arith.addi %add3A_879, %iota3A : vector<16xi32>
        tpu.vector_store_idx %arg8[%add3A_876, %add3A_880], %gather3A : memref<32x128xf32, #tpu.memory_space<vmem>>[vector<16xi32>, vector<16xi32>], vector<16xf32>,
        %add3A_881 = arith.constant 0 : i32
        %add3A_882 = vector.broadcast %add3A_881 : i32 to vector<16xi32>
        %add3A_883 = arith.addi %and3A_673, %add3A_882 : vector<16xi32>
        %gather3A_884 = tpu.vector_load_idx %arg6[%add3A_873, %add3A_883] : memref<3328x32xf32, #tpu.memory_space<vmem>>[vector<16xi32>, vector<16xi32>], vector<16xf32>,
        %mul3A_885 = arith.constant 16 : i32
        %mul3A_886 = arith.muli %scan3A_865, %mul3A_885 : i32
        %add3A_887 = vector.broadcast %mul3A_886 : i32 to vector<16xi32>
        %add3A_888 = arith.addi %add3A_887, %iota3A : vector<16xi32>
        tpu.vector_store_idx %arg8[%add3A_883, %add3A_888], %gather3A_884 : memref<32x128xf32, #tpu.memory_space<vmem>>[vector<16xi32>, vector<16xi32>], vector<16xf32>,
        %add3A_889 = arith.constant 0 : i32
        %add3A_890 = vector.broadcast %add3A_889 : i32 to vector<16xi32>
        %add3A_891 = arith.addi %and3A_679, %add3A_890 : vector<16xi32>
        %gather3A_892 = tpu.vector_load_idx %arg6[%add3A_873, %add3A_891] : memref<3328x32xf32, #tpu.memory_space<vmem>>[vector<16xi32>, vector<16xi32>], vector<16xf32>,
        %mul3A_893 = arith.constant 16 : i32
        %mul3A_894 = arith.muli %scan3A_865, %mul3A_893 : i32
        %add3A_895 = vector.broadcast %mul3A_894 : i32 to vector<16xi32>
        %add3A_896 = arith.addi %add3A_895, %iota3A : vector<16xi32>
        tpu.vector_store_idx %arg8[%add3A_891, %add3A_896], %gather3A_892 : memref<32x128xf32, #tpu.memory_space<vmem>>[vector<16xi32>, vector<16xi32>], vector<16xf32>,
        %add3A_897 = arith.constant 0 : i32
        %add3A_898 = vector.broadcast %add3A_897 : i32 to vector<16xi32>
        %add3A_899 = arith.addi %and3A_685, %add3A_898 : vector<16xi32>
        %gather3A_900 = tpu.vector_load_idx %arg6[%add3A_873, %add3A_899] : memref<3328x32xf32, #tpu.memory_space<vmem>>[vector<16xi32>, vector<16xi32>], vector<16xf32>,
        %mul3A_901 = arith.constant 16 : i32
        %mul3A_902 = arith.muli %scan3A_865, %mul3A_901 : i32
        %add3A_903 = vector.broadcast %mul3A_902 : i32 to vector<16xi32>
        %add3A_904 = arith.addi %add3A_903, %iota3A : vector<16xi32>
        tpu.vector_store_idx %arg8[%add3A_899, %add3A_904], %gather3A_900 : memref<32x128xf32, #tpu.memory_space<vmem>>[vector<16xi32>, vector<16xi32>], vector<16xf32>,
        %add3A_905 = arith.constant 0 : i32
        %add3A_906 = vector.broadcast %add3A_905 : i32 to vector<16xi32>
        %add3A_907 = arith.addi %and3A_691, %add3A_906 : vector<16xi32>
        %gather3A_908 = tpu.vector_load_idx %arg6[%add3A_873, %add3A_907] : memref<3328x32xf32, #tpu.memory_space<vmem>>[vector<16xi32>, vector<16xi32>], vector<16xf32>,
        %mul3A_909 = arith.constant 16 : i32
        %mul3A_910 = arith.muli %scan3A_865, %mul3A_909 : i32
        %add3A_911 = vector.broadcast %mul3A_910 : i32 to vector<16xi32>
        %add3A_912 = arith.addi %add3A_911, %iota3A : vector<16xi32>
        tpu.vector_store_idx %arg8[%add3A_907, %add3A_912], %gather3A_908 : memref<32x128xf32, #tpu.memory_space<vmem>>[vector<16xi32>, vector<16xi32>], vector<16xf32>,
        %add3A_913 = arith.constant 0 : i32
        %add3A_914 = vector.broadcast %add3A_913 : i32 to vector<16xi32>
        %add3A_915 = arith.addi %and3A_697, %add3A_914 : vector<16xi32>
        %gather3A_916 = tpu.vector_load_idx %arg6[%add3A_873, %add3A_915] : memref<3328x32xf32, #tpu.memory_space<vmem>>[vector<16xi32>, vector<16xi32>], vector<16xf32>,
        %mul3A_917 = arith.constant 16 : i32
        %mul3A_918 = arith.muli %scan3A_865, %mul3A_917 : i32
        %add3A_919 = vector.broadcast %mul3A_918 : i32 to vector<16xi32>
        %add3A_920 = arith.addi %add3A_919, %iota3A : vector<16xi32>
        tpu.vector_store_idx %arg8[%add3A_915, %add3A_920], %gather3A_916 : memref<32x128xf32, #tpu.memory_space<vmem>>[vector<16xi32>, vector<16xi32>], vector<16xf32>,
        %add3A_921 = arith.constant 0 : i32
        %add3A_922 = vector.broadcast %add3A_921 : i32 to vector<16xi32>
        %add3A_923 = arith.addi %and3A_703, %add3A_922 : vector<16xi32>
        %gather3A_924 = tpu.vector_load_idx %arg6[%add3A_873, %add3A_923] : memref<3328x32xf32, #tpu.memory_space<vmem>>[vector<16xi32>, vector<16xi32>], vector<16xf32>,
        %mul3A_925 = arith.constant 16 : i32
        %mul3A_926 = arith.muli %scan3A_865, %mul3A_925 : i32
        %add3A_927 = vector.broadcast %mul3A_926 : i32 to vector<16xi32>
        %add3A_928 = arith.addi %add3A_927, %iota3A : vector<16xi32>
        tpu.vector_store_idx %arg8[%add3A_923, %add3A_928], %gather3A_924 : memref<32x128xf32, #tpu.memory_space<vmem>>[vector<16xi32>, vector<16xi32>], vector<16xf32>,
        %add3A_929 = arith.constant 0 : i32
        %add3A_930 = vector.broadcast %add3A_929 : i32 to vector<16xi32>
        %add3A_931 = arith.addi %and3A_709, %add3A_930 : vector<16xi32>
        %gather3A_932 = tpu.vector_load_idx %arg6[%add3A_873, %add3A_931] : memref<3328x32xf32, #tpu.memory_space<vmem>>[vector<16xi32>, vector<16xi32>], vector<16xf32>,
        %mul3A_933 = arith.constant 16 : i32
        %mul3A_934 = arith.muli %scan3A_865, %mul3A_933 : i32
        %add3A_935 = vector.broadcast %mul3A_934 : i32 to vector<16xi32>
        %add3A_936 = arith.addi %add3A_935, %iota3A : vector<16xi32>
        tpu.vector_store_idx %arg8[%add3A_931, %add3A_936], %gather3A_932 : memref<32x128xf32, #tpu.memory_space<vmem>>[vector<16xi32>, vector<16xi32>], vector<16xf32>,
        %add3A_937 = arith.constant 0 : i32
        %add3A_938 = vector.broadcast %add3A_937 : i32 to vector<16xi32>
        %add3A_939 = arith.addi %and3A_715, %add3A_938 : vector<16xi32>
        %gather3A_940 = tpu.vector_load_idx %arg6[%add3A_873, %add3A_939] : memref<3328x32xf32, #tpu.memory_space<vmem>>[vector<16xi32>, vector<16xi32>], vector<16xf32>,
        %mul3A_941 = arith.constant 16 : i32
        %mul3A_942 = arith.muli %scan3A_865, %mul3A_941 : i32
        %add3A_943 = vector.broadcast %mul3A_942 : i32 to vector<16xi32>
        %add3A_944 = arith.addi %add3A_943, %iota3A : vector<16xi32>
        tpu.vector_store_idx %arg8[%add3A_939, %add3A_944], %gather3A_940 : memref<32x128xf32, #tpu.memory_space<vmem>>[vector<16xi32>, vector<16xi32>], vector<16xf32>,
        %add3A_945 = arith.constant 0 : i32
        %add3A_946 = vector.broadcast %add3A_945 : i32 to vector<16xi32>
        %add3A_947 = arith.addi %and3A_721, %add3A_946 : vector<16xi32>
        %gather3A_948 = tpu.vector_load_idx %arg6[%add3A_873, %add3A_947] : memref<3328x32xf32, #tpu.memory_space<vmem>>[vector<16xi32>, vector<16xi32>], vector<16xf32>,
        %mul3A_949 = arith.constant 16 : i32
        %mul3A_950 = arith.muli %scan3A_865, %mul3A_949 : i32
        %add3A_951 = vector.broadcast %mul3A_950 : i32 to vector<16xi32>
        %add3A_952 = arith.addi %add3A_951, %iota3A : vector<16xi32>
        tpu.vector_store_idx %arg8[%add3A_947, %add3A_952], %gather3A_948 : memref<32x128xf32, #tpu.memory_space<vmem>>[vector<16xi32>, vector<16xi32>], vector<16xf32>,
        %add3A_953 = arith.constant 0 : i32
        %add3A_954 = vector.broadcast %add3A_953 : i32 to vector<16xi32>
        %add3A_955 = arith.addi %and3A_727, %add3A_954 : vector<16xi32>
        %gather3A_956 = tpu.vector_load_idx %arg6[%add3A_873, %add3A_955] : memref<3328x32xf32, #tpu.memory_space<vmem>>[vector<16xi32>, vector<16xi32>], vector<16xf32>,
        %mul3A_957 = arith.constant 16 : i32
        %mul3A_958 = arith.muli %scan3A_865, %mul3A_957 : i32
        %add3A_959 = vector.broadcast %mul3A_958 : i32 to vector<16xi32>
        %add3A_960 = arith.addi %add3A_959, %iota3A : vector<16xi32>
        tpu.vector_store_idx %arg8[%add3A_955, %add3A_960], %gather3A_956 : memref<32x128xf32, #tpu.memory_space<vmem>>[vector<16xi32>, vector<16xi32>], vector<16xf32>,
        %add3A_961 = arith.constant 0 : i32
        %add3A_962 = vector.broadcast %add3A_961 : i32 to vector<16xi32>
        %add3A_963 = arith.addi %and3A_733, %add3A_962 : vector<16xi32>
        %gather3A_964 = tpu.vector_load_idx %arg6[%add3A_873, %add3A_963] : memref<3328x32xf32, #tpu.memory_space<vmem>>[vector<16xi32>, vector<16xi32>], vector<16xf32>,
        %mul3A_965 = arith.constant 16 : i32
        %mul3A_966 = arith.muli %scan3A_865, %mul3A_965 : i32
        %add3A_967 = vector.broadcast %mul3A_966 : i32 to vector<16xi32>
        %add3A_968 = arith.addi %add3A_967, %iota3A : vector<16xi32>
        tpu.vector_store_idx %arg8[%add3A_963, %add3A_968], %gather3A_964 : memref<32x128xf32, #tpu.memory_space<vmem>>[vector<16xi32>, vector<16xi32>], vector<16xf32>,
        %add3A_969 = arith.constant 0 : i32
        %add3A_970 = vector.broadcast %add3A_969 : i32 to vector<16xi32>
        %add3A_971 = arith.addi %and3A_739, %add3A_970 : vector<16xi32>
        %gather3A_972 = tpu.vector_load_idx %arg6[%add3A_873, %add3A_971] : memref<3328x32xf32, #tpu.memory_space<vmem>>[vector<16xi32>, vector<16xi32>], vector<16xf32>,
        %mul3A_973 = arith.constant 16 : i32
        %mul3A_974 = arith.muli %scan3A_865, %mul3A_973 : i32
        %add3A_975 = vector.broadcast %mul3A_974 : i32 to vector<16xi32>
        %add3A_976 = arith.addi %add3A_975, %iota3A : vector<16xi32>
        tpu.vector_store_idx %arg8[%add3A_971, %add3A_976], %gather3A_972 : memref<32x128xf32, #tpu.memory_space<vmem>>[vector<16xi32>, vector<16xi32>], vector<16xf32>,
        %add3A_977 = arith.constant 0 : i32
        %add3A_978 = vector.broadcast %add3A_977 : i32 to vector<16xi32>
        %add3A_979 = arith.addi %and3A_745, %add3A_978 : vector<16xi32>
        %gather3A_980 = tpu.vector_load_idx %arg6[%add3A_873, %add3A_979] : memref<3328x32xf32, #tpu.memory_space<vmem>>[vector<16xi32>, vector<16xi32>], vector<16xf32>,
        %mul3A_981 = arith.constant 16 : i32
        %mul3A_982 = arith.muli %scan3A_865, %mul3A_981 : i32
        %add3A_983 = vector.broadcast %mul3A_982 : i32 to vector<16xi32>
        %add3A_984 = arith.addi %add3A_983, %iota3A : vector<16xi32>
        tpu.vector_store_idx %arg8[%add3A_979, %add3A_984], %gather3A_980 : memref<32x128xf32, #tpu.memory_space<vmem>>[vector<16xi32>, vector<16xi32>], vector<16xf32>,
        %add3A_985 = arith.constant 0 : i32
        %add3A_986 = vector.broadcast %add3A_985 : i32 to vector<16xi32>
        %add3A_987 = arith.addi %and3A_751, %add3A_986 : vector<16xi32>
        %gather3A_988 = tpu.vector_load_idx %arg6[%add3A_873, %add3A_987] : memref<3328x32xf32, #tpu.memory_space<vmem>>[vector<16xi32>, vector<16xi32>], vector<16xf32>,
        %mul3A_989 = arith.constant 16 : i32
        %mul3A_990 = arith.muli %scan3A_865, %mul3A_989 : i32
        %add3A_991 = vector.broadcast %mul3A_990 : i32 to vector<16xi32>
        %add3A_992 = arith.addi %add3A_991, %iota3A : vector<16xi32>
        tpu.vector_store_idx %arg8[%add3A_987, %add3A_992], %gather3A_988 : memref<32x128xf32, #tpu.memory_space<vmem>>[vector<16xi32>, vector<16xi32>], vector<16xf32>,
        %add3A_993 = arith.constant 0 : i32
        %add3A_994 = vector.broadcast %add3A_993 : i32 to vector<16xi32>
        %add3A_995 = arith.addi %and3A_757, %add3A_994 : vector<16xi32>
        %gather3A_996 = tpu.vector_load_idx %arg6[%add3A_873, %add3A_995] : memref<3328x32xf32, #tpu.memory_space<vmem>>[vector<16xi32>, vector<16xi32>], vector<16xf32>,
        %mul3A_997 = arith.constant 16 : i32
        %mul3A_998 = arith.muli %scan3A_865, %mul3A_997 : i32
        %add3A_999 = vector.broadcast %mul3A_998 : i32 to vector<16xi32>
        %add3A_1000 = arith.addi %add3A_999, %iota3A : vector<16xi32>
        tpu.vector_store_idx %arg8[%add3A_995, %add3A_1000], %gather3A_996 : memref<32x128xf32, #tpu.memory_space<vmem>>[vector<16xi32>, vector<16xi32>], vector<16xf32>,
        %add3A_1001 = arith.constant 16 : i32
        %add3A_1002 = vector.broadcast %add3A_1001 : i32 to vector<16xi32>
        %add3A_1003 = arith.addi %and3A_667, %add3A_1002 : vector<16xi32>
        %gather3A_1004 = tpu.vector_load_idx %arg6[%add3A_873, %add3A_1003] : memref<3328x32xf32, #tpu.memory_space<vmem>>[vector<16xi32>, vector<16xi32>], vector<16xf32>,
        %mul3A_1005 = arith.constant 16 : i32
        %mul3A_1006 = arith.muli %scan3A_865, %mul3A_1005 : i32
        %add3A_1007 = vector.broadcast %mul3A_1006 : i32 to vector<16xi32>
        %add3A_1008 = arith.addi %add3A_1007, %iota3A : vector<16xi32>
        tpu.vector_store_idx %arg8[%add3A_1003, %add3A_1008], %gather3A_1004 : memref<32x128xf32, #tpu.memory_space<vmem>>[vector<16xi32>, vector<16xi32>], vector<16xf32>,
        %add3A_1009 = arith.constant 16 : i32
        %add3A_1010 = vector.broadcast %add3A_1009 : i32 to vector<16xi32>
        %add3A_1011 = arith.addi %and3A_673, %add3A_1010 : vector<16xi32>
        %gather3A_1012 = tpu.vector_load_idx %arg6[%add3A_873, %add3A_1011] : memref<3328x32xf32, #tpu.memory_space<vmem>>[vector<16xi32>, vector<16xi32>], vector<16xf32>,
        %mul3A_1013 = arith.constant 16 : i32
        %mul3A_1014 = arith.muli %scan3A_865, %mul3A_1013 : i32
        %add3A_1015 = vector.broadcast %mul3A_1014 : i32 to vector<16xi32>
        %add3A_1016 = arith.addi %add3A_1015, %iota3A : vector<16xi32>
        tpu.vector_store_idx %arg8[%add3A_1011, %add3A_1016], %gather3A_1012 : memref<32x128xf32, #tpu.memory_space<vmem>>[vector<16xi32>, vector<16xi32>], vector<16xf32>,
        %add3A_1017 = arith.constant 16 : i32
        %add3A_1018 = vector.broadcast %add3A_1017 : i32 to vector<16xi32>
        %add3A_1019 = arith.addi %and3A_679, %add3A_1018 : vector<16xi32>
        %gather3A_1020 = tpu.vector_load_idx %arg6[%add3A_873, %add3A_1019] : memref<3328x32xf32, #tpu.memory_space<vmem>>[vector<16xi32>, vector<16xi32>], vector<16xf32>,
        %mul3A_1021 = arith.constant 16 : i32
        %mul3A_1022 = arith.muli %scan3A_865, %mul3A_1021 : i32
        %add3A_1023 = vector.broadcast %mul3A_1022 : i32 to vector<16xi32>
        %add3A_1024 = arith.addi %add3A_1023, %iota3A : vector<16xi32>
        tpu.vector_store_idx %arg8[%add3A_1019, %add3A_1024], %gather3A_1020 : memref<32x128xf32, #tpu.memory_space<vmem>>[vector<16xi32>, vector<16xi32>], vector<16xf32>,
        %add3A_1025 = arith.constant 16 : i32
        %add3A_1026 = vector.broadcast %add3A_1025 : i32 to vector<16xi32>
        %add3A_1027 = arith.addi %and3A_685, %add3A_1026 : vector<16xi32>
        %gather3A_1028 = tpu.vector_load_idx %arg6[%add3A_873, %add3A_1027] : memref<3328x32xf32, #tpu.memory_space<vmem>>[vector<16xi32>, vector<16xi32>], vector<16xf32>,
        %mul3A_1029 = arith.constant 16 : i32
        %mul3A_1030 = arith.muli %scan3A_865, %mul3A_1029 : i32
        %add3A_1031 = vector.broadcast %mul3A_1030 : i32 to vector<16xi32>
        %add3A_1032 = arith.addi %add3A_1031, %iota3A : vector<16xi32>
        tpu.vector_store_idx %arg8[%add3A_1027, %add3A_1032], %gather3A_1028 : memref<32x128xf32, #tpu.memory_space<vmem>>[vector<16xi32>, vector<16xi32>], vector<16xf32>,
        %add3A_1033 = arith.constant 16 : i32
        %add3A_1034 = vector.broadcast %add3A_1033 : i32 to vector<16xi32>
        %add3A_1035 = arith.addi %and3A_691, %add3A_1034 : vector<16xi32>
        %gather3A_1036 = tpu.vector_load_idx %arg6[%add3A_873, %add3A_1035] : memref<3328x32xf32, #tpu.memory_space<vmem>>[vector<16xi32>, vector<16xi32>], vector<16xf32>,
        %mul3A_1037 = arith.constant 16 : i32
        %mul3A_1038 = arith.muli %scan3A_865, %mul3A_1037 : i32
        %add3A_1039 = vector.broadcast %mul3A_1038 : i32 to vector<16xi32>
        %add3A_1040 = arith.addi %add3A_1039, %iota3A : vector<16xi32>
        tpu.vector_store_idx %arg8[%add3A_1035, %add3A_1040], %gather3A_1036 : memref<32x128xf32, #tpu.memory_space<vmem>>[vector<16xi32>, vector<16xi32>], vector<16xf32>,
        %add3A_1041 = arith.constant 16 : i32
        %add3A_1042 = vector.broadcast %add3A_1041 : i32 to vector<16xi32>
        %add3A_1043 = arith.addi %and3A_697, %add3A_1042 : vector<16xi32>
        %gather3A_1044 = tpu.vector_load_idx %arg6[%add3A_873, %add3A_1043] : memref<3328x32xf32, #tpu.memory_space<vmem>>[vector<16xi32>, vector<16xi32>], vector<16xf32>,
        %mul3A_1045 = arith.constant 16 : i32
        %mul3A_1046 = arith.muli %scan3A_865, %mul3A_1045 : i32
        %add3A_1047 = vector.broadcast %mul3A_1046 : i32 to vector<16xi32>
        %add3A_1048 = arith.addi %add3A_1047, %iota3A : vector<16xi32>
        tpu.vector_store_idx %arg8[%add3A_1043, %add3A_1048], %gather3A_1044 : memref<32x128xf32, #tpu.memory_space<vmem>>[vector<16xi32>, vector<16xi32>], vector<16xf32>,
        %add3A_1049 = arith.constant 16 : i32
        %add3A_1050 = vector.broadcast %add3A_1049 : i32 to vector<16xi32>
        %add3A_1051 = arith.addi %and3A_703, %add3A_1050 : vector<16xi32>
        %gather3A_1052 = tpu.vector_load_idx %arg6[%add3A_873, %add3A_1051] : memref<3328x32xf32, #tpu.memory_space<vmem>>[vector<16xi32>, vector<16xi32>], vector<16xf32>,
        %mul3A_1053 = arith.constant 16 : i32
        %mul3A_1054 = arith.muli %scan3A_865, %mul3A_1053 : i32
        %add3A_1055 = vector.broadcast %mul3A_1054 : i32 to vector<16xi32>
        %add3A_1056 = arith.addi %add3A_1055, %iota3A : vector<16xi32>
        tpu.vector_store_idx %arg8[%add3A_1051, %add3A_1056], %gather3A_1052 : memref<32x128xf32, #tpu.memory_space<vmem>>[vector<16xi32>, vector<16xi32>], vector<16xf32>,
        %add3A_1057 = arith.constant 16 : i32
        %add3A_1058 = vector.broadcast %add3A_1057 : i32 to vector<16xi32>
        %add3A_1059 = arith.addi %and3A_709, %add3A_1058 : vector<16xi32>
        %gather3A_1060 = tpu.vector_load_idx %arg6[%add3A_873, %add3A_1059] : memref<3328x32xf32, #tpu.memory_space<vmem>>[vector<16xi32>, vector<16xi32>], vector<16xf32>,
        %mul3A_1061 = arith.constant 16 : i32
        %mul3A_1062 = arith.muli %scan3A_865, %mul3A_1061 : i32
        %add3A_1063 = vector.broadcast %mul3A_1062 : i32 to vector<16xi32>
        %add3A_1064 = arith.addi %add3A_1063, %iota3A : vector<16xi32>
        tpu.vector_store_idx %arg8[%add3A_1059, %add3A_1064], %gather3A_1060 : memref<32x128xf32, #tpu.memory_space<vmem>>[vector<16xi32>, vector<16xi32>], vector<16xf32>,
        %add3A_1065 = arith.constant 16 : i32
        %add3A_1066 = vector.broadcast %add3A_1065 : i32 to vector<16xi32>
        %add3A_1067 = arith.addi %and3A_715, %add3A_1066 : vector<16xi32>
        %gather3A_1068 = tpu.vector_load_idx %arg6[%add3A_873, %add3A_1067] : memref<3328x32xf32, #tpu.memory_space<vmem>>[vector<16xi32>, vector<16xi32>], vector<16xf32>,
        %mul3A_1069 = arith.constant 16 : i32
        %mul3A_1070 = arith.muli %scan3A_865, %mul3A_1069 : i32
        %add3A_1071 = vector.broadcast %mul3A_1070 : i32 to vector<16xi32>
        %add3A_1072 = arith.addi %add3A_1071, %iota3A : vector<16xi32>
        tpu.vector_store_idx %arg8[%add3A_1067, %add3A_1072], %gather3A_1068 : memref<32x128xf32, #tpu.memory_space<vmem>>[vector<16xi32>, vector<16xi32>], vector<16xf32>,
        %add3A_1073 = arith.constant 16 : i32
        %add3A_1074 = vector.broadcast %add3A_1073 : i32 to vector<16xi32>
        %add3A_1075 = arith.addi %and3A_721, %add3A_1074 : vector<16xi32>
        %gather3A_1076 = tpu.vector_load_idx %arg6[%add3A_873, %add3A_1075] : memref<3328x32xf32, #tpu.memory_space<vmem>>[vector<16xi32>, vector<16xi32>], vector<16xf32>,
        %mul3A_1077 = arith.constant 16 : i32
        %mul3A_1078 = arith.muli %scan3A_865, %mul3A_1077 : i32
        %add3A_1079 = vector.broadcast %mul3A_1078 : i32 to vector<16xi32>
        %add3A_1080 = arith.addi %add3A_1079, %iota3A : vector<16xi32>
        tpu.vector_store_idx %arg8[%add3A_1075, %add3A_1080], %gather3A_1076 : memref<32x128xf32, #tpu.memory_space<vmem>>[vector<16xi32>, vector<16xi32>], vector<16xf32>,
        %add3A_1081 = arith.constant 16 : i32
        %add3A_1082 = vector.broadcast %add3A_1081 : i32 to vector<16xi32>
        %add3A_1083 = arith.addi %and3A_727, %add3A_1082 : vector<16xi32>
        %gather3A_1084 = tpu.vector_load_idx %arg6[%add3A_873, %add3A_1083] : memref<3328x32xf32, #tpu.memory_space<vmem>>[vector<16xi32>, vector<16xi32>], vector<16xf32>,
        %mul3A_1085 = arith.constant 16 : i32
        %mul3A_1086 = arith.muli %scan3A_865, %mul3A_1085 : i32
        %add3A_1087 = vector.broadcast %mul3A_1086 : i32 to vector<16xi32>
        %add3A_1088 = arith.addi %add3A_1087, %iota3A : vector<16xi32>
        tpu.vector_store_idx %arg8[%add3A_1083, %add3A_1088], %gather3A_1084 : memref<32x128xf32, #tpu.memory_space<vmem>>[vector<16xi32>, vector<16xi32>], vector<16xf32>,
        %add3A_1089 = arith.constant 16 : i32
        %add3A_1090 = vector.broadcast %add3A_1089 : i32 to vector<16xi32>
        %add3A_1091 = arith.addi %and3A_733, %add3A_1090 : vector<16xi32>
        %gather3A_1092 = tpu.vector_load_idx %arg6[%add3A_873, %add3A_1091] : memref<3328x32xf32, #tpu.memory_space<vmem>>[vector<16xi32>, vector<16xi32>], vector<16xf32>,
        %mul3A_1093 = arith.constant 16 : i32
        %mul3A_1094 = arith.muli %scan3A_865, %mul3A_1093 : i32
        %add3A_1095 = vector.broadcast %mul3A_1094 : i32 to vector<16xi32>
        %add3A_1096 = arith.addi %add3A_1095, %iota3A : vector<16xi32>
        tpu.vector_store_idx %arg8[%add3A_1091, %add3A_1096], %gather3A_1092 : memref<32x128xf32, #tpu.memory_space<vmem>>[vector<16xi32>, vector<16xi32>], vector<16xf32>,
        %add3A_1097 = arith.constant 16 : i32
        %add3A_1098 = vector.broadcast %add3A_1097 : i32 to vector<16xi32>
        %add3A_1099 = arith.addi %and3A_739, %add3A_1098 : vector<16xi32>
        %gather3A_1100 = tpu.vector_load_idx %arg6[%add3A_873, %add3A_1099] : memref<3328x32xf32, #tpu.memory_space<vmem>>[vector<16xi32>, vector<16xi32>], vector<16xf32>,
        %mul3A_1101 = arith.constant 16 : i32
        %mul3A_1102 = arith.muli %scan3A_865, %mul3A_1101 : i32
        %add3A_1103 = vector.broadcast %mul3A_1102 : i32 to vector<16xi32>
        %add3A_1104 = arith.addi %add3A_1103, %iota3A : vector<16xi32>
        tpu.vector_store_idx %arg8[%add3A_1099, %add3A_1104], %gather3A_1100 : memref<32x128xf32, #tpu.memory_space<vmem>>[vector<16xi32>, vector<16xi32>], vector<16xf32>,
        %add3A_1105 = arith.constant 16 : i32
        %add3A_1106 = vector.broadcast %add3A_1105 : i32 to vector<16xi32>
        %add3A_1107 = arith.addi %and3A_745, %add3A_1106 : vector<16xi32>
        %gather3A_1108 = tpu.vector_load_idx %arg6[%add3A_873, %add3A_1107] : memref<3328x32xf32, #tpu.memory_space<vmem>>[vector<16xi32>, vector<16xi32>], vector<16xf32>,
        %mul3A_1109 = arith.constant 16 : i32
        %mul3A_1110 = arith.muli %scan3A_865, %mul3A_1109 : i32
        %add3A_1111 = vector.broadcast %mul3A_1110 : i32 to vector<16xi32>
        %add3A_1112 = arith.addi %add3A_1111, %iota3A : vector<16xi32>
        tpu.vector_store_idx %arg8[%add3A_1107, %add3A_1112], %gather3A_1108 : memref<32x128xf32, #tpu.memory_space<vmem>>[vector<16xi32>, vector<16xi32>], vector<16xf32>,
        %add3A_1113 = arith.constant 16 : i32
        %add3A_1114 = vector.broadcast %add3A_1113 : i32 to vector<16xi32>
        %add3A_1115 = arith.addi %and3A_751, %add3A_1114 : vector<16xi32>
        %gather3A_1116 = tpu.vector_load_idx %arg6[%add3A_873, %add3A_1115] : memref<3328x32xf32, #tpu.memory_space<vmem>>[vector<16xi32>, vector<16xi32>], vector<16xf32>,
        %mul3A_1117 = arith.constant 16 : i32
        %mul3A_1118 = arith.muli %scan3A_865, %mul3A_1117 : i32
        %add3A_1119 = vector.broadcast %mul3A_1118 : i32 to vector<16xi32>
        %add3A_1120 = arith.addi %add3A_1119, %iota3A : vector<16xi32>
        tpu.vector_store_idx %arg8[%add3A_1115, %add3A_1120], %gather3A_1116 : memref<32x128xf32, #tpu.memory_space<vmem>>[vector<16xi32>, vector<16xi32>], vector<16xf32>,
        %add3A_1121 = arith.constant 16 : i32
        %add3A_1122 = vector.broadcast %add3A_1121 : i32 to vector<16xi32>
        %add3A_1123 = arith.addi %and3A_757, %add3A_1122 : vector<16xi32>
        %gather3A_1124 = tpu.vector_load_idx %arg6[%add3A_873, %add3A_1123] : memref<3328x32xf32, #tpu.memory_space<vmem>>[vector<16xi32>, vector<16xi32>], vector<16xf32>,
        %mul3A_1125 = arith.constant 16 : i32
        %mul3A_1126 = arith.muli %scan3A_865, %mul3A_1125 : i32
        %add3A_1127 = vector.broadcast %mul3A_1126 : i32 to vector<16xi32>
        %add3A_1128 = arith.addi %add3A_1127, %iota3A : vector<16xi32>
        tpu.vector_store_idx %arg8[%add3A_1123, %add3A_1128], %gather3A_1124 : memref<32x128xf32, #tpu.memory_space<vmem>>[vector<16xi32>, vector<16xi32>], vector<16xf32>,
        %scan3A_1129 = arith.constant 0 : i32
        scf.yield %scan3A_1129 : i32
      }
      %scan3A_857 = arith.constant 8 : i32
      %dma_start3A_858 = arith.constant 0 : i32
      %dma_start3A_859 = tpu.memref_slice %arg4[%add3A_850, %dma_start3A_858, %mul3A_2] : memref<26x32x4096xf32, #tpu.memory_space<hbm>> -> memref<1x32x128xf32, #tpu.memory_space<hbm>>
      %dma_start3A_860 = tpu.memref_squeeze %dma_start3A_859 : memref<1x32x128xf32, #tpu.memory_space<hbm>> -> memref<32x128xf32, #tpu.memory_space<hbm>>
      %dma_start3A_861 = arith.constant 0 : i32
      %dma_start3A_862 = tpu.memref_slice %arg4[%add3A_850, %dma_start3A_861, %mul3A_2] : memref<26x32x4096xf32, #tpu.memory_space<hbm>> -> memref<1x32x128xf32, #tpu.memory_space<hbm>>
      %dma_start3A_863 = tpu.memref_squeeze %dma_start3A_862 : memref<1x32x128xf32, #tpu.memory_space<hbm>> -> memref<32x128xf32, #tpu.memory_space<hbm>>
      tpu.enqueue_dma source(%arg8 : memref<32x128xf32, #tpu.memory_space<vmem>>) target(%dma_start3A_863 : memref<32x128xf32, #tpu.memory_space<hbm>>) target_semaphore(%arg11 : memref<!tpu.dma_semaphore, #tpu.memory_space<semaphore_mem>>)
      %scan3A_864 = arith.constant 0 : i32
      scf.yield %scan3A_864 : i32
    }
    %scan3A_791 = arith.constant 12 : i32
    %dma_wait3A_792 = arith.constant 0 : i32
    %dma_wait3A_793 = arith.constant 0 : i32
    %dma_wait3A_794 = arith.constant 0 : i32
    %dma_wait3A_795 = tpu.memref_slice %arg4[%dma_wait3A_792, %dma_wait3A_793, %dma_wait3A_794] : memref<26x32x4096xf32, #tpu.memory_space<hbm>> -> memref<1x32x128xf32, #tpu.memory_space<hbm>>
    %dma_wait3A_796 = tpu.memref_squeeze %dma_wait3A_795 : memref<1x32x128xf32, #tpu.memory_space<hbm>> -> memref<32x128xf32, #tpu.memory_space<hbm>>
    %dma_wait3A_797 = arith.constant 0 : i32
    %dma_wait3A_798 = arith.constant 0 : i32
    %dma_wait3A_799 = tpu.memref_slice %arg4[%dma_wait3A_792, %dma_wait3A_797, %dma_wait3A_798] : memref<26x32x4096xf32, #tpu.memory_space<hbm>> -> memref<1x32x128xf32, #tpu.memory_space<hbm>>
    %dma_wait3A_800 = tpu.memref_squeeze %dma_wait3A_799 : memref<1x32x128xf32, #tpu.memory_space<hbm>> -> memref<32x128xf32, #tpu.memory_space<hbm>>
    tpu.wait_dma2 semaphore(%arg10 : memref<!tpu.dma_semaphore, #tpu.memory_space<semaphore_mem>>) src(%dma_wait3A_800 : memref<32x128xf32, #tpu.memory_space<hbm>>) dst(%arg7 : memref<32x128xf32, #tpu.memory_space<vmem>>)
    %dma_wait3A_801 = arith.constant 0 : i32
    %dma_wait3A_802 = arith.constant 0 : i32
    %dma_wait3A_803 = arith.constant 0 : i32
    %dma_wait3A_804 = tpu.memref_slice %arg4[%dma_wait3A_801, %dma_wait3A_802, %dma_wait3A_803] : memref<26x32x4096xf32, #tpu.memory_space<hbm>> -> memref<1x32x128xf32, #tpu.memory_space<hbm>>
    %dma_wait3A_805 = tpu.memref_squeeze %dma_wait3A_804 : memref<1x32x128xf32, #tpu.memory_space<hbm>> -> memref<32x128xf32, #tpu.memory_space<hbm>>
    %dma_wait3A_806 = arith.constant 0 : i32
    %dma_wait3A_807 = arith.constant 0 : i32
    %dma_wait3A_808 = tpu.memref_slice %arg4[%dma_wait3A_801, %dma_wait3A_806, %dma_wait3A_807] : memref<26x32x4096xf32, #tpu.memory_space<hbm>> -> memref<1x32x128xf32, #tpu.memory_space<hbm>>
    %dma_wait3A_809 = tpu.memref_squeeze %dma_wait3A_808 : memref<1x32x128xf32, #tpu.memory_space<hbm>> -> memref<32x128xf32, #tpu.memory_space<hbm>>
    tpu.wait_dma2 semaphore(%arg11 : memref<!tpu.dma_semaphore, #tpu.memory_space<semaphore_mem>>) src(%dma_wait3A_809 : memref<32x128xf32, #tpu.memory_space<hbm>>) dst(%arg8 : memref<32x128xf32, #tpu.memory_space<vmem>>)
    return
  }
}

</mosaic_0001>

<sc_bundles>
// kernel: kernel.3.cloned.1.call-start
scs
__scs_entry_jumppad:
0x0: {  	(pc) =	sbr.rel $0x88, $3  }
0x1: {  	(tag) =	ssettag $0x0;
	lr =	simm.s32 $0x1  }
0x2: {  	[smem:$0x3F9F] =	sst lr;
	_ =	strace $0xD0000000  }
0x3: {  	_ = 	snop  }
0x4: {  	_ = 	snop  }
0x5: {  	_ = 	snop  }
0x6: {  	_ = 	snop  }
0x7: {  	_ = 	snop  }
__scs_overlays_trampoline_lowered:
0x8: {  	[smem:$0x3FAE] =	sst s0  }
0x9: {  	[smem:$0x3FAF] =	sst s1  }
0xa: {  	[smem:$0x3FB0] =	sst s2  }
0xb: {  	[smem:$0x3FB1] =	sst s3  }
0xc: {  	[smem:$0x3FB2] =	sst s4  }
0xd: {  	[smem:$0x3FB3] =	sst s5  }
0xe: {  	[smem:$0x3FB4] =	sst s6  }
0xf: {  	[smem:$0x3FB5] =	sst s7  }
0x10: {  	[smem:$0x3FB6] =	sst s8  }
0x11: {  	[smem:$0x3FB7] =	sst s9;
	s0 =	simm.s32 @!p0 $0x0  }
0x12: {  	s1 =	sld [smem:$0x3F9D];
	s0 =	simm.s32 @p0 $0x1  }
0x13: {  	[smem:$0x3FB8] =	sst s0;
	s0 =	simm.s32 @!p1 $0x0  }
0x14: {  	s2 =	sld [smem:$0x3F9C];
	s0 =	simm.s32 @p1 $0x1  }
0x15: {  	[smem:$0x3FB9] =	sst s0;
	s0 =	simm.s32 @!p2 $0x0  }
0x16: {  	s3 =	sld [smem:$0x3FDB];
	s0 =	simm.s32 @p2 $0x1  }
0x17: {  	s4 =	simm.s32 $0x1BF5;
	[smem:$0x3FBB] =	sst s0  }
0x18: {  	s0 =	sld [smem:$0x3F9E];
	_ =	swait.ge [sflag:s4], $0x0  }
0x19: {  	s7 =	sld [smem:$0x3F9F]  }
0x1a: {  	s8 =	sadd.s32 $0xFFFFE003, lr  }
0x1b: {  	s9 =	sadd.s32 $0xFFFFFEF7, lr;
	s5 =	simm.s32 $0xFFFFFFFF;
	p2 =	slt.u32 s8, $0xFFFFF086  }
0x1c: {  	p1 =	slt.u32 s9, $0xF7A;
	s5 =	simm.s32 @!p2 $0x0  }
0x1d: {  	s5 =	simm.s32 @p1 $0x1;
	p0 =	seq.s32 s7, s2  }
0x1e: {  	s7 =	smul.u32 @!p0 $0xF7A, s2;
	p2 =	seq.s32 @!p0 s5, $0x0  }
0x1f: {  	s9 =	smul.u32 $0xF7A, s1;
	s8 =	simm.s32 @!p0 $0x1BF5;
	p2 =	por !p2, p0  }
0x20: {  	[sflag:s8] =	ssyncset.s32 @!p0 $0xFFFFF086;
	s6 =	sadd.s32 @!p0 s3, s7;
	s7 =	simm.s32 @!p0 $0x108  }
0x21: {  	s3 =	sadd.s32 s3, s9;
	s6 =	sadd.s32 @!p0 $0x88, s6;
	s7 =	simm.s32 @p2 $0x1082  }
0x22: {  	[simem:s7], [sflag:s8] =	dma.local @!p0 [hbm:s6], $0xF7A  }
0x23: {  	s9 =	sor.u32 $0xD0000000, s2;
	s6 =	simm.s32 $0x108;
	_ =	swait.ge @!p0 [sflag:s8], $0x0  }
0x24: {  	s3 =	sadd.s32 $0x88, s3;
	s6 =	simm.s32 @!p1 $0x1082;
	[sflag:s4] =	ssyncset.s32 $0xFFFFF086  }
0x25: {  	[simem:s6], [sflag:s4] =	dma.local [hbm:s3], $0xF7A  }
0x26: {  	[smem:$0x3F9F] =	sst s1;
	(tag) =	ssettag s2;
	_ =	strace s9  }
0x27: {  	s1 =	sld [smem:$0x3FAF]  }
0x28: {  	s2 =	sld [smem:$0x3FB0]  }
0x29: {  	s4 =	sld [smem:$0x3FB2]  }
0x2a: {  	p0 =	seq.s32 s5, $0x0;
	s5 =	sld [smem:$0x3FB3]  }
0x2b: {  	s6 =	sld [smem:$0x3FB4]  }
0x2c: {  	s7 =	sld [smem:$0x3FB5]  }
0x2d: {  	s3 =	simm.s32 $0x108;
	s8 =	sld [smem:$0x3FB6]  }
0x2e: {  	s3 =	simm.s32 @!p0 $0x1082;
	s9 =	sld [smem:$0x3FB7]  }
0x2f: {  	lr =	sadd.s32 s0, s3;
	s0 =	sld [smem:$0x3FAE]  }
0x30: {  	s3 =	sld [smem:$0x3FB1]  }
0x31: {  	[smem:$0x3FBA] =	sst s10  }
0x32: {  	s10 =	sld [smem:$0x3FB8];
	_ =	sdelay $0x3  }
0x33: {  	p0 =	seq.s32 s10, $0x1;
	s10 =	sld [smem:$0x3FBA];
	_ =	sdelay $0x3  }
0x34: {  	[smem:$0x3FBA] =	sst s10  }
0x35: {  	s10 =	sld [smem:$0x3FB9];
	_ =	sdelay $0x3  }
0x36: {  	p1 =	seq.s32 s10, $0x1;
	s10 =	sld [smem:$0x3FBA];
	_ =	sdelay $0x3  }
0x37: {  	[smem:$0x3FBA] =	sst s10  }
0x38: {  	s10 =	sld [smem:$0x3FBB]  }
0x39: {  	_ = 	snop;
	(pc) =	sbr.ind lr, $3  }
0x3a: {  	_ = 	snop  }
0x3b: {  	_ = 	snop  }
0x3c: {  	p2 =	seq.s32 s10, $0x1;
	s10 =	sld [smem:$0x3FBA]  }
0x3d: {  	_ =	shalt  }
0x3e: {  	_ =	shalt  }
0x3f: {  	_ =	shalt  }
0x40: {  	_ =	shalt  }
0x41: {  	_ =	shalt  }
0x42: {  	_ =	shalt  }
0x43: {  	_ =	shalt  }
0x44: {  	_ =	shalt  }
0x45: {  	_ =	shalt  }
0x46: {  	_ =	shalt  }
0x47: {  	_ =	shalt  }
0x48: {  	_ =	shalt  }
0x49: {  	_ =	shalt  }
0x4a: {  	_ =	shalt  }
0x4b: {  	_ =	shalt  }
0x4c: {  	_ =	shalt  }
0x4d: {  	_ =	shalt  }
0x4e: {  	_ =	shalt  }
0x4f: {  	_ =	shalt  }
0x50: {  	_ =	shalt  }
0x51: {  	_ =	shalt  }
0x52: {  	_ =	shalt  }
0x53: {  	_ =	shalt  }
0x54: {  	_ =	shalt  }
0x55: {  	_ =	shalt  }
0x56: {  	_ =	shalt  }
0x57: {  	_ =	shalt  }
0x58: {  	_ =	shalt  }
0x59: {  	_ =	shalt  }
0x5a: {  	_ =	shalt  }
0x5b: {  	_ =	shalt  }
0x5c: {  	_ =	shalt  }
0x5d: {  	_ =	shalt  }
0x5e: {  	_ =	shalt  }
0x5f: {  	_ =	shalt  }
0x60: {  	_ =	shalt  }
0x61: {  	_ =	shalt  }
0x62: {  	_ =	shalt  }
0x63: {  	_ =	shalt  }
0x64: {  	_ =	shalt  }
0x65: {  	_ =	shalt  }
0x66: {  	_ =	shalt  }
0x67: {  	_ =	shalt  }
0x68: {  	_ =	shalt  }
0x69: {  	_ =	shalt  }
0x6a: {  	_ =	shalt  }
0x6b: {  	_ =	shalt  }
0x6c: {  	_ =	shalt  }
0x6d: {  	_ =	shalt  }
0x6e: {  	_ =	shalt  }
0x6f: {  	_ =	shalt  }
0x70: {  	_ =	shalt  }
0x71: {  	_ =	shalt  }
0x72: {  	_ =	shalt  }
0x73: {  	_ =	shalt  }
0x74: {  	_ =	shalt  }
0x75: {  	_ =	shalt  }
0x76: {  	_ =	shalt  }
0x77: {  	_ =	shalt  }
0x78: {  	_ =	shalt  }
0x79: {  	_ =	shalt  }
0x7a: {  	_ =	shalt  }
0x7b: {  	_ =	shalt  }
0x7c: {  	_ =	shalt  }
0x7d: {  	_ =	shalt  }
0x7e: {  	_ =	shalt  }
0x7f: {  	_ =	shalt  }
0x80: {  	_ =	shalt  }
0x81: {  	_ =	shalt  }
0x82: {  	_ =	shalt  }
0x83: {  	_ =	shalt  }
0x84: {  	_ =	shalt  }
0x85: {  	_ =	shalt  }
0x86: {  	_ =	shalt  }
0x87: {  	_ =	shalt  }
.Lfunc_end0:
.L_simem_size_0:
called_computation_lowered:
.L_overlay_start_0:
0x88: {  	s2 =	sld [smem:$0x3FD9]  }
0x89: {  	s3 =	sld [smem:$0x3FFE];
	_ =	sdelay $0x1  }
0x8a: {  	s1 =	srdreg.scid  }
0x8b: {  	s0 =	sand.u32 $0x1, s1  }
0x8c: {  	s17 =	sshll.u32 s0, $0xA;
	s2 =	sadd.s32 s3, s2  }
0x8d: {  	s2 =	sadd.s32 s2, s17  }
0x8e: {  	[smem:$0x3FC6] =	sst s2  }
0x8f: {  	_ = 	snop  }
0x90: {  	s2 =	sld [smem:$0x3FD0];
	(tm) =	ssettm $0x1  }
0x91: {  	s18 =	sld [smem:$0x3FFB];
	_ =	sdelay $0x3  }
0x92: {  	_ =	strace s18  }
0x93: {  	s3 =	sld [smem:$0x3FFC];
	_ =	sdelay $0x3  }
0x94: {  	_ =	strace s3  }
0x95: {  	s3 =	sld [smem:$0x3FFD];
	_ =	sdelay $0x3  }
0x96: {  	_ =	strace s3  }
0x97: {  	_ =	strace $0x8FFFFFFF  }
0x98: {  	s19 =	sld [smem:$0x3FDB];
	_ =	sdelay $0x1  }
0x99: {  	s4 =	simm.s32 $_scs_section_size  }
0x9a: {  	s5 =	simm.s32 $_size__tile_overlayer_lowered;
	s6 =	simm.s32 $_tile_overlayer_lowered  }
0x9b: {  	s22 =	simm.s32 $0x1BFF;
	s21 =	sshll.u32 s6, $0x1;
	s3 =	sadd.s32 s4, s19  }
0x9c: {  	s7 =	simm.s32 $0x0;
	s20 =	sshll.u32 s5, $0x1;
	s5 =	sadd.s32 s21, s3  }
0x9d: {  	[timem:s7], [sflag:s22] =	dma.local [hbm:s5], s20  }
0x9e: {  	_ =	swait.ge [sflag:s22], s20  }
0x9f: {  	s4 =	ssub.s32 $0x0, s20;
	[sflag:s22] =	ssyncset.done $0x0  }
0xa0: {  	[sflag:s22] =	ssyncadd.s32 s4;
	_ =	sdelay $0x1  }
0xa1: {  	s23 =	simm.s32 $0x1B8B  }
0xa2: {  	_ =	swait.ge [sflag:s23], $0x1  }
0xa3: {  	[sflag:s23] =	ssyncset.done $0x0  }
0xa4: {  	s25 =	simm.s32 $0x1B8E;
	s24 =	sld [smem:$0x3FFE];
	[sflag:s23] =	ssyncadd.s32 $0xFFFFFFFF  }
0xa5: {  	s26 =	simm.s32 $execute0_lowered;
	[smem:$0x3FD2] =	sst s25  }
0xa6: {  	s5 =	sshll.u32 s26, $0x1;
	_ =	strace $0x80000046;
	[dreg:$0x1] =	wrdreg $0xFFFFFFFF  }
0xa7: {  	s28 =	simm.s32 $_size_execute0_lowered;
	s3 =	sadd.s32 s3, s5;
	[dreg:$0x0] =	wrdreg $0x0  }
0xa8: {  	s5 =	sshll.u32 s28, $0x1;
	[dreg:$0x2] =	wrdreg s3  }
0xa9: {  	[dreg:$0x3] =	wrdreg s5  }
0xaa: {  	[dreg:$0x4] =	wrdreg $0xC0  }
0xab: {  	_ =	task [dreg:s7], $0x5FFFF  }
0xac: {  	[dreg:$0x1] =	wrdreg $0xFFFFFFFF  }
0xad: {  	[dreg:$0x0] =	wrdreg $0x60  }
0xae: {  	[dreg:$0x2] =	wrdreg s2  }
0xaf: {  	[dreg:$0x3] =	wrdreg s24  }
0xb0: {  	[dreg:$0x4] =	wrdreg $0x9  }
0xb1: {  	_ =	task.clear_ibuf [dreg:s7], $0x5FFFF;
	_ =	strace $0x90000046  }
0xb2: {  	s29 =	simm.s32 $0x9;
	_ =	strace $0x80000048  }
0xb3: {  	_ =	swait.ge [sflag:s29], $0x1  }
0xb4: {  	[sflag:s29] =	ssyncadd.s32 $0xFFFFFFFF  }
0xb5: {  	_ =	strace $0x90000048  }
0xb6: {  	_ =	sfence  }
0xb7: {  	s30 =	sld [smem:$0x0];
	_ =	sdelay $0x2  }
0xb8: {  	s31 =	sshll.u32 s1, $0xD;
	s1 =	sshrl.u32 s1, $0x2  }
0xb9: {  	s3 =	sand.u32 $0x4000, s31;
	s1 =	sadd.s32 s1, s30  }
0xba: {  	s0 =	sor.u32 s3, s0;
	s1 =	sshll.u32 s1, $0x11  }
0xbb: {  	s0 =	sor.u32 s1, s0  }
0xbc: {  	s0 =	sadd.s32 $0x8F2B, s0  }
0xbd: {  	[sflag:s0] =	ssyncadd.remote.s32 $0x1  }
0xbe: {  	_ =	sfence.sel $0xFFFF  }
0xbf: {  	[dreg:$0x0] =	wrdreg $0xFFFFFFFF;
	(pc) =	sbr.abs _section_cstart, $3  }
0xc0: {  	[dreg:$0x1] =	wrdreg $0xFFFFFFFF  }
0xc1: {  	_ =	task.clear_ibuf [dreg:s7], $0x2FFFF;
	_ =	strace $0x9FFFFFFF  }
0xc2: {  	(tm) =	ssettm $0x7FFFFFFF  }
0xc3: {  	_ =	shalt  }
tec
execute0_lowered:
.L_overlay_start_1:
0x0: {  	(tag) =	ssettag $0x1  }
0x1: {  	vm15 =	vcmask $0x300;
	v0 =	vimm.s32 $0x787  }
0x2: {  	vm14 =	vcmask $0x704;
	vm13 =	vcmask $0xB08;
	vm12 =	vcmask $0xF0C  }
0x3: {  	vm11 =	vcmask $0x1310;
	vm10 =	vcmask $0x1714;
	vm9 =	vcmask $0x1B18  }
0x4: {  	vm8 =	vcmask $0x1F1C;
	vm7 =	vcmask $0x2320;
	vm6 =	vcmask $0x2724  }
0x5: {  	vm4 =	vcmask $0x2B28;
	v1 =	vimm.s32 $0x7;
	vm5 =	vcmask $0x2F2C  }
0x6: {  	vm3 =	vcmask $0x3330;
	vm1 =	vcmask $0x3734;
	v2 =	vimm.s32 $0xFEDCBA9  }
0x7: {  	v3 =	vimm.s32 $0x87654321;
	vm2 =	vcmask $0x3B38;
	v61 =	vimm.s32 $0x10FEDCBA  }
0x8: {  	v62 =	vimm.s32 $0x98765432;
	v7 =	vimm.s32 $0x107;
	v30 =	vimm.s32 $0x210FEDCB  }
0x9: {  	v31 =	vimm.s32 $0xA9876543;
	v8 =	vimm.s32 $0x187;
	v35 =	vimm.s32 $0xBA987654  }
0xa: {  	v36 =	vimm.s32 $0x207;
	v38 =	vimm.s32 $0x43210FED;
	v39 =	vimm.s32 $0xCBA98765  }
0xb: {  	v43 =	vimm.s32 $0x287;
	v11 =	vimm.s32 $0x543210FE;
	v13 =	vimm.s32 $0xDCBA9876  }
0xc: {  	v45 =	vimm.s32 $0x307;
	v15 =	vimm.s32 $0xEDCBA987;
	v17 =	vimm.s32 $0x76543210  }
0xd: {  	v52 =	vimm.s32 $0xA07;
	v53 =	vimm.s32 $0xA87;
	v54 =	vimm.s32 $0xB07  }
0xe: {  	v55 =	vimm.s32 $0xB87;
	v56 =	vimm.s32 $0xC07;
	v57 =	vimm.s32 $0xE87  }
0xf: {  	v58 =	vimm.s32 $0xF07;
	v59 =	vimm.s32 $0xF;
	v26 =	vimm.s32 $0x8F  }
0x10: {  	v25 =	vimm.s32 $0x16151413;
	v0 =	vsel vm15, $0x0, v0;
	v1 =	vsel vm15, $0x80, v1  }
0x11: {  	v2 =	vunpack.c.l.s4.s8 v2;
	v3 =	vunpack.c.l.s4.s8 v3;
	v27 =	vsel vm15, $0x180, v7  }
0x12: {  	v7 =	vunpack.c.l.s4.s8 v31;
	v32 =	vsel vm15, $0x200, v8;
	v37 =	vsel vm15, $0x280, v36  }
0x13: {  	v11 =	vunpack.c.l.s4.s8 v11;
	v13 =	vunpack.c.l.s4.s8 v13;
	v15 =	vunpack.c.l.s4.s8 v15  }
0x14: {  	v8 =	vsel vm15, $0xC00, v55;
	v26 =	vsel vm15, $0x100, v26;
	v31 =	vimm.s32 $0x20F  }
0x15: {  	v36 =	vimm.s32 $0x48F;
	v55 =	vimm.s32 $0xE8F;
	v0 =	vsel vm14, $0x81, v0  }
0x16: {  	v1 =	vsel vm14, $0x101, v1;
	v31 =	vsel vm15, $0x280, v31;
	v36 =	vsel vm15, $0x500, v36  }
0x17: {  	v55 =	vsel vm15, $0xF00, v55;
	v0 =	vsel vm13, $0x102, v0;
	v1 =	vsel vm13, $0x182, v1  }
0x18: {  	v12 =	vunpack.c.0.s8.s32 v7;
	v18 =	vunpack.c.0.s8.s32 v11;
	v20 =	vunpack.c.0.s8.s32 v13  }
0x19: {  	v11 =	vsel vm15, $0x380, v45;
	v24 =	vunpack.c.0.s8.s32 v15;
	v45 =	vimm.s32 $0x98F  }
0x1a: {  	v0 =	vsel vm12, $0x183, v0;
	v1 =	vsel vm12, $0x203, v1;
	v11 =	vsel vm14, $0x401, v11  }
0x1b: {  	v45 =	vsel vm15, $0xA00, v45;
	v0 =	vsel vm11, $0x204, v0;
	v1 =	vsel vm11, $0x284, v1  }
0x1c: {  	v13 =	vcombine.low v20, v18;
	v0 =	vsel vm10, $0x285, v0;
	v1 =	vsel vm10, $0x305, v1  }
0x1d: {  	v46 =	vsel vm13, $0x482, v11;
	v0 =	vsel vm9, $0x306, v0;
	v1 =	vsel vm9, $0x386, v1  }
0x1e: {  	v47 =	vand.u32 $0xF, v13;
	v13 =	vimm.s32 $0x6543210F;
	v0 =	vsel vm8, $0x387, v0  }
0x1f: {  	v1 =	vsel vm8, $0x407, v1;
	[tilespmem:$0x1FAA0] =	vst v47;
	v13 =	vunpack.c.l.s4.s8 v13;
	v47 =	vimm.s32 $0xA8F  }
0x20: {  	v0 =	vsel vm7, $0x400, v0;
	v1 =	vsel vm7, $0x480, v1;
	v47 =	vsel vm15, $0xB00, v47  }
0x21: {  	v0 =	vsel vm6, $0x481, v0;
	v1 =	vsel vm6, $0x501, v1;
	v22 =	vunpack.c.0.s8.s32 v13  }
0x22: {  	v13 =	vimm.s32 $0x387;
	v0 =	vsel vm4, $0x502, v0;
	v1 =	vsel vm4, $0x582, v1  }
0x23: {  	v13 =	vsel vm15, $0x400, v13;
	v0 =	vsel vm5, $0x583, v0;
	v1 =	vsel vm5, $0x603, v1  }
0x24: {  	v15 =	vcombine.low v24, v22;
	v13 =	vsel vm14, $0x481, v13;
	v0 =	vsel vm3, $0x604, v0  }
0x25: {  	v6 =	vsel vm3, $0x684, v1;
	v48 =	vsel vm13, $0x502, v13;
	v4 =	vsel vm1, $0x685, v0  }
0x26: {  	v0 =	vunpack.c.0.s8.s32 v2;
	v2 =	vunpack.c.0.s8.s32 v3;
	v3 =	vimm.s32 $0x87  }
0x27: {  	v6 =	vsel vm1, $0x705, v6;
	v49 =	vand.u32 $0xF, v15;
	v15 =	vimm.s32 $0xFEDCBA98  }
0x28: {  	v3 =	vsel vm15, $0x100, v3;
	v4 =	vsel vm2, $0x706, v4;
	v6 =	vsel vm2, $0x786, v6;
	[tilespmem:$0x1FAC0] =	vst v49  }
0x29: {  	v15 =	vunpack.c.l.s4.s8 v15;
	v49 =	vimm.s32 $0xB8F;
	v5 =	vcombine.low v2, v0;
	[tilespmem:$0x1F9F0] =	vst v4  }
0x2a: {  	v3 =	vsel vm14, $0x181, v3;
	v4 =	vunpack.c.l.s4.s8 v61;
	[tilespmem:$0x1FA10] =	vst v6;
	v6 =	vunpack.c.l.s4.s8 v30  }
0x2b: {  	v0 =	vcombine.low v0, v2;
	v30 =	vimm.s32 $0x18F;
	v49 =	vsel vm15, $0xC00, v49  }
0x2c: {  	v3 =	vsel vm13, $0x202, v3;
	v15 =	vunpack.c.0.s8.s32 v15;
	v30 =	vsel vm15, $0x200, v30  }
0x2d: {  	v60 =	vand.u32 $0xF, v5;
	v3 =	vsel vm12, $0x283, v3;
	v5 =	vunpack.c.l.s4.s8 v62  }
0x2e: {  	v1 =	vunpack.c.0.s8.s32 v4;
	v10 =	vunpack.c.0.s8.s32 v6;
	v6 =	vsel vm14, $0x281, v32  }
0x2f: {  	v0 =	vand.u32 $0xF, v0;
	v4 =	vsel vm15, $0xA80, v52;
	v32 =	vimm.s32 $0x28F  }
0x30: {  	v3 =	vsel vm11, $0x304, v3;
	v63 =	vunpack.c.0.s8.s32 v5;
	v5 =	vsel vm14, $0x201, v27  }
0x31: {  	v52 =	vimm.s32 $0xD0F;
	v3 =	vsel vm10, $0x385, v3;
	v5 =	vsel vm13, $0x282, v5  }
0x32: {  	v62 =	vsel vm14, $0xF81, v55;
	v3 =	vsel vm9, $0x406, v3;
	v5 =	vsel vm12, $0x303, v5  }
0x33: {  	v6 =	vsel vm13, $0x302, v6;
	v3 =	vsel vm8, $0x487, v3;
	v5 =	vsel vm11, $0x384, v5  }
0x34: {  	v15 =	vand.u32 $0xF, v15;
	v3 =	vsel vm7, $0x500, v3;
	v5 =	vsel vm10, $0x405, v5  }
0x35: {  	v32 =	vsel vm15, $0x300, v32;
	v3 =	vsel vm6, $0x581, v3;
	v5 =	vsel vm9, $0x486, v5  }
0x36: {  	v52 =	vsel vm15, $0xD80, v52;
	v3 =	vsel vm4, $0x602, v3;
	v5 =	vsel vm8, $0x507, v5  }
0x37: {  	v7 =	vcombine.low v12, v10;
	v3 =	vsel vm5, $0x683, v3;
	v5 =	vsel vm7, $0x580, v5  }
0x38: {  	v6 =	vsel vm12, $0x383, v6;
	v3 =	vsel vm3, $0x704, v3;
	v5 =	vsel vm6, $0x601, v5  }
0x39: {  	v27 =	vimm.s32 $0x1D1C1B1A;
	v3 =	vsel vm1, $0x785, v3;
	v5 =	vsel vm4, $0x682, v5  }
0x3a: {  	v33 =	vsel vm11, $0x404, v6;
	v3 =	vsel vm2, $0x6, v3;
	v5 =	vsel vm5, $0x703, v5  }
0x3b: {  	v6 =	vunpack.c.l.s4.s8 v35;
	v35 =	vimm.s32 $0x40F;
	[tilespmem:$0x1FA30] =	vst v3;
	v3 =	vsel vm3, $0x784, v5  }
0x3c: {  	v28 =	vcombine.low v63, v1;
	v34 =	vand.u32 $0xF, v7;
	v3 =	vsel vm1, $0x5, v3  }
0x3d: {  	v7 =	vunpack.c.l.s4.s8 v39;
	v5 =	vsel vm10, $0x485, v33;
	v3 =	vsel vm2, $0x86, v3  }
0x3e: {  	v1 =	vcombine.low v1, v63;
	v5 =	vsel vm9, $0x506, v5;
	[tilespmem:$0x1FA50] =	vst v3;
	v3 =	vimm.s32 $0x3210FEDC  }
0x3f: {  	v35 =	vsel vm15, $0x480, v35;
	v5 =	vsel vm8, $0x587, v5;
	v3 =	vunpack.c.l.s4.s8 v3  }
0x40: {  	v39 =	vimm.s32 $0x60F;
	v16 =	vunpack.c.0.s8.s32 v6;
	v5 =	vsel vm7, $0x600, v5  }
0x41: {  	v14 =	vunpack.c.0.s8.s32 v3;
	v3 =	vsel vm6, $0x681, v5;
	v5 =	vsel vm14, $0x301, v37  }
0x42: {  	[tilespmem:$0x1FA40] =	vst v34;
	v6 =	vunpack.c.l.s4.s8 v38;
	v34 =	vimm.s32 $0x38F;
	v5 =	vsel vm13, $0x382, v5  }
0x43: {  	v38 =	vimm.s32 $0x58F;
	v3 =	vsel vm4, $0x702, v3;
	v5 =	vsel vm12, $0x403, v5  }
0x44: {  	v39 =	vsel vm15, $0x680, v39;
	v3 =	vsel vm5, $0x783, v3;
	v5 =	vsel vm11, $0x484, v5  }
0x45: {  	v29 =	vand.u32 $0xF, v28;
	v3 =	vsel vm3, $0x4, v3;
	v5 =	vsel vm10, $0x505, v5  }
0x46: {  	v40 =	vunpack.c.0.s8.s32 v7;
	v3 =	vsel vm1, $0x85, v3;
	v5 =	vsel vm9, $0x586, v5  }
0x47: {  	v1 =	vand.u32 $0xF, v1;
	v3 =	vsel vm2, $0x106, v3;
	v5 =	vsel vm8, $0x607, v5  }
0x48: {  	v28 =	vimm.s32 $0x10F;
	[tilespmem:$0x1FA70] =	vst v3;
	v3 =	vsel vm7, $0x680, v5;
	v5 =	vsel vm15, $0x300, v43  }
0x49: {  	v34 =	vsel vm15, $0x400, v34;
	v38 =	vsel vm15, $0x600, v38;
	v5 =	vsel vm14, $0x381, v5  }
0x4a: {  	v6 =	vunpack.c.0.s8.s32 v6;
	v3 =	vsel vm6, $0x701, v3;
	v5 =	vsel vm13, $0x402, v5  }
0x4b: {  	v28 =	vsel vm15, $0x180, v28;
	v3 =	vsel vm4, $0x782, v3;
	v5 =	vsel vm12, $0x483, v5  }
0x4c: {  	v42 =	vcombine.low v40, v6;
	v3 =	vsel vm5, $0x3, v3;
	v5 =	vsel vm11, $0x504, v5  }
0x4d: {  	[tilespmem:$0x1FA20] =	vst v29;
	v29 =	vimm.s32 $0x11101F1E;
	v3 =	vsel vm3, $0x84, v3;
	v5 =	vsel vm10, $0x585, v5  }
0x4e: {  	v44 =	vand.u32 $0xF, v42;
	v3 =	vsel vm1, $0x105, v3;
	v5 =	vsel vm9, $0x606, v5  }
0x4f: {  	v42 =	vimm.s32 $0x80F;
	v3 =	vsel vm2, $0x186, v3;
	v5 =	vsel vm8, $0x687, v5  }
0x50: {  	v42 =	vsel vm15, $0x880, v42;
	[tilespmem:$0x1FA90] =	vst v3;
	v3 =	vsel vm7, $0x700, v5;
	v5 =	vsel vm12, $0x503, v46  }
0x51: {  	[tilespmem:$0x1FA80] =	vst v44;
	v44 =	vimm.s32 $0x90F;
	v33 =	vimm.s32 $0x30F;
	v5 =	vsel vm11, $0x584, v5  }
0x52: {  	v44 =	vsel vm15, $0x980, v44;
	v3 =	vsel vm6, $0x781, v3;
	v5 =	vsel vm10, $0x605, v5  }
0x53: {  	v33 =	vsel vm15, $0x380, v33;
	v3 =	vsel vm4, $0x2, v3;
	v5 =	vsel vm9, $0x686, v5  }
0x54: {  	v9 =	vcombine.low v16, v14;
	v3 =	vsel vm5, $0x83, v3;
	v5 =	vsel vm8, $0x707, v5  }
0x55: {  	v37 =	vimm.s32 $0x50F;
	v3 =	vsel vm3, $0x104, v3;
	v5 =	vsel vm7, $0x780, v5  }
0x56: {  	v41 =	vand.u32 $0xF, v9;
	v3 =	vsel vm1, $0x185, v3;
	v5 =	vsel vm6, $0x1, v5  }
0x57: {  	[tilespmem:$0x1FA60] =	vst v41;
	v41 =	vimm.s32 $0x70F;
	v3 =	vsel vm2, $0x206, v3;
	v5 =	vsel vm4, $0x82, v5  }
0x58: {  	v37 =	vsel vm15, $0x580, v37;
	v41 =	vsel vm15, $0x780, v41;
	[tilespmem:$0x1FAB0] =	vst v3;
	v3 =	vsel vm5, $0x103, v5  }
0x59: {  	v43 =	vimm.s32 $0x88F;
	v5 =	vsel vm12, $0x583, v48;
	v3 =	vsel vm3, $0x184, v3  }
0x5a: {  	v43 =	vsel vm15, $0x900, v43;
	v5 =	vsel vm11, $0x604, v5;
	v3 =	vsel vm1, $0x205, v3  }
0x5b: {  	v46 =	vimm.s32 $0xA0F;
	v5 =	vsel vm10, $0x685, v5;
	v3 =	vsel vm2, $0x286, v3  }
0x5c: {  	v46 =	vsel vm15, $0xA80, v46;
	v5 =	vsel vm9, $0x706, v5;
	[tilespmem:$0x1FAD0] =	vst v3;
	v3 =	vunpack.c.l.s4.s8 v17  }
0x5d: {  	v48 =	vimm.s32 $0xB0F;
	v5 =	vsel vm8, $0x787, v5;
	v17 =	vimm.s32 $0x407  }
0x5e: {  	v5 =	vsel vm7, $0x0, v5;
	v17 =	vsel vm15, $0x480, v17;
	v3 =	vunpack.c.0.s8.s32 v3  }
0x5f: {  	v48 =	vsel vm15, $0xB80, v48;
	v5 =	vsel vm6, $0x81, v5;
	v17 =	vsel vm14, $0x501, v17  }
0x60: {  	v50 =	vsel vm13, $0x582, v17;
	v17 =	vimm.s32 $0x487;
	v3 =	vcombine.low v15, v3  }
0x61: {  	v17 =	vsel vm15, $0x500, v17;
	v15 =	vunpack.c.0.s8.s32 v27;
	v27 =	vunpack.c.0.s8.s32 v25  }
0x62: {  	v25 =	vimm.s32 $0x17161514;
	v17 =	vsel vm14, $0x581, v17;
	[tilespmem:$0x1FAE0] =	vst v3;
	v3 =	vsel vm4, $0x102, v5  }
0x63: {  	v5 =	vsel vm12, $0x603, v50;
	v51 =	vsel vm13, $0x602, v17;
	v50 =	vimm.s32 $0xC0F  }
0x64: {  	v17 =	vunpack.c.0.s8.s32 v29;
	v3 =	vsel vm5, $0x183, v3;
	v5 =	vsel vm11, $0x684, v5  }
0x65: {  	v29 =	vimm.s32 $0x1A191817;
	v3 =	vsel vm3, $0x204, v3;
	v5 =	vsel vm10, $0x705, v5  }
0x66: {  	v50 =	vsel vm15, $0xC80, v50;
	v3 =	vsel vm1, $0x285, v3;
	v2 =	vsel vm9, $0x786, v5  }
0x67: {  	v5 =	vsel vm15, $0xB00, v53;
	v53 =	vimm.s32 $0xD8F;
	v3 =	vsel vm2, $0x306, v3  }
0x68: {  	v2 =	vsel vm8, $0x7, v2;
	v53 =	vsel vm15, $0xE00, v53;
	[tilespmem:$0x1FAF0] =	vst v3;
	v3 =	vsel vm12, $0x683, v51  }
0x69: {  	[tilespmem:$0x1FB00] =	vst v0;
	v0 =	vsel vm7, $0x80, v2;
	v51 =	vimm.s32 $0xC8F;
	v2 =	vsel vm11, $0x704, v3  }
0x6a: {  	[tilespmem:$0x1FA00] =	vst v60;
	v60 =	vsel vm14, $0xE81, v53;
	v0 =	vsel vm6, $0x101, v0;
	v2 =	vsel vm10, $0x785, v2  }
0x6b: {  	v3 =	vimm.s32 $0x507;
	v0 =	vsel vm4, $0x182, v0;
	v2 =	vsel vm9, $0x6, v2  }
0x6c: {  	v3 =	vsel vm15, $0x580, v3;
	v0 =	vsel vm5, $0x203, v0;
	v2 =	vsel vm8, $0x87, v2  }
0x6d: {  	v3 =	vsel vm14, $0x601, v3;
	v0 =	vsel vm3, $0x284, v0;
	v2 =	vsel vm7, $0x100, v2  }
0x6e: {  	v3 =	vsel vm13, $0x682, v3;
	v0 =	vsel vm1, $0x305, v0;
	v2 =	vsel vm6, $0x181, v2  }
0x6f: {  	v3 =	vsel vm12, $0x703, v3;
	v0 =	vsel vm2, $0x386, v0;
	v2 =	vsel vm4, $0x202, v2  }
0x70: {  	v51 =	vsel vm15, $0xD00, v51;
	v3 =	vsel vm11, $0x784, v3;
	[tilespmem:$0x1FB10] =	vst v0;
	v0 =	vsel vm5, $0x283, v2  }
0x71: {  	v2 =	vsel vm10, $0x5, v3;
	v3 =	vcombine.low v10, v12;
	v10 =	vsel vm15, $0xC80, v56  }
0x72: {  	v12 =	vimm.s32 $0xC87;
	v56 =	vimm.s32 $0xF0F;
	v0 =	vsel vm3, $0x304, v0  }
0x73: {  	[tilespmem:$0x1FB20] =	vst v1;
	v1 =	vsel vm9, $0x86, v2;
	v2 =	vimm.s32 $0x587;
	v12 =	vsel vm15, $0xD00, v12  }
0x74: {  	v56 =	vsel vm15, $0xF80, v56;
	v0 =	vsel vm1, $0x385, v0;
	v1 =	vsel vm8, $0x107, v1  }
0x75: {  	v2 =	vsel vm15, $0x600, v2;
	v63 =	vsel vm14, $0x801, v56;
	v56 =	vunpack.c.0.s8.s32 v29  }
0x76: {  	v29 =	vunpack.c.0.s8.s32 v25;
	v1 =	vsel vm7, $0x180, v1;
	v0 =	vsel vm2, $0x406, v0  }
0x77: {  	v55 =	vsel vm13, $0x882, v63;
	[tilespmem:$0x1FB30] =	vst v0;
	v0 =	vsel vm6, $0x201, v1;
	v1 =	vsel vm14, $0x681, v2  }
0x78: {  	v2 =	vand.u32 $0xF, v3;
	v3 =	vcombine.low v14, v16;
	v14 =	vimm.s32 $0xD07  }
0x79: {  	v16 =	vimm.s32 $0xD87;
	v55 =	vsel vm12, $0x903, v55;
	v0 =	vsel vm4, $0x282, v0  }
0x7a: {  	[tilespmem:$0x1FB40] =	vst v2;
	v1 =	vsel vm13, $0x702, v1;
	v2 =	vimm.s32 $0x607;
	v14 =	vsel vm15, $0xD80, v14  }
0x7b: {  	v16 =	vsel vm15, $0xE00, v16;
	v0 =	vsel vm5, $0x303, v0;
	v1 =	vsel vm12, $0x783, v1  }
0x7c: {  	v2 =	vsel vm15, $0x680, v2;
	v0 =	vsel vm3, $0x384, v0;
	v1 =	vsel vm11, $0x4, v1  }
0x7d: {  	v2 =	vsel vm14, $0x701, v2;
	v0 =	vsel vm1, $0x405, v0;
	v1 =	vsel vm10, $0x85, v1  }
0x7e: {  	v2 =	vsel vm13, $0x782, v2;
	v1 =	vsel vm9, $0x106, v1;
	v0 =	vsel vm2, $0x486, v0  }
0x7f: {  	v55 =	vsel vm11, $0x984, v55;
	[tilespmem:$0x1FB50] =	vst v0;
	v0 =	vsel vm8, $0x187, v1;
	v1 =	vsel vm12, $0x3, v2  }
0x80: {  	v2 =	vand.u32 $0xF, v3;
	v3 =	vcombine.low v18, v20;
	v18 =	vimm.s32 $0xE07  }
0x81: {  	v20 =	vsel vm15, $0xF00, v57;
	v57 =	vimm.s32 $0x18171615;
	v0 =	vsel vm7, $0x200, v0  }
0x82: {  	[tilespmem:$0x1FB60] =	vst v2;
	v1 =	vsel vm11, $0x84, v1;
	v2 =	vimm.s32 $0x687;
	v0 =	vsel vm6, $0x281, v0  }
0x83: {  	v18 =	vsel vm15, $0xE80, v18;
	v1 =	vsel vm10, $0x105, v1;
	v0 =	vsel vm4, $0x302, v0  }
0x84: {  	v2 =	vsel vm15, $0x700, v2;
	v1 =	vsel vm9, $0x186, v1;
	v0 =	vsel vm5, $0x383, v0  }
0x85: {  	v2 =	vsel vm14, $0x781, v2;
	v1 =	vsel vm8, $0x207, v1;
	v0 =	vsel vm3, $0x404, v0  }
0x86: {  	v2 =	vsel vm13, $0x2, v2;
	v1 =	vsel vm7, $0x280, v1;
	v0 =	vsel vm1, $0x485, v0  }
0x87: {  	v2 =	vsel vm12, $0x83, v2;
	v1 =	vsel vm6, $0x301, v1;
	v0 =	vsel vm2, $0x506, v0  }
0x88: {  	v13 =	vunpack.c.0.s8.s32 v57;
	[tilespmem:$0x1FB70] =	vst v0;
	v0 =	vsel vm4, $0x382, v1;
	v1 =	vsel vm11, $0x104, v2  }
0x89: {  	v2 =	vcombine.low v6, v40;
	v6 =	vsel vm15, $0xB80, v54;
	v40 =	vimm.s32 $0x68F  }
0x8a: {  	v54 =	vimm.s32 $0xE0F;
	v0 =	vsel vm5, $0x403, v0;
	v1 =	vsel vm10, $0x185, v1  }
0x8b: {  	v40 =	vsel vm15, $0x700, v40;
	v54 =	vsel vm15, $0xE80, v54;
	v0 =	vsel vm3, $0x484, v0  }
0x8c: {  	v1 =	vsel vm9, $0x206, v1;
	v2 =	vand.u32 $0xF, v2;
	v61 =	vsel vm14, $0xF01, v54  }
0x8d: {  	v54 =	vsel vm13, $0x802, v62;
	v0 =	vsel vm1, $0x505, v0;
	v1 =	vsel vm8, $0x287, v1  }
0x8e: {  	[tilespmem:$0x1FB80] =	vst v2;
	v2 =	vimm.s32 $0xF87;
	v53 =	vsel vm13, $0xF82, v61;
	v54 =	vsel vm12, $0x883, v54  }
0x8f: {  	v61 =	vimm.s32 $0x19181716;
	v0 =	vsel vm2, $0x586, v0;
	v2 =	vsel vm15, $0x800, v2  }
0x90: {  	v53 =	vsel vm12, $0x803, v53;
	v54 =	vsel vm11, $0x904, v54;
	v21 =	vunpack.c.0.s8.s32 v61  }
0x91: {  	v61 =	vimm.s32 $0x1E1D1C1B;
	[tilespmem:$0x1FB90] =	vst v0;
	v0 =	vand.u32 $0xF, v3;
	v2 =	vsel vm14, $0x881, v2  }
0x92: {  	v3 =	vcombine.low v22, v24;
	v22 =	vsel vm15, $0xF80, v58;
	[tilespmem:$0x1FBA0] =	vst v0;
	v0 =	vsel vm7, $0x300, v1  }
0x93: {  	v24 =	vsel vm15, $0x80, v59;
	v1 =	vimm.s32 $0x707;
	v0 =	vsel vm6, $0x381, v0  }
0x94: {  	v53 =	vsel vm11, $0x884, v53;
	v1 =	vsel vm15, $0x780, v1;
	v0 =	vsel vm4, $0x402, v0  }
0x95: {  	v59 =	vsel vm10, $0x985, v54;
	v1 =	vsel vm14, $0x1, v1;
	v0 =	vsel vm5, $0x483, v0  }
0x96: {  	v23 =	vunpack.c.0.s8.s32 v61;
	v1 =	vsel vm13, $0x82, v1;
	v0 =	vsel vm3, $0x504, v0  }
0x97: {  	v2 =	vsel vm13, $0x902, v2;
	v1 =	vsel vm12, $0x103, v1;
	v0 =	vsel vm1, $0x585, v0  }
0x98: {  	v2 =	vsel vm12, $0x983, v2;
	v1 =	vsel vm11, $0x184, v1;
	v0 =	vsel vm2, $0x606, v0  }
0x99: {  	v58 =	vsel vm10, $0x905, v53;
	v2 =	vsel vm11, $0xA04, v2;
	[tilespmem:$0x1FBB0] =	vst v0;
	v0 =	vsel vm10, $0x205, v1  }
0x9a: {  	v53 =	vsel vm9, $0xA06, v59;
	v1 =	vsel vm10, $0xA85, v2;
	v0 =	vsel vm9, $0x286, v0  }
0x9b: {  	v53 =	vsel vm8, $0xA87, v53;
	v1 =	vsel vm9, $0xB06, v1;
	v0 =	vsel vm8, $0x307, v0  }
0x9c: {  	v2 =	vand.u32 $0xF, v3;
	v1 =	vsel vm8, $0xB87, v1;
	v0 =	vsel vm7, $0x380, v0  }
0x9d: {  	[tilespmem:$0x1FBC0] =	vst v2;
	v2 =	vimm.s32 $0x807;
	v1 =	vsel vm7, $0xC00, v1;
	v0 =	vsel vm6, $0x401, v0  }
0x9e: {  	v2 =	vsel vm15, $0x880, v2;
	v1 =	vsel vm6, $0xC81, v1;
	v0 =	vsel vm4, $0x482, v0  }
0x9f: {  	v2 =	vsel vm14, $0x901, v2;
	v1 =	vsel vm4, $0xD02, v1;
	v0 =	vsel vm5, $0x503, v0  }
0xa0: {  	v2 =	vsel vm13, $0x982, v2;
	v1 =	vsel vm5, $0xD83, v1;
	v0 =	vsel vm3, $0x584, v0  }
0xa1: {  	[tilespmem:$0x1FC30] =	vst v27;
	v2 =	vsel vm12, $0xA03, v2;
	v1 =	vsel vm3, $0xE04, v1;
	v0 =	vsel vm1, $0x605, v0  }
0xa2: {  	[tilespmem:$0x1FC10] =	vst v23;
	v2 =	vsel vm11, $0xA84, v2;
	v1 =	vsel vm1, $0xE85, v1;
	v0 =	vsel vm2, $0x686, v0  }
0xa3: {  	v23 =	vimm.s32 $0x13121110;
	v2 =	vsel vm10, $0xB05, v2;
	[tilespmem:$0x1FBD0] =	vst v0;
	v0 =	vsel vm2, $0xF06, v1  }
0xa4: {  	v53 =	vsel vm7, $0xB08, v53;
	v27 =	vunpack.c.0.s8.s32 v23;
	[tilespmem:$0x1FBE0] =	vst v0;
	v0 =	vsel vm9, $0xB86, v2  }
0xa5: {  	v3 =	vimm.s32 $0x987;
	v1 =	vimm.s32 $0x1C1B1A19;
	v0 =	vsel vm8, $0xC07, v0  }
0xa6: {  	v7 =	vunpack.c.0.s8.s32 v1;
	v1 =	vimm.s32 $0x101F1E1D;
	v0 =	vsel vm7, $0xC80, v0  }
0xa7: {  	v9 =	vunpack.c.0.s8.s32 v1;
	v1 =	vimm.s32 $0x887;
	v0 =	vsel vm6, $0xD01, v0  }
0xa8: {  	v3 =	vsel vm15, $0xA00, v3;
	v1 =	vsel vm15, $0x900, v1;
	v0 =	vsel vm4, $0xD82, v0  }
0xa9: {  	v2 =	vimm.s32 $0x14131211;
	v1 =	vsel vm14, $0x981, v1;
	v0 =	vsel vm5, $0xE03, v0  }
0xaa: {  	v11 =	vunpack.c.0.s8.s32 v2;
	v1 =	vsel vm13, $0xA02, v1;
	v0 =	vsel vm3, $0xE84, v0  }
0xab: {  	v2 =	vimm.s32 $0x907;
	v1 =	vsel vm12, $0xA83, v1;
	v0 =	vsel vm1, $0xF05, v0  }
0xac: {  	v2 =	vsel vm15, $0x980, v2;
	v1 =	vsel vm11, $0xB04, v1;
	v0 =	vsel vm2, $0xF86, v0  }
0xad: {  	[tilespmem:$0x1FBF0] =	vst v0;
	v0 =	vsel vm10, $0xB85, v1;
	v1 =	vsel vm14, $0xA01, v2;
	v2 =	vsel vm14, $0xA81, v3  }
0xae: {  	v3 =	vsel vm14, $0xB01, v4;
	v4 =	vsel vm14, $0xB81, v5;
	v5 =	vsel vm14, $0xC01, v6  }
0xaf: {  	v6 =	vsel vm14, $0xC81, v8;
	v8 =	vsel vm14, $0xD01, v10;
	v10 =	vsel vm14, $0xD81, v12  }
0xb0: {  	v12 =	vsel vm14, $0xE01, v14;
	v14 =	vsel vm14, $0xE81, v16;
	v16 =	vsel vm14, $0xF01, v18  }
0xb1: {  	v18 =	vsel vm14, $0xF81, v20;
	v20 =	vsel vm14, $0x801, v22;
	v22 =	vsel vm14, $0x101, v24  }
0xb2: {  	v24 =	vsel vm14, $0x181, v26;
	v26 =	vsel vm14, $0x201, v28;
	v28 =	vsel vm14, $0x281, v30  }
0xb3: {  	v30 =	vsel vm14, $0x301, v31;
	v31 =	vsel vm14, $0x381, v32;
	v32 =	vsel vm14, $0x401, v33  }
0xb4: {  	v33 =	vsel vm14, $0x481, v34;
	v34 =	vsel vm14, $0x501, v35;
	v35 =	vsel vm14, $0x581, v36  }
0xb5: {  	v36 =	vsel vm14, $0x601, v37;
	v37 =	vsel vm14, $0x681, v38;
	v38 =	vsel vm14, $0x701, v39  }
0xb6: {  	v39 =	vsel vm14, $0x781, v40;
	v40 =	vsel vm14, $0x1, v41;
	v41 =	vsel vm14, $0x901, v42  }
0xb7: {  	v42 =	vsel vm14, $0x981, v43;
	v43 =	vsel vm14, $0xA01, v44;
	v44 =	vsel vm14, $0xA81, v45  }
0xb8: {  	v45 =	vsel vm14, $0xB01, v46;
	v46 =	vsel vm14, $0xB81, v47;
	v47 =	vsel vm14, $0xC01, v48  }
0xb9: {  	v48 =	vsel vm14, $0xC81, v49;
	v49 =	vsel vm14, $0xD01, v50;
	v50 =	vsel vm14, $0xD81, v51  }
0xba: {  	v51 =	vsel vm14, $0xE01, v52;
	v52 =	vsel vm13, $0xF02, v60;
	v60 =	vimm.s32 $0x15141312  }
0xbb: {  	v0 =	vsel vm9, $0xC06, v0;
	v1 =	vsel vm13, $0xA82, v1;
	v2 =	vsel vm13, $0xB02, v2  }
0xbc: {  	v3 =	vsel vm13, $0xB82, v3;
	v4 =	vsel vm13, $0xC02, v4;
	v5 =	vsel vm13, $0xC82, v5  }
0xbd: {  	v6 =	vsel vm13, $0xD02, v6;
	v8 =	vsel vm13, $0xD82, v8;
	v10 =	vsel vm13, $0xE02, v10  }
0xbe: {  	v12 =	vsel vm13, $0xE82, v12;
	v14 =	vsel vm13, $0xF02, v14;
	v16 =	vsel vm13, $0xF82, v16  }
0xbf: {  	v18 =	vsel vm13, $0x802, v18;
	v20 =	vsel vm13, $0x882, v20;
	v22 =	vsel vm13, $0x182, v22  }
0xc0: {  	v24 =	vsel vm13, $0x202, v24;
	v26 =	vsel vm13, $0x282, v26;
	v28 =	vsel vm13, $0x302, v28  }
0xc1: {  	v30 =	vsel vm13, $0x382, v30;
	v31 =	vsel vm13, $0x402, v31;
	v32 =	vsel vm13, $0x482, v32  }
0xc2: {  	v33 =	vsel vm13, $0x502, v33;
	v34 =	vsel vm13, $0x582, v34;
	v35 =	vsel vm13, $0x602, v35  }
0xc3: {  	v36 =	vsel vm13, $0x682, v36;
	v37 =	vsel vm13, $0x702, v37;
	v38 =	vsel vm13, $0x782, v38  }
0xc4: {  	v39 =	vsel vm13, $0x2, v39;
	v40 =	vsel vm13, $0x82, v40;
	v41 =	vsel vm13, $0x982, v41  }
0xc5: {  	v42 =	vsel vm13, $0xA02, v42;
	v43 =	vsel vm13, $0xA82, v43;
	v44 =	vsel vm13, $0xB02, v44  }
0xc6: {  	v45 =	vsel vm13, $0xB82, v45;
	v46 =	vsel vm13, $0xC02, v46;
	v47 =	vsel vm13, $0xC82, v47  }
0xc7: {  	v48 =	vsel vm13, $0xD02, v48;
	v49 =	vsel vm13, $0xD82, v49;
	v50 =	vsel vm13, $0xE02, v50  }
0xc8: {  	v51 =	vsel vm13, $0xE82, v51;
	v52 =	vsel vm12, $0xF83, v52;
	v19 =	vunpack.c.0.s8.s32 v60  }
0xc9: {  	v60 =	vsel vm10, $0xA05, v55;
	v0 =	vsel vm8, $0xC87, v0;
	v1 =	vsel vm12, $0xB03, v1  }
0xca: {  	v2 =	vsel vm12, $0xB83, v2;
	v3 =	vsel vm12, $0xC03, v3;
	v4 =	vsel vm12, $0xC83, v4  }
0xcb: {  	v5 =	vsel vm12, $0xD03, v5;
	v6 =	vsel vm12, $0xD83, v6;
	v8 =	vsel vm12, $0xE03, v8  }
0xcc: {  	v10 =	vsel vm12, $0xE83, v10;
	v12 =	vsel vm12, $0xF03, v12;
	v14 =	vsel vm12, $0xF83, v14  }
0xcd: {  	v16 =	vsel vm12, $0x803, v16;
	v18 =	vsel vm12, $0x883, v18;
	v20 =	vsel vm12, $0x903, v20  }
0xce: {  	v22 =	vsel vm12, $0x203, v22;
	v24 =	vsel vm12, $0x283, v24;
	v26 =	vsel vm12, $0x303, v26  }
0xcf: {  	v28 =	vsel vm12, $0x383, v28;
	v30 =	vsel vm12, $0x403, v30;
	v31 =	vsel vm12, $0x483, v31  }
0xd0: {  	v32 =	vsel vm12, $0x503, v32;
	v33 =	vsel vm12, $0x583, v33;
	v34 =	vsel vm12, $0x603, v34  }
0xd1: {  	v35 =	vsel vm12, $0x683, v35;
	v36 =	vsel vm12, $0x703, v36;
	v37 =	vsel vm12, $0x783, v37  }
0xd2: {  	v38 =	vsel vm12, $0x3, v38;
	v39 =	vsel vm12, $0x83, v39;
	v40 =	vsel vm12, $0x103, v40  }
0xd3: {  	v41 =	vsel vm12, $0xA03, v41;
	v42 =	vsel vm12, $0xA83, v42;
	v43 =	vsel vm12, $0xB03, v43  }
0xd4: {  	v44 =	vsel vm12, $0xB83, v44;
	v45 =	vsel vm12, $0xC03, v45;
	v46 =	vsel vm12, $0xC83, v46  }
0xd5: {  	v47 =	vsel vm12, $0xD03, v47;
	v48 =	vsel vm12, $0xD83, v48;
	v49 =	vsel vm12, $0xE03, v49  }
0xd6: {  	v50 =	vsel vm12, $0xE83, v50;
	v51 =	vsel vm12, $0xF03, v51;
	v52 =	vsel vm11, $0x804, v52  }
0xd7: {  	v54 =	vsel vm9, $0xA86, v60;
	v60 =	vsel vm6, $0xB89, v53;
	v0 =	vsel vm7, $0xD00, v0  }
0xd8: {  	v1 =	vsel vm11, $0xB84, v1;
	v2 =	vsel vm11, $0xC04, v2;
	v3 =	vsel vm11, $0xC84, v3  }
0xd9: {  	v4 =	vsel vm11, $0xD04, v4;
	v5 =	vsel vm11, $0xD84, v5;
	v6 =	vsel vm11, $0xE04, v6  }
0xda: {  	v8 =	vsel vm11, $0xE84, v8;
	v10 =	vsel vm11, $0xF04, v10;
	v12 =	vsel vm11, $0xF84, v12  }
0xdb: {  	v14 =	vsel vm11, $0x804, v14;
	v16 =	vsel vm11, $0x884, v16;
	v18 =	vsel vm11, $0x904, v18  }
0xdc: {  	v20 =	vsel vm11, $0x984, v20;
	v22 =	vsel vm11, $0x284, v22;
	v24 =	vsel vm11, $0x304, v24  }
0xdd: {  	v26 =	vsel vm11, $0x384, v26;
	v28 =	vsel vm11, $0x404, v28;
	v30 =	vsel vm11, $0x484, v30  }
0xde: {  	v31 =	vsel vm11, $0x504, v31;
	v32 =	vsel vm11, $0x584, v32;
	v33 =	vsel vm11, $0x604, v33  }
0xdf: {  	v34 =	vsel vm11, $0x684, v34;
	v35 =	vsel vm11, $0x704, v35;
	v36 =	vsel vm11, $0x784, v36  }
0xe0: {  	v37 =	vsel vm11, $0x4, v37;
	v38 =	vsel vm11, $0x84, v38;
	v39 =	vsel vm11, $0x104, v39  }
0xe1: {  	v40 =	vsel vm11, $0x184, v40;
	v41 =	vsel vm11, $0xA84, v41;
	v42 =	vsel vm11, $0xB04, v42  }
0xe2: {  	v43 =	vsel vm11, $0xB84, v43;
	v44 =	vsel vm11, $0xC04, v44;
	v45 =	vsel vm11, $0xC84, v45  }
0xe3: {  	v46 =	vsel vm11, $0xD04, v46;
	v47 =	vsel vm11, $0xD84, v47;
	v48 =	vsel vm11, $0xE04, v48  }
0xe4: {  	v49 =	vsel vm11, $0xE84, v49;
	v50 =	vsel vm11, $0xF04, v50;
	v51 =	vsel vm11, $0xF84, v51  }
0xe5: {  	v57 =	vsel vm10, $0x885, v52;
	v52 =	vsel vm9, $0x986, v58;
	v54 =	vsel vm8, $0xB07, v54  }
0xe6: {  	v0 =	vsel vm6, $0xD81, v0;
	v1 =	vsel vm10, $0xC05, v1;
	v62 =	vsel vm10, $0xF85, v50  }
0xe7: {  	v63 =	vsel vm10, $0x805, v51;
	v51 =	vsel vm9, $0x906, v57;
	v52 =	vsel vm8, $0xA07, v52  }
0xe8: {  	v54 =	vsel vm7, $0xB88, v54;
	v0 =	vsel vm4, $0xE02, v0;
	v1 =	vsel vm9, $0xC86, v1  }
0xe9: {  	v50 =	vsel vm9, $0x886, v63;
	v51 =	vsel vm8, $0x987, v51;
	v52 =	vsel vm7, $0xA88, v52  }
0xea: {  	v61 =	vsel vm6, $0xC09, v54;
	v0 =	vsel vm5, $0xE83, v0;
	v1 =	vsel vm8, $0xD07, v1  }
0xeb: {  	v50 =	vsel vm8, $0x907, v50;
	v51 =	vsel vm7, $0xA08, v51;
	v59 =	vsel vm6, $0xB09, v52  }
0xec: {  	v52 =	vsel vm4, $0xC0A, v60;
	v53 =	vsel vm4, $0xC8A, v61;
	v0 =	vsel vm3, $0xF04, v0  }
0xed: {  	v1 =	vsel vm7, $0xD80, v1;
	v50 =	vsel vm7, $0x988, v50;
	v58 =	vsel vm6, $0xA89, v51  }
0xee: {  	v51 =	vsel vm4, $0xB8A, v59;
	v0 =	vsel vm1, $0xF85, v0;
	v1 =	vsel vm6, $0xE01, v1  }
0xef: {  	v57 =	vsel vm6, $0xA09, v50;
	v50 =	vsel vm4, $0xB0A, v58;
	v0 =	vsel vm2, $0x806, v0  }
0xf0: {  	v50 =	vsel vm5, $0xB8B, v50;
	[tilespmem:$0x1FC00] =	vst v0;
	v0 =	vsel vm4, $0xE82, v1;
	v1 =	vsel vm10, $0xC85, v2  }
0xf1: {  	v2 =	vsel vm10, $0xD05, v3;
	v3 =	vsel vm10, $0xD85, v4;
	v4 =	vsel vm10, $0xE05, v5  }
0xf2: {  	v5 =	vsel vm10, $0xE85, v6;
	v6 =	vsel vm10, $0xF05, v8;
	v8 =	vsel vm10, $0xF85, v10  }
0xf3: {  	v10 =	vsel vm10, $0x805, v12;
	v12 =	vsel vm10, $0x885, v14;
	v14 =	vsel vm10, $0x905, v16  }
0xf4: {  	v16 =	vsel vm10, $0x985, v18;
	v18 =	vsel vm10, $0xA05, v20;
	v20 =	vsel vm10, $0x305, v22  }
0xf5: {  	v22 =	vsel vm10, $0x385, v24;
	v24 =	vsel vm10, $0x405, v26;
	v26 =	vsel vm10, $0x485, v28  }
0xf6: {  	v28 =	vsel vm10, $0x505, v30;
	v30 =	vsel vm10, $0x585, v31;
	v31 =	vsel vm10, $0x605, v32  }
0xf7: {  	v32 =	vsel vm10, $0x685, v33;
	v33 =	vsel vm10, $0x705, v34;
	v34 =	vsel vm10, $0x785, v35  }
0xf8: {  	v35 =	vsel vm10, $0x5, v36;
	v36 =	vsel vm10, $0x85, v37;
	v37 =	vsel vm10, $0x105, v38  }
0xf9: {  	v38 =	vsel vm10, $0x185, v39;
	v39 =	vsel vm10, $0x205, v40;
	v40 =	vsel vm10, $0xB05, v41  }
0xfa: {  	v41 =	vsel vm10, $0xB85, v42;
	v42 =	vsel vm10, $0xC05, v43;
	v43 =	vsel vm10, $0xC85, v44  }
0xfb: {  	v44 =	vsel vm10, $0xD05, v45;
	v45 =	vsel vm10, $0xD85, v46;
	v46 =	vsel vm10, $0xE05, v47  }
0xfc: {  	v47 =	vsel vm10, $0xE85, v48;
	v48 =	vsel vm10, $0xF05, v49;
	v49 =	vsel vm9, $0x806, v62  }
0xfd: {  	v62 =	vimm.s32 $0x1211101F;
	v25 =	vsel vm3, $0xC0C, v50;
	v0 =	vsel vm5, $0xF03, v0  }
0xfe: {  	v1 =	vsel vm9, $0xD06, v1;
	v2 =	vsel vm9, $0xD86, v2;
	v3 =	vsel vm9, $0xE06, v3  }
0xff: {  	v4 =	vsel vm9, $0xE86, v4;
	v5 =	vsel vm9, $0xF06, v5;
	v6 =	vsel vm9, $0xF86, v6  }
0x100: {  	v8 =	vsel vm9, $0x806, v8;
	v10 =	vsel vm9, $0x886, v10;
	v12 =	vsel vm9, $0x906, v12  }
0x101: {  	v14 =	vsel vm9, $0x986, v14;
	v16 =	vsel vm9, $0xA06, v16;
	v18 =	vsel vm9, $0xA86, v18  }
0x102: {  	v20 =	vsel vm9, $0x386, v20;
	v22 =	vsel vm9, $0x406, v22;
	v24 =	vsel vm9, $0x486, v24  }
0x103: {  	v26 =	vsel vm9, $0x506, v26;
	v28 =	vsel vm9, $0x586, v28;
	v30 =	vsel vm9, $0x606, v30  }
0x104: {  	v31 =	vsel vm9, $0x686, v31;
	v32 =	vsel vm9, $0x706, v32;
	v33 =	vsel vm9, $0x786, v33  }
0x105: {  	v34 =	vsel vm9, $0x6, v34;
	v35 =	vsel vm9, $0x86, v35;
	v36 =	vsel vm9, $0x106, v36  }
0x106: {  	v37 =	vsel vm9, $0x186, v37;
	v38 =	vsel vm9, $0x206, v38;
	v39 =	vsel vm9, $0x286, v39  }
0x107: {  	v40 =	vsel vm9, $0xB86, v40;
	v41 =	vsel vm9, $0xC06, v41;
	v42 =	vsel vm9, $0xC86, v42  }
0x108: {  	v43 =	vsel vm9, $0xD06, v43;
	v44 =	vsel vm9, $0xD86, v44;
	v45 =	vsel vm9, $0xE06, v45  }
0x109: {  	v46 =	vsel vm9, $0xE86, v46;
	v47 =	vsel vm9, $0xF06, v47;
	v48 =	vsel vm9, $0xF86, v48  }
0x10a: {  	v63 =	vunpack.c.0.s8.s32 v62;
	v49 =	vsel vm8, $0x887, v49;
	v62 =	vimm.s32 $0x1F1E1D1C  }
0x10b: {  	v0 =	vsel vm3, $0xF84, v0;
	v1 =	vsel vm8, $0xD87, v1;
	v2 =	vsel vm8, $0xE07, v2  }
0x10c: {  	v3 =	vsel vm8, $0xE87, v3;
	v4 =	vsel vm8, $0xF07, v4;
	v5 =	vsel vm8, $0xF87, v5  }
0x10d: {  	v6 =	vsel vm8, $0x807, v6;
	v8 =	vsel vm8, $0x887, v8;
	v10 =	vsel vm8, $0x907, v10  }
0x10e: {  	v12 =	vsel vm8, $0x987, v12;
	v14 =	vsel vm8, $0xA07, v14;
	v16 =	vsel vm8, $0xA87, v16  }
0x10f: {  	v18 =	vsel vm8, $0xB07, v18;
	v20 =	vsel vm8, $0x407, v20;
	v22 =	vsel vm8, $0x487, v22  }
0x110: {  	v24 =	vsel vm8, $0x507, v24;
	v26 =	vsel vm8, $0x587, v26;
	v28 =	vsel vm8, $0x607, v28  }
0x111: {  	v30 =	vsel vm8, $0x687, v30;
	v31 =	vsel vm8, $0x707, v31;
	v32 =	vsel vm8, $0x787, v32  }
0x112: {  	v33 =	vsel vm8, $0x7, v33;
	v34 =	vsel vm8, $0x87, v34;
	v35 =	vsel vm8, $0x107, v35  }
0x113: {  	v36 =	vsel vm8, $0x187, v36;
	v37 =	vsel vm8, $0x207, v37;
	v38 =	vsel vm8, $0x287, v38  }
0x114: {  	v39 =	vsel vm8, $0x307, v39;
	v40 =	vsel vm8, $0xC07, v40;
	v41 =	vsel vm8, $0xC87, v41  }
0x115: {  	v42 =	vsel vm8, $0xD07, v42;
	v43 =	vsel vm8, $0xD87, v43;
	v44 =	vsel vm8, $0xE07, v44  }
0x116: {  	v45 =	vsel vm8, $0xE87, v45;
	v46 =	vsel vm8, $0xF07, v46;
	v47 =	vsel vm8, $0xF87, v47  }
0x117: {  	v48 =	vsel vm8, $0x807, v48;
	v49 =	vsel vm7, $0x908, v49;
	v0 =	vsel vm1, $0x805, v0  }
0x118: {  	v1 =	vsel vm7, $0xE00, v1;
	v2 =	vsel vm7, $0xE80, v2;
	v3 =	vsel vm7, $0xF00, v3  }
0x119: {  	v4 =	vsel vm7, $0xF80, v4;
	v5 =	vsel vm7, $0x800, v5;
	v6 =	vsel vm7, $0x880, v6  }
0x11a: {  	v8 =	vsel vm7, $0x900, v8;
	v10 =	vsel vm7, $0x980, v10;
	v12 =	vsel vm7, $0xA00, v12  }
0x11b: {  	v14 =	vsel vm7, $0xA80, v14;
	v16 =	vsel vm7, $0xB00, v16;
	v18 =	vsel vm7, $0xB80, v18  }
0x11c: {  	v20 =	vsel vm7, $0x488, v20;
	v22 =	vsel vm7, $0x508, v22;
	v24 =	vsel vm7, $0x588, v24  }
0x11d: {  	v26 =	vsel vm7, $0x608, v26;
	v28 =	vsel vm7, $0x688, v28;
	v30 =	vsel vm7, $0x708, v30  }
0x11e: {  	v31 =	vsel vm7, $0x788, v31;
	v32 =	vsel vm7, $0x8, v32;
	v33 =	vsel vm7, $0x88, v33  }
0x11f: {  	v34 =	vsel vm7, $0x108, v34;
	v35 =	vsel vm7, $0x188, v35;
	v36 =	vsel vm7, $0x208, v36  }
0x120: {  	v37 =	vsel vm7, $0x288, v37;
	v38 =	vsel vm7, $0x308, v38;
	v39 =	vsel vm7, $0x388, v39  }
0x121: {  	v40 =	vsel vm7, $0xC88, v40;
	v41 =	vsel vm7, $0xD08, v41;
	v42 =	vsel vm7, $0xD88, v42  }
0x122: {  	v43 =	vsel vm7, $0xE08, v43;
	v44 =	vsel vm7, $0xE88, v44;
	v45 =	vsel vm7, $0xF08, v45  }
0x123: {  	[tilespmem:$0x1FC20] =	vst v63;
	v46 =	vsel vm7, $0xF88, v46;
	v47 =	vsel vm7, $0x808, v47;
	v0 =	vsel vm2, $0x886, v0  }
0x124: {  	v48 =	vsel vm7, $0x888, v48;
	v63 =	vunpack.c.0.s8.s32 v62;
	[tilespmem:$0x1FC50] =	vst v0;
	v0 =	vsel vm6, $0xE81, v1  }
0x125: {  	v1 =	vsel vm6, $0xF01, v2;
	v2 =	vsel vm6, $0xF81, v3;
	v3 =	vsel vm6, $0x801, v4  }
0x126: {  	v4 =	vsel vm6, $0x881, v5;
	v5 =	vsel vm6, $0x901, v6;
	v6 =	vsel vm6, $0x981, v8  }
0x127: {  	v8 =	vsel vm6, $0xA01, v10;
	v10 =	vsel vm6, $0xA81, v12;
	v12 =	vsel vm6, $0xB01, v14  }
0x128: {  	v14 =	vsel vm6, $0xB81, v16;
	v16 =	vsel vm6, $0xC01, v18;
	v18 =	vsel vm6, $0x509, v20  }
0x129: {  	v20 =	vsel vm6, $0x589, v22;
	v22 =	vsel vm6, $0x609, v24;
	v24 =	vsel vm6, $0x689, v26  }
0x12a: {  	v26 =	vsel vm6, $0x709, v28;
	v28 =	vsel vm6, $0x789, v30;
	v30 =	vsel vm6, $0x9, v31  }
0x12b: {  	v31 =	vsel vm6, $0x89, v32;
	v32 =	vsel vm6, $0x109, v33;
	v33 =	vsel vm6, $0x189, v34  }
0x12c: {  	v34 =	vsel vm6, $0x209, v35;
	v35 =	vsel vm6, $0x289, v36;
	v36 =	vsel vm6, $0x309, v37  }
0x12d: {  	v37 =	vsel vm6, $0x389, v38;
	v38 =	vsel vm6, $0x409, v39;
	v39 =	vsel vm6, $0xD09, v40  }
0x12e: {  	v40 =	vsel vm6, $0xD89, v41;
	v41 =	vsel vm6, $0xE09, v42;
	v42 =	vsel vm6, $0xE89, v43  }
0x12f: {  	v43 =	vsel vm6, $0xF09, v44;
	v44 =	vsel vm6, $0xF89, v45;
	v45 =	vsel vm6, $0x809, v46  }
0x130: {  	v46 =	vsel vm6, $0x889, v47;
	v47 =	vsel vm6, $0x909, v48;
	v48 =	vsel vm6, $0x989, v49  }
0x131: {  	v49 =	vsel vm4, $0xA8A, v57;
	v0 =	vsel vm4, $0xF02, v0;
	v1 =	vsel vm4, $0xF82, v1  }
0x132: {  	v2 =	vsel vm4, $0x802, v2;
	v3 =	vsel vm4, $0x882, v3;
	v4 =	vsel vm4, $0x902, v4  }
0x133: {  	v5 =	vsel vm4, $0x982, v5;
	v6 =	vsel vm4, $0xA02, v6;
	v8 =	vsel vm4, $0xA82, v8  }
0x134: {  	v10 =	vsel vm4, $0xB02, v10;
	v12 =	vsel vm4, $0xB82, v12;
	v14 =	vsel vm4, $0xC02, v14  }
0x135: {  	v16 =	vsel vm4, $0xC82, v16;
	v18 =	vsel vm4, $0x58A, v18;
	v20 =	vsel vm4, $0x60A, v20  }
0x136: {  	v22 =	vsel vm4, $0x68A, v22;
	v24 =	vsel vm4, $0x70A, v24;
	v26 =	vsel vm4, $0x78A, v26  }
0x137: {  	v28 =	vsel vm4, $0xA, v28;
	v30 =	vsel vm4, $0x8A, v30;
	v31 =	vsel vm4, $0x10A, v31  }
0x138: {  	v32 =	vsel vm4, $0x18A, v32;
	v33 =	vsel vm4, $0x20A, v33;
	v34 =	vsel vm4, $0x28A, v34  }
0x139: {  	v35 =	vsel vm4, $0x30A, v35;
	v36 =	vsel vm4, $0x38A, v36;
	v37 =	vsel vm4, $0x40A, v37  }
0x13a: {  	v38 =	vsel vm4, $0x48A, v38;
	v39 =	vsel vm4, $0xD8A, v39;
	v40 =	vsel vm4, $0xE0A, v40  }
0x13b: {  	v41 =	vsel vm4, $0xE8A, v41;
	v42 =	vsel vm4, $0xF0A, v42;
	v43 =	vsel vm4, $0xF8A, v43  }
0x13c: {  	v44 =	vsel vm4, $0x80A, v44;
	v45 =	vsel vm4, $0x88A, v45;
	v47 =	vsel vm4, $0x98A, v47  }
0x13d: {  	v48 =	vsel vm4, $0xA0A, v48;
	v49 =	vsel vm5, $0xB0B, v49;
	v0 =	vsel vm5, $0xF83, v0  }
0x13e: {  	v1 =	vsel vm5, $0x803, v1;
	v2 =	vsel vm5, $0x883, v2;
	v3 =	vsel vm5, $0x903, v3  }
0x13f: {  	v4 =	vsel vm5, $0x983, v4;
	v5 =	vsel vm5, $0xA03, v5;
	v6 =	vsel vm5, $0xA83, v6  }
0x140: {  	v8 =	vsel vm5, $0xB03, v8;
	v10 =	vsel vm5, $0xB83, v10;
	v12 =	vsel vm5, $0xC03, v12  }
0x141: {  	v14 =	vsel vm5, $0xC83, v14;
	v16 =	vsel vm5, $0xD03, v16;
	v18 =	vsel vm5, $0x60B, v18  }
0x142: {  	[tilespmem:$0x1FC40] =	vst v56;
	v20 =	vsel vm5, $0x68B, v20;
	v22 =	vsel vm5, $0x70B, v22;
	v24 =	vsel vm5, $0x78B, v24  }
0x143: {  	[tilespmem:$0x1FC80] =	vst v29;
	v26 =	vsel vm5, $0xB, v26;
	v28 =	vsel vm5, $0x8B, v28;
	v30 =	vsel vm5, $0x10B, v30  }
0x144: {  	s0 =	rddreg [dreg:$0x0];
	s2 =	simm.s32 $0x0;
	[tilespmem:$0x1FC70] =	vst v27;
	v31 =	vsel vm5, $0x18B, v31;
	v32 =	vsel vm5, $0x20B, v32;
	v3 =	vsel vm3, $0x984, v3  }
0x145: {  	[smem:$0x7FF] =	sst s2;
	[tilespmem:$0x1FC60] =	vst v63;
	v33 =	vsel vm5, $0x28B, v33;
	v57 =	vsel vm3, $0xA04, v4;
	v3 =	vsel vm1, $0xA05, v3  }
0x146: {  	s1 =	rddreg [dreg:$0x1];
	_ =	strace $0x80000047;
	[tilespmem:$0x1FF30] =	vst v7;
	v34 =	vsel vm5, $0x30B, v34;
	v57 =	vsel vm1, $0xA85, v57;
	v3 =	vsel vm2, $0xA86, v3  }
0x147: {  	v35 =	vsel vm5, $0x38B, v35;
	v5 =	vsel vm3, $0xA84, v5;
	[tilespmem:$0x1FCD0] =	vst v3;
	v3 =	vsel vm2, $0xB06, v57  }
0x148: {  	v36 =	vsel vm5, $0x40B, v36;
	v37 =	vsel vm5, $0x48B, v37;
	[tilespmem:$0x1FCE0] =	vst v3;
	v3 =	vsel vm1, $0xB05, v5  }
0x149: {  	[tilespmem:$0x1FF40] =	vst v9;
	v40 =	vsel vm5, $0xE8B, v40;
	v58 =	vsel vm3, $0xB04, v6;
	v3 =	vsel vm2, $0xB86, v3  }
0x14a: {  	v41 =	vsel vm5, $0xF0B, v41;
	v59 =	vsel vm3, $0xB84, v8;
	[tilespmem:$0x1FCF0] =	vst v3;
	v3 =	vsel vm1, $0xB85, v58  }
0x14b: {  	[tilespmem:$0x1FF50] =	vst v11;
	v42 =	vsel vm5, $0xF8B, v42;
	v59 =	vsel vm1, $0xC05, v59;
	v3 =	vsel vm2, $0xC06, v3  }
0x14c: {  	v43 =	vsel vm5, $0x80B, v43;
	v60 =	vsel vm3, $0xC04, v10;
	[tilespmem:$0x1FD00] =	vst v3;
	v3 =	vsel vm2, $0xC86, v59  }
0x14d: {  	v44 =	vsel vm5, $0x88B, v44;
	v45 =	vsel vm5, $0x90B, v45;
	[tilespmem:$0x1FD10] =	vst v3;
	v3 =	vsel vm1, $0xC85, v60  }
0x14e: {  	[tilespmem:$0x1FF60] =	vst v13;
	v47 =	vsel vm5, $0xA0B, v47;
	v61 =	vsel vm3, $0xC84, v12;
	v3 =	vsel vm2, $0xD06, v3  }
0x14f: {  	v54 =	vsel vm3, $0x804, v0;
	v62 =	vsel vm3, $0xD04, v14;
	[tilespmem:$0x1FD20] =	vst v3;
	v3 =	vsel vm1, $0xD05, v61  }
0x150: {  	[tilespmem:$0x1FF70] =	vst v15;
	v55 =	vsel vm3, $0x884, v1;
	v61 =	vsel vm1, $0xD85, v62;
	v3 =	vsel vm2, $0xD86, v3  }
0x151: {  	v56 =	vsel vm3, $0x904, v2;
	v63 =	vsel vm3, $0xD84, v16;
	[tilespmem:$0x1FD30] =	vst v3;
	v3 =	vsel vm2, $0xE06, v61  }
0x152: {  	v1 =	vsel vm3, $0x68C, v18;
	v20 =	vsel vm3, $0x70C, v20;
	[tilespmem:$0x1FD40] =	vst v3;
	v3 =	vsel vm1, $0xE05, v63  }
0x153: {  	[tilespmem:$0x1FF80] =	vst v17;
	v22 =	vsel vm3, $0x78C, v22;
	v1 =	vsel vm1, $0x70D, v1;
	v3 =	vsel vm2, $0xE86, v3  }
0x154: {  	v18 =	vsel vm3, $0xC, v24;
	v1 =	vsel vm2, $0x78E, v1;
	[tilespmem:$0x1FD50] =	vst v3;
	v3 =	vsel vm1, $0x78D, v20  }
0x155: {  	v14 =	vsel vm3, $0x8C, v26;
	v0 =	vsel vm3, $0x10C, v28;
	[tilespmem:$0x1FD60] =	vst v1;
	v1 =	vsel vm2, $0xE, v3  }
0x156: {  	v2 =	vsel vm3, $0x18C, v30;
	v4 =	vsel vm3, $0x20C, v31;
	[tilespmem:$0x1FD70] =	vst v1;
	v1 =	vsel vm1, $0xD, v22  }
0x157: {  	s3 =	srdreg.scid;
	s4 =	stileid.u32;
	[tilespmem:$0x1FF90] =	vst v19;
	v6 =	vsel vm3, $0x28C, v32;
	v0 =	vsel vm1, $0x18D, v0;
	v1 =	vsel vm2, $0x8E, v1  }
0x158: {  	s3 =	sand.u32 $0x1, s3;
	s4 =	sshll.u32 s4, $0x1;
	v8 =	vsel vm3, $0x30C, v33;
	v0 =	vsel vm2, $0x20E, v0;
	[tilespmem:$0x1FD80] =	vst v1;
	v1 =	vsel vm1, $0x8D, v18  }
0x159: {  	s5 =	ssub.s32 $0x2, s3;
	s6 =	sor.u32 s3, s4;
	v26 =	vsel vm3, $0xF0C, v40;
	[tilespmem:$0x1FDB0] =	vst v0;
	v3 =	vsel vm1, $0x10D, v14;
	v1 =	vsel vm2, $0x10E, v1  }
0x15a: {  	s7 =	sshrl.u32 s5, $0x1;
	s8 =	sshll.u32 s6, $0x4;
	v31 =	vsel vm3, $0xF8C, v41;
	v0 =	vsel vm1, $0x20D, v2;
	[tilespmem:$0x1FD90] =	vst v1;
	v1 =	vsel vm2, $0x18E, v3  }
0x15b: {  	s23 =	sadd.s32 $0xF42A00, s1;
	s24 =	ssub.s32 s5, s7;
	s5 =	sadd.s32 s0, s8;
	v41 =	vsel vm3, $0x80C, v42;
	v0 =	vsel vm2, $0x28E, v0;
	[tilespmem:$0x1FDA0] =	vst v1;
	v1 =	vsel vm1, $0x28D, v4  }
0x15c: {  	s0 =	sadd.s32 $0x200, s5;
	[smem:$0x7FB] =	sst s23;
	v40 =	vsel vm3, $0x88C, v43;
	v42 =	vsel vm3, $0x90C, v44;
	[tilespmem:$0x1FDC0] =	vst v0;
	v0 =	vsel vm2, $0x30E, v1  }
0x15d: {  	s25 =	sadd.s32 $0x400, s5;
	[dreg:$0x3] =	wrdreg s0;
	v43 =	vsel vm3, $0x98C, v45;
	v45 =	vimm.s32 $0x1B1A1918;
	[tilespmem:$0x1FDD0] =	vst v0;
	v0 =	vsel vm1, $0x30D, v6  }
0x15e: {  	s26 =	sadd.s32 $0x600, s5;
	[dreg:$0x4] =	wrdreg s25;
	[tilespmem:$0x1FFA0] =	vst v21;
	v44 =	vsel vm3, $0xA8C, v47;
	v47 =	vunpack.c.0.s8.s32 v45;
	v0 =	vsel vm2, $0x38E, v0  }
0x15f: {  	s30 =	sadd.s32 $0x800, s5;
	[dreg:$0x5] =	wrdreg s26;
	v48 =	vsel vm5, $0xA8B, v48;
	v10 =	vsel vm3, $0x38C, v34;
	[tilespmem:$0x1FDE0] =	vst v0;
	v0 =	vsel vm1, $0x38D, v8  }
0x160: {  	s31 =	sadd.s32 $0xA00, s5;
	[dreg:$0x6] =	wrdreg s30;
	v12 =	vsel vm3, $0x40C, v35;
	[tilespmem:$0x1FC90] =	vst v47;
	v1 =	vsel vm1, $0x40D, v10;
	v0 =	vsel vm2, $0x40E, v0  }
0x161: {  	s2 =	sadd.s32 $0xC00, s5;
	[dreg:$0x7] =	wrdreg s31;
	v27 =	vsel vm3, $0xB0C, v48;
	v48 =	vsel vm1, $0x885, v54;
	[tilespmem:$0x1FDF0] =	vst v0;
	v0 =	vsel vm2, $0x48E, v1  }
0x162: {  	s4 =	sshll.u32 s6, $0x7;
	s6 =	sadd.s32 $0xE00, s5;
	[dreg:$0x8] =	wrdreg s2;
	v29 =	vsel vm3, $0xB8C, v49;
	v50 =	vsel vm2, $0x906, v48;
	[tilespmem:$0x1FE00] =	vst v0;
	v0 =	vsel vm1, $0x48D, v12  }
0x163: {  	s7 =	sadd.s32 $0x1000, s5;
	[dreg:$0x9] =	wrdreg s6;
	v24 =	vsel vm3, $0x48C, v36;
	v49 =	vsel vm1, $0x905, v55;
	[tilespmem:$0x1FCA0] =	vst v50;
	v0 =	vsel vm2, $0x50E, v0  }
0x164: {  	s9 =	sadd.s32 $0x1200, s5;
	[dreg:$0xa] =	wrdreg s7;
	v16 =	vsel vm3, $0x50C, v37;
	v54 =	vsel vm2, $0x986, v49;
	[tilespmem:$0x1FE10] =	vst v0;
	v0 =	vsel vm1, $0x50D, v24  }
0x165: {  	s10 =	sadd.s32 $0x1400, s5;
	[dreg:$0xb] =	wrdreg s9;
	v38 =	vsel vm5, $0x50B, v38;
	[tilespmem:$0x1FCB0] =	vst v54;
	v1 =	vsel vm1, $0x58D, v16;
	v0 =	vsel vm2, $0x58E, v0  }
0x166: {  	s11 =	sadd.s32 $0x1600, s5;
	[dreg:$0xc] =	wrdreg s10;
	v28 =	vsel vm3, $0x58C, v38;
	v55 =	vsel vm1, $0x985, v56;
	[tilespmem:$0x1FE20] =	vst v0;
	v0 =	vsel vm2, $0x60E, v1  }
0x167: {  	s12 =	sadd.s32 $0x1800, s5;
	[dreg:$0xd] =	wrdreg s11;
	v39 =	vsel vm5, $0xE0B, v39;
	v56 =	vsel vm2, $0xA06, v55;
	[tilespmem:$0x1FE30] =	vst v0;
	v0 =	vsel vm1, $0x60D, v28  }
0x168: {  	vm0 =	vcmask $0x1F10;
	s13 =	sadd.s32 $0x1A00, s5;
	[dreg:$0xe] =	wrdreg s12;
	v30 =	vsel vm3, $0xE8C, v39;
	[tilespmem:$0x1FCC0] =	vst v56;
	v0 =	vsel vm2, $0x68E, v0  }
0x169: {  	s14 =	sadd.s32 $0x1C00, s5;
	[dreg:$0xf] =	wrdreg s13;
	v2 =	vsel vm0, v13, v11;
	[tilespmem:$0x1FE40] =	vst v0;
	v0 =	vsel vm1, $0xF0D, v30  }
0x16a: {  	s15 =	sadd.s32 $0x1E00, s5;
	[dreg:$0x10] =	wrdreg s14;
	[tilespmem:$0x1FFC0] =	vst v2;
	v1 =	vsel vm1, $0xF8D, v26;
	v0 =	vsel vm2, $0xF8E, v0  }
0x16b: {  	s16 =	sadd.s32 $0x2000, s5;
	[dreg:$0x11] =	wrdreg s15;
	[tilespmem:$0x1FE50] =	vst v0;
	v0 =	vsel vm2, $0x80E, v1  }
0x16c: {  	s17 =	sadd.s32 $0x2200, s5;
	[dreg:$0x12] =	wrdreg s16;
	v63 =	vsel vm0, v21, v19;
	[tilespmem:$0x1FE60] =	vst v0;
	v0 =	vsel vm1, $0x80D, v31  }
0x16d: {  	s19 =	smax.u32 s24, $0x1;
	[dreg:$0x13] =	wrdreg s17;
	[tilespmem:$0x1FFE0] =	vst v63;
	v1 =	vsel vm1, $0x88D, v41;
	v0 =	vsel vm2, $0x88E, v0  }
0x16e: {  	s20 =	sadd.s32 $0x2400, s5;
	v46 =	vsel vm4, $0x90A, v46;
	[dreg:$0x14] =	wrdreg s19;
	v3 =	vsel vm1, $0x90D, v40;
	[tilespmem:$0x1FE70] =	vst v0;
	v0 =	vsel vm2, $0x90E, v1  }
0x16f: {  	s29 =	simm.s32 $0x880;
	s21 =	sadd.s32 $0x2600, s5;
	[dreg:$0x15] =	wrdreg s20;
	v46 =	vsel vm5, $0x98B, v46;
	v1 =	vsel vm1, $0x98D, v42;
	[tilespmem:$0x1FE80] =	vst v0;
	v0 =	vsel vm2, $0x98E, v3  }
0x170: {  	s28 =	simm.s32 $0x80;
	s22 =	sadd.s32 $0x2800, s5;
	[dreg:$0x16] =	wrdreg s21;
	v46 =	vsel vm3, $0xA0C, v46;
	[tilespmem:$0x1FE90] =	vst v0;
	v0 =	vsel vm2, $0xA0E, v1;
	v1 =	vsel vm1, $0xA0D, v43  }
0x171: {  	s3 =	sadd.s32 $0x600, s1;
	s24 =	sadd.s32 $0x2C00, s5;
	v52 =	vsel vm5, $0xC8B, v52;
	[dreg:$0x17] =	wrdreg s22;
	v3 =	vsel vm1, $0xA8D, v46;
	[tilespmem:$0x1FEA0] =	vst v0;
	v0 =	vsel vm2, $0xA8E, v1  }
0x172: {  	s1 =	simm.s32 $0x0;
	s18 =	sadd.s32 s3, s8;
	v53 =	vsel vm5, $0xD0B, v53;
	[dreg:$0x19] =	wrdreg s24;
	v1 =	vsel vm1, $0xB0D, v44;
	[tilespmem:$0x1FEB0] =	vst v0;
	v0 =	vsel vm2, $0xB0E, v3  }
0x173: {  	s8 =	simm.s32 $0x600;
	v51 =	vsel vm5, $0xC0B, v51;
	s23 =	sadd.s32 $0x2A00, s5;
	[dreg:$0x1f] =	wrdreg s5;
	[tilespmem:$0x1FEC0] =	vst v0;
	v0 =	vsel vm2, $0xB8E, v1;
	v1 =	vsel vm1, $0xB8D, v27  }
0x174: {  	v51 =	vsel vm3, $0xC8C, v51;
	s25 =	sadd.s32 $0x2E00, s5;
	s26 =	sadd.s32 $0x3000, s5;
	[dreg:$0x1e] =	wrdreg s18;
	v3 =	vsel vm1, $0xC0D, v29;
	[tilespmem:$0x1FED0] =	vst v0;
	v0 =	vsel vm2, $0xC0E, v1  }
0x175: {  	s30 =	sadd.s32 $0x3200, s5;
	s31 =	sadd.s32 $0x4000, s18;
	[smem:$0x7FC] =	sst s3;
	v1 =	vsel vm1, $0xC8D, v25;
	[tilespmem:$0x1FEE0] =	vst v0;
	v0 =	vsel vm2, $0xC8E, v3  }
0x176: {  	v52 =	vsel vm3, $0xD0C, v52;
	s2 =	simm.s32 $0x80;
	s12 =	simm.s32 $0xD00;
	[smem:$0x7FD] =	sst s4;
	[tilespmem:$0x1FEF0] =	vst v0;
	v0 =	vsel vm2, $0xD0E, v1;
	v1 =	vsel vm1, $0xD0D, v51  }
0x177: {  	v53 =	vsel vm3, $0xD8C, v53;
	s18 =	simm.s32 $0x1AD00;
	s19 =	simm.s32 $0x1BD00;
	[dreg:$0x18] =	wrdreg s23;
	v3 =	vsel vm1, $0xD8D, v52;
	[tilespmem:$0x1FF00] =	vst v0;
	v0 =	vsel vm2, $0xD8E, v1  }
0x178: {  	s22 =	simm.s32 $0x480;
	s16 =	simm.s32 $0x680;
	[dreg:$0x1a] =	wrdreg s25;
	v1 =	vsel vm1, $0xE0D, v53;
	[tilespmem:$0x1FF10] =	vst v0;
	v0 =	vsel vm2, $0xE0E, v3  }
0x179: {  	s17 =	simm.s32 $0x700;
	s10 =	simm.s32 $0x780;
	[dreg:$0x1b] =	wrdreg s26;
	v62 =	vsel vm2, $0xE8E, v1;
	v1 =	vsel vm0, v9, v7;
	[tilespmem:$0x1FF20] =	vst v0  }
0x17a: {  	s24 =	simm.s32 $0xA00;
	s11 =	simm.s32 $0xB00;
	[dreg:$0x1c] =	wrdreg s30;
	v3 =	vsel vm0, v17, v15;
	[tilespmem:$0x1FFB0] =	vst v1  }
0x17b: {  	s9 =	simm.s32 $0xB80;
	s20 =	simm.s32 $0xC00;
	[dreg:$0x1d] =	wrdreg s31;
	v0 =	vlaneseq.u32;
	[tilespmem:$0x1FFD0] =	vst v3  }
0x17c: {  	s23 =	simm.s32 $0x580;
	s25 =	simm.s32 $0x800;
	s26 =	simm.s32 $0x980;
	v15 =	vcombine.low v2, v1;
	v17 =	vcombine.low v63, v3;
	[tilespmem:$0x1FFF0] =	vst v62;
	v13 =	vor.u32 $0x10, v0  }
.LBB2_1:
0x17d: {  	[smem:$0x7FA] =	sst s1  }
0x17e: {  	s0 =	rddreg [dreg:$0x1f];
	s3 =	simm.s32 $0x0  }
0x17f: {  	[tilespmem:s3], [sflag:$0x1] =	stream.linear.gather [hbm4b:s0+s3], $0x80, $0x38;
	[tilespmem:$0x1CD00] =	vst v63  }
0x180: {  	s7 =	rddreg [dreg:$0x3]  }
0x181: {  	[tilespmem:s2], [sflag:$0x1] =	stream.linear.gather [hbm4b:s7+s3], $0x80, $0x38;
	[tilespmem:$0x1CD00] =	vst v63  }
0x182: {  	s13 =	rddreg [dreg:$0x4];
	s14 =	simm.s32 $0x100  }
0x183: {  	[tilespmem:s14], [sflag:$0x1] =	stream.linear.gather [hbm4b:s13+s3], $0x80, $0x38;
	[tilespmem:$0x1CD00] =	vst v63  }
0x184: {  	s15 =	rddreg [dreg:$0x5];
	s13 =	simm.s32 $0x180  }
0x185: {  	[tilespmem:s13], [sflag:$0x1] =	stream.linear.gather [hbm4b:s15+s3], $0x80, $0x38;
	[tilespmem:$0x1CD00] =	vst v63  }
0x186: {  	s21 =	rddreg [dreg:$0x6];
	s14 =	simm.s32 $0x200  }
0x187: {  	[tilespmem:s14], [sflag:$0x1] =	stream.linear.gather [hbm4b:s21+s3], $0x80, $0x38;
	[tilespmem:$0x1CD00] =	vst v63  }
0x188: {  	s30 =	rddreg [dreg:$0x7];
	s15 =	simm.s32 $0x280  }
0x189: {  	[tilespmem:s15], [sflag:$0x1] =	stream.linear.gather [hbm4b:s30+s3], $0x80, $0x38;
	[tilespmem:$0x1CD00] =	vst v63  }
0x18a: {  	s31 =	rddreg [dreg:$0x8];
	s21 =	simm.s32 $0x300  }
0x18b: {  	[tilespmem:s21], [sflag:$0x1] =	stream.linear.gather [hbm4b:s31+s3], $0x80, $0x38;
	[tilespmem:$0x1CD00] =	vst v63  }
0x18c: {  	s1 =	rddreg [dreg:$0x9];
	s30 =	simm.s32 $0x380  }
0x18d: {  	[tilespmem:s30], [sflag:$0x1] =	stream.linear.gather [hbm4b:s1+s3], $0x80, $0x38;
	[tilespmem:$0x1CD00] =	vst v63  }
0x18e: {  	s2 =	rddreg [dreg:$0xa];
	s31 =	simm.s32 $0x400  }
0x18f: {  	[tilespmem:s31], [sflag:$0x1] =	stream.linear.gather [hbm4b:s2+s3], $0x80, $0x38;
	[tilespmem:$0x1CD00] =	vst v63  }
0x190: {  	s4 =	rddreg [dreg:$0xb]  }
0x191: {  	[tilespmem:s22], [sflag:$0x1] =	stream.linear.gather [hbm4b:s4+s3], $0x80, $0x38;
	[tilespmem:$0x1CD00] =	vst v63  }
0x192: {  	s5 =	rddreg [dreg:$0xc];
	s7 =	simm.s32 $0x500  }
0x193: {  	[tilespmem:s7], [sflag:$0x1] =	stream.linear.gather [hbm4b:s5+s3], $0x80, $0x38;
	[tilespmem:$0x1CD00] =	vst v63  }
0x194: {  	s6 =	rddreg [dreg:$0xd]  }
0x195: {  	[tilespmem:s23], [sflag:$0x1] =	stream.linear.gather [hbm4b:s6+s3], $0x80, $0x38;
	[tilespmem:$0x1CD00] =	vst v63  }
0x196: {  	s1 =	rddreg [dreg:$0xe]  }
0x197: {  	[tilespmem:s8], [sflag:$0x1] =	stream.linear.gather [hbm4b:s1+s3], $0x80, $0x38;
	[tilespmem:$0x1CD00] =	vst v63  }
0x198: {  	s2 =	rddreg [dreg:$0xf]  }
0x199: {  	[tilespmem:s16], [sflag:$0x1] =	stream.linear.gather [hbm4b:s2+s3], $0x80, $0x38;
	[tilespmem:$0x1CD00] =	vst v63  }
0x19a: {  	s4 =	rddreg [dreg:$0x10]  }
0x19b: {  	[tilespmem:s17], [sflag:$0x1] =	stream.linear.gather [hbm4b:s4+s3], $0x80, $0x38;
	[tilespmem:$0x1CD00] =	vst v63  }
0x19c: {  	s5 =	rddreg [dreg:$0x11]  }
0x19d: {  	[tilespmem:s10], [sflag:$0x1] =	stream.linear.gather [hbm4b:s5+s3], $0x80, $0x38;
	[tilespmem:$0x1CD00] =	vst v63  }
0x19e: {  	s6 =	rddreg [dreg:$0x12]  }
0x19f: {  	[tilespmem:s25], [sflag:$0x1] =	stream.linear.gather [hbm4b:s6+s3], $0x80, $0x38;
	[tilespmem:$0x1CD00] =	vst v63  }
0x1a0: {  	s1 =	rddreg [dreg:$0x13]  }
0x1a1: {  	[tilespmem:s29], [sflag:$0x1] =	stream.linear.gather [hbm4b:s1+s3], $0x80, $0x38;
	[tilespmem:$0x1CD00] =	vst v63  }
0x1a2: {  	s2 =	rddreg [dreg:$0x15];
	s4 =	simm.s32 $0x900  }
0x1a3: {  	[tilespmem:s4], [sflag:$0x1] =	stream.linear.gather [hbm4b:s2+s3], $0x80, $0x38;
	[tilespmem:$0x1CD00] =	vst v63  }
0x1a4: {  	s5 =	rddreg [dreg:$0x16]  }
0x1a5: {  	[tilespmem:s26], [sflag:$0x1] =	stream.linear.gather [hbm4b:s5+s3], $0x80, $0x38;
	[tilespmem:$0x1CD00] =	vst v63  }
0x1a6: {  	s6 =	rddreg [dreg:$0x17]  }
0x1a7: {  	[tilespmem:s24], [sflag:$0x1] =	stream.linear.gather [hbm4b:s6+s3], $0x80, $0x38;
	[tilespmem:$0x1CD00] =	vst v63  }
0x1a8: {  	s1 =	rddreg [dreg:$0x18];
	s5 =	simm.s32 $0xA80  }
0x1a9: {  	[tilespmem:s5], [sflag:$0x1] =	stream.linear.gather [hbm4b:s1+s3], $0x80, $0x38;
	[tilespmem:$0x1CD00] =	vst v63  }
0x1aa: {  	s2 =	rddreg [dreg:$0x19]  }
0x1ab: {  	[tilespmem:s11], [sflag:$0x1] =	stream.linear.gather [hbm4b:s2+s3], $0x80, $0x38;
	[tilespmem:$0x1CD00] =	vst v63  }
0x1ac: {  	s4 =	rddreg [dreg:$0x1a]  }
0x1ad: {  	[tilespmem:s9], [sflag:$0x1] =	stream.linear.gather [hbm4b:s4+s3], $0x80, $0x38;
	[tilespmem:$0x1CD00] =	vst v63  }
0x1ae: {  	s6 =	rddreg [dreg:$0x1b]  }
0x1af: {  	[tilespmem:s20], [sflag:$0x1] =	stream.linear.gather [hbm4b:s6+s3], $0x80, $0x38;
	[tilespmem:$0x1CD00] =	vst v63  }
0x1b0: {  	s1 =	rddreg [dreg:$0x1c];
	s4 =	simm.s32 $0xC80;
	s6 =	simm.s32 $0x1  }
0x1b1: {  	[tilespmem:s4], [sflag:$0x1] =	stream.linear.gather [hbm4b:s1+s3], $0x80, $0x38;
	[tilespmem:$0x1CD00] =	vst v63  }
0x1b2: {  	_ =	swait.ge [sflag:s6], $0xD00  }
0x1b3: {  	s0 =	sld [smem:$0x7FB]  }
0x1b4: {  	[sflag:s6] =	ssyncset.done $0x0  }
0x1b5: {  	[sflag:s6] =	ssyncadd.s32 $0xFFFFF300  }
0x1b6: {  	[tilespmem:s12], [sflag:$0x1] =	stream.indirect.gather [hbm4b:s0+s28], $0x20, s3, s28, $0xb8;
	[tilespmem:$0x1CD00] =	vst v63  }
0x1b7: {  	s2 =	simm.s32 $0x1D00  }
0x1b8: {  	[tilespmem:s2], [sflag:$0x1] =	stream.indirect.gather [hbm4b:s0+s28], $0x20, s28, s28, $0xb8;
	[tilespmem:$0x1CD00] =	vst v63  }
0x1b9: {  	s1 =	simm.s32 $0x2D00;
	s2 =	simm.s32 $0x100  }
0x1ba: {  	[tilespmem:s1], [sflag:$0x1] =	stream.indirect.gather [hbm4b:s0+s28], $0x20, s2, s28, $0xb8;
	[tilespmem:$0x1CD00] =	vst v63  }
0x1bb: {  	s2 =	simm.s32 $0x3D00  }
0x1bc: {  	[tilespmem:s2], [sflag:$0x1] =	stream.indirect.gather [hbm4b:s0+s28], $0x20, s13, s28, $0xb8;
	[tilespmem:$0x1CD00] =	vst v63  }
0x1bd: {  	s13 =	simm.s32 $0x4D00  }
0x1be: {  	[tilespmem:s13], [sflag:$0x1] =	stream.indirect.gather [hbm4b:s0+s28], $0x20, s14, s28, $0xb8;
	[tilespmem:$0x1CD00] =	vst v63  }
0x1bf: {  	s14 =	simm.s32 $0x5D00  }
0x1c0: {  	[tilespmem:s14], [sflag:$0x1] =	stream.indirect.gather [hbm4b:s0+s28], $0x20, s15, s28, $0xb8;
	[tilespmem:$0x1CD00] =	vst v63  }
0x1c1: {  	s2 =	simm.s32 $0x6D00  }
0x1c2: {  	[tilespmem:s2], [sflag:$0x1] =	stream.indirect.gather [hbm4b:s0+s28], $0x20, s21, s28, $0xb8;
	[tilespmem:$0x1CD00] =	vst v63  }
0x1c3: {  	s13 =	simm.s32 $0x7D00  }
0x1c4: {  	[tilespmem:s13], [sflag:$0x1] =	stream.indirect.gather [hbm4b:s0+s28], $0x20, s30, s28, $0xb8;
	[tilespmem:$0x1CD00] =	vst v63  }
0x1c5: {  	s14 =	simm.s32 $0x8D00  }
0x1c6: {  	[tilespmem:s14], [sflag:$0x1] =	stream.indirect.gather [hbm4b:s0+s28], $0x20, s31, s28, $0xb8;
	[tilespmem:$0x1CD00] =	vst v63  }
0x1c7: {  	s15 =	simm.s32 $0x9D00  }
0x1c8: {  	[tilespmem:s15], [sflag:$0x1] =	stream.indirect.gather [hbm4b:s0+s28], $0x20, s22, s28, $0xb8;
	[tilespmem:$0x1CD00] =	vst v63  }
0x1c9: {  	s21 =	simm.s32 $0xAD00  }
0x1ca: {  	[tilespmem:s21], [sflag:$0x1] =	stream.indirect.gather [hbm4b:s0+s28], $0x20, s7, s28, $0xb8;
	[tilespmem:$0x1CD00] =	vst v63  }
0x1cb: {  	s30 =	simm.s32 $0xBD00  }
0x1cc: {  	[tilespmem:s30], [sflag:$0x1] =	stream.indirect.gather [hbm4b:s0+s28], $0x20, s23, s28, $0xb8;
	[tilespmem:$0x1CD00] =	vst v63  }
0x1cd: {  	s31 =	simm.s32 $0xCD00  }
0x1ce: {  	[tilespmem:s31], [sflag:$0x1] =	stream.indirect.gather [hbm4b:s0+s28], $0x20, s8, s28, $0xb8;
	[tilespmem:$0x1CD00] =	vst v63  }
0x1cf: {  	s2 =	simm.s32 $0xDD00  }
0x1d0: {  	[tilespmem:s2], [sflag:$0x1] =	stream.indirect.gather [hbm4b:s0+s28], $0x20, s16, s28, $0xb8;
	[tilespmem:$0x1CD00] =	vst v63  }
0x1d1: {  	s7 =	simm.s32 $0xED00  }
0x1d2: {  	[tilespmem:s7], [sflag:$0x1] =	stream.indirect.gather [hbm4b:s0+s28], $0x20, s17, s28, $0xb8;
	[tilespmem:$0x1CD00] =	vst v63  }
0x1d3: {  	s13 =	simm.s32 $0xFD00  }
0x1d4: {  	[tilespmem:s13], [sflag:$0x1] =	stream.indirect.gather [hbm4b:s0+s28], $0x20, s10, s28, $0xb8;
	[tilespmem:$0x1CD00] =	vst v63  }
0x1d5: {  	s14 =	simm.s32 $0x10D00  }
0x1d6: {  	[tilespmem:s14], [sflag:$0x1] =	stream.indirect.gather [hbm4b:s0+s28], $0x20, s25, s28, $0xb8;
	[tilespmem:$0x1CD00] =	vst v63  }
0x1d7: {  	s15 =	simm.s32 $0x11D00  }
0x1d8: {  	[tilespmem:s15], [sflag:$0x1] =	stream.indirect.gather [hbm4b:s0+s28], $0x20, s29, s28, $0xb8;
	[tilespmem:$0x1CD00] =	vst v63  }
0x1d9: {  	s21 =	simm.s32 $0x12D00;
	s30 =	simm.s32 $0x900  }
0x1da: {  	[tilespmem:s21], [sflag:$0x1] =	stream.indirect.gather [hbm4b:s0+s28], $0x20, s30, s28, $0xb8;
	[tilespmem:$0x1CD00] =	vst v63  }
0x1db: {  	s31 =	simm.s32 $0x13D00;
	s2 =	simm.s32 $0x80  }
0x1dc: {  	[tilespmem:s31], [sflag:$0x1] =	stream.indirect.gather [hbm4b:s0+s2], $0x20, s26, s2, $0xb8;
	[tilespmem:$0x1CD00] =	vst v63  }
0x1dd: {  	s7 =	simm.s32 $0x14D00  }
0x1de: {  	[tilespmem:s7], [sflag:$0x1] =	stream.indirect.gather [hbm4b:s0+s2], $0x20, s24, s2, $0xb8;
	[tilespmem:$0x1CD00] =	vst v63  }
0x1df: {  	s13 =	simm.s32 $0x15D00  }
0x1e0: {  	[tilespmem:s13], [sflag:$0x1] =	stream.indirect.gather [hbm4b:s0+s2], $0x20, s5, s2, $0xb8;
	[tilespmem:$0x1CD00] =	vst v63  }
0x1e1: {  	s14 =	simm.s32 $0x16D00  }
0x1e2: {  	[tilespmem:s14], [sflag:$0x1] =	stream.indirect.gather [hbm4b:s0+s2], $0x20, s11, s2, $0xb8;
	[tilespmem:$0x1CD00] =	vst v63  }
0x1e3: {  	s15 =	simm.s32 $0x17D00  }
0x1e4: {  	[tilespmem:s15], [sflag:$0x1] =	stream.indirect.gather [hbm4b:s0+s2], $0x20, s9, s2, $0xb8;
	[tilespmem:$0x1CD00] =	vst v63  }
0x1e5: {  	s21 =	simm.s32 $0x18D00  }
0x1e6: {  	[tilespmem:s21], [sflag:$0x1] =	stream.indirect.gather [hbm4b:s0+s2], $0x20, s20, s2, $0xb8;
	[tilespmem:$0x1CD00] =	vst v63  }
0x1e7: {  	v3 =	vor.u32 s3, v0;
	s30 =	simm.s32 $0x19D00  }
0x1e8: {  	v1 =	vshll.u32 v3, $0x5;
	[tilespmem:s30], [sflag:$0x1] =	stream.indirect.gather [hbm4b:s0+s2], $0x20, s4, s2, $0xb8;
	[tilespmem:$0x1CD00] =	vst v63  }
0x1e9: {  	v5 =	vor.u32 v0, v1;
	_ =	swait.ge [sflag:s6], $0x1A000  }
0x1ea: {  	v2 =	vld [tilespmem:$0x1F9F0];
	_ =	sdelay $0x1  }
0x1eb: {  	[sflag:s6] =	ssyncset.done $0x0  }
0x1ec: {  	[sflag:s6] =	ssyncadd.s32 $0xFFFE6000  }
0x1ed: {  	v26 =	vand.u32 $0x78, v3;
	v3 =	vld.idx.msk [tilespmem:v5+s12+$0x0], $0xffff  }
0x1ee: {  	v5 =	vor.u32 v2, v26;
	v2 =	vld [tilespmem:$0x1FA00];
	_ =	sdelay $0x4  }
0x1ef: {  	v36 =	vor.u32 v2, v1;
	v2 =	vld [tilespmem:$0x1FA10];
	_ =	sdelay $0x4  }
0x1f0: {  	[tilespmem:v5+s18+$0x0] =	vst.idx.msk $0xffff, v3;
	v5 =	vor.u32 v2, v26;
	v2 =	vld [tilespmem:$0x1FA20];
	_ =	sdelay $0x3  }
0x1f1: {  	v3 =	vld.idx.msk [tilespmem:v36+s12+$0x0], $0xffff  }
0x1f2: {  	v4 =	vld [tilespmem:$0x1FA30];
	v55 =	vor.u32 v2, v1  }
0x1f3: {  	v2 =	vld [tilespmem:$0x1FA40];
	_ =	sdelay $0x2  }
0x1f4: {  	[tilespmem:v5+s18+$0x0] =	vst.idx.msk $0xffff, v3  }
0x1f5: {  	v5 =	vor.u32 v4, v26;
	v3 =	vld.idx.msk [tilespmem:v55+s12+$0x0], $0xffff  }
0x1f6: {  	v6 =	vld [tilespmem:$0x1FA50];
	v56 =	vor.u32 v2, v1  }
0x1f7: {  	v2 =	vld [tilespmem:$0x1FA60];
	_ =	sdelay $0x2  }
0x1f8: {  	[tilespmem:v5+s18+$0x0] =	vst.idx.msk $0xffff, v3  }
0x1f9: {  	v5 =	vor.u32 v6, v26;
	v3 =	vld.idx.msk [tilespmem:v56+s12+$0x0], $0xffff  }
0x1fa: {  	v8 =	vld [tilespmem:$0x1FA70];
	v57 =	vor.u32 v2, v1  }
0x1fb: {  	v2 =	vld [tilespmem:$0x1FA80];
	_ =	sdelay $0x2  }
0x1fc: {  	[tilespmem:v5+s18+$0x0] =	vst.idx.msk $0xffff, v3  }
0x1fd: {  	v5 =	vor.u32 v8, v26;
	v3 =	vld.idx.msk [tilespmem:v57+s12+$0x0], $0xffff  }
0x1fe: {  	v10 =	vld [tilespmem:$0x1FA90];
	v58 =	vor.u32 v2, v1  }
0x1ff: {  	v2 =	vld [tilespmem:$0x1FAA0];
	_ =	sdelay $0x2  }
0x200: {  	[tilespmem:v5+s18+$0x0] =	vst.idx.msk $0xffff, v3  }
0x201: {  	v5 =	vor.u32 v10, v26;
	v3 =	vld.idx.msk [tilespmem:v58+s12+$0x0], $0xffff  }
0x202: {  	v12 =	vld [tilespmem:$0x1FAB0];
	v59 =	vor.u32 v2, v1  }
0x203: {  	v2 =	vld [tilespmem:$0x1FAC0];
	_ =	sdelay $0x2  }
0x204: {  	[tilespmem:v5+s18+$0x0] =	vst.idx.msk $0xffff, v3  }
0x205: {  	v5 =	vor.u32 v12, v26;
	v3 =	vld.idx.msk [tilespmem:v59+s12+$0x0], $0xffff  }
0x206: {  	v14 =	vld [tilespmem:$0x1FAD0];
	v60 =	vor.u32 v2, v1  }
0x207: {  	v25 =	vmov v2;
	v2 =	vld [tilespmem:$0x1FAE0];
	_ =	sdelay $0x2  }
0x208: {  	[tilespmem:v5+s18+$0x0] =	vst.idx.msk $0xffff, v3  }
0x209: {  	v5 =	vor.u32 v14, v26;
	v3 =	vld.idx.msk [tilespmem:v60+s12+$0x0], $0xffff  }
0x20a: {  	v16 =	vld [tilespmem:$0x1FAF0];
	v61 =	vor.u32 v2, v1  }
0x20b: {  	v23 =	vmov v2;
	v2 =	vld [tilespmem:$0x1FB00];
	_ =	sdelay $0x2  }
0x20c: {  	[tilespmem:v5+s18+$0x0] =	vst.idx.msk $0xffff, v3  }
0x20d: {  	v5 =	vor.u32 v16, v26;
	v3 =	vld.idx.msk [tilespmem:v61+s12+$0x0], $0xffff  }
0x20e: {  	v18 =	vld [tilespmem:$0x1FB10];
	v62 =	vor.u32 v2, v1  }
0x20f: {  	v27 =	vmov v2;
	v2 =	vld [tilespmem:$0x1FB20];
	_ =	sdelay $0x2  }
0x210: {  	[tilespmem:v5+s18+$0x0] =	vst.idx.msk $0xffff, v3  }
0x211: {  	v5 =	vor.u32 v18, v26;
	v3 =	vld.idx.msk [tilespmem:v62+s12+$0x0], $0xffff  }
0x212: {  	v20 =	vld [tilespmem:$0x1FB30];
	v63 =	vor.u32 v2, v1  }
0x213: {  	v19 =	vmov v2;
	v2 =	vld [tilespmem:$0x1FB40];
	_ =	sdelay $0x2  }
0x214: {  	[tilespmem:v5+s18+$0x0] =	vst.idx.msk $0xffff, v3  }
0x215: {  	v5 =	vor.u32 v20, v26;
	v3 =	vld.idx.msk [tilespmem:v63+s12+$0x0], $0xffff  }
0x216: {  	v22 =	vld [tilespmem:$0x1FB50];
	v32 =	vor.u32 v2, v1  }
0x217: {  	v63 =	vld [tilespmem:$0x1FB60];
	_ =	sdelay $0x2  }
0x218: {  	[tilespmem:v5+s18+$0x0] =	vst.idx.msk $0xffff, v3  }
0x219: {  	v5 =	vor.u32 v22, v26;
	v3 =	vld.idx.msk [tilespmem:v32+s12+$0x0], $0xffff  }
0x21a: {  	v24 =	vld [tilespmem:$0x1FB70];
	v33 =	vor.u32 v63, v1  }
0x21b: {  	v32 =	vld [tilespmem:$0x1FB80];
	_ =	sdelay $0x2  }
0x21c: {  	[tilespmem:v5+s18+$0x0] =	vst.idx.msk $0xffff, v3  }
0x21d: {  	v5 =	vor.u32 v24, v26;
	v3 =	vld.idx.msk [tilespmem:v33+s12+$0x0], $0xffff  }
0x21e: {  	v28 =	vld [tilespmem:$0x1FB90];
	v34 =	vor.u32 v32, v1  }
0x21f: {  	v33 =	vld [tilespmem:$0x1FBA0];
	_ =	sdelay $0x2  }
0x220: {  	[tilespmem:v5+s18+$0x0] =	vst.idx.msk $0xffff, v3  }
0x221: {  	v5 =	vor.u32 v28, v26;
	v3 =	vld.idx.msk [tilespmem:v34+s12+$0x0], $0xffff  }
0x222: {  	v30 =	vld [tilespmem:$0x1FBB0];
	v35 =	vor.u32 v33, v1  }
0x223: {  	v34 =	vld [tilespmem:$0x1FBC0];
	_ =	sdelay $0x2  }
0x224: {  	[tilespmem:v5+s18+$0x0] =	vst.idx.msk $0xffff, v3  }
0x225: {  	v5 =	vor.u32 v30, v26;
	v3 =	vld.idx.msk [tilespmem:v35+s12+$0x0], $0xffff  }
0x226: {  	v31 =	vld [tilespmem:$0x1FBD0];
	v40 =	vor.u32 v34, v1;
	_ =	sdelay $0x3  }
0x227: {  	[tilespmem:v5+s18+$0x0] =	vst.idx.msk $0xffff, v3  }
0x228: {  	v5 =	vor.u32 v31, v26;
	v3 =	vld.idx.msk [tilespmem:v40+s12+$0x0], $0xffff  }
0x229: {  	v41 =	vor.u32 v13, v1;
	v35 =	vld [tilespmem:$0x1FBE0];
	_ =	sdelay $0x3  }
0x22a: {  	[tilespmem:v5+s18+$0x0] =	vst.idx.msk $0xffff, v3  }
0x22b: {  	v5 =	vor.u32 v35, v26;
	v3 =	vld.idx.msk [tilespmem:v41+s12+$0x0], $0xffff  }
0x22c: {  	v42 =	vor.u32 v15, v1;
	v37 =	vld [tilespmem:$0x1FBF0]  }
0x22d: {  	v54 =	vld [tilespmem:$0x1FC10]  }
0x22e: {  	v55 =	vld [tilespmem:$0x1FC20]  }
0x22f: {  	v56 =	vld [tilespmem:$0x1FC30]  }
0x230: {  	v57 =	vld [tilespmem:$0x1FC40];
	[tilespmem:v5+s18+$0x0] =	vst.idx.msk $0xffff, v3  }
0x231: {  	v5 =	vor.u32 v37, v26;
	v3 =	vld.idx.msk [tilespmem:v42+s12+$0x0], $0xffff  }
0x232: {  	v38 =	vld [tilespmem:$0x1FC00];
	v41 =	vor.u32 v17, v1  }
0x233: {  	v58 =	vld [tilespmem:$0x1FC60]  }
0x234: {  	v59 =	vld [tilespmem:$0x1FC70]  }
0x235: {  	v9 =	vsel vm0, v55, v54;
	v11 =	vsel vm0, v57, v56;
	v60 =	vld [tilespmem:$0x1FC80]  }
0x236: {  	v36 =	vcombine.low v11, v9;
	v61 =	vld [tilespmem:$0x1FC90];
	[tilespmem:v5+s18+$0x0] =	vst.idx.msk $0xffff, v3  }
0x237: {  	v5 =	vor.u32 v38, v26;
	v3 =	vld.idx.msk [tilespmem:v41+s12+$0x0], $0xffff  }
0x238: {  	v39 =	vld [tilespmem:$0x1FC50];
	v46 =	vor.u32 v36, v1  }
0x239: {  	v43 =	vld [tilespmem:$0x1FF40]  }
0x23a: {  	v52 =	vld [tilespmem:$0x1FF50]  }
0x23b: {  	v48 =	vld [tilespmem:$0x1FF30];
	v29 =	vsel vm0, v59, v58;
	v50 =	vsel vm0, v61, v60  }
0x23c: {  	v49 =	vld [tilespmem:$0x1FF60];
	v41 =	vcombine.low v50, v29;
	[tilespmem:v5+s18+$0x0] =	vst.idx.msk $0xffff, v3  }
0x23d: {  	v5 =	vor.u32 v39, v26;
	v3 =	vld.idx.msk [tilespmem:v46+s12+$0x0], $0xffff  }
0x23e: {  	v40 =	vld [tilespmem:$0x1FCA0];
	v51 =	vor.u32 v41, v1  }
0x23f: {  	v45 =	vld [tilespmem:$0x1FF80]  }
0x240: {  	v53 =	vld [tilespmem:$0x1FF90]  }
0x241: {  	v47 =	vld [tilespmem:$0x1FF70];
	v7 =	vsel vm0, v48, v49;
	v21 =	vmov v2;
	v2 =	vsel vm0, v52, v43  }
0x242: {  	v48 =	vld [tilespmem:$0x1FFA0];
	v46 =	vcombine.low v7, v2;
	[tilespmem:v5+s18+$0x0] =	vst.idx.msk $0xffff, v3  }
0x243: {  	v5 =	vor.u32 v40, v26;
	v3 =	vld.idx.msk [tilespmem:v51+s12+$0x0], $0xffff  }
0x244: {  	v43 =	vld [tilespmem:$0x1FCB0];
	v62 =	vor.u32 v46, v1;
	_ =	sdelay $0x2  }
0x245: {  	[tilespmem:$0x1F9D0] =	vst v2;
	v42 =	vsel vm0, v47, v48;
	v2 =	vsel vm0, v53, v45  }
0x246: {  	v51 =	vcombine.low v42, v2;
	[tilespmem:v5+s18+$0x0] =	vst.idx.msk $0xffff, v3  }
0x247: {  	v5 =	vor.u32 v43, v26;
	v3 =	vld.idx.msk [tilespmem:v62+s12+$0x0], $0xffff  }
0x248: {  	v44 =	vld [tilespmem:$0x1FCC0];
	v49 =	vor.u32 v51, v1;
	_ =	sdelay $0x2  }
0x249: {  	[tilespmem:$0x1F9C0] =	vst v7;
	v7 =	vsel vm0, v56, v55;
	v62 =	vsel vm0, v54, v57  }
0x24a: {  	v52 =	vcombine.low v62, v7;
	[tilespmem:v5+s18+$0x0] =	vst.idx.msk $0xffff, v3  }
0x24b: {  	v47 =	vsel vm0, v58, v61;
	v45 =	vsel vm0, v60, v59;
	v5 =	vor.u32 v44, v26;
	v3 =	vld.idx.msk [tilespmem:v49+s12+$0x0], $0xffff  }
0x24c: {  	v53 =	vcombine.low v47, v45;
	v45 =	vld [tilespmem:$0x1FCD0];
	v57 =	vor.u32 v52, v1;
	_ =	sdelay $0x3  }
0x24d: {  	[tilespmem:v5+s18+$0x0] =	vst.idx.msk $0xffff, v3  }
0x24e: {  	v5 =	vor.u32 v45, v26;
	v3 =	vld.idx.msk [tilespmem:v57+s12+$0x0], $0xffff;
	_ =	sdelay $0x2  }
0x24f: {  	v47 =	vld [tilespmem:$0x1FCE0]  }
0x250: {  	[tilespmem:$0x1F9E0] =	vst v2;
	v2 =	vld [tilespmem:$0x1FFB0]  }
0x251: {  	v55 =	vor.u32 v53, v1;
	[tilespmem:v5+s18+$0x0] =	vst.idx.msk $0xffff, v3;
	v3 =	vld [tilespmem:$0x1FFC0];
	_ =	sdelay $0x4  }
0x252: {  	v5 =	vor.u32 v47, v26;
	v54 =	vcombine.low v2, v3;
	v3 =	vld.idx.msk [tilespmem:v55+s12+$0x0], $0xffff;
	_ =	sdelay $0x3  }
0x253: {  	v2 =	vld [tilespmem:$0x1FFD0]  }
0x254: {  	v48 =	vor.u32 v54, v1;
	[tilespmem:v5+s18+$0x0] =	vst.idx.msk $0xffff, v3;
	v3 =	vld [tilespmem:$0x1FFE0];
	_ =	sdelay $0x4  }
0x255: {  	v55 =	vcombine.low v2, v3;
	v3 =	vld.idx.msk [tilespmem:v48+s12+$0x0], $0xffff  }
0x256: {  	v48 =	vld [tilespmem:$0x1FCF0];
	_ =	sdelay $0x4  }
0x257: {  	v5 =	vor.u32 v48, v26  }
0x258: {  	v49 =	vor.u32 v55, v1;
	_ =	sdelay $0x3  }
0x259: {  	[tilespmem:v5+s18+$0x0] =	vst.idx.msk $0xffff, v3  }
0x25a: {  	v3 =	vld.idx.msk [tilespmem:v49+s12+$0x0], $0xffff  }
0x25b: {  	v49 =	vld [tilespmem:$0x1FD00];
	_ =	sdelay $0x3  }
0x25c: {  	v56 =	vcombine.low v9, v11  }
0x25d: {  	v5 =	vor.u32 v49, v26  }
0x25e: {  	v60 =	vor.u32 v56, v1;
	v57 =	vcombine.low v29, v50;
	v50 =	vld [tilespmem:$0x1FD10];
	_ =	sdelay $0x3  }
0x25f: {  	[tilespmem:v5+s18+$0x0] =	vst.idx.msk $0xffff, v3  }
0x260: {  	v5 =	vor.u32 v50, v26;
	v3 =	vld.idx.msk [tilespmem:v60+s12+$0x0], $0xffff;
	_ =	sdelay $0x3  }
0x261: {  	v2 =	vld [tilespmem:$0x1F9C0]  }
0x262: {  	[tilespmem:v5+s18+$0x0] =	vst.idx.msk $0xffff, v3;
	v3 =	vld [tilespmem:$0x1F9D0];
	_ =	sdelay $0x4  }
0x263: {  	v58 =	vcombine.low v3, v2;
	v2 =	vld [tilespmem:$0x1FD20];
	_ =	sdelay $0x3  }
0x264: {  	v61 =	vor.u32 v57, v1  }
0x265: {  	v11 =	vmov v2;
	v5 =	vor.u32 v2, v26;
	v2 =	vld [tilespmem:$0x1F9E0];
	_ =	sdelay $0x3  }
0x266: {  	v3 =	vld.idx.msk [tilespmem:v61+s12+$0x0], $0xffff  }
0x267: {  	v60 =	vor.u32 v58, v1;
	v59 =	vcombine.low v2, v42;
	v2 =	vld [tilespmem:$0x1FD30];
	_ =	sdelay $0x3  }
0x268: {  	[tilespmem:v5+s18+$0x0] =	vst.idx.msk $0xffff, v3  }
0x269: {  	v3 =	vld.idx.msk [tilespmem:v60+s12+$0x0], $0xffff;
	v5 =	vor.u32 v2, v26  }
0x26a: {  	v60 =	vcombine.low v7, v62;
	v7 =	vld [tilespmem:$0x1FD40];
	v61 =	vor.u32 v59, v1;
	_ =	sdelay $0x3  }
0x26b: {  	[tilespmem:v5+s18+$0x0] =	vst.idx.msk $0xffff, v3  }
0x26c: {  	v5 =	vor.u32 v7, v26;
	v3 =	vld.idx.msk [tilespmem:v61+s12+$0x0], $0xffff  }
0x26d: {  	v1 =	vor.u32 v60, v1  }
0x26e: {  	v9 =	vld [tilespmem:$0x1FD50];
	_ =	sdelay $0x1  }
0x26f: {  	v42 =	vld [tilespmem:$0x1FA00]  }
0x270: {  	s31 =	simm.s32 $0x10;
	v62 =	vld [tilespmem:$0x1FA10];
	[tilespmem:v5+s18+$0x0] =	vst.idx.msk $0xffff, v3  }
0x271: {  	s0 =	simm.s32 $0x20;
	v29 =	vmov v2;
	v61 =	vor.u32 s31, v0;
	v3 =	vld.idx.msk [tilespmem:v1+s12+$0x0], $0xffff  }
.LBB2_2:
0x272: {  	v1 =	vshll.u32 v61, $0x5;
	v5 =	vor.u32 v9, v26  }
0x273: {  	v26 =	vor.u32 v0, v1  }
0x274: {  	v2 =	vld [tilespmem:$0x1F9F0];
	_ =	sdelay $0x2  }
0x275: {  	[tilespmem:v5+s18+$0x0] =	vst.idx.msk $0xffff, v3  }
0x276: {  	v3 =	vld.idx.msk [tilespmem:v26+s12+$0x0], $0xffff;
	v26 =	vand.u32 $0x78, v61  }
0x277: {  	v5 =	vor.u32 v2, v26  }
0x278: {  	v61 =	vor.u32 v42, v1  }
0x279: {  	v2 =	vld [tilespmem:$0x1FA20];
	_ =	sdelay $0x2  }
0x27a: {  	[tilespmem:v5+s18+$0x0] =	vst.idx.msk $0xffff, v3  }
0x27b: {  	v5 =	vor.u32 v62, v26;
	v3 =	vld.idx.msk [tilespmem:v61+s12+$0x0], $0xffff  }
0x27c: {  	v61 =	vor.u32 v2, v1  }
0x27d: {  	v2 =	vld [tilespmem:$0x1FA40];
	_ =	sdelay $0x2  }
0x27e: {  	[tilespmem:v5+s18+$0x0] =	vst.idx.msk $0xffff, v3  }
0x27f: {  	v5 =	vor.u32 v4, v26;
	v3 =	vld.idx.msk [tilespmem:v61+s12+$0x0], $0xffff  }
0x280: {  	v61 =	vor.u32 v2, v1  }
0x281: {  	v2 =	vld [tilespmem:$0x1FA60];
	_ =	sdelay $0x2  }
0x282: {  	[tilespmem:v5+s18+$0x0] =	vst.idx.msk $0xffff, v3  }
0x283: {  	v5 =	vor.u32 v6, v26;
	v3 =	vld.idx.msk [tilespmem:v61+s12+$0x0], $0xffff  }
0x284: {  	v61 =	vor.u32 v2, v1  }
0x285: {  	v2 =	vld [tilespmem:$0x1FA80];
	_ =	sdelay $0x2  }
0x286: {  	[tilespmem:v5+s18+$0x0] =	vst.idx.msk $0xffff, v3  }
0x287: {  	v5 =	vor.u32 v8, v26;
	v3 =	vld.idx.msk [tilespmem:v61+s12+$0x0], $0xffff  }
0x288: {  	v61 =	vor.u32 v2, v1  }
0x289: {  	v2 =	vld [tilespmem:$0x1FAA0];
	_ =	sdelay $0x2  }
0x28a: {  	[tilespmem:v5+s18+$0x0] =	vst.idx.msk $0xffff, v3  }
0x28b: {  	v5 =	vor.u32 v10, v26;
	v3 =	vld.idx.msk [tilespmem:v61+s12+$0x0], $0xffff  }
0x28c: {  	v61 =	vor.u32 v2, v1;
	_ =	sdelay $0x3  }
0x28d: {  	[tilespmem:v5+s18+$0x0] =	vst.idx.msk $0xffff, v3  }
0x28e: {  	v5 =	vor.u32 v12, v26;
	v3 =	vld.idx.msk [tilespmem:v61+s12+$0x0], $0xffff  }
0x28f: {  	v61 =	vor.u32 v25, v1;
	_ =	sdelay $0x3  }
0x290: {  	[tilespmem:v5+s18+$0x0] =	vst.idx.msk $0xffff, v3  }
0x291: {  	v5 =	vor.u32 v14, v26;
	v3 =	vld.idx.msk [tilespmem:v61+s12+$0x0], $0xffff  }
0x292: {  	v61 =	vor.u32 v23, v1;
	_ =	sdelay $0x3  }
0x293: {  	[tilespmem:v5+s18+$0x0] =	vst.idx.msk $0xffff, v3  }
0x294: {  	v5 =	vor.u32 v16, v26;
	v3 =	vld.idx.msk [tilespmem:v61+s12+$0x0], $0xffff  }
0x295: {  	v61 =	vor.u32 v27, v1;
	_ =	sdelay $0x3  }
0x296: {  	[tilespmem:v5+s18+$0x0] =	vst.idx.msk $0xffff, v3  }
0x297: {  	v5 =	vor.u32 v18, v26;
	v3 =	vld.idx.msk [tilespmem:v61+s12+$0x0], $0xffff  }
0x298: {  	v61 =	vor.u32 v19, v1;
	_ =	sdelay $0x3  }
0x299: {  	[tilespmem:v5+s18+$0x0] =	vst.idx.msk $0xffff, v3  }
0x29a: {  	v5 =	vor.u32 v20, v26;
	v3 =	vld.idx.msk [tilespmem:v61+s12+$0x0], $0xffff  }
0x29b: {  	v61 =	vor.u32 v21, v1;
	_ =	sdelay $0x3  }
0x29c: {  	[tilespmem:v5+s18+$0x0] =	vst.idx.msk $0xffff, v3  }
0x29d: {  	v5 =	vor.u32 v22, v26;
	v3 =	vld.idx.msk [tilespmem:v61+s12+$0x0], $0xffff  }
0x29e: {  	v61 =	vor.u32 v63, v1;
	_ =	sdelay $0x3  }
0x29f: {  	[tilespmem:v5+s18+$0x0] =	vst.idx.msk $0xffff, v3  }
0x2a0: {  	v5 =	vor.u32 v24, v26;
	v3 =	vld.idx.msk [tilespmem:v61+s12+$0x0], $0xffff  }
0x2a1: {  	v61 =	vor.u32 v32, v1;
	_ =	sdelay $0x3  }
0x2a2: {  	[tilespmem:v5+s18+$0x0] =	vst.idx.msk $0xffff, v3  }
0x2a3: {  	v5 =	vor.u32 v28, v26;
	v3 =	vld.idx.msk [tilespmem:v61+s12+$0x0], $0xffff  }
0x2a4: {  	v61 =	vor.u32 v33, v1;
	_ =	sdelay $0x3  }
0x2a5: {  	[tilespmem:v5+s18+$0x0] =	vst.idx.msk $0xffff, v3  }
0x2a6: {  	v5 =	vor.u32 v30, v26;
	v3 =	vld.idx.msk [tilespmem:v61+s12+$0x0], $0xffff  }
0x2a7: {  	v61 =	vor.u32 v34, v1;
	_ =	sdelay $0x3  }
0x2a8: {  	[tilespmem:v5+s18+$0x0] =	vst.idx.msk $0xffff, v3  }
0x2a9: {  	v5 =	vor.u32 v31, v26;
	v3 =	vld.idx.msk [tilespmem:v61+s12+$0x0], $0xffff  }
0x2aa: {  	v61 =	vor.u32 v13, v1;
	_ =	sdelay $0x3  }
0x2ab: {  	[tilespmem:v5+s18+$0x0] =	vst.idx.msk $0xffff, v3  }
0x2ac: {  	v5 =	vor.u32 v35, v26;
	v3 =	vld.idx.msk [tilespmem:v61+s12+$0x0], $0xffff  }
0x2ad: {  	v61 =	vor.u32 v15, v1;
	_ =	sdelay $0x3  }
0x2ae: {  	[tilespmem:v5+s18+$0x0] =	vst.idx.msk $0xffff, v3  }
0x2af: {  	v5 =	vor.u32 v37, v26;
	v3 =	vld.idx.msk [tilespmem:v61+s12+$0x0], $0xffff  }
0x2b0: {  	v61 =	vor.u32 v17, v1;
	_ =	sdelay $0x3  }
0x2b1: {  	[tilespmem:v5+s18+$0x0] =	vst.idx.msk $0xffff, v3  }
0x2b2: {  	v5 =	vor.u32 v38, v26;
	v3 =	vld.idx.msk [tilespmem:v61+s12+$0x0], $0xffff  }
0x2b3: {  	v61 =	vor.u32 v36, v1;
	_ =	sdelay $0x3  }
0x2b4: {  	[tilespmem:v5+s18+$0x0] =	vst.idx.msk $0xffff, v3  }
0x2b5: {  	v5 =	vor.u32 v39, v26;
	v3 =	vld.idx.msk [tilespmem:v61+s12+$0x0], $0xffff  }
0x2b6: {  	v61 =	vor.u32 v41, v1;
	_ =	sdelay $0x3  }
0x2b7: {  	[tilespmem:v5+s18+$0x0] =	vst.idx.msk $0xffff, v3  }
0x2b8: {  	v5 =	vor.u32 v40, v26;
	v3 =	vld.idx.msk [tilespmem:v61+s12+$0x0], $0xffff  }
0x2b9: {  	v61 =	vor.u32 v46, v1;
	_ =	sdelay $0x3  }
0x2ba: {  	[tilespmem:v5+s18+$0x0] =	vst.idx.msk $0xffff, v3  }
0x2bb: {  	v5 =	vor.u32 v43, v26;
	v3 =	vld.idx.msk [tilespmem:v61+s12+$0x0], $0xffff  }
0x2bc: {  	v61 =	vor.u32 v51, v1;
	_ =	sdelay $0x3  }
0x2bd: {  	[tilespmem:v5+s18+$0x0] =	vst.idx.msk $0xffff, v3  }
0x2be: {  	v5 =	vor.u32 v44, v26;
	v3 =	vld.idx.msk [tilespmem:v61+s12+$0x0], $0xffff  }
0x2bf: {  	v61 =	vor.u32 v52, v1;
	_ =	sdelay $0x3  }
0x2c0: {  	[tilespmem:v5+s18+$0x0] =	vst.idx.msk $0xffff, v3  }
0x2c1: {  	v5 =	vor.u32 v45, v26;
	v3 =	vld.idx.msk [tilespmem:v61+s12+$0x0], $0xffff  }
0x2c2: {  	v61 =	vor.u32 v53, v1;
	_ =	sdelay $0x3  }
0x2c3: {  	[tilespmem:v5+s18+$0x0] =	vst.idx.msk $0xffff, v3  }
0x2c4: {  	v5 =	vor.u32 v47, v26;
	v3 =	vld.idx.msk [tilespmem:v61+s12+$0x0], $0xffff  }
0x2c5: {  	v61 =	vor.u32 v54, v1;
	_ =	sdelay $0x3  }
0x2c6: {  	[tilespmem:v5+s18+$0x0] =	vst.idx.msk $0xffff, v3  }
0x2c7: {  	v5 =	vor.u32 v48, v26;
	v3 =	vld.idx.msk [tilespmem:v61+s12+$0x0], $0xffff  }
0x2c8: {  	v61 =	vor.u32 v55, v1;
	_ =	sdelay $0x3  }
0x2c9: {  	[tilespmem:v5+s18+$0x0] =	vst.idx.msk $0xffff, v3  }
0x2ca: {  	v5 =	vor.u32 v49, v26;
	v3 =	vld.idx.msk [tilespmem:v61+s12+$0x0], $0xffff  }
0x2cb: {  	v61 =	vor.u32 v56, v1;
	_ =	sdelay $0x3  }
0x2cc: {  	[tilespmem:v5+s18+$0x0] =	vst.idx.msk $0xffff, v3  }
0x2cd: {  	v5 =	vor.u32 v50, v26;
	v3 =	vld.idx.msk [tilespmem:v61+s12+$0x0], $0xffff  }
0x2ce: {  	v61 =	vor.u32 v57, v1;
	_ =	sdelay $0x3  }
0x2cf: {  	[tilespmem:v5+s18+$0x0] =	vst.idx.msk $0xffff, v3  }
0x2d0: {  	v5 =	vor.u32 v11, v26;
	v3 =	vld.idx.msk [tilespmem:v61+s12+$0x0], $0xffff  }
0x2d1: {  	v61 =	vor.u32 v58, v1;
	_ =	sdelay $0x3  }
0x2d2: {  	[tilespmem:v5+s18+$0x0] =	vst.idx.msk $0xffff, v3  }
0x2d3: {  	v5 =	vor.u32 v29, v26;
	v3 =	vld.idx.msk [tilespmem:v61+s12+$0x0], $0xffff  }
0x2d4: {  	v61 =	vor.u32 v59, v1;
	_ =	sdelay $0x3  }
0x2d5: {  	[tilespmem:v5+s18+$0x0] =	vst.idx.msk $0xffff, v3  }
0x2d6: {  	v5 =	vor.u32 v7, v26;
	v3 =	vld.idx.msk [tilespmem:v61+s12+$0x0], $0xffff  }
0x2d7: {  	p0 =	sne.s32 s0, $0x70;
	v1 =	vor.u32 v60, v1  }
.Ltmp0:
0x2d8: {  	_ = 	snop;
	(pc) =	sbr.rel @p0 .LBB2_2-.Ltmp0, $3  }
0x2d9: {  	_ =	sdelay $0x1  }
0x2da: {  	[tilespmem:v5+s18+$0x0] =	vst.idx.msk $0xffff, v3  }
0x2db: {  	v61 =	vor.u32 s0, v0;
	s0 =	sadd.s32 $0x10, s0;
	v3 =	vld.idx.msk [tilespmem:v1+s12+$0x0], $0xffff  }
0x2dc: {  	v1 =	vshll.u32 v61, $0x5;
	v5 =	vor.u32 v9, v26  }
0x2dd: {  	v2 =	vld [tilespmem:$0x1F9F0];
	v26 =	vor.u32 v0, v1;
	_ =	sdelay $0x3  }
0x2de: {  	[tilespmem:v5+s18+$0x0] =	vst.idx.msk $0xffff, v3;
	v3 =	vand.u32 $0x78, v61  }
0x2df: {  	v5 =	vld.idx.msk [tilespmem:v26+s12+$0x0], $0xffff;
	v26 =	vor.u32 v2, v3  }
0x2e0: {  	v61 =	vor.u32 v42, v1  }
0x2e1: {  	v2 =	vld [tilespmem:$0x1FA20];
	_ =	sdelay $0x2  }
0x2e2: {  	[tilespmem:v26+s18+$0x0] =	vst.idx.msk $0xffff, v5  }
0x2e3: {  	v26 =	vor.u32 v62, v3;
	v5 =	vld.idx.msk [tilespmem:v61+s12+$0x0], $0xffff  }
0x2e4: {  	v61 =	vor.u32 v2, v1;
	_ =	sdelay $0x3  }
0x2e5: {  	[tilespmem:v26+s18+$0x0] =	vst.idx.msk $0xffff, v5;
	v26 =	vor.u32 v4, v3;
	v4 =	vld [tilespmem:$0x1FA40]  }
0x2e6: {  	v5 =	vld.idx.msk [tilespmem:v61+s12+$0x0], $0xffff;
	_ =	sdelay $0x3  }
0x2e7: {  	v61 =	vor.u32 v4, v1  }
0x2e8: {  	[tilespmem:v26+s18+$0x0] =	vst.idx.msk $0xffff, v5;
	v26 =	vor.u32 v6, v3;
	v6 =	vld [tilespmem:$0x1FA60];
	_ =	sdelay $0x3  }
0x2e9: {  	v5 =	vld.idx.msk [tilespmem:v61+s12+$0x0], $0xffff  }
0x2ea: {  	v61 =	vor.u32 v6, v1;
	_ =	sdelay $0x3  }
0x2eb: {  	[tilespmem:v26+s18+$0x0] =	vst.idx.msk $0xffff, v5;
	v26 =	vor.u32 v8, v3;
	v8 =	vld [tilespmem:$0x1FA80]  }
0x2ec: {  	v5 =	vld.idx.msk [tilespmem:v61+s12+$0x0], $0xffff;
	_ =	sdelay $0x3  }
0x2ed: {  	v61 =	vor.u32 v8, v1  }
0x2ee: {  	[tilespmem:v26+s18+$0x0] =	vst.idx.msk $0xffff, v5;
	v26 =	vor.u32 v10, v3;
	v10 =	vld [tilespmem:$0x1FAA0];
	_ =	sdelay $0x3  }
0x2ef: {  	v5 =	vld.idx.msk [tilespmem:v61+s12+$0x0], $0xffff  }
0x2f0: {  	v61 =	vor.u32 v10, v1;
	_ =	sdelay $0x3  }
0x2f1: {  	[tilespmem:v26+s18+$0x0] =	vst.idx.msk $0xffff, v5  }
0x2f2: {  	v26 =	vor.u32 v12, v3;
	v5 =	vld.idx.msk [tilespmem:v61+s12+$0x0], $0xffff  }
0x2f3: {  	v61 =	vor.u32 v25, v1;
	_ =	sdelay $0x3  }
0x2f4: {  	[tilespmem:v26+s18+$0x0] =	vst.idx.msk $0xffff, v5  }
0x2f5: {  	v26 =	vor.u32 v14, v3;
	v5 =	vld.idx.msk [tilespmem:v61+s12+$0x0], $0xffff  }
0x2f6: {  	v61 =	vor.u32 v23, v1;
	_ =	sdelay $0x3  }
0x2f7: {  	[tilespmem:v26+s18+$0x0] =	vst.idx.msk $0xffff, v5  }
0x2f8: {  	v26 =	vor.u32 v16, v3;
	v5 =	vld.idx.msk [tilespmem:v61+s12+$0x0], $0xffff  }
0x2f9: {  	v61 =	vor.u32 v27, v1;
	_ =	sdelay $0x3  }
0x2fa: {  	[tilespmem:v26+s18+$0x0] =	vst.idx.msk $0xffff, v5  }
0x2fb: {  	v26 =	vor.u32 v18, v3;
	v5 =	vld.idx.msk [tilespmem:v61+s12+$0x0], $0xffff  }
0x2fc: {  	v61 =	vor.u32 v19, v1;
	_ =	sdelay $0x3  }
0x2fd: {  	[tilespmem:v26+s18+$0x0] =	vst.idx.msk $0xffff, v5  }
0x2fe: {  	v26 =	vor.u32 v20, v3;
	v5 =	vld.idx.msk [tilespmem:v61+s12+$0x0], $0xffff  }
0x2ff: {  	v61 =	vor.u32 v21, v1;
	_ =	sdelay $0x3  }
0x300: {  	[tilespmem:v26+s18+$0x0] =	vst.idx.msk $0xffff, v5  }
0x301: {  	v26 =	vor.u32 v22, v3;
	v5 =	vld.idx.msk [tilespmem:v61+s12+$0x0], $0xffff  }
0x302: {  	v61 =	vor.u32 v63, v1;
	_ =	sdelay $0x3  }
0x303: {  	[tilespmem:v26+s18+$0x0] =	vst.idx.msk $0xffff, v5  }
0x304: {  	v26 =	vor.u32 v24, v3;
	v5 =	vld.idx.msk [tilespmem:v61+s12+$0x0], $0xffff  }
0x305: {  	v61 =	vor.u32 v32, v1;
	_ =	sdelay $0x3  }
0x306: {  	[tilespmem:v26+s18+$0x0] =	vst.idx.msk $0xffff, v5  }
0x307: {  	v26 =	vor.u32 v28, v3;
	v5 =	vld.idx.msk [tilespmem:v61+s12+$0x0], $0xffff  }
0x308: {  	v61 =	vor.u32 v33, v1;
	_ =	sdelay $0x3  }
0x309: {  	[tilespmem:v26+s18+$0x0] =	vst.idx.msk $0xffff, v5  }
0x30a: {  	v26 =	vor.u32 v30, v3;
	v5 =	vld.idx.msk [tilespmem:v61+s12+$0x0], $0xffff  }
0x30b: {  	v61 =	vor.u32 v34, v1;
	_ =	sdelay $0x3  }
0x30c: {  	[tilespmem:v26+s18+$0x0] =	vst.idx.msk $0xffff, v5  }
0x30d: {  	v26 =	vor.u32 v31, v3;
	v5 =	vld.idx.msk [tilespmem:v61+s12+$0x0], $0xffff  }
0x30e: {  	v61 =	vor.u32 v13, v1;
	_ =	sdelay $0x3  }
0x30f: {  	[tilespmem:v26+s18+$0x0] =	vst.idx.msk $0xffff, v5  }
0x310: {  	v26 =	vor.u32 v35, v3;
	v5 =	vld.idx.msk [tilespmem:v61+s12+$0x0], $0xffff  }
0x311: {  	v35 =	vor.u32 v15, v1;
	_ =	sdelay $0x3  }
0x312: {  	[tilespmem:v26+s18+$0x0] =	vst.idx.msk $0xffff, v5  }
0x313: {  	v26 =	vor.u32 v37, v3;
	v5 =	vld.idx.msk [tilespmem:v35+s12+$0x0], $0xffff  }
0x314: {  	v37 =	vor.u32 v17, v1;
	_ =	sdelay $0x3  }
0x315: {  	[tilespmem:v26+s18+$0x0] =	vst.idx.msk $0xffff, v5  }
0x316: {  	v26 =	vor.u32 v38, v3;
	v5 =	vld.idx.msk [tilespmem:v37+s12+$0x0], $0xffff  }
0x317: {  	v35 =	vor.u32 v36, v1;
	_ =	sdelay $0x3  }
0x318: {  	[tilespmem:v26+s18+$0x0] =	vst.idx.msk $0xffff, v5  }
0x319: {  	v26 =	vor.u32 v39, v3;
	v5 =	vld.idx.msk [tilespmem:v35+s12+$0x0], $0xffff  }
0x31a: {  	v37 =	vor.u32 v41, v1;
	_ =	sdelay $0x3  }
0x31b: {  	[tilespmem:v26+s18+$0x0] =	vst.idx.msk $0xffff, v5  }
0x31c: {  	v26 =	vor.u32 v40, v3;
	v5 =	vld.idx.msk [tilespmem:v37+s12+$0x0], $0xffff  }
0x31d: {  	v38 =	vor.u32 v46, v1;
	_ =	sdelay $0x3  }
0x31e: {  	[tilespmem:v26+s18+$0x0] =	vst.idx.msk $0xffff, v5  }
0x31f: {  	v26 =	vor.u32 v43, v3;
	v5 =	vld.idx.msk [tilespmem:v38+s12+$0x0], $0xffff  }
0x320: {  	v39 =	vor.u32 v51, v1;
	_ =	sdelay $0x3  }
0x321: {  	[tilespmem:v26+s18+$0x0] =	vst.idx.msk $0xffff, v5  }
0x322: {  	v26 =	vor.u32 v44, v3;
	v5 =	vld.idx.msk [tilespmem:v39+s12+$0x0], $0xffff  }
0x323: {  	v40 =	vor.u32 v52, v1;
	_ =	sdelay $0x3  }
0x324: {  	[tilespmem:v26+s18+$0x0] =	vst.idx.msk $0xffff, v5  }
0x325: {  	v26 =	vor.u32 v45, v3;
	v5 =	vld.idx.msk [tilespmem:v40+s12+$0x0], $0xffff  }
0x326: {  	v43 =	vor.u32 v53, v1;
	_ =	sdelay $0x3  }
0x327: {  	[tilespmem:v26+s18+$0x0] =	vst.idx.msk $0xffff, v5  }
0x328: {  	v26 =	vor.u32 v47, v3;
	v5 =	vld.idx.msk [tilespmem:v43+s12+$0x0], $0xffff  }
0x329: {  	v44 =	vor.u32 v54, v1;
	_ =	sdelay $0x3  }
0x32a: {  	[tilespmem:v26+s18+$0x0] =	vst.idx.msk $0xffff, v5  }
0x32b: {  	v26 =	vor.u32 v48, v3;
	v5 =	vld.idx.msk [tilespmem:v44+s12+$0x0], $0xffff  }
0x32c: {  	v45 =	vor.u32 v55, v1;
	_ =	sdelay $0x3  }
0x32d: {  	[tilespmem:v26+s18+$0x0] =	vst.idx.msk $0xffff, v5  }
0x32e: {  	v26 =	vor.u32 v49, v3;
	v5 =	vld.idx.msk [tilespmem:v45+s12+$0x0], $0xffff  }
0x32f: {  	v47 =	vor.u32 v56, v1;
	_ =	sdelay $0x3  }
0x330: {  	[tilespmem:v26+s18+$0x0] =	vst.idx.msk $0xffff, v5  }
0x331: {  	v26 =	vor.u32 v50, v3;
	v5 =	vld.idx.msk [tilespmem:v47+s12+$0x0], $0xffff  }
0x332: {  	v48 =	vor.u32 v57, v1;
	_ =	sdelay $0x3  }
0x333: {  	[tilespmem:v26+s18+$0x0] =	vst.idx.msk $0xffff, v5  }
0x334: {  	v26 =	vor.u32 v11, v3;
	v5 =	vld.idx.msk [tilespmem:v48+s12+$0x0], $0xffff  }
0x335: {  	v49 =	vor.u32 v58, v1;
	_ =	sdelay $0x3  }
0x336: {  	[tilespmem:v26+s18+$0x0] =	vst.idx.msk $0xffff, v5  }
0x337: {  	v26 =	vor.u32 v29, v3;
	v5 =	vld.idx.msk [tilespmem:v49+s12+$0x0], $0xffff  }
0x338: {  	v50 =	vor.u32 v59, v1;
	_ =	sdelay $0x3  }
0x339: {  	[tilespmem:v26+s18+$0x0] =	vst.idx.msk $0xffff, v5  }
0x33a: {  	v26 =	vor.u32 v7, v3;
	v5 =	vld.idx.msk [tilespmem:v50+s12+$0x0], $0xffff  }
0x33b: {  	v1 =	vor.u32 v60, v1;
	_ =	sdelay $0x3  }
0x33c: {  	s0 =	simm.s32 $0x80;
	[tilespmem:v26+s18+$0x0] =	vst.idx.msk $0xffff, v5  }
0x33d: {  	v61 =	vmul.u32 $0x20, v0;
	v5 =	vld.idx.msk [tilespmem:v1+s12+$0x0], $0xffff;
	v1 =	vmov s0  }
0x33e: {  	v3 =	vor.u32 v9, v3;
	v1 =	vshll.u32 v1, $0x5  }
0x33f: {  	v1 =	vor.u32 v61, v1  }
0x340: {  	v26 =	vor.u32 v0, v1;
	_ =	sdelay $0x2  }
0x341: {  	s31 =	rddreg [dreg:$0x1e];
	s5 =	simm.s32 $0x1000;
	s14 =	simm.s32 $0x0;
	v62 =	vmul.u32 $0x81, v0;
	[tilespmem:v3+s18+$0x0] =	vst.idx.msk $0xffff, v5  }
0x342: {  	[hbm4b:s31+s2] =	stream.strided.scatter [tilespmem:s18], [sflag:$0x2], $0x1000, s5, s2, $0x38;
	[tilespmem:$0x1CD00] =	vst v63  }
0x343: {  	v5 =	vor.u32 s14, v62;
	v3 =	vld.idx.msk [tilespmem:v26+s12+$0x0], $0xffff  }
0x344: {  	v35 =	vld [tilespmem:$0x1FD60];
	v26 =	vor.u32 v42, v1;
	_ =	sdelay $0x3  }
0x345: {  	[tilespmem:v5+s19+$0x0] =	vst.idx.msk $0xffff, v3  }
0x346: {  	v5 =	vor.u32 s14, v35;
	v3 =	vld.idx.msk [tilespmem:v26+s12+$0x0], $0xffff  }
0x347: {  	v37 =	vld [tilespmem:$0x1FD70];
	v26 =	vor.u32 v2, v1;
	_ =	sdelay $0x3  }
0x348: {  	[tilespmem:v5+s19+$0x0] =	vst.idx.msk $0xffff, v3  }
0x349: {  	v5 =	vor.u32 s14, v37;
	v3 =	vld.idx.msk [tilespmem:v26+s12+$0x0], $0xffff  }
0x34a: {  	v38 =	vld [tilespmem:$0x1FD80];
	v26 =	vor.u32 v4, v1;
	_ =	sdelay $0x3  }
0x34b: {  	[tilespmem:v5+s19+$0x0] =	vst.idx.msk $0xffff, v3  }
0x34c: {  	v5 =	vor.u32 s14, v38;
	v3 =	vld.idx.msk [tilespmem:v26+s12+$0x0], $0xffff  }
0x34d: {  	v39 =	vld [tilespmem:$0x1FD90];
	v26 =	vor.u32 v6, v1;
	_ =	sdelay $0x3  }
0x34e: {  	[tilespmem:v5+s19+$0x0] =	vst.idx.msk $0xffff, v3  }
0x34f: {  	v5 =	vor.u32 s14, v39;
	v3 =	vld.idx.msk [tilespmem:v26+s12+$0x0], $0xffff  }
0x350: {  	v40 =	vld [tilespmem:$0x1FDA0];
	v26 =	vor.u32 v8, v1;
	_ =	sdelay $0x3  }
0x351: {  	[tilespmem:v5+s19+$0x0] =	vst.idx.msk $0xffff, v3  }
0x352: {  	v5 =	vor.u32 s14, v40;
	v3 =	vld.idx.msk [tilespmem:v26+s12+$0x0], $0xffff  }
0x353: {  	v9 =	vmov v42;
	v42 =	vld [tilespmem:$0x1FDB0];
	v26 =	vor.u32 v10, v1;
	_ =	sdelay $0x3  }
0x354: {  	[tilespmem:v5+s19+$0x0] =	vst.idx.msk $0xffff, v3  }
0x355: {  	v5 =	vor.u32 s14, v42;
	v3 =	vld.idx.msk [tilespmem:v26+s12+$0x0], $0xffff  }
0x356: {  	v43 =	vld [tilespmem:$0x1FDC0];
	v26 =	vor.u32 v25, v1;
	_ =	sdelay $0x3  }
0x357: {  	[tilespmem:v5+s19+$0x0] =	vst.idx.msk $0xffff, v3  }
0x358: {  	v5 =	vor.u32 s14, v43;
	v3 =	vld.idx.msk [tilespmem:v26+s12+$0x0], $0xffff  }
0x359: {  	v44 =	vld [tilespmem:$0x1FDD0];
	v26 =	vor.u32 v23, v1;
	_ =	sdelay $0x3  }
0x35a: {  	[tilespmem:v5+s19+$0x0] =	vst.idx.msk $0xffff, v3  }
0x35b: {  	v5 =	vor.u32 s14, v44;
	v3 =	vld.idx.msk [tilespmem:v26+s12+$0x0], $0xffff  }
0x35c: {  	v45 =	vld [tilespmem:$0x1FDE0];
	v26 =	vor.u32 v27, v1;
	_ =	sdelay $0x3  }
0x35d: {  	[tilespmem:v5+s19+$0x0] =	vst.idx.msk $0xffff, v3  }
0x35e: {  	v5 =	vor.u32 s14, v45;
	v3 =	vld.idx.msk [tilespmem:v26+s12+$0x0], $0xffff  }
0x35f: {  	v47 =	vld [tilespmem:$0x1FDF0];
	v26 =	vor.u32 v19, v1;
	_ =	sdelay $0x3  }
0x360: {  	[tilespmem:v5+s19+$0x0] =	vst.idx.msk $0xffff, v3  }
0x361: {  	v5 =	vor.u32 s14, v47;
	v3 =	vld.idx.msk [tilespmem:v26+s12+$0x0], $0xffff  }
0x362: {  	v48 =	vld [tilespmem:$0x1FE00];
	v26 =	vor.u32 v21, v1;
	_ =	sdelay $0x3  }
0x363: {  	[tilespmem:v5+s19+$0x0] =	vst.idx.msk $0xffff, v3  }
0x364: {  	v5 =	vor.u32 s14, v48;
	v3 =	vld.idx.msk [tilespmem:v26+s12+$0x0], $0xffff  }
0x365: {  	v49 =	vld [tilespmem:$0x1FE10];
	v26 =	vor.u32 v63, v1;
	_ =	sdelay $0x3  }
0x366: {  	[tilespmem:v5+s19+$0x0] =	vst.idx.msk $0xffff, v3  }
0x367: {  	v5 =	vor.u32 s14, v49;
	v3 =	vld.idx.msk [tilespmem:v26+s12+$0x0], $0xffff  }
0x368: {  	v50 =	vld [tilespmem:$0x1FE20];
	v26 =	vor.u32 v32, v1;
	_ =	sdelay $0x3  }
0x369: {  	[tilespmem:v5+s19+$0x0] =	vst.idx.msk $0xffff, v3  }
0x36a: {  	v5 =	vor.u32 s14, v50;
	v3 =	vld.idx.msk [tilespmem:v26+s12+$0x0], $0xffff  }
0x36b: {  	v0 =	vld [tilespmem:$0x1FE30];
	v26 =	vor.u32 v33, v1;
	_ =	sdelay $0x3  }
0x36c: {  	[tilespmem:v5+s19+$0x0] =	vst.idx.msk $0xffff, v3  }
0x36d: {  	v5 =	vor.u32 s14, v0;
	v3 =	vld.idx.msk [tilespmem:v26+s12+$0x0], $0xffff  }
0x36e: {  	v2 =	vld [tilespmem:$0x1FE40];
	v26 =	vor.u32 v34, v1;
	_ =	sdelay $0x3  }
0x36f: {  	[tilespmem:v5+s19+$0x0] =	vst.idx.msk $0xffff, v3  }
0x370: {  	v5 =	vor.u32 s14, v2;
	v3 =	vld.idx.msk [tilespmem:v26+s12+$0x0], $0xffff  }
0x371: {  	v4 =	vor.u32 v13, v1;
	_ =	sdelay $0x3  }
0x372: {  	v26 =	vor.u32 $0x800, v62;
	[tilespmem:v5+s19+$0x0] =	vst.idx.msk $0xffff, v3  }
0x373: {  	v5 =	vor.u32 s14, v26;
	v4 =	vld.idx.msk [tilespmem:v4+s12+$0x0], $0xffff;
	_ =	sdelay $0x4  }
0x374: {  	v3 =	vor.u32 v15, v1;
	[tilespmem:v5+s19+$0x0] =	vst.idx.msk $0xffff, v4;
	v4 =	vld [tilespmem:$0x1FE50];
	_ =	sdelay $0x4  }
0x375: {  	v6 =	vld.idx.msk [tilespmem:v3+s12+$0x0], $0xffff;
	v5 =	vor.u32 s14, v4;
	_ =	sdelay $0x4  }
0x376: {  	v3 =	vor.u32 v17, v1;
	[tilespmem:v5+s19+$0x0] =	vst.idx.msk $0xffff, v6;
	v6 =	vld [tilespmem:$0x1FE60];
	_ =	sdelay $0x4  }
0x377: {  	v7 =	vld.idx.msk [tilespmem:v3+s12+$0x0], $0xffff;
	v5 =	vor.u32 s14, v6  }
0x378: {  	v8 =	vld [tilespmem:$0x1FE70];
	v3 =	vor.u32 v36, v1;
	_ =	sdelay $0x3  }
0x379: {  	[tilespmem:v5+s19+$0x0] =	vst.idx.msk $0xffff, v7  }
0x37a: {  	v5 =	vor.u32 s14, v8;
	v7 =	vld.idx.msk [tilespmem:v3+s12+$0x0], $0xffff  }
0x37b: {  	v10 =	vld [tilespmem:$0x1FE80];
	v3 =	vor.u32 v41, v1;
	_ =	sdelay $0x3  }
0x37c: {  	[tilespmem:v5+s19+$0x0] =	vst.idx.msk $0xffff, v7  }
0x37d: {  	v5 =	vor.u32 s14, v10;
	v7 =	vld.idx.msk [tilespmem:v3+s12+$0x0], $0xffff  }
0x37e: {  	v12 =	vld [tilespmem:$0x1FE90];
	v3 =	vor.u32 v46, v1;
	_ =	sdelay $0x3  }
0x37f: {  	[tilespmem:v5+s19+$0x0] =	vst.idx.msk $0xffff, v7  }
0x380: {  	v5 =	vor.u32 s14, v12;
	v7 =	vld.idx.msk [tilespmem:v3+s12+$0x0], $0xffff  }
0x381: {  	v14 =	vld [tilespmem:$0x1FEA0];
	v3 =	vor.u32 v51, v1;
	_ =	sdelay $0x3  }
0x382: {  	[tilespmem:v5+s19+$0x0] =	vst.idx.msk $0xffff, v7  }
0x383: {  	v5 =	vor.u32 s14, v14;
	v7 =	vld.idx.msk [tilespmem:v3+s12+$0x0], $0xffff  }
0x384: {  	v16 =	vld [tilespmem:$0x1FEB0];
	v3 =	vor.u32 v52, v1;
	_ =	sdelay $0x3  }
0x385: {  	[tilespmem:v5+s19+$0x0] =	vst.idx.msk $0xffff, v7  }
0x386: {  	v5 =	vor.u32 s14, v16;
	v7 =	vld.idx.msk [tilespmem:v3+s12+$0x0], $0xffff  }
0x387: {  	v18 =	vld [tilespmem:$0x1FEC0];
	v3 =	vor.u32 v53, v1;
	_ =	sdelay $0x3  }
0x388: {  	[tilespmem:v5+s19+$0x0] =	vst.idx.msk $0xffff, v7  }
0x389: {  	v5 =	vor.u32 s14, v18;
	v7 =	vld.idx.msk [tilespmem:v3+s12+$0x0], $0xffff  }
0x38a: {  	v20 =	vld [tilespmem:$0x1FED0];
	v3 =	vor.u32 v54, v1;
	_ =	sdelay $0x3  }
0x38b: {  	[tilespmem:v5+s19+$0x0] =	vst.idx.msk $0xffff, v7  }
0x38c: {  	v5 =	vor.u32 s14, v20;
	v7 =	vld.idx.msk [tilespmem:v3+s12+$0x0], $0xffff  }
0x38d: {  	v22 =	vld [tilespmem:$0x1FEE0];
	v3 =	vor.u32 v55, v1;
	_ =	sdelay $0x3  }
0x38e: {  	[tilespmem:v5+s19+$0x0] =	vst.idx.msk $0xffff, v7  }
0x38f: {  	v5 =	vor.u32 s14, v22;
	v7 =	vld.idx.msk [tilespmem:v3+s12+$0x0], $0xffff  }
0x390: {  	v24 =	vld [tilespmem:$0x1FEF0];
	v3 =	vor.u32 v56, v1;
	_ =	sdelay $0x3  }
0x391: {  	[tilespmem:v5+s19+$0x0] =	vst.idx.msk $0xffff, v7  }
0x392: {  	v5 =	vor.u32 s14, v24;
	v7 =	vld.idx.msk [tilespmem:v3+s12+$0x0], $0xffff  }
0x393: {  	v28 =	vld [tilespmem:$0x1FF00];
	v3 =	vor.u32 v57, v1;
	_ =	sdelay $0x3  }
0x394: {  	[tilespmem:v5+s19+$0x0] =	vst.idx.msk $0xffff, v7  }
0x395: {  	v5 =	vor.u32 s14, v28;
	v7 =	vld.idx.msk [tilespmem:v3+s12+$0x0], $0xffff  }
0x396: {  	v30 =	vld [tilespmem:$0x1FF10];
	v3 =	vor.u32 v58, v1;
	_ =	sdelay $0x3  }
0x397: {  	[tilespmem:v5+s19+$0x0] =	vst.idx.msk $0xffff, v7  }
0x398: {  	v5 =	vor.u32 s14, v30;
	v3 =	vld.idx.msk [tilespmem:v3+s12+$0x0], $0xffff  }
0x399: {  	v31 =	vld [tilespmem:$0x1FF20];
	v7 =	vor.u32 v59, v1;
	_ =	sdelay $0x3  }
0x39a: {  	v11 =	vld [tilespmem:$0x1FFF0];
	[tilespmem:v5+s19+$0x0] =	vst.idx.msk $0xffff, v3  }
0x39b: {  	s13 =	simm.s32 $0x10;
	s15 =	simm.s32 $0x90;
	v29 =	vlaneseq.u32;
	s0 =	simm.s32 $0x20;
	v1 =	vor.u32 v60, v1;
	v5 =	vor.u32 s14, v31;
	v3 =	vld.idx.msk [tilespmem:v7+s12+$0x0], $0xffff  }
.LBB2_4:
0x39c: {  	_ =	sdelay $0x2  }
0x39d: {  	v7 =	vmov s15  }
0x39e: {  	[tilespmem:v5+s19+$0x0] =	vst.idx.msk $0xffff, v3;
	v3 =	vshll.u32 v7, $0x5  }
0x39f: {  	v5 =	vld.idx.msk [tilespmem:v1+s12+$0x0], $0xffff;
	v1 =	vor.u32 v61, v3;
	v3 =	vor.u32 s14, v11  }
0x3a0: {  	v7 =	vor.u32 v29, v1;
	_ =	sdelay $0x3  }
0x3a1: {  	s14 =	smov.u32 s13;
	[tilespmem:v3+s19+$0x0] =	vst.idx.msk $0xffff, v5  }
0x3a2: {  	v5 =	vor.u32 s14, v62;
	v3 =	vld.idx.msk [tilespmem:v7+s12+$0x0], $0xffff  }
0x3a3: {  	v7 =	vor.u32 v9, v1;
	_ =	sdelay $0x3  }
0x3a4: {  	[tilespmem:v5+s19+$0x0] =	vst.idx.msk $0xffff, v3  }
0x3a5: {  	v3 =	vld.idx.msk [tilespmem:v7+s12+$0x0], $0xffff  }
0x3a6: {  	v7 =	vld [tilespmem:$0x1FA20];
	_ =	sdelay $0x3  }
0x3a7: {  	v5 =	vor.u32 s14, v35  }
0x3a8: {  	v7 =	vor.u32 v7, v1;
	_ =	sdelay $0x3  }
0x3a9: {  	[tilespmem:v5+s19+$0x0] =	vst.idx.msk $0xffff, v3  }
0x3aa: {  	v3 =	vld.idx.msk [tilespmem:v7+s12+$0x0], $0xffff  }
0x3ab: {  	v7 =	vld [tilespmem:$0x1FA40];
	_ =	sdelay $0x3  }
0x3ac: {  	v5 =	vor.u32 s14, v37  }
0x3ad: {  	v7 =	vor.u32 v7, v1;
	_ =	sdelay $0x3  }
0x3ae: {  	[tilespmem:v5+s19+$0x0] =	vst.idx.msk $0xffff, v3  }
0x3af: {  	v3 =	vld.idx.msk [tilespmem:v7+s12+$0x0], $0xffff  }
0x3b0: {  	v7 =	vld [tilespmem:$0x1FA60];
	_ =	sdelay $0x3  }
0x3b1: {  	v5 =	vor.u32 s14, v38  }
0x3b2: {  	v7 =	vor.u32 v7, v1;
	_ =	sdelay $0x3  }
0x3b3: {  	[tilespmem:v5+s19+$0x0] =	vst.idx.msk $0xffff, v3  }
0x3b4: {  	v3 =	vld.idx.msk [tilespmem:v7+s12+$0x0], $0xffff  }
0x3b5: {  	v7 =	vld [tilespmem:$0x1FA80];
	_ =	sdelay $0x3  }
0x3b6: {  	v5 =	vor.u32 s14, v39  }
0x3b7: {  	v7 =	vor.u32 v7, v1;
	_ =	sdelay $0x3  }
0x3b8: {  	[tilespmem:v5+s19+$0x0] =	vst.idx.msk $0xffff, v3  }
0x3b9: {  	v3 =	vld.idx.msk [tilespmem:v7+s12+$0x0], $0xffff  }
0x3ba: {  	v7 =	vld [tilespmem:$0x1FAA0];
	_ =	sdelay $0x3  }
0x3bb: {  	v5 =	vor.u32 s14, v40  }
0x3bc: {  	v7 =	vor.u32 v7, v1;
	_ =	sdelay $0x3  }
0x3bd: {  	[tilespmem:v5+s19+$0x0] =	vst.idx.msk $0xffff, v3  }
0x3be: {  	v5 =	vor.u32 s14, v42;
	v3 =	vld.idx.msk [tilespmem:v7+s12+$0x0], $0xffff  }
0x3bf: {  	v7 =	vor.u32 v25, v1;
	_ =	sdelay $0x3  }
0x3c0: {  	[tilespmem:v5+s19+$0x0] =	vst.idx.msk $0xffff, v3  }
0x3c1: {  	v5 =	vor.u32 s14, v43;
	v3 =	vld.idx.msk [tilespmem:v7+s12+$0x0], $0xffff  }
0x3c2: {  	v7 =	vor.u32 v23, v1;
	_ =	sdelay $0x3  }
0x3c3: {  	[tilespmem:v5+s19+$0x0] =	vst.idx.msk $0xffff, v3  }
0x3c4: {  	v5 =	vor.u32 s14, v44;
	v3 =	vld.idx.msk [tilespmem:v7+s12+$0x0], $0xffff  }
0x3c5: {  	v7 =	vor.u32 v27, v1;
	_ =	sdelay $0x3  }
0x3c6: {  	[tilespmem:v5+s19+$0x0] =	vst.idx.msk $0xffff, v3  }
0x3c7: {  	v5 =	vor.u32 s14, v45;
	v3 =	vld.idx.msk [tilespmem:v7+s12+$0x0], $0xffff  }
0x3c8: {  	v7 =	vor.u32 v19, v1;
	_ =	sdelay $0x3  }
0x3c9: {  	[tilespmem:v5+s19+$0x0] =	vst.idx.msk $0xffff, v3  }
0x3ca: {  	v5 =	vor.u32 s14, v47;
	v3 =	vld.idx.msk [tilespmem:v7+s12+$0x0], $0xffff  }
0x3cb: {  	v7 =	vor.u32 v21, v1;
	_ =	sdelay $0x3  }
0x3cc: {  	[tilespmem:v5+s19+$0x0] =	vst.idx.msk $0xffff, v3  }
0x3cd: {  	v5 =	vor.u32 s14, v48;
	v3 =	vld.idx.msk [tilespmem:v7+s12+$0x0], $0xffff  }
0x3ce: {  	v7 =	vor.u32 v63, v1;
	_ =	sdelay $0x3  }
0x3cf: {  	[tilespmem:v5+s19+$0x0] =	vst.idx.msk $0xffff, v3  }
0x3d0: {  	v5 =	vor.u32 s14, v49;
	v3 =	vld.idx.msk [tilespmem:v7+s12+$0x0], $0xffff  }
0x3d1: {  	v7 =	vor.u32 v32, v1;
	_ =	sdelay $0x3  }
0x3d2: {  	[tilespmem:v5+s19+$0x0] =	vst.idx.msk $0xffff, v3  }
0x3d3: {  	v5 =	vor.u32 s14, v50;
	v3 =	vld.idx.msk [tilespmem:v7+s12+$0x0], $0xffff  }
0x3d4: {  	v7 =	vor.u32 v33, v1;
	_ =	sdelay $0x3  }
0x3d5: {  	[tilespmem:v5+s19+$0x0] =	vst.idx.msk $0xffff, v3  }
0x3d6: {  	v5 =	vor.u32 s14, v0;
	v3 =	vld.idx.msk [tilespmem:v7+s12+$0x0], $0xffff  }
0x3d7: {  	v7 =	vor.u32 v34, v1;
	_ =	sdelay $0x3  }
0x3d8: {  	[tilespmem:v5+s19+$0x0] =	vst.idx.msk $0xffff, v3  }
0x3d9: {  	v5 =	vor.u32 s14, v2;
	v3 =	vld.idx.msk [tilespmem:v7+s12+$0x0], $0xffff  }
0x3da: {  	v7 =	vor.u32 v13, v1;
	_ =	sdelay $0x3  }
0x3db: {  	[tilespmem:v5+s19+$0x0] =	vst.idx.msk $0xffff, v3  }
0x3dc: {  	v5 =	vor.u32 s14, v26;
	v3 =	vld.idx.msk [tilespmem:v7+s12+$0x0], $0xffff  }
0x3dd: {  	v7 =	vor.u32 v15, v1;
	_ =	sdelay $0x3  }
0x3de: {  	[tilespmem:v5+s19+$0x0] =	vst.idx.msk $0xffff, v3  }
0x3df: {  	v5 =	vor.u32 s14, v4;
	v3 =	vld.idx.msk [tilespmem:v7+s12+$0x0], $0xffff  }
0x3e0: {  	v7 =	vor.u32 v17, v1;
	_ =	sdelay $0x3  }
0x3e1: {  	[tilespmem:v5+s19+$0x0] =	vst.idx.msk $0xffff, v3  }
0x3e2: {  	v5 =	vor.u32 s14, v6;
	v3 =	vld.idx.msk [tilespmem:v7+s12+$0x0], $0xffff  }
0x3e3: {  	v7 =	vor.u32 v36, v1;
	_ =	sdelay $0x3  }
0x3e4: {  	[tilespmem:v5+s19+$0x0] =	vst.idx.msk $0xffff, v3  }
0x3e5: {  	v5 =	vor.u32 s14, v8;
	v3 =	vld.idx.msk [tilespmem:v7+s12+$0x0], $0xffff  }
0x3e6: {  	v7 =	vor.u32 v41, v1;
	_ =	sdelay $0x3  }
0x3e7: {  	[tilespmem:v5+s19+$0x0] =	vst.idx.msk $0xffff, v3  }
0x3e8: {  	v5 =	vor.u32 s14, v10;
	v3 =	vld.idx.msk [tilespmem:v7+s12+$0x0], $0xffff  }
0x3e9: {  	v7 =	vor.u32 v46, v1;
	_ =	sdelay $0x3  }
0x3ea: {  	[tilespmem:v5+s19+$0x0] =	vst.idx.msk $0xffff, v3  }
0x3eb: {  	v5 =	vor.u32 s14, v12;
	v3 =	vld.idx.msk [tilespmem:v7+s12+$0x0], $0xffff  }
0x3ec: {  	v7 =	vor.u32 v51, v1;
	_ =	sdelay $0x3  }
0x3ed: {  	[tilespmem:v5+s19+$0x0] =	vst.idx.msk $0xffff, v3  }
0x3ee: {  	v5 =	vor.u32 s14, v14;
	v3 =	vld.idx.msk [tilespmem:v7+s12+$0x0], $0xffff  }
0x3ef: {  	v7 =	vor.u32 v52, v1;
	_ =	sdelay $0x3  }
0x3f0: {  	[tilespmem:v5+s19+$0x0] =	vst.idx.msk $0xffff, v3  }
0x3f1: {  	v5 =	vor.u32 s14, v16;
	v3 =	vld.idx.msk [tilespmem:v7+s12+$0x0], $0xffff  }
0x3f2: {  	v7 =	vor.u32 v53, v1;
	_ =	sdelay $0x3  }
0x3f3: {  	[tilespmem:v5+s19+$0x0] =	vst.idx.msk $0xffff, v3  }
0x3f4: {  	v5 =	vor.u32 s14, v18;
	v3 =	vld.idx.msk [tilespmem:v7+s12+$0x0], $0xffff  }
0x3f5: {  	v7 =	vor.u32 v54, v1;
	_ =	sdelay $0x3  }
0x3f6: {  	[tilespmem:v5+s19+$0x0] =	vst.idx.msk $0xffff, v3  }
0x3f7: {  	v5 =	vor.u32 s14, v20;
	v3 =	vld.idx.msk [tilespmem:v7+s12+$0x0], $0xffff  }
0x3f8: {  	v7 =	vor.u32 v55, v1;
	_ =	sdelay $0x3  }
0x3f9: {  	[tilespmem:v5+s19+$0x0] =	vst.idx.msk $0xffff, v3  }
0x3fa: {  	v5 =	vor.u32 s14, v22;
	v3 =	vld.idx.msk [tilespmem:v7+s12+$0x0], $0xffff  }
0x3fb: {  	v7 =	vor.u32 v56, v1;
	_ =	sdelay $0x3  }
0x3fc: {  	[tilespmem:v5+s19+$0x0] =	vst.idx.msk $0xffff, v3  }
0x3fd: {  	v5 =	vor.u32 s14, v24;
	v3 =	vld.idx.msk [tilespmem:v7+s12+$0x0], $0xffff  }
0x3fe: {  	v7 =	vor.u32 v57, v1;
	_ =	sdelay $0x3  }
0x3ff: {  	[tilespmem:v5+s19+$0x0] =	vst.idx.msk $0xffff, v3  }
0x400: {  	v5 =	vor.u32 s14, v28;
	v3 =	vld.idx.msk [tilespmem:v7+s12+$0x0], $0xffff  }
0x401: {  	v7 =	vor.u32 v58, v1;
	_ =	sdelay $0x3  }
0x402: {  	[tilespmem:v5+s19+$0x0] =	vst.idx.msk $0xffff, v3  }
0x403: {  	v5 =	vor.u32 s14, v30;
	v3 =	vld.idx.msk [tilespmem:v7+s12+$0x0], $0xffff  }
0x404: {  	p0 =	sne.s32 s0, $0x70;
	v7 =	vor.u32 v59, v1  }
.Ltmp1:
0x405: {  	_ = 	snop;
	(pc) =	sbr.rel @p0 .LBB2_4-.Ltmp1, $3  }
0x406: {  	_ =	sdelay $0x1  }
0x407: {  	s13 =	smov.u32 s0;
	[tilespmem:v5+s19+$0x0] =	vst.idx.msk $0xffff, v3  }
0x408: {  	s0 =	sadd.s32 $0x10, s0;
	s15 =	sadd.s32 $0x80, s13;
	v1 =	vor.u32 v60, v1;
	v5 =	vor.u32 s14, v31;
	v3 =	vld.idx.msk [tilespmem:v7+s12+$0x0], $0xffff  }
0x409: {  	_ =	sdelay $0x2  }
0x40a: {  	v7 =	vmov s15  }
0x40b: {  	[tilespmem:v5+s19+$0x0] =	vst.idx.msk $0xffff, v3;
	v3 =	vshll.u32 v7, $0x5  }
0x40c: {  	v5 =	vor.u32 s14, v11;
	v1 =	vld.idx.msk [tilespmem:v1+s12+$0x0], $0xffff;
	v3 =	vor.u32 v61, v3  }
0x40d: {  	v7 =	vor.u32 v29, v3;
	_ =	sdelay $0x3  }
0x40e: {  	[tilespmem:v5+s19+$0x0] =	vst.idx.msk $0xffff, v1  }
0x40f: {  	v5 =	vor.u32 s13, v62;
	v1 =	vld.idx.msk [tilespmem:v7+s12+$0x0], $0xffff  }
0x410: {  	v7 =	vor.u32 v9, v3;
	_ =	sdelay $0x3  }
0x411: {  	[tilespmem:v5+s19+$0x0] =	vst.idx.msk $0xffff, v1  }
0x412: {  	v1 =	vld.idx.msk [tilespmem:v7+s12+$0x0], $0xffff  }
0x413: {  	v7 =	vld [tilespmem:$0x1FA20];
	_ =	sdelay $0x3  }
0x414: {  	v5 =	vor.u32 s13, v35  }
0x415: {  	v7 =	vor.u32 v7, v3;
	_ =	sdelay $0x3  }
0x416: {  	[tilespmem:v5+s19+$0x0] =	vst.idx.msk $0xffff, v1  }
0x417: {  	v1 =	vld.idx.msk [tilespmem:v7+s12+$0x0], $0xffff  }
0x418: {  	v7 =	vld [tilespmem:$0x1FA40];
	_ =	sdelay $0x3  }
0x419: {  	v5 =	vor.u32 s13, v37  }
0x41a: {  	v7 =	vor.u32 v7, v3;
	_ =	sdelay $0x3  }
0x41b: {  	[tilespmem:v5+s19+$0x0] =	vst.idx.msk $0xffff, v1  }
0x41c: {  	v1 =	vld.idx.msk [tilespmem:v7+s12+$0x0], $0xffff  }
0x41d: {  	v7 =	vld [tilespmem:$0x1FA60];
	_ =	sdelay $0x3  }
0x41e: {  	v5 =	vor.u32 s13, v38  }
0x41f: {  	v7 =	vor.u32 v7, v3;
	_ =	sdelay $0x3  }
0x420: {  	[tilespmem:v5+s19+$0x0] =	vst.idx.msk $0xffff, v1  }
0x421: {  	v1 =	vld.idx.msk [tilespmem:v7+s12+$0x0], $0xffff  }
0x422: {  	v7 =	vld [tilespmem:$0x1FA80];
	_ =	sdelay $0x3  }
0x423: {  	v5 =	vor.u32 s13, v39  }
0x424: {  	v7 =	vor.u32 v7, v3;
	_ =	sdelay $0x3  }
0x425: {  	[tilespmem:v5+s19+$0x0] =	vst.idx.msk $0xffff, v1  }
0x426: {  	v1 =	vld.idx.msk [tilespmem:v7+s12+$0x0], $0xffff  }
0x427: {  	v7 =	vld [tilespmem:$0x1FAA0];
	_ =	sdelay $0x3  }
0x428: {  	v5 =	vor.u32 s13, v40  }
0x429: {  	v7 =	vor.u32 v7, v3;
	_ =	sdelay $0x3  }
0x42a: {  	[tilespmem:v5+s19+$0x0] =	vst.idx.msk $0xffff, v1  }
0x42b: {  	v5 =	vor.u32 s13, v42;
	v1 =	vld.idx.msk [tilespmem:v7+s12+$0x0], $0xffff  }
0x42c: {  	v7 =	vor.u32 v25, v3;
	_ =	sdelay $0x3  }
0x42d: {  	[tilespmem:v5+s19+$0x0] =	vst.idx.msk $0xffff, v1  }
0x42e: {  	v5 =	vor.u32 s13, v43;
	v1 =	vld.idx.msk [tilespmem:v7+s12+$0x0], $0xffff  }
0x42f: {  	v7 =	vor.u32 v23, v3;
	_ =	sdelay $0x3  }
0x430: {  	[tilespmem:v5+s19+$0x0] =	vst.idx.msk $0xffff, v1  }
0x431: {  	v5 =	vor.u32 s13, v44;
	v1 =	vld.idx.msk [tilespmem:v7+s12+$0x0], $0xffff  }
0x432: {  	v7 =	vor.u32 v27, v3;
	_ =	sdelay $0x3  }
0x433: {  	[tilespmem:v5+s19+$0x0] =	vst.idx.msk $0xffff, v1  }
0x434: {  	v5 =	vor.u32 s13, v45;
	v1 =	vld.idx.msk [tilespmem:v7+s12+$0x0], $0xffff  }
0x435: {  	v7 =	vor.u32 v19, v3;
	_ =	sdelay $0x3  }
0x436: {  	[tilespmem:v5+s19+$0x0] =	vst.idx.msk $0xffff, v1  }
0x437: {  	v5 =	vor.u32 s13, v47;
	v1 =	vld.idx.msk [tilespmem:v7+s12+$0x0], $0xffff  }
0x438: {  	v7 =	vor.u32 v21, v3;
	_ =	sdelay $0x3  }
0x439: {  	[tilespmem:v5+s19+$0x0] =	vst.idx.msk $0xffff, v1  }
0x43a: {  	v5 =	vor.u32 s13, v48;
	v1 =	vld.idx.msk [tilespmem:v7+s12+$0x0], $0xffff  }
0x43b: {  	v7 =	vor.u32 v63, v3;
	_ =	sdelay $0x3  }
0x43c: {  	[tilespmem:v5+s19+$0x0] =	vst.idx.msk $0xffff, v1  }
0x43d: {  	v5 =	vor.u32 s13, v49;
	v1 =	vld.idx.msk [tilespmem:v7+s12+$0x0], $0xffff  }
0x43e: {  	v7 =	vor.u32 v32, v3;
	_ =	sdelay $0x3  }
0x43f: {  	[tilespmem:v5+s19+$0x0] =	vst.idx.msk $0xffff, v1  }
0x440: {  	v5 =	vor.u32 s13, v50;
	v1 =	vld.idx.msk [tilespmem:v7+s12+$0x0], $0xffff  }
0x441: {  	v7 =	vor.u32 v33, v3;
	_ =	sdelay $0x3  }
0x442: {  	[tilespmem:v5+s19+$0x0] =	vst.idx.msk $0xffff, v1  }
0x443: {  	v5 =	vor.u32 s13, v0;
	v1 =	vld.idx.msk [tilespmem:v7+s12+$0x0], $0xffff  }
0x444: {  	v7 =	vor.u32 v34, v3;
	_ =	sdelay $0x3  }
0x445: {  	[tilespmem:v5+s19+$0x0] =	vst.idx.msk $0xffff, v1  }
0x446: {  	v5 =	vor.u32 s13, v2;
	v1 =	vld.idx.msk [tilespmem:v7+s12+$0x0], $0xffff  }
0x447: {  	v7 =	vor.u32 v13, v3;
	_ =	sdelay $0x3  }
0x448: {  	[tilespmem:v5+s19+$0x0] =	vst.idx.msk $0xffff, v1  }
0x449: {  	v5 =	vor.u32 s13, v26;
	v1 =	vld.idx.msk [tilespmem:v7+s12+$0x0], $0xffff  }
0x44a: {  	v7 =	vor.u32 v15, v3;
	_ =	sdelay $0x3  }
0x44b: {  	[tilespmem:v5+s19+$0x0] =	vst.idx.msk $0xffff, v1  }
0x44c: {  	v5 =	vor.u32 s13, v4;
	v1 =	vld.idx.msk [tilespmem:v7+s12+$0x0], $0xffff  }
0x44d: {  	v7 =	vor.u32 v17, v3;
	_ =	sdelay $0x3  }
0x44e: {  	[tilespmem:v5+s19+$0x0] =	vst.idx.msk $0xffff, v1  }
0x44f: {  	v5 =	vor.u32 s13, v6;
	v1 =	vld.idx.msk [tilespmem:v7+s12+$0x0], $0xffff  }
0x450: {  	v7 =	vor.u32 v36, v3;
	_ =	sdelay $0x3  }
0x451: {  	[tilespmem:v5+s19+$0x0] =	vst.idx.msk $0xffff, v1  }
0x452: {  	v5 =	vor.u32 s13, v8;
	v1 =	vld.idx.msk [tilespmem:v7+s12+$0x0], $0xffff  }
0x453: {  	v7 =	vor.u32 v41, v3;
	_ =	sdelay $0x3  }
0x454: {  	[tilespmem:v5+s19+$0x0] =	vst.idx.msk $0xffff, v1  }
0x455: {  	v5 =	vor.u32 s13, v10;
	v1 =	vld.idx.msk [tilespmem:v7+s12+$0x0], $0xffff  }
0x456: {  	v7 =	vor.u32 v46, v3;
	_ =	sdelay $0x3  }
0x457: {  	[tilespmem:v5+s19+$0x0] =	vst.idx.msk $0xffff, v1  }
0x458: {  	v5 =	vor.u32 s13, v12;
	v1 =	vld.idx.msk [tilespmem:v7+s12+$0x0], $0xffff  }
0x459: {  	v7 =	vor.u32 v51, v3;
	_ =	sdelay $0x3  }
0x45a: {  	[tilespmem:v5+s19+$0x0] =	vst.idx.msk $0xffff, v1  }
0x45b: {  	v5 =	vor.u32 s13, v14;
	v1 =	vld.idx.msk [tilespmem:v7+s12+$0x0], $0xffff  }
0x45c: {  	v7 =	vor.u32 v52, v3;
	_ =	sdelay $0x3  }
0x45d: {  	[tilespmem:v5+s19+$0x0] =	vst.idx.msk $0xffff, v1  }
0x45e: {  	v5 =	vor.u32 s13, v16;
	v1 =	vld.idx.msk [tilespmem:v7+s12+$0x0], $0xffff  }
0x45f: {  	v7 =	vor.u32 v53, v3;
	_ =	sdelay $0x3  }
0x460: {  	[tilespmem:v5+s19+$0x0] =	vst.idx.msk $0xffff, v1  }
0x461: {  	v5 =	vor.u32 s13, v18;
	v1 =	vld.idx.msk [tilespmem:v7+s12+$0x0], $0xffff  }
0x462: {  	v7 =	vor.u32 v54, v3;
	_ =	sdelay $0x3  }
0x463: {  	[tilespmem:v5+s19+$0x0] =	vst.idx.msk $0xffff, v1  }
0x464: {  	v5 =	vor.u32 s13, v20;
	v1 =	vld.idx.msk [tilespmem:v7+s12+$0x0], $0xffff  }
0x465: {  	v7 =	vor.u32 v55, v3;
	_ =	sdelay $0x3  }
0x466: {  	[tilespmem:v5+s19+$0x0] =	vst.idx.msk $0xffff, v1  }
0x467: {  	v5 =	vor.u32 s13, v22;
	v1 =	vld.idx.msk [tilespmem:v7+s12+$0x0], $0xffff  }
0x468: {  	v7 =	vor.u32 v56, v3;
	_ =	sdelay $0x3  }
0x469: {  	[tilespmem:v5+s19+$0x0] =	vst.idx.msk $0xffff, v1  }
0x46a: {  	v5 =	vor.u32 s13, v24;
	v1 =	vld.idx.msk [tilespmem:v7+s12+$0x0], $0xffff  }
0x46b: {  	v7 =	vor.u32 v57, v3;
	_ =	sdelay $0x3  }
0x46c: {  	[tilespmem:v5+s19+$0x0] =	vst.idx.msk $0xffff, v1  }
0x46d: {  	v5 =	vor.u32 s13, v28;
	v1 =	vld.idx.msk [tilespmem:v7+s12+$0x0], $0xffff  }
0x46e: {  	v7 =	vor.u32 v58, v3;
	_ =	sdelay $0x3  }
0x46f: {  	[tilespmem:v5+s19+$0x0] =	vst.idx.msk $0xffff, v1  }
0x470: {  	v5 =	vor.u32 s13, v30;
	v1 =	vld.idx.msk [tilespmem:v7+s12+$0x0], $0xffff  }
0x471: {  	v7 =	vor.u32 v59, v3;
	_ =	sdelay $0x3  }
0x472: {  	[tilespmem:v5+s19+$0x0] =	vst.idx.msk $0xffff, v1  }
0x473: {  	v5 =	vor.u32 s13, v31;
	v1 =	vld.idx.msk [tilespmem:v7+s12+$0x0], $0xffff  }
0x474: {  	v3 =	vor.u32 v60, v3;
	_ =	sdelay $0x3  }
0x475: {  	[tilespmem:v5+s19+$0x0] =	vst.idx.msk $0xffff, v1  }
0x476: {  	v1 =	vld.idx.msk [tilespmem:v3+s12+$0x0], $0xffff;
	v3 =	vor.u32 s13, v11;
	_ =	sdelay $0x1  }
0x477: {  	s0 =	rddreg [dreg:$0x1d]  }
0x478: {  	s3 =	sld [smem:$0x7FC]  }
0x479: {  	s30 =	simm.s32 $0x100;
	s4 =	sld [smem:$0x7FD];
	s6 =	simm.s32 $0x2  }
0x47a: {  	s7 =	simm.s32 $0x3;
	s14 =	simm.s32 $0x180;
	s13 =	simm.s32 $0x1;
	[tilespmem:v3+s19+$0x0] =	vst.idx.msk $0xffff, v1  }
0x47b: {  	v5 =	vmov v11;
	[hbm4b:s0+s2] =	stream.strided.scatter [tilespmem:s19], [sflag:$0x3], $0x1000, s5, s2, $0x38;
	[tilespmem:$0x1CD00] =	vst v63  }
.LBB2_6:
0x47c: {  	s0 =	sadd.s32 $0x0, s30  }
0x47d: {  	v1 =	vmov s0  }
0x47e: {  	v1 =	vshll.u32 v1, $0x5  }
0x47f: {  	v1 =	vor.u32 v61, v1  }
0x480: {  	v3 =	vor.u32 v29, v1;
	_ =	sdelay $0x1  }
0x481: {  	_ =	swait.ge [sflag:s6], $0x1000  }
0x482: {  	[sflag:s6] =	ssyncset.done $0x0  }
0x483: {  	s0 =	simm.s32 $0x0;
	[sflag:s6] =	ssyncadd.s32 $0xFFFFF000  }
0x484: {  	v11 =	vmov v5;
	v5 =	vor.u32 s0, v62;
	v3 =	vld.idx.msk [tilespmem:v3+s12+$0x0], $0xffff  }
0x485: {  	v7 =	vor.u32 v9, v1;
	_ =	sdelay $0x3  }
0x486: {  	[tilespmem:v5+s18+$0x0] =	vst.idx.msk $0xffff, v3  }
0x487: {  	v3 =	vld.idx.msk [tilespmem:v7+s12+$0x0], $0xffff  }
0x488: {  	v7 =	vld [tilespmem:$0x1FA20];
	_ =	sdelay $0x3  }
0x489: {  	v5 =	vor.u32 s0, v35  }
0x48a: {  	v7 =	vor.u32 v7, v1;
	_ =	sdelay $0x3  }
0x48b: {  	[tilespmem:v5+s18+$0x0] =	vst.idx.msk $0xffff, v3  }
0x48c: {  	v3 =	vld.idx.msk [tilespmem:v7+s12+$0x0], $0xffff  }
0x48d: {  	v7 =	vld [tilespmem:$0x1FA40];
	_ =	sdelay $0x3  }
0x48e: {  	v5 =	vor.u32 s0, v37  }
0x48f: {  	v7 =	vor.u32 v7, v1;
	_ =	sdelay $0x3  }
0x490: {  	[tilespmem:v5+s18+$0x0] =	vst.idx.msk $0xffff, v3  }
0x491: {  	v3 =	vld.idx.msk [tilespmem:v7+s12+$0x0], $0xffff  }
0x492: {  	v7 =	vld [tilespmem:$0x1FA60];
	_ =	sdelay $0x3  }
0x493: {  	v5 =	vor.u32 s0, v38  }
0x494: {  	v7 =	vor.u32 v7, v1;
	_ =	sdelay $0x3  }
0x495: {  	[tilespmem:v5+s18+$0x0] =	vst.idx.msk $0xffff, v3  }
0x496: {  	v3 =	vld.idx.msk [tilespmem:v7+s12+$0x0], $0xffff  }
0x497: {  	v7 =	vld [tilespmem:$0x1FA80];
	_ =	sdelay $0x3  }
0x498: {  	v5 =	vor.u32 s0, v39  }
0x499: {  	v7 =	vor.u32 v7, v1;
	_ =	sdelay $0x3  }
0x49a: {  	[tilespmem:v5+s18+$0x0] =	vst.idx.msk $0xffff, v3  }
0x49b: {  	v3 =	vld.idx.msk [tilespmem:v7+s12+$0x0], $0xffff  }
0x49c: {  	v7 =	vld [tilespmem:$0x1FAA0];
	_ =	sdelay $0x3  }
0x49d: {  	v5 =	vor.u32 s0, v40  }
0x49e: {  	v7 =	vor.u32 v7, v1;
	_ =	sdelay $0x3  }
0x49f: {  	[tilespmem:v5+s18+$0x0] =	vst.idx.msk $0xffff, v3  }
0x4a0: {  	v5 =	vor.u32 s0, v42;
	v3 =	vld.idx.msk [tilespmem:v7+s12+$0x0], $0xffff  }
0x4a1: {  	v7 =	vor.u32 v25, v1;
	_ =	sdelay $0x3  }
0x4a2: {  	[tilespmem:v5+s18+$0x0] =	vst.idx.msk $0xffff, v3  }
0x4a3: {  	v5 =	vor.u32 s0, v43;
	v3 =	vld.idx.msk [tilespmem:v7+s12+$0x0], $0xffff  }
0x4a4: {  	v7 =	vor.u32 v23, v1;
	_ =	sdelay $0x3  }
0x4a5: {  	[tilespmem:v5+s18+$0x0] =	vst.idx.msk $0xffff, v3  }
0x4a6: {  	v5 =	vor.u32 s0, v44;
	v3 =	vld.idx.msk [tilespmem:v7+s12+$0x0], $0xffff  }
0x4a7: {  	v7 =	vor.u32 v27, v1;
	_ =	sdelay $0x3  }
0x4a8: {  	[tilespmem:v5+s18+$0x0] =	vst.idx.msk $0xffff, v3  }
0x4a9: {  	v5 =	vor.u32 s0, v45;
	v3 =	vld.idx.msk [tilespmem:v7+s12+$0x0], $0xffff  }
0x4aa: {  	v7 =	vor.u32 v19, v1;
	_ =	sdelay $0x3  }
0x4ab: {  	[tilespmem:v5+s18+$0x0] =	vst.idx.msk $0xffff, v3  }
0x4ac: {  	v5 =	vor.u32 s0, v47;
	v3 =	vld.idx.msk [tilespmem:v7+s12+$0x0], $0xffff  }
0x4ad: {  	v7 =	vor.u32 v21, v1;
	_ =	sdelay $0x3  }
0x4ae: {  	[tilespmem:v5+s18+$0x0] =	vst.idx.msk $0xffff, v3  }
0x4af: {  	v5 =	vor.u32 s0, v48;
	v3 =	vld.idx.msk [tilespmem:v7+s12+$0x0], $0xffff  }
0x4b0: {  	v7 =	vor.u32 v63, v1;
	_ =	sdelay $0x3  }
0x4b1: {  	[tilespmem:v5+s18+$0x0] =	vst.idx.msk $0xffff, v3  }
0x4b2: {  	v5 =	vor.u32 s0, v49;
	v3 =	vld.idx.msk [tilespmem:v7+s12+$0x0], $0xffff  }
0x4b3: {  	v7 =	vor.u32 v32, v1;
	_ =	sdelay $0x3  }
0x4b4: {  	[tilespmem:v5+s18+$0x0] =	vst.idx.msk $0xffff, v3  }
0x4b5: {  	v5 =	vor.u32 s0, v50;
	v3 =	vld.idx.msk [tilespmem:v7+s12+$0x0], $0xffff  }
0x4b6: {  	v7 =	vor.u32 v33, v1;
	_ =	sdelay $0x3  }
0x4b7: {  	[tilespmem:v5+s18+$0x0] =	vst.idx.msk $0xffff, v3  }
0x4b8: {  	v5 =	vor.u32 s0, v0;
	v3 =	vld.idx.msk [tilespmem:v7+s12+$0x0], $0xffff  }
0x4b9: {  	v7 =	vor.u32 v34, v1;
	_ =	sdelay $0x3  }
0x4ba: {  	[tilespmem:v5+s18+$0x0] =	vst.idx.msk $0xffff, v3  }
0x4bb: {  	v5 =	vor.u32 s0, v2;
	v3 =	vld.idx.msk [tilespmem:v7+s12+$0x0], $0xffff  }
0x4bc: {  	v7 =	vor.u32 v13, v1;
	_ =	sdelay $0x3  }
0x4bd: {  	[tilespmem:v5+s18+$0x0] =	vst.idx.msk $0xffff, v3  }
0x4be: {  	v5 =	vor.u32 s0, v26;
	v3 =	vld.idx.msk [tilespmem:v7+s12+$0x0], $0xffff  }
0x4bf: {  	v7 =	vor.u32 v15, v1;
	_ =	sdelay $0x3  }
0x4c0: {  	[tilespmem:v5+s18+$0x0] =	vst.idx.msk $0xffff, v3  }
0x4c1: {  	v5 =	vor.u32 s0, v4;
	v3 =	vld.idx.msk [tilespmem:v7+s12+$0x0], $0xffff  }
0x4c2: {  	v7 =	vor.u32 v17, v1;
	_ =	sdelay $0x3  }
0x4c3: {  	[tilespmem:v5+s18+$0x0] =	vst.idx.msk $0xffff, v3  }
0x4c4: {  	v5 =	vor.u32 s0, v6;
	v3 =	vld.idx.msk [tilespmem:v7+s12+$0x0], $0xffff  }
0x4c5: {  	v7 =	vor.u32 v36, v1;
	_ =	sdelay $0x3  }
0x4c6: {  	[tilespmem:v5+s18+$0x0] =	vst.idx.msk $0xffff, v3  }
0x4c7: {  	v5 =	vor.u32 s0, v8;
	v3 =	vld.idx.msk [tilespmem:v7+s12+$0x0], $0xffff  }
0x4c8: {  	v7 =	vor.u32 v41, v1;
	_ =	sdelay $0x3  }
0x4c9: {  	[tilespmem:v5+s18+$0x0] =	vst.idx.msk $0xffff, v3  }
0x4ca: {  	v5 =	vor.u32 s0, v10;
	v3 =	vld.idx.msk [tilespmem:v7+s12+$0x0], $0xffff  }
0x4cb: {  	v7 =	vor.u32 v46, v1;
	_ =	sdelay $0x3  }
0x4cc: {  	[tilespmem:v5+s18+$0x0] =	vst.idx.msk $0xffff, v3  }
0x4cd: {  	v5 =	vor.u32 s0, v12;
	v3 =	vld.idx.msk [tilespmem:v7+s12+$0x0], $0xffff  }
0x4ce: {  	v7 =	vor.u32 v51, v1;
	_ =	sdelay $0x3  }
0x4cf: {  	[tilespmem:v5+s18+$0x0] =	vst.idx.msk $0xffff, v3  }
0x4d0: {  	v5 =	vor.u32 s0, v14;
	v3 =	vld.idx.msk [tilespmem:v7+s12+$0x0], $0xffff  }
0x4d1: {  	v7 =	vor.u32 v52, v1;
	_ =	sdelay $0x3  }
0x4d2: {  	[tilespmem:v5+s18+$0x0] =	vst.idx.msk $0xffff, v3  }
0x4d3: {  	v5 =	vor.u32 s0, v16;
	v3 =	vld.idx.msk [tilespmem:v7+s12+$0x0], $0xffff  }
0x4d4: {  	v7 =	vor.u32 v53, v1;
	_ =	sdelay $0x3  }
0x4d5: {  	[tilespmem:v5+s18+$0x0] =	vst.idx.msk $0xffff, v3  }
0x4d6: {  	v5 =	vor.u32 s0, v18;
	v3 =	vld.idx.msk [tilespmem:v7+s12+$0x0], $0xffff  }
0x4d7: {  	v7 =	vor.u32 v54, v1;
	_ =	sdelay $0x3  }
0x4d8: {  	[tilespmem:v5+s18+$0x0] =	vst.idx.msk $0xffff, v3  }
0x4d9: {  	v5 =	vor.u32 s0, v20;
	v3 =	vld.idx.msk [tilespmem:v7+s12+$0x0], $0xffff  }
0x4da: {  	v7 =	vor.u32 v55, v1;
	_ =	sdelay $0x3  }
0x4db: {  	[tilespmem:v5+s18+$0x0] =	vst.idx.msk $0xffff, v3  }
0x4dc: {  	v5 =	vor.u32 s0, v22;
	v3 =	vld.idx.msk [tilespmem:v7+s12+$0x0], $0xffff  }
0x4dd: {  	v7 =	vor.u32 v56, v1;
	_ =	sdelay $0x3  }
0x4de: {  	[tilespmem:v5+s18+$0x0] =	vst.idx.msk $0xffff, v3  }
0x4df: {  	v5 =	vor.u32 s0, v24;
	v3 =	vld.idx.msk [tilespmem:v7+s12+$0x0], $0xffff  }
0x4e0: {  	v7 =	vor.u32 v57, v1;
	_ =	sdelay $0x3  }
0x4e1: {  	[tilespmem:v5+s18+$0x0] =	vst.idx.msk $0xffff, v3  }
0x4e2: {  	v5 =	vor.u32 s0, v28;
	v3 =	vld.idx.msk [tilespmem:v7+s12+$0x0], $0xffff  }
0x4e3: {  	v7 =	vor.u32 v58, v1;
	_ =	sdelay $0x3  }
0x4e4: {  	[tilespmem:v5+s18+$0x0] =	vst.idx.msk $0xffff, v3  }
0x4e5: {  	v5 =	vor.u32 s0, v30;
	v3 =	vld.idx.msk [tilespmem:v7+s12+$0x0], $0xffff  }
0x4e6: {  	v7 =	vor.u32 v59, v1;
	_ =	sdelay $0x3  }
0x4e7: {  	[tilespmem:v5+s18+$0x0] =	vst.idx.msk $0xffff, v3  }
0x4e8: {  	s31 =	simm.s32 $0x10;
	s21 =	sadd.s32 $0x10, s30;
	s15 =	simm.s32 $0x20;
	v1 =	vor.u32 v60, v1;
	v5 =	vor.u32 s0, v31;
	v3 =	vld.idx.msk [tilespmem:v7+s12+$0x0], $0xffff  }
.LBB2_7:
0x4e9: {  	_ =	sdelay $0x2  }
0x4ea: {  	v7 =	vmov s21  }
0x4eb: {  	[tilespmem:v5+s18+$0x0] =	vst.idx.msk $0xffff, v3;
	v3 =	vshll.u32 v7, $0x5  }
0x4ec: {  	v5 =	vld.idx.msk [tilespmem:v1+s12+$0x0], $0xffff;
	v1 =	vor.u32 v61, v3;
	v3 =	vor.u32 s0, v11  }
0x4ed: {  	v7 =	vor.u32 v29, v1;
	_ =	sdelay $0x3  }
0x4ee: {  	s0 =	smov.u32 s31;
	[tilespmem:v3+s18+$0x0] =	vst.idx.msk $0xffff, v5  }
0x4ef: {  	v5 =	vor.u32 s0, v62;
	v3 =	vld.idx.msk [tilespmem:v7+s12+$0x0], $0xffff  }
0x4f0: {  	v7 =	vor.u32 v9, v1;
	_ =	sdelay $0x3  }
0x4f1: {  	[tilespmem:v5+s18+$0x0] =	vst.idx.msk $0xffff, v3  }
0x4f2: {  	v3 =	vld.idx.msk [tilespmem:v7+s12+$0x0], $0xffff  }
0x4f3: {  	v7 =	vld [tilespmem:$0x1FA20];
	_ =	sdelay $0x3  }
0x4f4: {  	v5 =	vor.u32 s0, v35  }
0x4f5: {  	v7 =	vor.u32 v7, v1;
	_ =	sdelay $0x3  }
0x4f6: {  	[tilespmem:v5+s18+$0x0] =	vst.idx.msk $0xffff, v3  }
0x4f7: {  	v3 =	vld.idx.msk [tilespmem:v7+s12+$0x0], $0xffff  }
0x4f8: {  	v7 =	vld [tilespmem:$0x1FA40];
	_ =	sdelay $0x3  }
0x4f9: {  	v5 =	vor.u32 s0, v37  }
0x4fa: {  	v7 =	vor.u32 v7, v1;
	_ =	sdelay $0x3  }
0x4fb: {  	[tilespmem:v5+s18+$0x0] =	vst.idx.msk $0xffff, v3  }
0x4fc: {  	v3 =	vld.idx.msk [tilespmem:v7+s12+$0x0], $0xffff  }
0x4fd: {  	v7 =	vld [tilespmem:$0x1FA60];
	_ =	sdelay $0x3  }
0x4fe: {  	v5 =	vor.u32 s0, v38  }
0x4ff: {  	v7 =	vor.u32 v7, v1;
	_ =	sdelay $0x3  }
0x500: {  	[tilespmem:v5+s18+$0x0] =	vst.idx.msk $0xffff, v3  }
0x501: {  	v3 =	vld.idx.msk [tilespmem:v7+s12+$0x0], $0xffff  }
0x502: {  	v7 =	vld [tilespmem:$0x1FA80];
	_ =	sdelay $0x3  }
0x503: {  	v5 =	vor.u32 s0, v39  }
0x504: {  	v7 =	vor.u32 v7, v1;
	_ =	sdelay $0x3  }
0x505: {  	[tilespmem:v5+s18+$0x0] =	vst.idx.msk $0xffff, v3  }
0x506: {  	v3 =	vld.idx.msk [tilespmem:v7+s12+$0x0], $0xffff  }
0x507: {  	v7 =	vld [tilespmem:$0x1FAA0];
	_ =	sdelay $0x3  }
0x508: {  	v5 =	vor.u32 s0, v40  }
0x509: {  	v7 =	vor.u32 v7, v1;
	_ =	sdelay $0x3  }
0x50a: {  	[tilespmem:v5+s18+$0x0] =	vst.idx.msk $0xffff, v3  }
0x50b: {  	v5 =	vor.u32 s0, v42;
	v3 =	vld.idx.msk [tilespmem:v7+s12+$0x0], $0xffff  }
0x50c: {  	v7 =	vor.u32 v25, v1;
	_ =	sdelay $0x3  }
0x50d: {  	[tilespmem:v5+s18+$0x0] =	vst.idx.msk $0xffff, v3  }
0x50e: {  	v5 =	vor.u32 s0, v43;
	v3 =	vld.idx.msk [tilespmem:v7+s12+$0x0], $0xffff  }
0x50f: {  	v7 =	vor.u32 v23, v1;
	_ =	sdelay $0x3  }
0x510: {  	[tilespmem:v5+s18+$0x0] =	vst.idx.msk $0xffff, v3  }
0x511: {  	v5 =	vor.u32 s0, v44;
	v3 =	vld.idx.msk [tilespmem:v7+s12+$0x0], $0xffff  }
0x512: {  	v7 =	vor.u32 v27, v1;
	_ =	sdelay $0x3  }
0x513: {  	[tilespmem:v5+s18+$0x0] =	vst.idx.msk $0xffff, v3  }
0x514: {  	v5 =	vor.u32 s0, v45;
	v3 =	vld.idx.msk [tilespmem:v7+s12+$0x0], $0xffff  }
0x515: {  	v7 =	vor.u32 v19, v1;
	_ =	sdelay $0x3  }
0x516: {  	[tilespmem:v5+s18+$0x0] =	vst.idx.msk $0xffff, v3  }
0x517: {  	v5 =	vor.u32 s0, v47;
	v3 =	vld.idx.msk [tilespmem:v7+s12+$0x0], $0xffff  }
0x518: {  	v7 =	vor.u32 v21, v1;
	_ =	sdelay $0x3  }
0x519: {  	[tilespmem:v5+s18+$0x0] =	vst.idx.msk $0xffff, v3  }
0x51a: {  	v5 =	vor.u32 s0, v48;
	v3 =	vld.idx.msk [tilespmem:v7+s12+$0x0], $0xffff  }
0x51b: {  	v7 =	vor.u32 v63, v1;
	_ =	sdelay $0x3  }
0x51c: {  	[tilespmem:v5+s18+$0x0] =	vst.idx.msk $0xffff, v3  }
0x51d: {  	v5 =	vor.u32 s0, v49;
	v3 =	vld.idx.msk [tilespmem:v7+s12+$0x0], $0xffff  }
0x51e: {  	v7 =	vor.u32 v32, v1;
	_ =	sdelay $0x3  }
0x51f: {  	[tilespmem:v5+s18+$0x0] =	vst.idx.msk $0xffff, v3  }
0x520: {  	v5 =	vor.u32 s0, v50;
	v3 =	vld.idx.msk [tilespmem:v7+s12+$0x0], $0xffff  }
0x521: {  	v7 =	vor.u32 v33, v1;
	_ =	sdelay $0x3  }
0x522: {  	[tilespmem:v5+s18+$0x0] =	vst.idx.msk $0xffff, v3  }
0x523: {  	v5 =	vor.u32 s0, v0;
	v3 =	vld.idx.msk [tilespmem:v7+s12+$0x0], $0xffff  }
0x524: {  	v7 =	vor.u32 v34, v1;
	_ =	sdelay $0x3  }
0x525: {  	[tilespmem:v5+s18+$0x0] =	vst.idx.msk $0xffff, v3  }
0x526: {  	v5 =	vor.u32 s0, v2;
	v3 =	vld.idx.msk [tilespmem:v7+s12+$0x0], $0xffff  }
0x527: {  	v7 =	vor.u32 v13, v1;
	_ =	sdelay $0x3  }
0x528: {  	[tilespmem:v5+s18+$0x0] =	vst.idx.msk $0xffff, v3  }
0x529: {  	v5 =	vor.u32 s0, v26;
	v3 =	vld.idx.msk [tilespmem:v7+s12+$0x0], $0xffff  }
0x52a: {  	v7 =	vor.u32 v15, v1;
	_ =	sdelay $0x3  }
0x52b: {  	[tilespmem:v5+s18+$0x0] =	vst.idx.msk $0xffff, v3  }
0x52c: {  	v5 =	vor.u32 s0, v4;
	v3 =	vld.idx.msk [tilespmem:v7+s12+$0x0], $0xffff  }
0x52d: {  	v7 =	vor.u32 v17, v1;
	_ =	sdelay $0x3  }
0x52e: {  	[tilespmem:v5+s18+$0x0] =	vst.idx.msk $0xffff, v3  }
0x52f: {  	v5 =	vor.u32 s0, v6;
	v3 =	vld.idx.msk [tilespmem:v7+s12+$0x0], $0xffff  }
0x530: {  	v7 =	vor.u32 v36, v1;
	_ =	sdelay $0x3  }
0x531: {  	[tilespmem:v5+s18+$0x0] =	vst.idx.msk $0xffff, v3  }
0x532: {  	v5 =	vor.u32 s0, v8;
	v3 =	vld.idx.msk [tilespmem:v7+s12+$0x0], $0xffff  }
0x533: {  	v7 =	vor.u32 v41, v1;
	_ =	sdelay $0x3  }
0x534: {  	[tilespmem:v5+s18+$0x0] =	vst.idx.msk $0xffff, v3  }
0x535: {  	v5 =	vor.u32 s0, v10;
	v3 =	vld.idx.msk [tilespmem:v7+s12+$0x0], $0xffff  }
0x536: {  	v7 =	vor.u32 v46, v1;
	_ =	sdelay $0x3  }
0x537: {  	[tilespmem:v5+s18+$0x0] =	vst.idx.msk $0xffff, v3  }
0x538: {  	v5 =	vor.u32 s0, v12;
	v3 =	vld.idx.msk [tilespmem:v7+s12+$0x0], $0xffff  }
0x539: {  	v7 =	vor.u32 v51, v1;
	_ =	sdelay $0x3  }
0x53a: {  	[tilespmem:v5+s18+$0x0] =	vst.idx.msk $0xffff, v3  }
0x53b: {  	v5 =	vor.u32 s0, v14;
	v3 =	vld.idx.msk [tilespmem:v7+s12+$0x0], $0xffff  }
0x53c: {  	v7 =	vor.u32 v52, v1;
	_ =	sdelay $0x3  }
0x53d: {  	[tilespmem:v5+s18+$0x0] =	vst.idx.msk $0xffff, v3  }
0x53e: {  	v5 =	vor.u32 s0, v16;
	v3 =	vld.idx.msk [tilespmem:v7+s12+$0x0], $0xffff  }
0x53f: {  	v7 =	vor.u32 v53, v1;
	_ =	sdelay $0x3  }
0x540: {  	[tilespmem:v5+s18+$0x0] =	vst.idx.msk $0xffff, v3  }
0x541: {  	v5 =	vor.u32 s0, v18;
	v3 =	vld.idx.msk [tilespmem:v7+s12+$0x0], $0xffff  }
0x542: {  	v7 =	vor.u32 v54, v1;
	_ =	sdelay $0x3  }
0x543: {  	[tilespmem:v5+s18+$0x0] =	vst.idx.msk $0xffff, v3  }
0x544: {  	v5 =	vor.u32 s0, v20;
	v3 =	vld.idx.msk [tilespmem:v7+s12+$0x0], $0xffff  }
0x545: {  	v7 =	vor.u32 v55, v1;
	_ =	sdelay $0x3  }
0x546: {  	[tilespmem:v5+s18+$0x0] =	vst.idx.msk $0xffff, v3  }
0x547: {  	v5 =	vor.u32 s0, v22;
	v3 =	vld.idx.msk [tilespmem:v7+s12+$0x0], $0xffff  }
0x548: {  	v7 =	vor.u32 v56, v1;
	_ =	sdelay $0x3  }
0x549: {  	[tilespmem:v5+s18+$0x0] =	vst.idx.msk $0xffff, v3  }
0x54a: {  	v5 =	vor.u32 s0, v24;
	v3 =	vld.idx.msk [tilespmem:v7+s12+$0x0], $0xffff  }
0x54b: {  	v7 =	vor.u32 v57, v1;
	_ =	sdelay $0x3  }
0x54c: {  	[tilespmem:v5+s18+$0x0] =	vst.idx.msk $0xffff, v3  }
0x54d: {  	v5 =	vor.u32 s0, v28;
	v3 =	vld.idx.msk [tilespmem:v7+s12+$0x0], $0xffff  }
0x54e: {  	v7 =	vor.u32 v58, v1;
	_ =	sdelay $0x3  }
0x54f: {  	[tilespmem:v5+s18+$0x0] =	vst.idx.msk $0xffff, v3  }
0x550: {  	v5 =	vor.u32 s0, v30;
	v3 =	vld.idx.msk [tilespmem:v7+s12+$0x0], $0xffff  }
0x551: {  	p0 =	sne.s32 s15, $0x70;
	v7 =	vor.u32 v59, v1  }
.Ltmp2:
0x552: {  	_ = 	snop;
	(pc) =	sbr.rel @p0 .LBB2_7-.Ltmp2, $3  }
0x553: {  	_ =	sdelay $0x1  }
0x554: {  	s31 =	smov.u32 s15;
	[tilespmem:v5+s18+$0x0] =	vst.idx.msk $0xffff, v3  }
0x555: {  	s15 =	sadd.s32 $0x10, s15;
	s21 =	sadd.s32 s31, s30;
	v1 =	vor.u32 v60, v1;
	v5 =	vor.u32 s0, v31;
	v3 =	vld.idx.msk [tilespmem:v7+s12+$0x0], $0xffff  }
0x556: {  	_ =	sdelay $0x2  }
0x557: {  	v7 =	vmov s21  }
0x558: {  	[tilespmem:v5+s18+$0x0] =	vst.idx.msk $0xffff, v3;
	v3 =	vshll.u32 v7, $0x5  }
0x559: {  	v5 =	vor.u32 s0, v11;
	v7 =	vlaneseq.u32;
	v1 =	vld.idx.msk [tilespmem:v1+s12+$0x0], $0xffff;
	v3 =	vor.u32 v61, v3  }
0x55a: {  	v7 =	vor.u32 v7, v3;
	_ =	sdelay $0x3  }
0x55b: {  	[tilespmem:v5+s18+$0x0] =	vst.idx.msk $0xffff, v1  }
0x55c: {  	v5 =	vor.u32 s31, v62;
	v1 =	vld.idx.msk [tilespmem:v7+s12+$0x0], $0xffff  }
0x55d: {  	v7 =	vor.u32 v9, v3;
	_ =	sdelay $0x3  }
0x55e: {  	[tilespmem:v5+s18+$0x0] =	vst.idx.msk $0xffff, v1  }
0x55f: {  	v1 =	vld.idx.msk [tilespmem:v7+s12+$0x0], $0xffff  }
0x560: {  	v7 =	vld [tilespmem:$0x1FA20];
	_ =	sdelay $0x3  }
0x561: {  	v5 =	vor.u32 s31, v35  }
0x562: {  	v7 =	vor.u32 v7, v3;
	_ =	sdelay $0x3  }
0x563: {  	[tilespmem:v5+s18+$0x0] =	vst.idx.msk $0xffff, v1  }
0x564: {  	v1 =	vld.idx.msk [tilespmem:v7+s12+$0x0], $0xffff  }
0x565: {  	v7 =	vld [tilespmem:$0x1FA40];
	_ =	sdelay $0x3  }
0x566: {  	v5 =	vor.u32 s31, v37  }
0x567: {  	v7 =	vor.u32 v7, v3;
	_ =	sdelay $0x3  }
0x568: {  	[tilespmem:v5+s18+$0x0] =	vst.idx.msk $0xffff, v1  }
0x569: {  	v1 =	vld.idx.msk [tilespmem:v7+s12+$0x0], $0xffff  }
0x56a: {  	v7 =	vld [tilespmem:$0x1FA60];
	_ =	sdelay $0x3  }
0x56b: {  	v5 =	vor.u32 s31, v38  }
0x56c: {  	v7 =	vor.u32 v7, v3;
	_ =	sdelay $0x3  }
0x56d: {  	[tilespmem:v5+s18+$0x0] =	vst.idx.msk $0xffff, v1  }
0x56e: {  	v1 =	vld.idx.msk [tilespmem:v7+s12+$0x0], $0xffff  }
0x56f: {  	v7 =	vld [tilespmem:$0x1FA80];
	_ =	sdelay $0x3  }
0x570: {  	v5 =	vor.u32 s31, v39  }
0x571: {  	v7 =	vor.u32 v7, v3;
	_ =	sdelay $0x3  }
0x572: {  	[tilespmem:v5+s18+$0x0] =	vst.idx.msk $0xffff, v1  }
0x573: {  	v1 =	vld.idx.msk [tilespmem:v7+s12+$0x0], $0xffff  }
0x574: {  	v7 =	vld [tilespmem:$0x1FAA0];
	_ =	sdelay $0x3  }
0x575: {  	v5 =	vor.u32 s31, v40  }
0x576: {  	v7 =	vor.u32 v7, v3;
	_ =	sdelay $0x3  }
0x577: {  	[tilespmem:v5+s18+$0x0] =	vst.idx.msk $0xffff, v1  }
0x578: {  	v5 =	vor.u32 s31, v42;
	v1 =	vld.idx.msk [tilespmem:v7+s12+$0x0], $0xffff  }
0x579: {  	v7 =	vor.u32 v25, v3;
	_ =	sdelay $0x3  }
0x57a: {  	[tilespmem:v5+s18+$0x0] =	vst.idx.msk $0xffff, v1  }
0x57b: {  	v5 =	vor.u32 s31, v43;
	v1 =	vld.idx.msk [tilespmem:v7+s12+$0x0], $0xffff  }
0x57c: {  	v7 =	vor.u32 v23, v3;
	_ =	sdelay $0x3  }
0x57d: {  	[tilespmem:v5+s18+$0x0] =	vst.idx.msk $0xffff, v1  }
0x57e: {  	v5 =	vor.u32 s31, v44;
	v1 =	vld.idx.msk [tilespmem:v7+s12+$0x0], $0xffff  }
0x57f: {  	v7 =	vor.u32 v27, v3;
	_ =	sdelay $0x3  }
0x580: {  	[tilespmem:v5+s18+$0x0] =	vst.idx.msk $0xffff, v1  }
0x581: {  	v5 =	vor.u32 s31, v45;
	v1 =	vld.idx.msk [tilespmem:v7+s12+$0x0], $0xffff  }
0x582: {  	v7 =	vor.u32 v19, v3;
	_ =	sdelay $0x3  }
0x583: {  	[tilespmem:v5+s18+$0x0] =	vst.idx.msk $0xffff, v1  }
0x584: {  	v5 =	vor.u32 s31, v47;
	v1 =	vld.idx.msk [tilespmem:v7+s12+$0x0], $0xffff  }
0x585: {  	v7 =	vor.u32 v21, v3;
	_ =	sdelay $0x3  }
0x586: {  	[tilespmem:v5+s18+$0x0] =	vst.idx.msk $0xffff, v1  }
0x587: {  	v5 =	vor.u32 s31, v48;
	v1 =	vld.idx.msk [tilespmem:v7+s12+$0x0], $0xffff  }
0x588: {  	v7 =	vor.u32 v63, v3;
	_ =	sdelay $0x3  }
0x589: {  	[tilespmem:v5+s18+$0x0] =	vst.idx.msk $0xffff, v1  }
0x58a: {  	v5 =	vor.u32 s31, v49;
	v1 =	vld.idx.msk [tilespmem:v7+s12+$0x0], $0xffff  }
0x58b: {  	v7 =	vor.u32 v32, v3;
	_ =	sdelay $0x3  }
0x58c: {  	[tilespmem:v5+s18+$0x0] =	vst.idx.msk $0xffff, v1  }
0x58d: {  	v5 =	vor.u32 s31, v50;
	v1 =	vld.idx.msk [tilespmem:v7+s12+$0x0], $0xffff  }
0x58e: {  	v7 =	vor.u32 v33, v3;
	_ =	sdelay $0x3  }
0x58f: {  	[tilespmem:v5+s18+$0x0] =	vst.idx.msk $0xffff, v1  }
0x590: {  	v5 =	vor.u32 s31, v0;
	v1 =	vld.idx.msk [tilespmem:v7+s12+$0x0], $0xffff  }
0x591: {  	v7 =	vor.u32 v34, v3;
	_ =	sdelay $0x3  }
0x592: {  	[tilespmem:v5+s18+$0x0] =	vst.idx.msk $0xffff, v1  }
0x593: {  	v5 =	vor.u32 s31, v2;
	v1 =	vld.idx.msk [tilespmem:v7+s12+$0x0], $0xffff  }
0x594: {  	v7 =	vor.u32 v13, v3;
	_ =	sdelay $0x3  }
0x595: {  	[tilespmem:v5+s18+$0x0] =	vst.idx.msk $0xffff, v1  }
0x596: {  	v5 =	vor.u32 s31, v26;
	v1 =	vld.idx.msk [tilespmem:v7+s12+$0x0], $0xffff  }
0x597: {  	v7 =	vor.u32 v15, v3;
	_ =	sdelay $0x3  }
0x598: {  	[tilespmem:v5+s18+$0x0] =	vst.idx.msk $0xffff, v1  }
0x599: {  	v5 =	vor.u32 s31, v4;
	v1 =	vld.idx.msk [tilespmem:v7+s12+$0x0], $0xffff  }
0x59a: {  	v7 =	vor.u32 v17, v3;
	_ =	sdelay $0x3  }
0x59b: {  	[tilespmem:v5+s18+$0x0] =	vst.idx.msk $0xffff, v1  }
0x59c: {  	v5 =	vor.u32 s31, v6;
	v1 =	vld.idx.msk [tilespmem:v7+s12+$0x0], $0xffff  }
0x59d: {  	v7 =	vor.u32 v36, v3;
	_ =	sdelay $0x3  }
0x59e: {  	[tilespmem:v5+s18+$0x0] =	vst.idx.msk $0xffff, v1  }
0x59f: {  	v5 =	vor.u32 s31, v8;
	v1 =	vld.idx.msk [tilespmem:v7+s12+$0x0], $0xffff  }
0x5a0: {  	v7 =	vor.u32 v41, v3;
	_ =	sdelay $0x3  }
0x5a1: {  	[tilespmem:v5+s18+$0x0] =	vst.idx.msk $0xffff, v1  }
0x5a2: {  	v5 =	vor.u32 s31, v10;
	v1 =	vld.idx.msk [tilespmem:v7+s12+$0x0], $0xffff  }
0x5a3: {  	v7 =	vor.u32 v46, v3;
	_ =	sdelay $0x3  }
0x5a4: {  	[tilespmem:v5+s18+$0x0] =	vst.idx.msk $0xffff, v1  }
0x5a5: {  	v5 =	vor.u32 s31, v12;
	v1 =	vld.idx.msk [tilespmem:v7+s12+$0x0], $0xffff  }
0x5a6: {  	v7 =	vor.u32 v51, v3;
	_ =	sdelay $0x3  }
0x5a7: {  	[tilespmem:v5+s18+$0x0] =	vst.idx.msk $0xffff, v1  }
0x5a8: {  	v5 =	vor.u32 s31, v14;
	v1 =	vld.idx.msk [tilespmem:v7+s12+$0x0], $0xffff  }
0x5a9: {  	v7 =	vor.u32 v52, v3;
	_ =	sdelay $0x3  }
0x5aa: {  	[tilespmem:v5+s18+$0x0] =	vst.idx.msk $0xffff, v1  }
0x5ab: {  	v5 =	vor.u32 s31, v16;
	v1 =	vld.idx.msk [tilespmem:v7+s12+$0x0], $0xffff  }
0x5ac: {  	v7 =	vor.u32 v53, v3;
	_ =	sdelay $0x3  }
0x5ad: {  	[tilespmem:v5+s18+$0x0] =	vst.idx.msk $0xffff, v1  }
0x5ae: {  	v5 =	vor.u32 s31, v18;
	v1 =	vld.idx.msk [tilespmem:v7+s12+$0x0], $0xffff  }
0x5af: {  	v7 =	vor.u32 v54, v3;
	_ =	sdelay $0x3  }
0x5b0: {  	[tilespmem:v5+s18+$0x0] =	vst.idx.msk $0xffff, v1  }
0x5b1: {  	v5 =	vor.u32 s31, v20;
	v1 =	vld.idx.msk [tilespmem:v7+s12+$0x0], $0xffff  }
0x5b2: {  	v7 =	vor.u32 v55, v3;
	_ =	sdelay $0x3  }
0x5b3: {  	[tilespmem:v5+s18+$0x0] =	vst.idx.msk $0xffff, v1  }
0x5b4: {  	v5 =	vor.u32 s31, v22;
	v1 =	vld.idx.msk [tilespmem:v7+s12+$0x0], $0xffff  }
0x5b5: {  	v7 =	vor.u32 v56, v3;
	_ =	sdelay $0x3  }
0x5b6: {  	[tilespmem:v5+s18+$0x0] =	vst.idx.msk $0xffff, v1  }
0x5b7: {  	v5 =	vor.u32 s31, v24;
	v1 =	vld.idx.msk [tilespmem:v7+s12+$0x0], $0xffff  }
0x5b8: {  	v7 =	vor.u32 v57, v3;
	_ =	sdelay $0x3  }
0x5b9: {  	[tilespmem:v5+s18+$0x0] =	vst.idx.msk $0xffff, v1  }
0x5ba: {  	v5 =	vor.u32 s31, v28;
	v1 =	vld.idx.msk [tilespmem:v7+s12+$0x0], $0xffff  }
0x5bb: {  	v7 =	vor.u32 v58, v3;
	_ =	sdelay $0x3  }
0x5bc: {  	[tilespmem:v5+s18+$0x0] =	vst.idx.msk $0xffff, v1  }
0x5bd: {  	v5 =	vor.u32 s31, v30;
	v1 =	vld.idx.msk [tilespmem:v7+s12+$0x0], $0xffff  }
0x5be: {  	v7 =	vor.u32 v59, v3;
	_ =	sdelay $0x3  }
0x5bf: {  	[tilespmem:v5+s18+$0x0] =	vst.idx.msk $0xffff, v1  }
0x5c0: {  	v5 =	vor.u32 s31, v31;
	v1 =	vld.idx.msk [tilespmem:v7+s12+$0x0], $0xffff  }
0x5c1: {  	v3 =	vor.u32 v60, v3;
	_ =	sdelay $0x3  }
0x5c2: {  	[tilespmem:v5+s18+$0x0] =	vst.idx.msk $0xffff, v1  }
0x5c3: {  	v5 =	vor.u32 s31, v11;
	v3 =	vld.idx.msk [tilespmem:v3+s12+$0x0], $0xffff;
	_ =	sdelay $0x1  }
0x5c4: {  	s15 =	sadd.s32 $0x0, s14  }
0x5c5: {  	s1 =	sshll.u32 s13, $0x12;
	v1 =	vmov s15  }
0x5c6: {  	s21 =	sor.u32 s4, s1;
	v1 =	vshll.u32 v1, $0x5  }
0x5c7: {  	s0 =	sshrl.u32 s21, $0x3;
	v1 =	vor.u32 v61, v1;
	[tilespmem:v5+s18+$0x0] =	vst.idx.msk $0xffff, v3;
	v3 =	vlaneseq.u32  }
0x5c8: {  	s0 =	sadd.s32 s3, s0;
	v3 =	vor.u32 v3, v1  }
0x5c9: {  	[hbm4b:s0+s2] =	stream.strided.scatter [tilespmem:s18], [sflag:$0x2], $0x1000, s5, s2, $0x38;
	[tilespmem:$0x1CD00] =	vst v63  }
0x5ca: {  	_ =	swait.ge [sflag:s7], $0x1000  }
0x5cb: {  	[sflag:s7] =	ssyncset.done $0x0  }
0x5cc: {  	s0 =	simm.s32 $0x0;
	[sflag:s7] =	ssyncadd.s32 $0xFFFFF000  }
0x5cd: {  	v5 =	vor.u32 s0, v62;
	v3 =	vld.idx.msk [tilespmem:v3+s12+$0x0], $0xffff  }
0x5ce: {  	v7 =	vor.u32 v9, v1;
	_ =	sdelay $0x3  }
0x5cf: {  	[tilespmem:v5+s19+$0x0] =	vst.idx.msk $0xffff, v3  }
0x5d0: {  	v3 =	vld.idx.msk [tilespmem:v7+s12+$0x0], $0xffff  }
0x5d1: {  	v7 =	vld [tilespmem:$0x1FA20];
	_ =	sdelay $0x3  }
0x5d2: {  	v5 =	vor.u32 s0, v35  }
0x5d3: {  	v7 =	vor.u32 v7, v1;
	_ =	sdelay $0x3  }
0x5d4: {  	[tilespmem:v5+s19+$0x0] =	vst.idx.msk $0xffff, v3  }
0x5d5: {  	v3 =	vld.idx.msk [tilespmem:v7+s12+$0x0], $0xffff  }
0x5d6: {  	v7 =	vld [tilespmem:$0x1FA40];
	_ =	sdelay $0x3  }
0x5d7: {  	v5 =	vor.u32 s0, v37  }
0x5d8: {  	v7 =	vor.u32 v7, v1;
	_ =	sdelay $0x3  }
0x5d9: {  	[tilespmem:v5+s19+$0x0] =	vst.idx.msk $0xffff, v3  }
0x5da: {  	v3 =	vld.idx.msk [tilespmem:v7+s12+$0x0], $0xffff  }
0x5db: {  	v7 =	vld [tilespmem:$0x1FA60];
	_ =	sdelay $0x3  }
0x5dc: {  	v5 =	vor.u32 s0, v38  }
0x5dd: {  	v7 =	vor.u32 v7, v1;
	_ =	sdelay $0x3  }
0x5de: {  	[tilespmem:v5+s19+$0x0] =	vst.idx.msk $0xffff, v3  }
0x5df: {  	v3 =	vld.idx.msk [tilespmem:v7+s12+$0x0], $0xffff  }
0x5e0: {  	v7 =	vld [tilespmem:$0x1FA80];
	_ =	sdelay $0x3  }
0x5e1: {  	v5 =	vor.u32 s0, v39  }
0x5e2: {  	v7 =	vor.u32 v7, v1;
	_ =	sdelay $0x3  }
0x5e3: {  	[tilespmem:v5+s19+$0x0] =	vst.idx.msk $0xffff, v3  }
0x5e4: {  	v3 =	vld.idx.msk [tilespmem:v7+s12+$0x0], $0xffff  }
0x5e5: {  	v7 =	vld [tilespmem:$0x1FAA0];
	_ =	sdelay $0x3  }
0x5e6: {  	v5 =	vor.u32 s0, v40  }
0x5e7: {  	v7 =	vor.u32 v7, v1;
	_ =	sdelay $0x3  }
0x5e8: {  	[tilespmem:v5+s19+$0x0] =	vst.idx.msk $0xffff, v3  }
0x5e9: {  	v3 =	vld.idx.msk [tilespmem:v7+s12+$0x0], $0xffff  }
0x5ea: {  	v7 =	vld [tilespmem:$0x1FAC0];
	_ =	sdelay $0x3  }
0x5eb: {  	v5 =	vor.u32 s0, v42  }
0x5ec: {  	v7 =	vor.u32 v7, v1;
	_ =	sdelay $0x3  }
0x5ed: {  	[tilespmem:v5+s19+$0x0] =	vst.idx.msk $0xffff, v3  }
0x5ee: {  	v3 =	vld.idx.msk [tilespmem:v7+s12+$0x0], $0xffff  }
0x5ef: {  	v7 =	vld [tilespmem:$0x1FAE0];
	_ =	sdelay $0x3  }
0x5f0: {  	v5 =	vor.u32 s0, v43  }
0x5f1: {  	v7 =	vor.u32 v7, v1;
	_ =	sdelay $0x3  }
0x5f2: {  	[tilespmem:v5+s19+$0x0] =	vst.idx.msk $0xffff, v3  }
0x5f3: {  	v3 =	vld.idx.msk [tilespmem:v7+s12+$0x0], $0xffff  }
0x5f4: {  	v7 =	vld [tilespmem:$0x1FB00];
	_ =	sdelay $0x3  }
0x5f5: {  	v5 =	vor.u32 s0, v44  }
0x5f6: {  	v7 =	vor.u32 v7, v1;
	_ =	sdelay $0x3  }
0x5f7: {  	[tilespmem:v5+s19+$0x0] =	vst.idx.msk $0xffff, v3  }
0x5f8: {  	v3 =	vld.idx.msk [tilespmem:v7+s12+$0x0], $0xffff  }
0x5f9: {  	v7 =	vld [tilespmem:$0x1FB20];
	_ =	sdelay $0x3  }
0x5fa: {  	v5 =	vor.u32 s0, v45  }
0x5fb: {  	v7 =	vor.u32 v7, v1;
	_ =	sdelay $0x3  }
0x5fc: {  	[tilespmem:v5+s19+$0x0] =	vst.idx.msk $0xffff, v3  }
0x5fd: {  	v3 =	vld.idx.msk [tilespmem:v7+s12+$0x0], $0xffff  }
0x5fe: {  	v7 =	vld [tilespmem:$0x1FB40];
	_ =	sdelay $0x3  }
0x5ff: {  	v5 =	vor.u32 s0, v47  }
0x600: {  	v7 =	vor.u32 v7, v1;
	_ =	sdelay $0x3  }
0x601: {  	[tilespmem:v5+s19+$0x0] =	vst.idx.msk $0xffff, v3  }
0x602: {  	v5 =	vor.u32 s0, v48;
	v3 =	vld.idx.msk [tilespmem:v7+s12+$0x0], $0xffff  }
0x603: {  	v7 =	vor.u32 v63, v1;
	_ =	sdelay $0x3  }
0x604: {  	[tilespmem:v5+s19+$0x0] =	vst.idx.msk $0xffff, v3  }
0x605: {  	v5 =	vor.u32 s0, v49;
	v3 =	vld.idx.msk [tilespmem:v7+s12+$0x0], $0xffff  }
0x606: {  	v7 =	vor.u32 v32, v1;
	_ =	sdelay $0x3  }
0x607: {  	[tilespmem:v5+s19+$0x0] =	vst.idx.msk $0xffff, v3  }
0x608: {  	v5 =	vor.u32 s0, v50;
	v3 =	vld.idx.msk [tilespmem:v7+s12+$0x0], $0xffff  }
0x609: {  	v7 =	vor.u32 v33, v1;
	_ =	sdelay $0x3  }
0x60a: {  	[tilespmem:v5+s19+$0x0] =	vst.idx.msk $0xffff, v3  }
0x60b: {  	v5 =	vor.u32 s0, v0;
	v3 =	vld.idx.msk [tilespmem:v7+s12+$0x0], $0xffff  }
0x60c: {  	v7 =	vor.u32 v34, v1;
	_ =	sdelay $0x3  }
0x60d: {  	[tilespmem:v5+s19+$0x0] =	vst.idx.msk $0xffff, v3  }
0x60e: {  	v5 =	vor.u32 s0, v2;
	v3 =	vld.idx.msk [tilespmem:v7+s12+$0x0], $0xffff  }
0x60f: {  	v7 =	vor.u32 v13, v1;
	_ =	sdelay $0x3  }
0x610: {  	[tilespmem:v5+s19+$0x0] =	vst.idx.msk $0xffff, v3  }
0x611: {  	v5 =	vor.u32 s0, v26;
	v3 =	vld.idx.msk [tilespmem:v7+s12+$0x0], $0xffff  }
0x612: {  	v7 =	vor.u32 v15, v1;
	_ =	sdelay $0x3  }
0x613: {  	[tilespmem:v5+s19+$0x0] =	vst.idx.msk $0xffff, v3  }
0x614: {  	v5 =	vor.u32 s0, v4;
	v3 =	vld.idx.msk [tilespmem:v7+s12+$0x0], $0xffff  }
0x615: {  	v7 =	vor.u32 v17, v1;
	_ =	sdelay $0x3  }
0x616: {  	[tilespmem:v5+s19+$0x0] =	vst.idx.msk $0xffff, v3  }
0x617: {  	v5 =	vor.u32 s0, v6;
	v3 =	vld.idx.msk [tilespmem:v7+s12+$0x0], $0xffff  }
0x618: {  	v7 =	vor.u32 v36, v1;
	_ =	sdelay $0x3  }
0x619: {  	[tilespmem:v5+s19+$0x0] =	vst.idx.msk $0xffff, v3  }
0x61a: {  	v5 =	vor.u32 s0, v8;
	v3 =	vld.idx.msk [tilespmem:v7+s12+$0x0], $0xffff  }
0x61b: {  	v7 =	vor.u32 v41, v1;
	_ =	sdelay $0x3  }
0x61c: {  	[tilespmem:v5+s19+$0x0] =	vst.idx.msk $0xffff, v3  }
0x61d: {  	v5 =	vor.u32 s0, v10;
	v3 =	vld.idx.msk [tilespmem:v7+s12+$0x0], $0xffff  }
0x61e: {  	v7 =	vor.u32 v46, v1;
	_ =	sdelay $0x3  }
0x61f: {  	[tilespmem:v5+s19+$0x0] =	vst.idx.msk $0xffff, v3  }
0x620: {  	v5 =	vor.u32 s0, v12;
	v3 =	vld.idx.msk [tilespmem:v7+s12+$0x0], $0xffff  }
0x621: {  	v7 =	vor.u32 v51, v1;
	_ =	sdelay $0x3  }
0x622: {  	[tilespmem:v5+s19+$0x0] =	vst.idx.msk $0xffff, v3  }
0x623: {  	v5 =	vor.u32 s0, v14;
	v3 =	vld.idx.msk [tilespmem:v7+s12+$0x0], $0xffff  }
0x624: {  	v7 =	vor.u32 v52, v1;
	_ =	sdelay $0x3  }
0x625: {  	[tilespmem:v5+s19+$0x0] =	vst.idx.msk $0xffff, v3  }
0x626: {  	v5 =	vor.u32 s0, v16;
	v3 =	vld.idx.msk [tilespmem:v7+s12+$0x0], $0xffff  }
0x627: {  	v7 =	vor.u32 v53, v1;
	_ =	sdelay $0x3  }
0x628: {  	[tilespmem:v5+s19+$0x0] =	vst.idx.msk $0xffff, v3  }
0x629: {  	v5 =	vor.u32 s0, v18;
	v3 =	vld.idx.msk [tilespmem:v7+s12+$0x0], $0xffff  }
0x62a: {  	v7 =	vor.u32 v54, v1;
	_ =	sdelay $0x3  }
0x62b: {  	[tilespmem:v5+s19+$0x0] =	vst.idx.msk $0xffff, v3  }
0x62c: {  	v5 =	vor.u32 s0, v20;
	v3 =	vld.idx.msk [tilespmem:v7+s12+$0x0], $0xffff  }
0x62d: {  	v7 =	vor.u32 v55, v1;
	_ =	sdelay $0x3  }
0x62e: {  	[tilespmem:v5+s19+$0x0] =	vst.idx.msk $0xffff, v3  }
0x62f: {  	v5 =	vor.u32 s0, v22;
	v3 =	vld.idx.msk [tilespmem:v7+s12+$0x0], $0xffff  }
0x630: {  	v7 =	vor.u32 v56, v1;
	_ =	sdelay $0x3  }
0x631: {  	[tilespmem:v5+s19+$0x0] =	vst.idx.msk $0xffff, v3  }
0x632: {  	v5 =	vor.u32 s0, v24;
	v3 =	vld.idx.msk [tilespmem:v7+s12+$0x0], $0xffff  }
0x633: {  	v7 =	vor.u32 v57, v1;
	_ =	sdelay $0x3  }
0x634: {  	[tilespmem:v5+s19+$0x0] =	vst.idx.msk $0xffff, v3  }
0x635: {  	v5 =	vor.u32 s0, v28;
	v3 =	vld.idx.msk [tilespmem:v7+s12+$0x0], $0xffff  }
0x636: {  	v7 =	vor.u32 v58, v1;
	_ =	sdelay $0x3  }
0x637: {  	[tilespmem:v5+s19+$0x0] =	vst.idx.msk $0xffff, v3  }
0x638: {  	v5 =	vor.u32 s0, v30;
	v3 =	vld.idx.msk [tilespmem:v7+s12+$0x0], $0xffff  }
0x639: {  	v7 =	vor.u32 v59, v1;
	_ =	sdelay $0x3  }
0x63a: {  	s1 =	sadd.s32 $0x10, s14;
	[tilespmem:v5+s19+$0x0] =	vst.idx.msk $0xffff, v3  }
0x63b: {  	v29 =	vlaneseq.u32;
	s21 =	simm.s32 $0x20;
	s31 =	sshllo.u32 s13, $0x1;
	s15 =	simm.s32 $0x10;
	v1 =	vor.u32 v60, v1;
	v5 =	vor.u32 s0, v31;
	v3 =	vld.idx.msk [tilespmem:v7+s12+$0x0], $0xffff  }
.LBB2_9:
0x63c: {  	_ =	sdelay $0x2  }
0x63d: {  	v7 =	vmov s1  }
0x63e: {  	[tilespmem:v5+s19+$0x0] =	vst.idx.msk $0xffff, v3;
	v3 =	vshll.u32 v7, $0x5  }
0x63f: {  	v5 =	vld.idx.msk [tilespmem:v1+s12+$0x0], $0xffff;
	v1 =	vor.u32 v61, v3;
	v3 =	vor.u32 s0, v11  }
0x640: {  	v7 =	vor.u32 v29, v1;
	_ =	sdelay $0x3  }
0x641: {  	s0 =	smov.u32 s15;
	[tilespmem:v3+s19+$0x0] =	vst.idx.msk $0xffff, v5  }
0x642: {  	v5 =	vor.u32 s0, v62;
	v3 =	vld.idx.msk [tilespmem:v7+s12+$0x0], $0xffff  }
0x643: {  	v7 =	vor.u32 v9, v1;
	_ =	sdelay $0x3  }
0x644: {  	[tilespmem:v5+s19+$0x0] =	vst.idx.msk $0xffff, v3  }
0x645: {  	v3 =	vld.idx.msk [tilespmem:v7+s12+$0x0], $0xffff  }
0x646: {  	v7 =	vld [tilespmem:$0x1FA20];
	_ =	sdelay $0x3  }
0x647: {  	v5 =	vor.u32 s0, v35  }
0x648: {  	v7 =	vor.u32 v7, v1;
	_ =	sdelay $0x3  }
0x649: {  	[tilespmem:v5+s19+$0x0] =	vst.idx.msk $0xffff, v3  }
0x64a: {  	v3 =	vld.idx.msk [tilespmem:v7+s12+$0x0], $0xffff  }
0x64b: {  	v7 =	vld [tilespmem:$0x1FA40];
	_ =	sdelay $0x3  }
0x64c: {  	v5 =	vor.u32 s0, v37  }
0x64d: {  	v7 =	vor.u32 v7, v1;
	_ =	sdelay $0x3  }
0x64e: {  	[tilespmem:v5+s19+$0x0] =	vst.idx.msk $0xffff, v3  }
0x64f: {  	v3 =	vld.idx.msk [tilespmem:v7+s12+$0x0], $0xffff  }
0x650: {  	v7 =	vld [tilespmem:$0x1FA60];
	_ =	sdelay $0x3  }
0x651: {  	v5 =	vor.u32 s0, v38  }
0x652: {  	v7 =	vor.u32 v7, v1;
	_ =	sdelay $0x3  }
0x653: {  	[tilespmem:v5+s19+$0x0] =	vst.idx.msk $0xffff, v3  }
0x654: {  	v3 =	vld.idx.msk [tilespmem:v7+s12+$0x0], $0xffff  }
0x655: {  	v7 =	vld [tilespmem:$0x1FA80];
	_ =	sdelay $0x3  }
0x656: {  	v5 =	vor.u32 s0, v39  }
0x657: {  	v7 =	vor.u32 v7, v1;
	_ =	sdelay $0x3  }
0x658: {  	[tilespmem:v5+s19+$0x0] =	vst.idx.msk $0xffff, v3  }
0x659: {  	v3 =	vld.idx.msk [tilespmem:v7+s12+$0x0], $0xffff  }
0x65a: {  	v7 =	vld [tilespmem:$0x1FAA0];
	_ =	sdelay $0x3  }
0x65b: {  	v5 =	vor.u32 s0, v40  }
0x65c: {  	v7 =	vor.u32 v7, v1;
	_ =	sdelay $0x3  }
0x65d: {  	[tilespmem:v5+s19+$0x0] =	vst.idx.msk $0xffff, v3  }
0x65e: {  	v5 =	vor.u32 s0, v42;
	v3 =	vld.idx.msk [tilespmem:v7+s12+$0x0], $0xffff  }
0x65f: {  	v7 =	vor.u32 v25, v1;
	_ =	sdelay $0x3  }
0x660: {  	[tilespmem:v5+s19+$0x0] =	vst.idx.msk $0xffff, v3  }
0x661: {  	v5 =	vor.u32 s0, v43;
	v3 =	vld.idx.msk [tilespmem:v7+s12+$0x0], $0xffff  }
0x662: {  	v7 =	vor.u32 v23, v1;
	_ =	sdelay $0x3  }
0x663: {  	[tilespmem:v5+s19+$0x0] =	vst.idx.msk $0xffff, v3  }
0x664: {  	v5 =	vor.u32 s0, v44;
	v3 =	vld.idx.msk [tilespmem:v7+s12+$0x0], $0xffff  }
0x665: {  	v7 =	vor.u32 v27, v1;
	_ =	sdelay $0x3  }
0x666: {  	[tilespmem:v5+s19+$0x0] =	vst.idx.msk $0xffff, v3  }
0x667: {  	v5 =	vor.u32 s0, v45;
	v3 =	vld.idx.msk [tilespmem:v7+s12+$0x0], $0xffff  }
0x668: {  	v7 =	vor.u32 v19, v1;
	_ =	sdelay $0x3  }
0x669: {  	[tilespmem:v5+s19+$0x0] =	vst.idx.msk $0xffff, v3  }
0x66a: {  	v5 =	vor.u32 s0, v47;
	v3 =	vld.idx.msk [tilespmem:v7+s12+$0x0], $0xffff  }
0x66b: {  	v7 =	vor.u32 v21, v1;
	_ =	sdelay $0x3  }
0x66c: {  	[tilespmem:v5+s19+$0x0] =	vst.idx.msk $0xffff, v3  }
0x66d: {  	v5 =	vor.u32 s0, v48;
	v3 =	vld.idx.msk [tilespmem:v7+s12+$0x0], $0xffff  }
0x66e: {  	v7 =	vor.u32 v63, v1;
	_ =	sdelay $0x3  }
0x66f: {  	[tilespmem:v5+s19+$0x0] =	vst.idx.msk $0xffff, v3  }
0x670: {  	v5 =	vor.u32 s0, v49;
	v3 =	vld.idx.msk [tilespmem:v7+s12+$0x0], $0xffff  }
0x671: {  	v7 =	vor.u32 v32, v1;
	_ =	sdelay $0x3  }
0x672: {  	[tilespmem:v5+s19+$0x0] =	vst.idx.msk $0xffff, v3  }
0x673: {  	v5 =	vor.u32 s0, v50;
	v3 =	vld.idx.msk [tilespmem:v7+s12+$0x0], $0xffff  }
0x674: {  	v7 =	vor.u32 v33, v1;
	_ =	sdelay $0x3  }
0x675: {  	[tilespmem:v5+s19+$0x0] =	vst.idx.msk $0xffff, v3  }
0x676: {  	v5 =	vor.u32 s0, v0;
	v3 =	vld.idx.msk [tilespmem:v7+s12+$0x0], $0xffff  }
0x677: {  	v7 =	vor.u32 v34, v1;
	_ =	sdelay $0x3  }
0x678: {  	[tilespmem:v5+s19+$0x0] =	vst.idx.msk $0xffff, v3  }
0x679: {  	v5 =	vor.u32 s0, v2;
	v3 =	vld.idx.msk [tilespmem:v7+s12+$0x0], $0xffff  }
0x67a: {  	v7 =	vor.u32 v13, v1;
	_ =	sdelay $0x3  }
0x67b: {  	[tilespmem:v5+s19+$0x0] =	vst.idx.msk $0xffff, v3  }
0x67c: {  	v5 =	vor.u32 s0, v26;
	v3 =	vld.idx.msk [tilespmem:v7+s12+$0x0], $0xffff  }
0x67d: {  	v7 =	vor.u32 v15, v1;
	_ =	sdelay $0x3  }
0x67e: {  	[tilespmem:v5+s19+$0x0] =	vst.idx.msk $0xffff, v3  }
0x67f: {  	v5 =	vor.u32 s0, v4;
	v3 =	vld.idx.msk [tilespmem:v7+s12+$0x0], $0xffff  }
0x680: {  	v7 =	vor.u32 v17, v1;
	_ =	sdelay $0x3  }
0x681: {  	[tilespmem:v5+s19+$0x0] =	vst.idx.msk $0xffff, v3  }
0x682: {  	v5 =	vor.u32 s0, v6;
	v3 =	vld.idx.msk [tilespmem:v7+s12+$0x0], $0xffff  }
0x683: {  	v7 =	vor.u32 v36, v1;
	_ =	sdelay $0x3  }
0x684: {  	[tilespmem:v5+s19+$0x0] =	vst.idx.msk $0xffff, v3  }
0x685: {  	v5 =	vor.u32 s0, v8;
	v3 =	vld.idx.msk [tilespmem:v7+s12+$0x0], $0xffff  }
0x686: {  	v7 =	vor.u32 v41, v1;
	_ =	sdelay $0x3  }
0x687: {  	[tilespmem:v5+s19+$0x0] =	vst.idx.msk $0xffff, v3  }
0x688: {  	v5 =	vor.u32 s0, v10;
	v3 =	vld.idx.msk [tilespmem:v7+s12+$0x0], $0xffff  }
0x689: {  	v7 =	vor.u32 v46, v1;
	_ =	sdelay $0x3  }
0x68a: {  	[tilespmem:v5+s19+$0x0] =	vst.idx.msk $0xffff, v3  }
0x68b: {  	v5 =	vor.u32 s0, v12;
	v3 =	vld.idx.msk [tilespmem:v7+s12+$0x0], $0xffff  }
0x68c: {  	v7 =	vor.u32 v51, v1;
	_ =	sdelay $0x3  }
0x68d: {  	[tilespmem:v5+s19+$0x0] =	vst.idx.msk $0xffff, v3  }
0x68e: {  	v5 =	vor.u32 s0, v14;
	v3 =	vld.idx.msk [tilespmem:v7+s12+$0x0], $0xffff  }
0x68f: {  	v7 =	vor.u32 v52, v1;
	_ =	sdelay $0x3  }
0x690: {  	[tilespmem:v5+s19+$0x0] =	vst.idx.msk $0xffff, v3  }
0x691: {  	v5 =	vor.u32 s0, v16;
	v3 =	vld.idx.msk [tilespmem:v7+s12+$0x0], $0xffff  }
0x692: {  	v7 =	vor.u32 v53, v1;
	_ =	sdelay $0x3  }
0x693: {  	[tilespmem:v5+s19+$0x0] =	vst.idx.msk $0xffff, v3  }
0x694: {  	v5 =	vor.u32 s0, v18;
	v3 =	vld.idx.msk [tilespmem:v7+s12+$0x0], $0xffff  }
0x695: {  	v7 =	vor.u32 v54, v1;
	_ =	sdelay $0x3  }
0x696: {  	[tilespmem:v5+s19+$0x0] =	vst.idx.msk $0xffff, v3  }
0x697: {  	v5 =	vor.u32 s0, v20;
	v3 =	vld.idx.msk [tilespmem:v7+s12+$0x0], $0xffff  }
0x698: {  	v7 =	vor.u32 v55, v1;
	_ =	sdelay $0x3  }
0x699: {  	[tilespmem:v5+s19+$0x0] =	vst.idx.msk $0xffff, v3  }
0x69a: {  	v5 =	vor.u32 s0, v22;
	v3 =	vld.idx.msk [tilespmem:v7+s12+$0x0], $0xffff  }
0x69b: {  	v7 =	vor.u32 v56, v1;
	_ =	sdelay $0x3  }
0x69c: {  	[tilespmem:v5+s19+$0x0] =	vst.idx.msk $0xffff, v3  }
0x69d: {  	v5 =	vor.u32 s0, v24;
	v3 =	vld.idx.msk [tilespmem:v7+s12+$0x0], $0xffff  }
0x69e: {  	v7 =	vor.u32 v57, v1;
	_ =	sdelay $0x3  }
0x69f: {  	[tilespmem:v5+s19+$0x0] =	vst.idx.msk $0xffff, v3  }
0x6a0: {  	v5 =	vor.u32 s0, v28;
	v3 =	vld.idx.msk [tilespmem:v7+s12+$0x0], $0xffff  }
0x6a1: {  	v7 =	vor.u32 v58, v1;
	_ =	sdelay $0x3  }
0x6a2: {  	[tilespmem:v5+s19+$0x0] =	vst.idx.msk $0xffff, v3  }
0x6a3: {  	v5 =	vor.u32 s0, v30;
	v3 =	vld.idx.msk [tilespmem:v7+s12+$0x0], $0xffff  }
0x6a4: {  	p0 =	sne.s32 s21, $0x70;
	v7 =	vor.u32 v59, v1  }
.Ltmp3:
0x6a5: {  	_ = 	snop;
	(pc) =	sbr.rel @p0 .LBB2_9-.Ltmp3, $3  }
0x6a6: {  	_ =	sdelay $0x1  }
0x6a7: {  	s15 =	smov.u32 s21;
	[tilespmem:v5+s19+$0x0] =	vst.idx.msk $0xffff, v3  }
0x6a8: {  	s21 =	sadd.s32 $0x10, s21;
	s1 =	sadd.s32 s15, s14;
	v1 =	vor.u32 v60, v1;
	v5 =	vor.u32 s0, v31;
	v3 =	vld.idx.msk [tilespmem:v7+s12+$0x0], $0xffff  }
0x6a9: {  	_ =	sdelay $0x2  }
0x6aa: {  	v7 =	vmov s1  }
0x6ab: {  	[tilespmem:v5+s19+$0x0] =	vst.idx.msk $0xffff, v3;
	v3 =	vshll.u32 v7, $0x5  }
0x6ac: {  	v5 =	vor.u32 s0, v11;
	v1 =	vld.idx.msk [tilespmem:v1+s12+$0x0], $0xffff;
	v3 =	vor.u32 v61, v3  }
0x6ad: {  	v7 =	vor.u32 v29, v3;
	_ =	sdelay $0x3  }
0x6ae: {  	[tilespmem:v5+s19+$0x0] =	vst.idx.msk $0xffff, v1  }
0x6af: {  	v5 =	vor.u32 s15, v62;
	v1 =	vld.idx.msk [tilespmem:v7+s12+$0x0], $0xffff  }
0x6b0: {  	v7 =	vor.u32 v9, v3;
	_ =	sdelay $0x3  }
0x6b1: {  	[tilespmem:v5+s19+$0x0] =	vst.idx.msk $0xffff, v1  }
0x6b2: {  	v1 =	vld.idx.msk [tilespmem:v7+s12+$0x0], $0xffff  }
0x6b3: {  	v7 =	vld [tilespmem:$0x1FA20];
	_ =	sdelay $0x3  }
0x6b4: {  	v5 =	vor.u32 s15, v35  }
0x6b5: {  	v7 =	vor.u32 v7, v3;
	_ =	sdelay $0x3  }
0x6b6: {  	[tilespmem:v5+s19+$0x0] =	vst.idx.msk $0xffff, v1  }
0x6b7: {  	v1 =	vld.idx.msk [tilespmem:v7+s12+$0x0], $0xffff  }
0x6b8: {  	v7 =	vld [tilespmem:$0x1FA40];
	_ =	sdelay $0x3  }
0x6b9: {  	v5 =	vor.u32 s15, v37  }
0x6ba: {  	v7 =	vor.u32 v7, v3;
	_ =	sdelay $0x3  }
0x6bb: {  	[tilespmem:v5+s19+$0x0] =	vst.idx.msk $0xffff, v1  }
0x6bc: {  	v1 =	vld.idx.msk [tilespmem:v7+s12+$0x0], $0xffff  }
0x6bd: {  	v7 =	vld [tilespmem:$0x1FA60];
	_ =	sdelay $0x3  }
0x6be: {  	v5 =	vor.u32 s15, v38  }
0x6bf: {  	v7 =	vor.u32 v7, v3;
	_ =	sdelay $0x3  }
0x6c0: {  	[tilespmem:v5+s19+$0x0] =	vst.idx.msk $0xffff, v1  }
0x6c1: {  	v1 =	vld.idx.msk [tilespmem:v7+s12+$0x0], $0xffff  }
0x6c2: {  	v7 =	vld [tilespmem:$0x1FA80];
	_ =	sdelay $0x3  }
0x6c3: {  	v5 =	vor.u32 s15, v39  }
0x6c4: {  	v7 =	vor.u32 v7, v3;
	_ =	sdelay $0x3  }
0x6c5: {  	[tilespmem:v5+s19+$0x0] =	vst.idx.msk $0xffff, v1  }
0x6c6: {  	v1 =	vld.idx.msk [tilespmem:v7+s12+$0x0], $0xffff  }
0x6c7: {  	v7 =	vld [tilespmem:$0x1FAA0];
	_ =	sdelay $0x3  }
0x6c8: {  	v5 =	vor.u32 s15, v40  }
0x6c9: {  	v7 =	vor.u32 v7, v3;
	_ =	sdelay $0x3  }
0x6ca: {  	[tilespmem:v5+s19+$0x0] =	vst.idx.msk $0xffff, v1  }
0x6cb: {  	v5 =	vor.u32 s15, v42;
	v1 =	vld.idx.msk [tilespmem:v7+s12+$0x0], $0xffff  }
0x6cc: {  	v7 =	vor.u32 v25, v3;
	_ =	sdelay $0x3  }
0x6cd: {  	[tilespmem:v5+s19+$0x0] =	vst.idx.msk $0xffff, v1  }
0x6ce: {  	v5 =	vor.u32 s15, v43;
	v1 =	vld.idx.msk [tilespmem:v7+s12+$0x0], $0xffff  }
0x6cf: {  	v7 =	vor.u32 v23, v3;
	_ =	sdelay $0x3  }
0x6d0: {  	[tilespmem:v5+s19+$0x0] =	vst.idx.msk $0xffff, v1  }
0x6d1: {  	v5 =	vor.u32 s15, v44;
	v1 =	vld.idx.msk [tilespmem:v7+s12+$0x0], $0xffff  }
0x6d2: {  	v7 =	vor.u32 v27, v3;
	_ =	sdelay $0x3  }
0x6d3: {  	[tilespmem:v5+s19+$0x0] =	vst.idx.msk $0xffff, v1  }
0x6d4: {  	v5 =	vor.u32 s15, v45;
	v1 =	vld.idx.msk [tilespmem:v7+s12+$0x0], $0xffff  }
0x6d5: {  	v7 =	vor.u32 v19, v3;
	_ =	sdelay $0x3  }
0x6d6: {  	[tilespmem:v5+s19+$0x0] =	vst.idx.msk $0xffff, v1  }
0x6d7: {  	v5 =	vor.u32 s15, v47;
	v1 =	vld.idx.msk [tilespmem:v7+s12+$0x0], $0xffff  }
0x6d8: {  	v7 =	vor.u32 v21, v3;
	_ =	sdelay $0x3  }
0x6d9: {  	[tilespmem:v5+s19+$0x0] =	vst.idx.msk $0xffff, v1  }
0x6da: {  	v5 =	vor.u32 s15, v48;
	v1 =	vld.idx.msk [tilespmem:v7+s12+$0x0], $0xffff  }
0x6db: {  	v7 =	vor.u32 v63, v3;
	_ =	sdelay $0x3  }
0x6dc: {  	[tilespmem:v5+s19+$0x0] =	vst.idx.msk $0xffff, v1  }
0x6dd: {  	v5 =	vor.u32 s15, v49;
	v1 =	vld.idx.msk [tilespmem:v7+s12+$0x0], $0xffff  }
0x6de: {  	v7 =	vor.u32 v32, v3;
	_ =	sdelay $0x3  }
0x6df: {  	[tilespmem:v5+s19+$0x0] =	vst.idx.msk $0xffff, v1  }
0x6e0: {  	v5 =	vor.u32 s15, v50;
	v1 =	vld.idx.msk [tilespmem:v7+s12+$0x0], $0xffff  }
0x6e1: {  	v7 =	vor.u32 v33, v3;
	_ =	sdelay $0x3  }
0x6e2: {  	[tilespmem:v5+s19+$0x0] =	vst.idx.msk $0xffff, v1  }
0x6e3: {  	v5 =	vor.u32 s15, v0;
	v1 =	vld.idx.msk [tilespmem:v7+s12+$0x0], $0xffff  }
0x6e4: {  	v7 =	vor.u32 v34, v3;
	_ =	sdelay $0x3  }
0x6e5: {  	[tilespmem:v5+s19+$0x0] =	vst.idx.msk $0xffff, v1  }
0x6e6: {  	v5 =	vor.u32 s15, v2;
	v1 =	vld.idx.msk [tilespmem:v7+s12+$0x0], $0xffff  }
0x6e7: {  	v7 =	vor.u32 v13, v3;
	_ =	sdelay $0x3  }
0x6e8: {  	[tilespmem:v5+s19+$0x0] =	vst.idx.msk $0xffff, v1  }
0x6e9: {  	v5 =	vor.u32 s15, v26;
	v1 =	vld.idx.msk [tilespmem:v7+s12+$0x0], $0xffff  }
0x6ea: {  	v7 =	vor.u32 v15, v3;
	_ =	sdelay $0x3  }
0x6eb: {  	[tilespmem:v5+s19+$0x0] =	vst.idx.msk $0xffff, v1  }
0x6ec: {  	v5 =	vor.u32 s15, v4;
	v1 =	vld.idx.msk [tilespmem:v7+s12+$0x0], $0xffff  }
0x6ed: {  	v7 =	vor.u32 v17, v3;
	_ =	sdelay $0x3  }
0x6ee: {  	[tilespmem:v5+s19+$0x0] =	vst.idx.msk $0xffff, v1  }
0x6ef: {  	v5 =	vor.u32 s15, v6;
	v1 =	vld.idx.msk [tilespmem:v7+s12+$0x0], $0xffff  }
0x6f0: {  	v7 =	vor.u32 v36, v3;
	_ =	sdelay $0x3  }
0x6f1: {  	[tilespmem:v5+s19+$0x0] =	vst.idx.msk $0xffff, v1  }
0x6f2: {  	v5 =	vor.u32 s15, v8;
	v1 =	vld.idx.msk [tilespmem:v7+s12+$0x0], $0xffff  }
0x6f3: {  	v7 =	vor.u32 v41, v3;
	_ =	sdelay $0x3  }
0x6f4: {  	[tilespmem:v5+s19+$0x0] =	vst.idx.msk $0xffff, v1  }
0x6f5: {  	v5 =	vor.u32 s15, v10;
	v1 =	vld.idx.msk [tilespmem:v7+s12+$0x0], $0xffff  }
0x6f6: {  	v7 =	vor.u32 v46, v3;
	_ =	sdelay $0x3  }
0x6f7: {  	[tilespmem:v5+s19+$0x0] =	vst.idx.msk $0xffff, v1  }
0x6f8: {  	v5 =	vor.u32 s15, v12;
	v1 =	vld.idx.msk [tilespmem:v7+s12+$0x0], $0xffff  }
0x6f9: {  	v7 =	vor.u32 v51, v3;
	_ =	sdelay $0x3  }
0x6fa: {  	[tilespmem:v5+s19+$0x0] =	vst.idx.msk $0xffff, v1  }
0x6fb: {  	v5 =	vor.u32 s15, v14;
	v1 =	vld.idx.msk [tilespmem:v7+s12+$0x0], $0xffff  }
0x6fc: {  	v7 =	vor.u32 v52, v3;
	_ =	sdelay $0x3  }
0x6fd: {  	[tilespmem:v5+s19+$0x0] =	vst.idx.msk $0xffff, v1  }
0x6fe: {  	v5 =	vor.u32 s15, v16;
	v1 =	vld.idx.msk [tilespmem:v7+s12+$0x0], $0xffff  }
0x6ff: {  	v7 =	vor.u32 v53, v3;
	_ =	sdelay $0x3  }
0x700: {  	[tilespmem:v5+s19+$0x0] =	vst.idx.msk $0xffff, v1  }
0x701: {  	v5 =	vor.u32 s15, v18;
	v1 =	vld.idx.msk [tilespmem:v7+s12+$0x0], $0xffff  }
0x702: {  	v7 =	vor.u32 v54, v3;
	_ =	sdelay $0x3  }
0x703: {  	[tilespmem:v5+s19+$0x0] =	vst.idx.msk $0xffff, v1  }
0x704: {  	v5 =	vor.u32 s15, v20;
	v1 =	vld.idx.msk [tilespmem:v7+s12+$0x0], $0xffff  }
0x705: {  	v7 =	vor.u32 v55, v3;
	_ =	sdelay $0x3  }
0x706: {  	[tilespmem:v5+s19+$0x0] =	vst.idx.msk $0xffff, v1  }
0x707: {  	v5 =	vor.u32 s15, v22;
	v1 =	vld.idx.msk [tilespmem:v7+s12+$0x0], $0xffff  }
0x708: {  	v7 =	vor.u32 v56, v3;
	_ =	sdelay $0x3  }
0x709: {  	[tilespmem:v5+s19+$0x0] =	vst.idx.msk $0xffff, v1  }
0x70a: {  	v5 =	vor.u32 s15, v24;
	v1 =	vld.idx.msk [tilespmem:v7+s12+$0x0], $0xffff  }
0x70b: {  	v7 =	vor.u32 v57, v3;
	_ =	sdelay $0x3  }
0x70c: {  	[tilespmem:v5+s19+$0x0] =	vst.idx.msk $0xffff, v1  }
0x70d: {  	v5 =	vor.u32 s15, v28;
	v1 =	vld.idx.msk [tilespmem:v7+s12+$0x0], $0xffff  }
0x70e: {  	v7 =	vor.u32 v58, v3;
	_ =	sdelay $0x3  }
0x70f: {  	[tilespmem:v5+s19+$0x0] =	vst.idx.msk $0xffff, v1  }
0x710: {  	v5 =	vor.u32 s15, v30;
	v1 =	vld.idx.msk [tilespmem:v7+s12+$0x0], $0xffff  }
0x711: {  	v7 =	vor.u32 v59, v3;
	_ =	sdelay $0x3  }
0x712: {  	[tilespmem:v5+s19+$0x0] =	vst.idx.msk $0xffff, v1  }
0x713: {  	v5 =	vor.u32 s15, v31;
	v1 =	vld.idx.msk [tilespmem:v7+s12+$0x0], $0xffff  }
0x714: {  	v3 =	vor.u32 v60, v3;
	_ =	sdelay $0x3  }
0x715: {  	[tilespmem:v5+s19+$0x0] =	vst.idx.msk $0xffff, v1  }
0x716: {  	s13 =	sadd.s32 $0x1, s13;
	v1 =	vld.idx.msk [tilespmem:v3+s12+$0x0], $0xffff;
	v3 =	vor.u32 s15, v11  }
0x717: {  	p0 =	sne.s32 s13, $0xD  }
.Ltmp4:
0x718: {  	s31 =	sshll.u32 s31, $0x11;
	(pc) =	sbr.rel @p0 .LBB2_6-.Ltmp4, $4  }
0x719: {  	s0 =	sor.u32 s4, s31  }
0x71a: {  	s0 =	sshrl.u32 s0, $0x3  }
0x71b: {  	s30 =	sadd.s32 $0x100, s30;
	s14 =	sadd.s32 $0x100, s14;
	s0 =	sadd.s32 s3, s0;
	[tilespmem:v3+s19+$0x0] =	vst.idx.msk $0xffff, v1  }
0x71c: {  	v5 =	vmov v11;
	[hbm4b:s0+s2] =	stream.strided.scatter [tilespmem:s19], [sflag:$0x3], $0x1000, s5, s2, $0x38;
	[tilespmem:$0x1CD00] =	vst v63  }
0x71d: {  	_ =	swait.ge [sflag:s6], $0x1000  }
0x71e: {  	[sflag:s6] =	ssyncset.done $0x0  }
0x71f: {  	[sflag:s6] =	ssyncadd.s32 $0xFFFFF000  }
0x720: {  	_ =	swait.ge [sflag:s7], $0x1000  }
0x721: {  	s1 =	sld [smem:$0x7FA];
	_ =	sdelay $0x2  }
0x722: {  	s0 =	rddreg [dreg:$0x14];
	s1 =	sadd.s32 $0x1, s1  }
0x723: {  	p0 =	sne.s32 s1, s0  }
.Ltmp5:
0x724: {  	_ = 	snop;
	(pc) =	sbr.rel @p0 .LBB2_1-.Ltmp5, $3  }
0x725: {  	_ =	sdelay $0x1  }
0x726: {  	[sflag:s7] =	ssyncset.done $0x0  }
0x727: {  	v0 =	vlaneseq.u32;
	[sflag:s7] =	ssyncadd.s32 $0xFFFFF000  }
0x728: {  	_ =	sfence.sel $0x180000  }
0x729: {  	[bflag:$0x0] =	sbarrier.arrive $0xFFFF  }
0x72a: {  	_ =	strace $0x90000047  }
0x72b: {  	s0 =	stileid.u32;
	[bflag:$0x2] =	sbarrier.arrive $0xFFFF  }
0x72c: {  	p0 =	sne.s32 s0, $0x0;
	s0 =	rddreg [dreg:$0x2]  }
0x72d: {  	s0 =	sadd.s32 @!p0 $0x100000, s0  }
0x72e: {  	[sflag:s0] =	ssyncadd.tile.s32 @!p0 $0x1;
	_ =	shalt  }
.Lfunc_end2:
_tile_overlayer_lowered:
.L_overlay_start_2:
0x72f: {  	(tag) =	ssettag $0x2  }
0x730: {  	s0 =	rddreg [dreg:$0x0];
	s2 =	stileid.u32  }
0x731: {  	s1 =	rddreg [dreg:$0x1];
	p0 =	sne.s32 s2, $0x0  }
0x732: {  	s3 =	rddreg [dreg:$0x2];
	[bflag:$0x3] =	sbarrier.arrive $0xFFFF;
	s2 =	simm.s32 @!p0 $0x1C04  }
0x733: {  	[timem:s3], [sflag:s2] =	dma.local @!p0 [hbm:s0], s1  }
0x734: {  	s0 =	simm.s32 @!p0 $0x4  }
0x735: {  	_ =	swait.ge @!p0 [sflag:s0], s1  }
0x736: {  	s1 =	ssub.s32 @!p0 $0x0, s1;
	[sflag:s0] =	ssyncset.done @!p0 $0x0  }
0x737: {  	[sflag:s0] =	ssyncadd.s32 @!p0 s1  }
0x738: {  	[bflag:$0x3] =	sbarrier.arrive $0xFFFF  }
0x739: {  	_ =	shalt  }

</sc_bundles>
